<compile_context>
chip_gen: v7x
topology: tpu7x:2x2x1
jax: 0.10.2.dev20260603
libtpu: 0.0.44.dev20260713+nightly
codegen_flags: <defaults>
</compile_context>

<pallas_src>
import functools

import jax
import jax.numpy as jnp
from jax import lax
from jax.experimental import pallas as pl
from jax.experimental.pallas import tpu as pltpu
from jax.experimental.pallas import tpu_sc as plsc

NC = 2
NS = 16
NW = NC * NS
CH = 128
EPS = 1e-8


def _matmul_call(xp, w):
  nr, d = xp.shape
  o = w.shape[0]
  br = 1024

  def body(x_ref, w_ref, o_ref):
    o_ref[...] = lax.dot_general(
        x_ref[...], w_ref[...], (((1,), (1,)), ((), ())),
        preferred_element_type=jnp.float32)

  return pl.pallas_call(
      body,
      grid=(nr // br,),
      in_specs=[
          pl.BlockSpec((br, d), lambda i: (i, 0)),
          pl.BlockSpec((o, d), lambda i: (0, 0)),
      ],
      out_specs=pl.BlockSpec((br, o), lambda i: (i, 0)),
      out_shape=jax.ShapeDtypeStruct((nr, o), jnp.float32),
  )(xp, w)


@functools.lru_cache(maxsize=None)
def _sc_gather_scatter(nr, d, kt, kb, k0):
  rpt = nr // NS
  nz = rpt // CH
  mesh = plsc.VectorSubcoreMesh(
      core_axis_name="c", subcore_axis_name="s", num_cores=NC,
      num_subcores=NS)

  @functools.partial(
      pl.kernel,
      out_type=jax.ShapeDtypeStruct((NC, nr, d), jnp.float32),
      mesh=mesh,
      scratch_types=[
          pltpu.VMEM((kb, CH), jnp.int32),
          pltpu.VMEM((kb, CH), jnp.int32),
          pltpu.VMEM((CH, d), jnp.float32),
          pltpu.VMEM((CH, d), jnp.float32),
          pltpu.VMEM_SHARED((nr, d), jnp.float32),
          pltpu.SemaphoreType.DMA,
          pltpu.SemaphoreType.DMA,
          pltpu.SemaphoreType.DMA,
          pltpu.SemaphoreType.DMA,
      ],
  )
  def sck(table, gidx, sidx, psum, gv, sv, bufa, bufb, acc,
          semga, semgb, semsa, semsb):
    c = lax.axis_index("c")
    s = lax.axis_index("s")
    koff = c * k0

    def fill_row(i, _):
      def fill16(j, _):
        bufa[i, pl.ds(j * 16, 16)] = jnp.zeros((16,), jnp.float32)
        return 0
      lax.fori_loop(0, d // 16, fill16, 0)
      return 0

    lax.fori_loop(0, CH, fill_row, 0)

    base = s * rpt
    for z in range(nz):
      pltpu.sync_copy(bufa, acc.at[pl.ds(base + z * CH, CH)])
    plsc.subcore_barrier()

    def gather(t, buf, sem):
      pltpu.async_copy(table.at[gv.at[t]], buf, sem)

    def drain(buf, sem):
      pltpu.make_async_copy(table.at[pl.ds(0, CH)], buf, sem).wait()

    def scatter(t, buf, sem):
      pltpu.async_copy(buf, acc.at[sv.at[t]], sem, add=True)

    def batch(b, _):
      pltpu.sync_copy(gidx.at[s, pl.ds(koff + b * kb, kb)], gv)
      pltpu.sync_copy(sidx.at[s, pl.ds(koff + b * kb, kb)], sv)
      gather(0, bufa, semga)

      def pair(i, _):
        t0 = 2 * i

        @pl.when(i > 0)
        def _():
          drain(bufb, semsb)

        gather(t0 + 1, bufb, semgb)
        drain(bufa, semga)
        scatter(t0, bufa, semsa)

        @pl.when(t0 + 2 < kb)
        def _():
          drain(bufa, semsa)
          gather(t0 + 2, bufa, semga)

        drain(bufb, semgb)
        scatter(t0 + 1, bufb, semsb)
        return 0

      lax.fori_loop(0, kb // 2, pair, 0)
      drain(bufa, semsa)
      drain(bufb, semsb)
      return 0

    @pl.when(c == 0)
    def _():
      lax.fori_loop(0, k0 // kb, batch, 0)

    @pl.when(c == 1)
    def _():
      lax.fori_loop(0, (kt - k0) // kb, batch, 0)

    plsc.subcore_barrier()

    for z in range(nz):
      pltpu.sync_copy(acc.at[pl.ds(base + z * CH, CH)], bufa)
      pltpu.sync_copy(bufa, psum.at[c, pl.ds(base + z * CH, CH)])

  return sck


@functools.lru_cache(maxsize=None)
def _sc_counts(nr, kt, kb, k0):
  rpt = nr // NS
  nz = rpt // CH
  mesh = plsc.VectorSubcoreMesh(
      core_axis_name="c", subcore_axis_name="s", num_cores=NC,
      num_subcores=NS)

  @functools.partial(
      pl.kernel,
      out_type=(
          jax.ShapeDtypeStruct((NC, nr, 16), jnp.float32),
          jax.ShapeDtypeStruct((NC, nr, 16), jnp.float32),
      ),
      mesh=mesh,
      compiler_params=pltpu.CompilerParams(use_tc_tiling_on_sc=False),
      scratch_types=[
          pltpu.VMEM((kb, CH), jnp.int32),
          pltpu.VMEM((kb, CH), jnp.int32),
          pltpu.VMEM((CH, 16), jnp.float32),
          pltpu.VMEM((CH, 16), jnp.float32),
          pltpu.VMEM_SHARED((nr, 16), jnp.float32),
          pltpu.VMEM_SHARED((nr, 16), jnp.float32),
      ],
  )
  def sck(didx, sidx, cntd, cnts, dv, sv, ones, zrow, accd, accs):
    c = lax.axis_index("c")
    s = lax.axis_index("s")
    koff = c * k0

    def fill_row(i, _):
      ones[i] = jnp.full((16,), 1.0, jnp.float32)
      zrow[i] = jnp.zeros((16,), jnp.float32)
      return 0

    lax.fori_loop(0, CH, fill_row, 0)

    base = s * rpt
    for z in range(nz):
      pltpu.sync_copy(zrow, accd.at[pl.ds(base + z * CH, CH)])
      pltpu.sync_copy(zrow, accs.at[pl.ds(base + z * CH, CH)])
    plsc.subcore_barrier()

    def step(j, _):
      pltpu.sync_copy(ones, accd.at[dv.at[j]], add=True)
      pltpu.sync_copy(ones, accs.at[sv.at[j]], add=True)
      return 0

    def batch(b, _):
      pltpu.sync_copy(didx.at[s, pl.ds(koff + b * kb, kb)], dv)
      pltpu.sync_copy(sidx.at[s, pl.ds(koff + b * kb, kb)], sv)
      lax.fori_loop(0, kb, step, 0)
      return 0

    @pl.when(c == 0)
    def _():
      lax.fori_loop(0, k0 // kb, batch, 0)

    @pl.when(c == 1)
    def _():
      lax.fori_loop(0, (kt - k0) // kb, batch, 0)

    plsc.subcore_barrier()

    for z in range(nz):
      pltpu.sync_copy(accd.at[pl.ds(base + z * CH, CH)], ones)
      pltpu.sync_copy(ones, cntd.at[c, pl.ds(base + z * CH, CH)])
      pltpu.sync_copy(accs.at[pl.ds(base + z * CH, CH)], zrow)
      pltpu.sync_copy(zrow, cnts.at[c, pl.ds(base + z * CH, CH)])

  return sck


def _combine_norm_call(p, pc):
  nr, d = p.shape[1], p.shape[2]
  br = 1024

  def body(p_ref, c_ref, o_ref):
    ssum = p_ref[0] + p_ref[1]
    cnt = c_ref[0, :, 0:1] + c_ref[1, :, 0:1]
    o_ref[...] = ssum / (cnt + EPS)

  return pl.pallas_call(
      body,
      grid=(nr // br,),
      in_specs=[
          pl.BlockSpec((NC, br, d), lambda i: (0, i, 0)),
          pl.BlockSpec((NC, br, 16), lambda i: (0, i, 0)),
      ],
      out_specs=pl.BlockSpec((br, d), lambda i: (i, 0)),
      out_shape=jax.ShapeDtypeStruct((nr, d), jnp.float32),
  )(p, pc)


def _final_call(q, qc, xn, bias2d):
  nr, d = q.shape[1], q.shape[2]
  br = 1024

  def body(q_ref, c_ref, x_ref, b_ref, o_ref):
    ssum = q_ref[0] + q_ref[1]
    deg = c_ref[0, :, 0:1] + c_ref[1, :, 0:1]
    o_ref[...] = ssum / (deg + EPS) + x_ref[...] + b_ref[...]

  return pl.pallas_call(
      body,
      grid=(nr // br,),
      in_specs=[
          pl.BlockSpec((NC, br, d), lambda i: (0, i, 0)),
          pl.BlockSpec((NC, br, 16), lambda i: (0, i, 0)),
          pl.BlockSpec((br, d), lambda i: (i, 0)),
          pl.BlockSpec((1, d), lambda i: (0, 0)),
      ],
      out_specs=pl.BlockSpec((br, d), lambda i: (i, 0)),
      out_shape=jax.ShapeDtypeStruct((nr, d), jnp.float32),
  )(q, qc, xn, bias2d)


def kernel(x, hyperedge_index, W_node, W_edge, bias):
  n, d = x.shape
  src = hyperedge_index[0].astype(jnp.int32)
  dst = hyperedge_index[1].astype(jnp.int32)
  ni = src.shape[0]

  nr = -(-(n + 1) // (NS * CH)) * (NS * CH)
  kb = 16
  kt = -(-ni // (NS * CH * kb)) * kb
  k0 = (kt * 4 // 5) // kb * kb
  npad = NS * kt * CH - ni
  src_p = jnp.concatenate(
      [src, jnp.full((npad,), n, jnp.int32)]).reshape(NS, kt, CH)
  dst_p = jnp.concatenate(
      [dst, jnp.full((npad,), n, jnp.int32)]).reshape(NS, kt, CH)

  xp = jnp.zeros((nr, d), jnp.float32).at[:n].set(x)
  xn = _matmul_call(xp, W_node)

  sck = _sc_gather_scatter(nr, d, kt, kb, k0)
  p = sck(xn, src_p, dst_p)
  cnt, deg = _sc_counts(nr, kt, kb, kt // 2)(dst_p, src_p)
  attr2 = _combine_norm_call(p, cnt)
  q = sck(attr2, dst_p, src_p)
  out = _final_call(q, deg, xn, bias.reshape(1, d))
  return out[:n]

# --- scband reference (transcript-rebuilt; emitter-appended) ---
"""Pipeline reference for scband-hypergraph-conv-65652870087176 (READ-ONLY COPY).

The authoritative reference and input builder live on the scoring server;
editing this copy changes nothing except your own understanding.
"""

import jax, jax.numpy as jnp
import numpy as np

IN_CHANNELS = 128
OUT_CHANNELS = 128
N_NODES = 10000
N_INCIDENCES = 320000


def setup_inputs(seed: int = 0) -> dict:
    key = jax.random.key(seed)
    k1, k2, k3, k4 = jax.random.split(key, 4)
    x = jax.random.normal(k1, (N_NODES, IN_CHANNELS), dtype=jnp.float32)
    hyperedge_index = jax.random.randint(k2, (2, N_INCIDENCES), 0, N_NODES, dtype=jnp.int64)
    # Learned parameters (torch nn.Linear weight layout: [out, in])
    bound = 1.0 / np.sqrt(IN_CHANNELS)
    W_node = jax.random.uniform(k3, (OUT_CHANNELS, IN_CHANNELS), dtype=jnp.float32, minval=-bound, maxval=bound)
    W_edge = jax.random.uniform(k4, (OUT_CHANNELS, IN_CHANNELS), dtype=jnp.float32, minval=-bound, maxval=bound)
    bias = jnp.zeros((OUT_CHANNELS,), dtype=jnp.float32)
    return {"x": x, "hyperedge_index": hyperedge_index, "W_node": W_node, "W_edge": W_edge, "bias": bias}


def reference(x, hyperedge_index, W_node, W_edge, bias):
    N = x.shape[0]
    max_edges = N
    x_node = x @ W_node.T
    src = hyperedge_index[0]
    dst_edge = hyperedge_index[1]
    # scatter-add node features into hyperedges
    hyperedge_attr = jnp.zeros((max_edges, x_node.shape[1]), dtype=x_node.dtype)
    hyperedge_attr = hyperedge_attr.at[dst_edge].add(x_node[src])
    node_counts = jnp.zeros((max_edges,), dtype=jnp.float32)
    node_counts = node_counts.at[dst_edge].add(jnp.ones_like(dst_edge, dtype=jnp.float32))
    hyperedge_attr = hyperedge_attr / (node_counts[:, None] + 1e-08)
    # scatter-add hyperedge features back to nodes
    out = jnp.zeros_like(x_node)
    out = out.at[src].add(hyperedge_attr[dst_edge])
    degrees = jnp.zeros((N,), dtype=jnp.float32)
    degrees = degrees.at[src].add(jnp.ones_like(src, dtype=jnp.float32))
    out = out / (degrees[:, None] + 1e-08)
    return out + x_node + bias

if __name__ == "__main__":
    import jax
    _d = setup_inputs()
    print(jax.jit(kernel)(*tuple(_d.values())))

</pallas_src>

<mosaic_0001>
#map = affine_map<(d0, d1) -> (0, 0, 0)>
module attributes {stable_mosaic.version = 14 : i64} {
  func.func @sck(%arg0: i32, %arg1: i32, %arg2: memref<16x160x128xi32, #tpu.memory_space<hbm>>, %arg3: memref<16x160x128xi32, #tpu.memory_space<hbm>>, %arg4: memref<2x10240x16xf32, #tpu.memory_space<hbm>>, %arg5: memref<2x10240x16xf32, #tpu.memory_space<hbm>>, %arg6: memref<16x128xi32, #tpu.memory_space<vmem>>, %arg7: memref<16x128xi32, #tpu.memory_space<vmem>>, %arg8: memref<128x16xf32, #tpu.memory_space<vmem>>, %arg9: memref<128x16xf32, #tpu.memory_space<vmem>>, %arg10: memref<10240x16xf32, #tpu.memory_space<vmem_shared>>, %arg11: memref<10240x16xf32, #tpu.memory_space<vmem_shared>>) attributes {dimension_semantics = [#tpu.dimension_semantics<core_parallel>, #tpu.dimension_semantics<subcore_parallel>], iteration_bounds = array<i64: 2, 16>, scalar_prefetch = 0 : i64, scratch_operands = 6 : i64, tpu.core_type = #tpu.core_type<sc_vector_subcore>, window_params = [{transform_indices = #map}, {transform_indices = #map}, {transform_indices = #map}, {transform_indices = #map}]} {
    %mul3A = arith.constant 80 : i32
    %mul3A_0 = arith.muli %arg0, %mul3A : i32
    %scan3A = arith.constant 0 : i32
    %scan3A_1 = arith.constant 0 : i32
    %scan3A_2 = arith.constant 128 : i32
    %scan3A_3 = arith.addi %scan3A_1, %scan3A_2 : i32
    %scan3A_4 = arith.constant 1 : i32
    %scan3A_5 = scf.for %scan3A_76 = %scan3A_1 to %scan3A_3 step %scan3A_4 iter_args(%scan3A_77 = %scan3A) -> (i32)  : i32 {
      %broadcast_in_dim3A = arith.constant 1.000000e+00 : f32
      %broadcast_in_dim3A_78 = vector.broadcast %broadcast_in_dim3A : f32 to vector<16xf32>
      %swap3A = arith.index_cast %scan3A_76 : i32 to index
      %swap3A_79 = arith.constant 0 : index
      %swap3A_80 = tpu.vector_load %arg8[%swap3A, %swap3A_79] {strides = array<i32>} : memref<128x16xf32, #tpu.memory_space<vmem>>, vector<1x16xf32>,
      %swap3A_81 = vector.shape_cast %swap3A_80 : vector<1x16xf32> to vector<16xf32>
      %swap3A_82 = vector.shape_cast %broadcast_in_dim3A_78 : vector<16xf32> to vector<1x16xf32>
      tpu.vector_store %arg8[%swap3A, %swap3A_79], %swap3A_82 {strides = array<i32>} : memref<128x16xf32, #tpu.memory_space<vmem>>, vector<1x16xf32>,
      %broadcast_in_dim3A_83 = arith.constant 0.000000e+00 : f32
      %broadcast_in_dim3A_84 = vector.broadcast %broadcast_in_dim3A_83 : f32 to vector<16xf32>
      %swap3A_85 = arith.index_cast %scan3A_76 : i32 to index
      %swap3A_86 = arith.constant 0 : index
      %swap3A_87 = tpu.vector_load %arg9[%swap3A_85, %swap3A_86] {strides = array<i32>} : memref<128x16xf32, #tpu.memory_space<vmem>>, vector<1x16xf32>,
      %swap3A_88 = vector.shape_cast %swap3A_87 : vector<1x16xf32> to vector<16xf32>
      %swap3A_89 = vector.shape_cast %broadcast_in_dim3A_84 : vector<16xf32> to vector<1x16xf32>
      tpu.vector_store %arg9[%swap3A_85, %swap3A_86], %swap3A_89 {strides = array<i32>} : memref<128x16xf32, #tpu.memory_space<vmem>>, vector<1x16xf32>,
      %scan3A_90 = arith.constant 0 : i32
      scf.yield %scan3A_90 : i32
    }
    %scan3A_6 = arith.constant 128 : i32
    %mul3A_7 = arith.constant 640 : i32
    %mul3A_8 = arith.muli %arg1, %mul3A_7 : i32
    %add3A = arith.constant 0 : i32
    %add3A_9 = arith.addi %mul3A_8, %add3A : i32
    "tpu.region"() ({
      %run_scoped3A = tpu.sem_alloc : memref<!tpu.dma_semaphore, #tpu.memory_space<semaphore_mem>>
      %dma_start3A = arith.constant 0 : i32
      %dma_start3A_76 = tpu.memref_slice %arg10[%add3A_9, %dma_start3A] : memref<10240x16xf32, #tpu.memory_space<vmem_shared>> -> memref<128x16xf32, #tpu.memory_space<vmem_shared>>
      %dma_start3A_77 = arith.constant 0 : i32
      %dma_start3A_78 = tpu.memref_slice %arg10[%add3A_9, %dma_start3A_77] : memref<10240x16xf32, #tpu.memory_space<vmem_shared>> -> memref<128x16xf32, #tpu.memory_space<vmem_shared>>
      tpu.enqueue_dma source(%arg9 : memref<128x16xf32, #tpu.memory_space<vmem>>) target(%dma_start3A_78 : memref<128x16xf32, #tpu.memory_space<vmem_shared>>) target_semaphore(%run_scoped3A : memref<!tpu.dma_semaphore, #tpu.memory_space<semaphore_mem>>)
      %dma_wait3A = arith.constant 0 : i32
      %dma_wait3A_79 = tpu.memref_slice %arg10[%add3A_9, %dma_wait3A] : memref<10240x16xf32, #tpu.memory_space<vmem_shared>> -> memref<128x16xf32, #tpu.memory_space<vmem_shared>>
      %dma_wait3A_80 = arith.constant 0 : i32
      %dma_wait3A_81 = tpu.memref_slice %arg10[%add3A_9, %dma_wait3A_80] : memref<10240x16xf32, #tpu.memory_space<vmem_shared>> -> memref<128x16xf32, #tpu.memory_space<vmem_shared>>
      tpu.wait_dma2 semaphore(%run_scoped3A : memref<!tpu.dma_semaphore, #tpu.memory_space<semaphore_mem>>) src(%arg9 : memref<128x16xf32, #tpu.memory_space<vmem>>) dst(%dma_wait3A_81 : memref<128x16xf32, #tpu.memory_space<vmem_shared>>)
      tpu.yield
    }) : () -> ()
    %add3A_10 = arith.constant 0 : i32
    %add3A_11 = arith.addi %mul3A_8, %add3A_10 : i32
    "tpu.region"() ({
      %run_scoped3A = tpu.sem_alloc : memref<!tpu.dma_semaphore, #tpu.memory_space<semaphore_mem>>
      %dma_start3A = arith.constant 0 : i32
      %dma_start3A_76 = tpu.memref_slice %arg11[%add3A_11, %dma_start3A] : memref<10240x16xf32, #tpu.memory_space<vmem_shared>> -> memref<128x16xf32, #tpu.memory_space<vmem_shared>>
      %dma_start3A_77 = arith.constant 0 : i32
      %dma_start3A_78 = tpu.memref_slice %arg11[%add3A_11, %dma_start3A_77] : memref<10240x16xf32, #tpu.memory_space<vmem_shared>> -> memref<128x16xf32, #tpu.memory_space<vmem_shared>>
      tpu.enqueue_dma source(%arg9 : memref<128x16xf32, #tpu.memory_space<vmem>>) target(%dma_start3A_78 : memref<128x16xf32, #tpu.memory_space<vmem_shared>>) target_semaphore(%run_scoped3A : memref<!tpu.dma_semaphore, #tpu.memory_space<semaphore_mem>>)
      %dma_wait3A = arith.constant 0 : i32
      %dma_wait3A_79 = tpu.memref_slice %arg11[%add3A_11, %dma_wait3A] : memref<10240x16xf32, #tpu.memory_space<vmem_shared>> -> memref<128x16xf32, #tpu.memory_space<vmem_shared>>
      %dma_wait3A_80 = arith.constant 0 : i32
      %dma_wait3A_81 = tpu.memref_slice %arg11[%add3A_11, %dma_wait3A_80] : memref<10240x16xf32, #tpu.memory_space<vmem_shared>> -> memref<128x16xf32, #tpu.memory_space<vmem_shared>>
      tpu.wait_dma2 semaphore(%run_scoped3A : memref<!tpu.dma_semaphore, #tpu.memory_space<semaphore_mem>>) src(%arg9 : memref<128x16xf32, #tpu.memory_space<vmem>>) dst(%dma_wait3A_81 : memref<128x16xf32, #tpu.memory_space<vmem_shared>>)
      tpu.yield
    }) : () -> ()
    %add3A_12 = arith.constant 128 : i32
    %add3A_13 = arith.addi %mul3A_8, %add3A_12 : i32
    "tpu.region"() ({
      %run_scoped3A = tpu.sem_alloc : memref<!tpu.dma_semaphore, #tpu.memory_space<semaphore_mem>>
      %dma_start3A = arith.constant 0 : i32
      %dma_start3A_76 = tpu.memref_slice %arg10[%add3A_13, %dma_start3A] : memref<10240x16xf32, #tpu.memory_space<vmem_shared>> -> memref<128x16xf32, #tpu.memory_space<vmem_shared>>
      %dma_start3A_77 = arith.constant 0 : i32
      %dma_start3A_78 = tpu.memref_slice %arg10[%add3A_13, %dma_start3A_77] : memref<10240x16xf32, #tpu.memory_space<vmem_shared>> -> memref<128x16xf32, #tpu.memory_space<vmem_shared>>
      tpu.enqueue_dma source(%arg9 : memref<128x16xf32, #tpu.memory_space<vmem>>) target(%dma_start3A_78 : memref<128x16xf32, #tpu.memory_space<vmem_shared>>) target_semaphore(%run_scoped3A : memref<!tpu.dma_semaphore, #tpu.memory_space<semaphore_mem>>)
      %dma_wait3A = arith.constant 0 : i32
      %dma_wait3A_79 = tpu.memref_slice %arg10[%add3A_13, %dma_wait3A] : memref<10240x16xf32, #tpu.memory_space<vmem_shared>> -> memref<128x16xf32, #tpu.memory_space<vmem_shared>>
      %dma_wait3A_80 = arith.constant 0 : i32
      %dma_wait3A_81 = tpu.memref_slice %arg10[%add3A_13, %dma_wait3A_80] : memref<10240x16xf32, #tpu.memory_space<vmem_shared>> -> memref<128x16xf32, #tpu.memory_space<vmem_shared>>
      tpu.wait_dma2 semaphore(%run_scoped3A : memref<!tpu.dma_semaphore, #tpu.memory_space<semaphore_mem>>) src(%arg9 : memref<128x16xf32, #tpu.memory_space<vmem>>) dst(%dma_wait3A_81 : memref<128x16xf32, #tpu.memory_space<vmem_shared>>)
      tpu.yield
    }) : () -> ()
    %add3A_14 = arith.constant 128 : i32
    %add3A_15 = arith.addi %mul3A_8, %add3A_14 : i32
    "tpu.region"() ({
      %run_scoped3A = tpu.sem_alloc : memref<!tpu.dma_semaphore, #tpu.memory_space<semaphore_mem>>
      %dma_start3A = arith.constant 0 : i32
      %dma_start3A_76 = tpu.memref_slice %arg11[%add3A_15, %dma_start3A] : memref<10240x16xf32, #tpu.memory_space<vmem_shared>> -> memref<128x16xf32, #tpu.memory_space<vmem_shared>>
      %dma_start3A_77 = arith.constant 0 : i32
      %dma_start3A_78 = tpu.memref_slice %arg11[%add3A_15, %dma_start3A_77] : memref<10240x16xf32, #tpu.memory_space<vmem_shared>> -> memref<128x16xf32, #tpu.memory_space<vmem_shared>>
      tpu.enqueue_dma source(%arg9 : memref<128x16xf32, #tpu.memory_space<vmem>>) target(%dma_start3A_78 : memref<128x16xf32, #tpu.memory_space<vmem_shared>>) target_semaphore(%run_scoped3A : memref<!tpu.dma_semaphore, #tpu.memory_space<semaphore_mem>>)
      %dma_wait3A = arith.constant 0 : i32
      %dma_wait3A_79 = tpu.memref_slice %arg11[%add3A_15, %dma_wait3A] : memref<10240x16xf32, #tpu.memory_space<vmem_shared>> -> memref<128x16xf32, #tpu.memory_space<vmem_shared>>
      %dma_wait3A_80 = arith.constant 0 : i32
      %dma_wait3A_81 = tpu.memref_slice %arg11[%add3A_15, %dma_wait3A_80] : memref<10240x16xf32, #tpu.memory_space<vmem_shared>> -> memref<128x16xf32, #tpu.memory_space<vmem_shared>>
      tpu.wait_dma2 semaphore(%run_scoped3A : memref<!tpu.dma_semaphore, #tpu.memory_space<semaphore_mem>>) src(%arg9 : memref<128x16xf32, #tpu.memory_space<vmem>>) dst(%dma_wait3A_81 : memref<128x16xf32, #tpu.memory_space<vmem_shared>>)
      tpu.yield
    }) : () -> ()
    %add3A_16 = arith.constant 256 : i32
    %add3A_17 = arith.addi %mul3A_8, %add3A_16 : i32
    "tpu.region"() ({
      %run_scoped3A = tpu.sem_alloc : memref<!tpu.dma_semaphore, #tpu.memory_space<semaphore_mem>>
      %dma_start3A = arith.constant 0 : i32
      %dma_start3A_76 = tpu.memref_slice %arg10[%add3A_17, %dma_start3A] : memref<10240x16xf32, #tpu.memory_space<vmem_shared>> -> memref<128x16xf32, #tpu.memory_space<vmem_shared>>
      %dma_start3A_77 = arith.constant 0 : i32
      %dma_start3A_78 = tpu.memref_slice %arg10[%add3A_17, %dma_start3A_77] : memref<10240x16xf32, #tpu.memory_space<vmem_shared>> -> memref<128x16xf32, #tpu.memory_space<vmem_shared>>
      tpu.enqueue_dma source(%arg9 : memref<128x16xf32, #tpu.memory_space<vmem>>) target(%dma_start3A_78 : memref<128x16xf32, #tpu.memory_space<vmem_shared>>) target_semaphore(%run_scoped3A : memref<!tpu.dma_semaphore, #tpu.memory_space<semaphore_mem>>)
      %dma_wait3A = arith.constant 0 : i32
      %dma_wait3A_79 = tpu.memref_slice %arg10[%add3A_17, %dma_wait3A] : memref<10240x16xf32, #tpu.memory_space<vmem_shared>> -> memref<128x16xf32, #tpu.memory_space<vmem_shared>>
      %dma_wait3A_80 = arith.constant 0 : i32
      %dma_wait3A_81 = tpu.memref_slice %arg10[%add3A_17, %dma_wait3A_80] : memref<10240x16xf32, #tpu.memory_space<vmem_shared>> -> memref<128x16xf32, #tpu.memory_space<vmem_shared>>
      tpu.wait_dma2 semaphore(%run_scoped3A : memref<!tpu.dma_semaphore, #tpu.memory_space<semaphore_mem>>) src(%arg9 : memref<128x16xf32, #tpu.memory_space<vmem>>) dst(%dma_wait3A_81 : memref<128x16xf32, #tpu.memory_space<vmem_shared>>)
      tpu.yield
    }) : () -> ()
    %add3A_18 = arith.constant 256 : i32
    %add3A_19 = arith.addi %mul3A_8, %add3A_18 : i32
    "tpu.region"() ({
      %run_scoped3A = tpu.sem_alloc : memref<!tpu.dma_semaphore, #tpu.memory_space<semaphore_mem>>
      %dma_start3A = arith.constant 0 : i32
      %dma_start3A_76 = tpu.memref_slice %arg11[%add3A_19, %dma_start3A] : memref<10240x16xf32, #tpu.memory_space<vmem_shared>> -> memref<128x16xf32, #tpu.memory_space<vmem_shared>>
      %dma_start3A_77 = arith.constant 0 : i32
      %dma_start3A_78 = tpu.memref_slice %arg11[%add3A_19, %dma_start3A_77] : memref<10240x16xf32, #tpu.memory_space<vmem_shared>> -> memref<128x16xf32, #tpu.memory_space<vmem_shared>>
      tpu.enqueue_dma source(%arg9 : memref<128x16xf32, #tpu.memory_space<vmem>>) target(%dma_start3A_78 : memref<128x16xf32, #tpu.memory_space<vmem_shared>>) target_semaphore(%run_scoped3A : memref<!tpu.dma_semaphore, #tpu.memory_space<semaphore_mem>>)
      %dma_wait3A = arith.constant 0 : i32
      %dma_wait3A_79 = tpu.memref_slice %arg11[%add3A_19, %dma_wait3A] : memref<10240x16xf32, #tpu.memory_space<vmem_shared>> -> memref<128x16xf32, #tpu.memory_space<vmem_shared>>
      %dma_wait3A_80 = arith.constant 0 : i32
      %dma_wait3A_81 = tpu.memref_slice %arg11[%add3A_19, %dma_wait3A_80] : memref<10240x16xf32, #tpu.memory_space<vmem_shared>> -> memref<128x16xf32, #tpu.memory_space<vmem_shared>>
      tpu.wait_dma2 semaphore(%run_scoped3A : memref<!tpu.dma_semaphore, #tpu.memory_space<semaphore_mem>>) src(%arg9 : memref<128x16xf32, #tpu.memory_space<vmem>>) dst(%dma_wait3A_81 : memref<128x16xf32, #tpu.memory_space<vmem_shared>>)
      tpu.yield
    }) : () -> ()
    %add3A_20 = arith.constant 384 : i32
    %add3A_21 = arith.addi %mul3A_8, %add3A_20 : i32
    "tpu.region"() ({
      %run_scoped3A = tpu.sem_alloc : memref<!tpu.dma_semaphore, #tpu.memory_space<semaphore_mem>>
      %dma_start3A = arith.constant 0 : i32
      %dma_start3A_76 = tpu.memref_slice %arg10[%add3A_21, %dma_start3A] : memref<10240x16xf32, #tpu.memory_space<vmem_shared>> -> memref<128x16xf32, #tpu.memory_space<vmem_shared>>
      %dma_start3A_77 = arith.constant 0 : i32
      %dma_start3A_78 = tpu.memref_slice %arg10[%add3A_21, %dma_start3A_77] : memref<10240x16xf32, #tpu.memory_space<vmem_shared>> -> memref<128x16xf32, #tpu.memory_space<vmem_shared>>
      tpu.enqueue_dma source(%arg9 : memref<128x16xf32, #tpu.memory_space<vmem>>) target(%dma_start3A_78 : memref<128x16xf32, #tpu.memory_space<vmem_shared>>) target_semaphore(%run_scoped3A : memref<!tpu.dma_semaphore, #tpu.memory_space<semaphore_mem>>)
      %dma_wait3A = arith.constant 0 : i32
      %dma_wait3A_79 = tpu.memref_slice %arg10[%add3A_21, %dma_wait3A] : memref<10240x16xf32, #tpu.memory_space<vmem_shared>> -> memref<128x16xf32, #tpu.memory_space<vmem_shared>>
      %dma_wait3A_80 = arith.constant 0 : i32
      %dma_wait3A_81 = tpu.memref_slice %arg10[%add3A_21, %dma_wait3A_80] : memref<10240x16xf32, #tpu.memory_space<vmem_shared>> -> memref<128x16xf32, #tpu.memory_space<vmem_shared>>
      tpu.wait_dma2 semaphore(%run_scoped3A : memref<!tpu.dma_semaphore, #tpu.memory_space<semaphore_mem>>) src(%arg9 : memref<128x16xf32, #tpu.memory_space<vmem>>) dst(%dma_wait3A_81 : memref<128x16xf32, #tpu.memory_space<vmem_shared>>)
      tpu.yield
    }) : () -> ()
    %add3A_22 = arith.constant 384 : i32
    %add3A_23 = arith.addi %mul3A_8, %add3A_22 : i32
    "tpu.region"() ({
      %run_scoped3A = tpu.sem_alloc : memref<!tpu.dma_semaphore, #tpu.memory_space<semaphore_mem>>
      %dma_start3A = arith.constant 0 : i32
      %dma_start3A_76 = tpu.memref_slice %arg11[%add3A_23, %dma_start3A] : memref<10240x16xf32, #tpu.memory_space<vmem_shared>> -> memref<128x16xf32, #tpu.memory_space<vmem_shared>>
      %dma_start3A_77 = arith.constant 0 : i32
      %dma_start3A_78 = tpu.memref_slice %arg11[%add3A_23, %dma_start3A_77] : memref<10240x16xf32, #tpu.memory_space<vmem_shared>> -> memref<128x16xf32, #tpu.memory_space<vmem_shared>>
      tpu.enqueue_dma source(%arg9 : memref<128x16xf32, #tpu.memory_space<vmem>>) target(%dma_start3A_78 : memref<128x16xf32, #tpu.memory_space<vmem_shared>>) target_semaphore(%run_scoped3A : memref<!tpu.dma_semaphore, #tpu.memory_space<semaphore_mem>>)
      %dma_wait3A = arith.constant 0 : i32
      %dma_wait3A_79 = tpu.memref_slice %arg11[%add3A_23, %dma_wait3A] : memref<10240x16xf32, #tpu.memory_space<vmem_shared>> -> memref<128x16xf32, #tpu.memory_space<vmem_shared>>
      %dma_wait3A_80 = arith.constant 0 : i32
      %dma_wait3A_81 = tpu.memref_slice %arg11[%add3A_23, %dma_wait3A_80] : memref<10240x16xf32, #tpu.memory_space<vmem_shared>> -> memref<128x16xf32, #tpu.memory_space<vmem_shared>>
      tpu.wait_dma2 semaphore(%run_scoped3A : memref<!tpu.dma_semaphore, #tpu.memory_space<semaphore_mem>>) src(%arg9 : memref<128x16xf32, #tpu.memory_space<vmem>>) dst(%dma_wait3A_81 : memref<128x16xf32, #tpu.memory_space<vmem_shared>>)
      tpu.yield
    }) : () -> ()
    %add3A_24 = arith.constant 512 : i32
    %add3A_25 = arith.addi %mul3A_8, %add3A_24 : i32
    "tpu.region"() ({
      %run_scoped3A = tpu.sem_alloc : memref<!tpu.dma_semaphore, #tpu.memory_space<semaphore_mem>>
      %dma_start3A = arith.constant 0 : i32
      %dma_start3A_76 = tpu.memref_slice %arg10[%add3A_25, %dma_start3A] : memref<10240x16xf32, #tpu.memory_space<vmem_shared>> -> memref<128x16xf32, #tpu.memory_space<vmem_shared>>
      %dma_start3A_77 = arith.constant 0 : i32
      %dma_start3A_78 = tpu.memref_slice %arg10[%add3A_25, %dma_start3A_77] : memref<10240x16xf32, #tpu.memory_space<vmem_shared>> -> memref<128x16xf32, #tpu.memory_space<vmem_shared>>
      tpu.enqueue_dma source(%arg9 : memref<128x16xf32, #tpu.memory_space<vmem>>) target(%dma_start3A_78 : memref<128x16xf32, #tpu.memory_space<vmem_shared>>) target_semaphore(%run_scoped3A : memref<!tpu.dma_semaphore, #tpu.memory_space<semaphore_mem>>)
      %dma_wait3A = arith.constant 0 : i32
      %dma_wait3A_79 = tpu.memref_slice %arg10[%add3A_25, %dma_wait3A] : memref<10240x16xf32, #tpu.memory_space<vmem_shared>> -> memref<128x16xf32, #tpu.memory_space<vmem_shared>>
      %dma_wait3A_80 = arith.constant 0 : i32
      %dma_wait3A_81 = tpu.memref_slice %arg10[%add3A_25, %dma_wait3A_80] : memref<10240x16xf32, #tpu.memory_space<vmem_shared>> -> memref<128x16xf32, #tpu.memory_space<vmem_shared>>
      tpu.wait_dma2 semaphore(%run_scoped3A : memref<!tpu.dma_semaphore, #tpu.memory_space<semaphore_mem>>) src(%arg9 : memref<128x16xf32, #tpu.memory_space<vmem>>) dst(%dma_wait3A_81 : memref<128x16xf32, #tpu.memory_space<vmem_shared>>)
      tpu.yield
    }) : () -> ()
    %add3A_26 = arith.constant 512 : i32
    %add3A_27 = arith.addi %mul3A_8, %add3A_26 : i32
    "tpu.region"() ({
      %run_scoped3A = tpu.sem_alloc : memref<!tpu.dma_semaphore, #tpu.memory_space<semaphore_mem>>
      %dma_start3A = arith.constant 0 : i32
      %dma_start3A_76 = tpu.memref_slice %arg11[%add3A_27, %dma_start3A] : memref<10240x16xf32, #tpu.memory_space<vmem_shared>> -> memref<128x16xf32, #tpu.memory_space<vmem_shared>>
      %dma_start3A_77 = arith.constant 0 : i32
      %dma_start3A_78 = tpu.memref_slice %arg11[%add3A_27, %dma_start3A_77] : memref<10240x16xf32, #tpu.memory_space<vmem_shared>> -> memref<128x16xf32, #tpu.memory_space<vmem_shared>>
      tpu.enqueue_dma source(%arg9 : memref<128x16xf32, #tpu.memory_space<vmem>>) target(%dma_start3A_78 : memref<128x16xf32, #tpu.memory_space<vmem_shared>>) target_semaphore(%run_scoped3A : memref<!tpu.dma_semaphore, #tpu.memory_space<semaphore_mem>>)
      %dma_wait3A = arith.constant 0 : i32
      %dma_wait3A_79 = tpu.memref_slice %arg11[%add3A_27, %dma_wait3A] : memref<10240x16xf32, #tpu.memory_space<vmem_shared>> -> memref<128x16xf32, #tpu.memory_space<vmem_shared>>
      %dma_wait3A_80 = arith.constant 0 : i32
      %dma_wait3A_81 = tpu.memref_slice %arg11[%add3A_27, %dma_wait3A_80] : memref<10240x16xf32, #tpu.memory_space<vmem_shared>> -> memref<128x16xf32, #tpu.memory_space<vmem_shared>>
      tpu.wait_dma2 semaphore(%run_scoped3A : memref<!tpu.dma_semaphore, #tpu.memory_space<semaphore_mem>>) src(%arg9 : memref<128x16xf32, #tpu.memory_space<vmem>>) dst(%dma_wait3A_81 : memref<128x16xf32, #tpu.memory_space<vmem_shared>>)
      tpu.yield
    }) : () -> ()
    %barrier3A = arith.constant 0 : index
    tpu.barrier barrier_id(%barrier3A)
    %eq3A = arith.constant 0 : i32
    %eq3A_28 = arith.cmpi eq, %arg0, %eq3A : i32
    %convert_element_type3A = arith.extui %eq3A_28 : i1 to i32
    %cond3A = arith.constant 0 : i32
    %cond3A_29 = arith.cmpi ne, %convert_element_type3A, %cond3A : i32
    scf.if %cond3A_29 {
      %scan3A_76 = arith.constant 0 : i32
      %scan3A_77 = arith.constant 0 : i32
      %scan3A_78 = arith.constant 5 : i32
      %scan3A_79 = arith.addi %scan3A_77, %scan3A_78 : i32
      %scan3A_80 = arith.constant 1 : i32
      %scan3A_81 = scf.for %scan3A_83 = %scan3A_77 to %scan3A_79 step %scan3A_80 iter_args(%scan3A_84 = %scan3A_76) -> (i32)  : i32 {
        %mul3A_85 = arith.constant 16 : i32
        %mul3A_86 = arith.muli %scan3A_83, %mul3A_85 : i32
        %add3A_87 = arith.addi %mul3A_0, %mul3A_86 : i32
        "tpu.region"() ({
          %run_scoped3A = tpu.sem_alloc : memref<!tpu.dma_semaphore, #tpu.memory_space<semaphore_mem>>
          %dma_start3A = arith.constant 0 : i32
          %dma_start3A_99 = tpu.memref_slice %arg2[%arg1, %add3A_87, %dma_start3A] : memref<16x160x128xi32, #tpu.memory_space<hbm>> -> memref<1x16x128xi32, #tpu.memory_space<hbm>>
          %dma_start3A_100 = tpu.memref_squeeze %dma_start3A_99 : memref<1x16x128xi32, #tpu.memory_space<hbm>> -> memref<16x128xi32, #tpu.memory_space<hbm>>
          %dma_start3A_101 = arith.constant 0 : i32
          %dma_start3A_102 = tpu.memref_slice %arg2[%arg1, %add3A_87, %dma_start3A_101] : memref<16x160x128xi32, #tpu.memory_space<hbm>> -> memref<1x16x128xi32, #tpu.memory_space<hbm>>
          %dma_start3A_103 = tpu.memref_squeeze %dma_start3A_102 : memref<1x16x128xi32, #tpu.memory_space<hbm>> -> memref<16x128xi32, #tpu.memory_space<hbm>>
          tpu.enqueue_dma source(%dma_start3A_103 : memref<16x128xi32, #tpu.memory_space<hbm>>) target(%arg6 : memref<16x128xi32, #tpu.memory_space<vmem>>) target_semaphore(%run_scoped3A : memref<!tpu.dma_semaphore, #tpu.memory_space<semaphore_mem>>)
          %dma_wait3A = arith.constant 0 : i32
          %dma_wait3A_104 = tpu.memref_slice %arg2[%arg1, %add3A_87, %dma_wait3A] : memref<16x160x128xi32, #tpu.memory_space<hbm>> -> memref<1x16x128xi32, #tpu.memory_space<hbm>>
          %dma_wait3A_105 = tpu.memref_squeeze %dma_wait3A_104 : memref<1x16x128xi32, #tpu.memory_space<hbm>> -> memref<16x128xi32, #tpu.memory_space<hbm>>
          %dma_wait3A_106 = arith.constant 0 : i32
          %dma_wait3A_107 = tpu.memref_slice %arg2[%arg1, %add3A_87, %dma_wait3A_106] : memref<16x160x128xi32, #tpu.memory_space<hbm>> -> memref<1x16x128xi32, #tpu.memory_space<hbm>>
          %dma_wait3A_108 = tpu.memref_squeeze %dma_wait3A_107 : memref<1x16x128xi32, #tpu.memory_space<hbm>> -> memref<16x128xi32, #tpu.memory_space<hbm>>
          tpu.wait_dma2 semaphore(%run_scoped3A : memref<!tpu.dma_semaphore, #tpu.memory_space<semaphore_mem>>) src(%dma_wait3A_108 : memref<16x128xi32, #tpu.memory_space<hbm>>) dst(%arg6 : memref<16x128xi32, #tpu.memory_space<vmem>>)
          tpu.yield
        }) : () -> ()
        %mul3A_88 = arith.constant 16 : i32
        %mul3A_89 = arith.muli %scan3A_83, %mul3A_88 : i32
        %add3A_90 = arith.addi %mul3A_0, %mul3A_89 : i32
        "tpu.region"() ({
          %run_scoped3A = tpu.sem_alloc : memref<!tpu.dma_semaphore, #tpu.memory_space<semaphore_mem>>
          %dma_start3A = arith.constant 0 : i32
          %dma_start3A_99 = tpu.memref_slice %arg3[%arg1, %add3A_90, %dma_start3A] : memref<16x160x128xi32, #tpu.memory_space<hbm>> -> memref<1x16x128xi32, #tpu.memory_space<hbm>>
          %dma_start3A_100 = tpu.memref_squeeze %dma_start3A_99 : memref<1x16x128xi32, #tpu.memory_space<hbm>> -> memref<16x128xi32, #tpu.memory_space<hbm>>
          %dma_start3A_101 = arith.constant 0 : i32
          %dma_start3A_102 = tpu.memref_slice %arg3[%arg1, %add3A_90, %dma_start3A_101] : memref<16x160x128xi32, #tpu.memory_space<hbm>> -> memref<1x16x128xi32, #tpu.memory_space<hbm>>
          %dma_start3A_103 = tpu.memref_squeeze %dma_start3A_102 : memref<1x16x128xi32, #tpu.memory_space<hbm>> -> memref<16x128xi32, #tpu.memory_space<hbm>>
          tpu.enqueue_dma source(%dma_start3A_103 : memref<16x128xi32, #tpu.memory_space<hbm>>) target(%arg7 : memref<16x128xi32, #tpu.memory_space<vmem>>) target_semaphore(%run_scoped3A : memref<!tpu.dma_semaphore, #tpu.memory_space<semaphore_mem>>)
          %dma_wait3A = arith.constant 0 : i32
          %dma_wait3A_104 = tpu.memref_slice %arg3[%arg1, %add3A_90, %dma_wait3A] : memref<16x160x128xi32, #tpu.memory_space<hbm>> -> memref<1x16x128xi32, #tpu.memory_space<hbm>>
          %dma_wait3A_105 = tpu.memref_squeeze %dma_wait3A_104 : memref<1x16x128xi32, #tpu.memory_space<hbm>> -> memref<16x128xi32, #tpu.memory_space<hbm>>
          %dma_wait3A_106 = arith.constant 0 : i32
          %dma_wait3A_107 = tpu.memref_slice %arg3[%arg1, %add3A_90, %dma_wait3A_106] : memref<16x160x128xi32, #tpu.memory_space<hbm>> -> memref<1x16x128xi32, #tpu.memory_space<hbm>>
          %dma_wait3A_108 = tpu.memref_squeeze %dma_wait3A_107 : memref<1x16x128xi32, #tpu.memory_space<hbm>> -> memref<16x128xi32, #tpu.memory_space<hbm>>
          tpu.wait_dma2 semaphore(%run_scoped3A : memref<!tpu.dma_semaphore, #tpu.memory_space<semaphore_mem>>) src(%dma_wait3A_108 : memref<16x128xi32, #tpu.memory_space<hbm>>) dst(%arg7 : memref<16x128xi32, #tpu.memory_space<vmem>>)
          tpu.yield
        }) : () -> ()
        %scan3A_91 = arith.constant 0 : i32
        %scan3A_92 = arith.constant 0 : i32
        %scan3A_93 = arith.constant 16 : i32
        %scan3A_94 = arith.addi %scan3A_92, %scan3A_93 : i32
        %scan3A_95 = arith.constant 1 : i32
        %scan3A_96 = scf.for %scan3A_99 = %scan3A_92 to %scan3A_94 step %scan3A_95 iter_args(%scan3A_100 = %scan3A_91) -> (i32)  : i32 {
          "tpu.region"() ({
            %run_scoped3A = tpu.sem_alloc : memref<!tpu.dma_semaphore, #tpu.memory_space<semaphore_mem>>
            %dma_start3A = arith.constant 0 : i32
            %dma_start3A_102 = tpu.memref_slice %arg6[%scan3A_99, %dma_start3A] : memref<16x128xi32, #tpu.memory_space<vmem>> -> memref<1x128xi32, #tpu.memory_space<vmem>>
            %dma_start3A_103 = tpu.memref_squeeze %dma_start3A_102 : memref<1x128xi32, #tpu.memory_space<vmem>> -> memref<128xi32, #tpu.memory_space<vmem>>
            %dma_start3A_104 = arith.constant 0 : i32
            %dma_start3A_105 = arith.constant 0 : i32
            %dma_start3A_106 = tpu.memref_slice %arg10[%dma_start3A_104, %dma_start3A_105] : memref<10240x16xf32, #tpu.memory_space<vmem_shared>> -> memref<10240x16xf32, #tpu.memory_space<vmem_shared>>
            tpu.enqueue_indirect_dma source(%arg8 : memref<128x16xf32, #tpu.memory_space<vmem>>) target(%dma_start3A_106 : memref<10240x16xf32, #tpu.memory_space<vmem_shared>>) offsets(%dma_start3A_103 : memref<128xi32, #tpu.memory_space<vmem>>) semaphore(%run_scoped3A : memref<!tpu.dma_semaphore, #tpu.memory_space<semaphore_mem>>) {add = true}
            %dma_wait3A = arith.constant 0 : i32
            %dma_wait3A_107 = tpu.memref_slice %arg6[%scan3A_99, %dma_wait3A] : memref<16x128xi32, #tpu.memory_space<vmem>> -> memref<1x128xi32, #tpu.memory_space<vmem>>
            %dma_wait3A_108 = tpu.memref_squeeze %dma_wait3A_107 : memref<1x128xi32, #tpu.memory_space<vmem>> -> memref<128xi32, #tpu.memory_space<vmem>>
            %dma_wait3A_109 = arith.constant 0 : i32
            %dma_wait3A_110 = arith.constant 0 : i32
            %dma_wait3A_111 = tpu.memref_slice %arg10[%dma_wait3A_109, %dma_wait3A_110] : memref<10240x16xf32, #tpu.memory_space<vmem_shared>> -> memref<10240x16xf32, #tpu.memory_space<vmem_shared>>
            tpu.wait_indirect_dma semaphore(%run_scoped3A : memref<!tpu.dma_semaphore, #tpu.memory_space<semaphore_mem>>) src(%arg8 : memref<128x16xf32, #tpu.memory_space<vmem>>) dst(%dma_wait3A_111 : memref<10240x16xf32, #tpu.memory_space<vmem_shared>>)
            tpu.yield
          }) : () -> ()
          "tpu.region"() ({
            %run_scoped3A = tpu.sem_alloc : memref<!tpu.dma_semaphore, #tpu.memory_space<semaphore_mem>>
            %dma_start3A = arith.constant 0 : i32
            %dma_start3A_102 = tpu.memref_slice %arg7[%scan3A_99, %dma_start3A] : memref<16x128xi32, #tpu.memory_space<vmem>> -> memref<1x128xi32, #tpu.memory_space<vmem>>
            %dma_start3A_103 = tpu.memref_squeeze %dma_start3A_102 : memref<1x128xi32, #tpu.memory_space<vmem>> -> memref<128xi32, #tpu.memory_space<vmem>>
            %dma_start3A_104 = arith.constant 0 : i32
            %dma_start3A_105 = arith.constant 0 : i32
            %dma_start3A_106 = tpu.memref_slice %arg11[%dma_start3A_104, %dma_start3A_105] : memref<10240x16xf32, #tpu.memory_space<vmem_shared>> -> memref<10240x16xf32, #tpu.memory_space<vmem_shared>>
            tpu.enqueue_indirect_dma source(%arg8 : memref<128x16xf32, #tpu.memory_space<vmem>>) target(%dma_start3A_106 : memref<10240x16xf32, #tpu.memory_space<vmem_shared>>) offsets(%dma_start3A_103 : memref<128xi32, #tpu.memory_space<vmem>>) semaphore(%run_scoped3A : memref<!tpu.dma_semaphore, #tpu.memory_space<semaphore_mem>>) {add = true}
            %dma_wait3A = arith.constant 0 : i32
            %dma_wait3A_107 = tpu.memref_slice %arg7[%scan3A_99, %dma_wait3A] : memref<16x128xi32, #tpu.memory_space<vmem>> -> memref<1x128xi32, #tpu.memory_space<vmem>>
            %dma_wait3A_108 = tpu.memref_squeeze %dma_wait3A_107 : memref<1x128xi32, #tpu.memory_space<vmem>> -> memref<128xi32, #tpu.memory_space<vmem>>
            %dma_wait3A_109 = arith.constant 0 : i32
            %dma_wait3A_110 = arith.constant 0 : i32
            %dma_wait3A_111 = tpu.memref_slice %arg11[%dma_wait3A_109, %dma_wait3A_110] : memref<10240x16xf32, #tpu.memory_space<vmem_shared>> -> memref<10240x16xf32, #tpu.memory_space<vmem_shared>>
            tpu.wait_indirect_dma semaphore(%run_scoped3A : memref<!tpu.dma_semaphore, #tpu.memory_space<semaphore_mem>>) src(%arg8 : memref<128x16xf32, #tpu.memory_space<vmem>>) dst(%dma_wait3A_111 : memref<10240x16xf32, #tpu.memory_space<vmem_shared>>)
            tpu.yield
          }) : () -> ()
          %scan3A_101 = arith.constant 0 : i32
          scf.yield %scan3A_101 : i32
        }
        %scan3A_97 = arith.constant 16 : i32
        %scan3A_98 = arith.constant 0 : i32
        scf.yield %scan3A_98 : i32
      }
      %scan3A_82 = arith.constant 5 : i32
    } else {
    }
    %eq3A_30 = arith.constant 1 : i32
    %eq3A_31 = arith.cmpi eq, %arg0, %eq3A_30 : i32
    %convert_element_type3A_32 = arith.extui %eq3A_31 : i1 to i32
    %cond3A_33 = arith.constant 0 : i32
    %cond3A_34 = arith.cmpi ne, %convert_element_type3A_32, %cond3A_33 : i32
    scf.if %cond3A_34 {
      %scan3A_76 = arith.constant 0 : i32
      %scan3A_77 = arith.constant 0 : i32
      %scan3A_78 = arith.constant 5 : i32
      %scan3A_79 = arith.addi %scan3A_77, %scan3A_78 : i32
      %scan3A_80 = arith.constant 1 : i32
      %scan3A_81 = scf.for %scan3A_83 = %scan3A_77 to %scan3A_79 step %scan3A_80 iter_args(%scan3A_84 = %scan3A_76) -> (i32)  : i32 {
        %mul3A_85 = arith.constant 16 : i32
        %mul3A_86 = arith.muli %scan3A_83, %mul3A_85 : i32
        %add3A_87 = arith.addi %mul3A_0, %mul3A_86 : i32
        "tpu.region"() ({
          %run_scoped3A = tpu.sem_alloc : memref<!tpu.dma_semaphore, #tpu.memory_space<semaphore_mem>>
          %dma_start3A = arith.constant 0 : i32
          %dma_start3A_99 = tpu.memref_slice %arg2[%arg1, %add3A_87, %dma_start3A] : memref<16x160x128xi32, #tpu.memory_space<hbm>> -> memref<1x16x128xi32, #tpu.memory_space<hbm>>
          %dma_start3A_100 = tpu.memref_squeeze %dma_start3A_99 : memref<1x16x128xi32, #tpu.memory_space<hbm>> -> memref<16x128xi32, #tpu.memory_space<hbm>>
          %dma_start3A_101 = arith.constant 0 : i32
          %dma_start3A_102 = tpu.memref_slice %arg2[%arg1, %add3A_87, %dma_start3A_101] : memref<16x160x128xi32, #tpu.memory_space<hbm>> -> memref<1x16x128xi32, #tpu.memory_space<hbm>>
          %dma_start3A_103 = tpu.memref_squeeze %dma_start3A_102 : memref<1x16x128xi32, #tpu.memory_space<hbm>> -> memref<16x128xi32, #tpu.memory_space<hbm>>
          tpu.enqueue_dma source(%dma_start3A_103 : memref<16x128xi32, #tpu.memory_space<hbm>>) target(%arg6 : memref<16x128xi32, #tpu.memory_space<vmem>>) target_semaphore(%run_scoped3A : memref<!tpu.dma_semaphore, #tpu.memory_space<semaphore_mem>>)
          %dma_wait3A = arith.constant 0 : i32
          %dma_wait3A_104 = tpu.memref_slice %arg2[%arg1, %add3A_87, %dma_wait3A] : memref<16x160x128xi32, #tpu.memory_space<hbm>> -> memref<1x16x128xi32, #tpu.memory_space<hbm>>
          %dma_wait3A_105 = tpu.memref_squeeze %dma_wait3A_104 : memref<1x16x128xi32, #tpu.memory_space<hbm>> -> memref<16x128xi32, #tpu.memory_space<hbm>>
          %dma_wait3A_106 = arith.constant 0 : i32
          %dma_wait3A_107 = tpu.memref_slice %arg2[%arg1, %add3A_87, %dma_wait3A_106] : memref<16x160x128xi32, #tpu.memory_space<hbm>> -> memref<1x16x128xi32, #tpu.memory_space<hbm>>
          %dma_wait3A_108 = tpu.memref_squeeze %dma_wait3A_107 : memref<1x16x128xi32, #tpu.memory_space<hbm>> -> memref<16x128xi32, #tpu.memory_space<hbm>>
          tpu.wait_dma2 semaphore(%run_scoped3A : memref<!tpu.dma_semaphore, #tpu.memory_space<semaphore_mem>>) src(%dma_wait3A_108 : memref<16x128xi32, #tpu.memory_space<hbm>>) dst(%arg6 : memref<16x128xi32, #tpu.memory_space<vmem>>)
          tpu.yield
        }) : () -> ()
        %mul3A_88 = arith.constant 16 : i32
        %mul3A_89 = arith.muli %scan3A_83, %mul3A_88 : i32
        %add3A_90 = arith.addi %mul3A_0, %mul3A_89 : i32
        "tpu.region"() ({
          %run_scoped3A = tpu.sem_alloc : memref<!tpu.dma_semaphore, #tpu.memory_space<semaphore_mem>>
          %dma_start3A = arith.constant 0 : i32
          %dma_start3A_99 = tpu.memref_slice %arg3[%arg1, %add3A_90, %dma_start3A] : memref<16x160x128xi32, #tpu.memory_space<hbm>> -> memref<1x16x128xi32, #tpu.memory_space<hbm>>
          %dma_start3A_100 = tpu.memref_squeeze %dma_start3A_99 : memref<1x16x128xi32, #tpu.memory_space<hbm>> -> memref<16x128xi32, #tpu.memory_space<hbm>>
          %dma_start3A_101 = arith.constant 0 : i32
          %dma_start3A_102 = tpu.memref_slice %arg3[%arg1, %add3A_90, %dma_start3A_101] : memref<16x160x128xi32, #tpu.memory_space<hbm>> -> memref<1x16x128xi32, #tpu.memory_space<hbm>>
          %dma_start3A_103 = tpu.memref_squeeze %dma_start3A_102 : memref<1x16x128xi32, #tpu.memory_space<hbm>> -> memref<16x128xi32, #tpu.memory_space<hbm>>
          tpu.enqueue_dma source(%dma_start3A_103 : memref<16x128xi32, #tpu.memory_space<hbm>>) target(%arg7 : memref<16x128xi32, #tpu.memory_space<vmem>>) target_semaphore(%run_scoped3A : memref<!tpu.dma_semaphore, #tpu.memory_space<semaphore_mem>>)
          %dma_wait3A = arith.constant 0 : i32
          %dma_wait3A_104 = tpu.memref_slice %arg3[%arg1, %add3A_90, %dma_wait3A] : memref<16x160x128xi32, #tpu.memory_space<hbm>> -> memref<1x16x128xi32, #tpu.memory_space<hbm>>
          %dma_wait3A_105 = tpu.memref_squeeze %dma_wait3A_104 : memref<1x16x128xi32, #tpu.memory_space<hbm>> -> memref<16x128xi32, #tpu.memory_space<hbm>>
          %dma_wait3A_106 = arith.constant 0 : i32
          %dma_wait3A_107 = tpu.memref_slice %arg3[%arg1, %add3A_90, %dma_wait3A_106] : memref<16x160x128xi32, #tpu.memory_space<hbm>> -> memref<1x16x128xi32, #tpu.memory_space<hbm>>
          %dma_wait3A_108 = tpu.memref_squeeze %dma_wait3A_107 : memref<1x16x128xi32, #tpu.memory_space<hbm>> -> memref<16x128xi32, #tpu.memory_space<hbm>>
          tpu.wait_dma2 semaphore(%run_scoped3A : memref<!tpu.dma_semaphore, #tpu.memory_space<semaphore_mem>>) src(%dma_wait3A_108 : memref<16x128xi32, #tpu.memory_space<hbm>>) dst(%arg7 : memref<16x128xi32, #tpu.memory_space<vmem>>)
          tpu.yield
        }) : () -> ()
        %scan3A_91 = arith.constant 0 : i32
        %scan3A_92 = arith.constant 0 : i32
        %scan3A_93 = arith.constant 16 : i32
        %scan3A_94 = arith.addi %scan3A_92, %scan3A_93 : i32
        %scan3A_95 = arith.constant 1 : i32
        %scan3A_96 = scf.for %scan3A_99 = %scan3A_92 to %scan3A_94 step %scan3A_95 iter_args(%scan3A_100 = %scan3A_91) -> (i32)  : i32 {
          "tpu.region"() ({
            %run_scoped3A = tpu.sem_alloc : memref<!tpu.dma_semaphore, #tpu.memory_space<semaphore_mem>>
            %dma_start3A = arith.constant 0 : i32
            %dma_start3A_102 = tpu.memref_slice %arg6[%scan3A_99, %dma_start3A] : memref<16x128xi32, #tpu.memory_space<vmem>> -> memref<1x128xi32, #tpu.memory_space<vmem>>
            %dma_start3A_103 = tpu.memref_squeeze %dma_start3A_102 : memref<1x128xi32, #tpu.memory_space<vmem>> -> memref<128xi32, #tpu.memory_space<vmem>>
            %dma_start3A_104 = arith.constant 0 : i32
            %dma_start3A_105 = arith.constant 0 : i32
            %dma_start3A_106 = tpu.memref_slice %arg10[%dma_start3A_104, %dma_start3A_105] : memref<10240x16xf32, #tpu.memory_space<vmem_shared>> -> memref<10240x16xf32, #tpu.memory_space<vmem_shared>>
            tpu.enqueue_indirect_dma source(%arg8 : memref<128x16xf32, #tpu.memory_space<vmem>>) target(%dma_start3A_106 : memref<10240x16xf32, #tpu.memory_space<vmem_shared>>) offsets(%dma_start3A_103 : memref<128xi32, #tpu.memory_space<vmem>>) semaphore(%run_scoped3A : memref<!tpu.dma_semaphore, #tpu.memory_space<semaphore_mem>>) {add = true}
            %dma_wait3A = arith.constant 0 : i32
            %dma_wait3A_107 = tpu.memref_slice %arg6[%scan3A_99, %dma_wait3A] : memref<16x128xi32, #tpu.memory_space<vmem>> -> memref<1x128xi32, #tpu.memory_space<vmem>>
            %dma_wait3A_108 = tpu.memref_squeeze %dma_wait3A_107 : memref<1x128xi32, #tpu.memory_space<vmem>> -> memref<128xi32, #tpu.memory_space<vmem>>
            %dma_wait3A_109 = arith.constant 0 : i32
            %dma_wait3A_110 = arith.constant 0 : i32
            %dma_wait3A_111 = tpu.memref_slice %arg10[%dma_wait3A_109, %dma_wait3A_110] : memref<10240x16xf32, #tpu.memory_space<vmem_shared>> -> memref<10240x16xf32, #tpu.memory_space<vmem_shared>>
            tpu.wait_indirect_dma semaphore(%run_scoped3A : memref<!tpu.dma_semaphore, #tpu.memory_space<semaphore_mem>>) src(%arg8 : memref<128x16xf32, #tpu.memory_space<vmem>>) dst(%dma_wait3A_111 : memref<10240x16xf32, #tpu.memory_space<vmem_shared>>)
            tpu.yield
          }) : () -> ()
          "tpu.region"() ({
            %run_scoped3A = tpu.sem_alloc : memref<!tpu.dma_semaphore, #tpu.memory_space<semaphore_mem>>
            %dma_start3A = arith.constant 0 : i32
            %dma_start3A_102 = tpu.memref_slice %arg7[%scan3A_99, %dma_start3A] : memref<16x128xi32, #tpu.memory_space<vmem>> -> memref<1x128xi32, #tpu.memory_space<vmem>>
            %dma_start3A_103 = tpu.memref_squeeze %dma_start3A_102 : memref<1x128xi32, #tpu.memory_space<vmem>> -> memref<128xi32, #tpu.memory_space<vmem>>
            %dma_start3A_104 = arith.constant 0 : i32
            %dma_start3A_105 = arith.constant 0 : i32
            %dma_start3A_106 = tpu.memref_slice %arg11[%dma_start3A_104, %dma_start3A_105] : memref<10240x16xf32, #tpu.memory_space<vmem_shared>> -> memref<10240x16xf32, #tpu.memory_space<vmem_shared>>
            tpu.enqueue_indirect_dma source(%arg8 : memref<128x16xf32, #tpu.memory_space<vmem>>) target(%dma_start3A_106 : memref<10240x16xf32, #tpu.memory_space<vmem_shared>>) offsets(%dma_start3A_103 : memref<128xi32, #tpu.memory_space<vmem>>) semaphore(%run_scoped3A : memref<!tpu.dma_semaphore, #tpu.memory_space<semaphore_mem>>) {add = true}
            %dma_wait3A = arith.constant 0 : i32
            %dma_wait3A_107 = tpu.memref_slice %arg7[%scan3A_99, %dma_wait3A] : memref<16x128xi32, #tpu.memory_space<vmem>> -> memref<1x128xi32, #tpu.memory_space<vmem>>
            %dma_wait3A_108 = tpu.memref_squeeze %dma_wait3A_107 : memref<1x128xi32, #tpu.memory_space<vmem>> -> memref<128xi32, #tpu.memory_space<vmem>>
            %dma_wait3A_109 = arith.constant 0 : i32
            %dma_wait3A_110 = arith.constant 0 : i32
            %dma_wait3A_111 = tpu.memref_slice %arg11[%dma_wait3A_109, %dma_wait3A_110] : memref<10240x16xf32, #tpu.memory_space<vmem_shared>> -> memref<10240x16xf32, #tpu.memory_space<vmem_shared>>
            tpu.wait_indirect_dma semaphore(%run_scoped3A : memref<!tpu.dma_semaphore, #tpu.memory_space<semaphore_mem>>) src(%arg8 : memref<128x16xf32, #tpu.memory_space<vmem>>) dst(%dma_wait3A_111 : memref<10240x16xf32, #tpu.memory_space<vmem_shared>>)
            tpu.yield
          }) : () -> ()
          %scan3A_101 = arith.constant 0 : i32
          scf.yield %scan3A_101 : i32
        }
        %scan3A_97 = arith.constant 16 : i32
        %scan3A_98 = arith.constant 0 : i32
        scf.yield %scan3A_98 : i32
      }
      %scan3A_82 = arith.constant 5 : i32
    } else {
    }
    %barrier3A_35 = arith.constant 0 : index
    tpu.barrier barrier_id(%barrier3A_35)
    %add3A_36 = arith.constant 0 : i32
    %add3A_37 = arith.addi %mul3A_8, %add3A_36 : i32
    "tpu.region"() ({
      %run_scoped3A = tpu.sem_alloc : memref<!tpu.dma_semaphore, #tpu.memory_space<semaphore_mem>>
      %dma_start3A = arith.constant 0 : i32
      %dma_start3A_76 = tpu.memref_slice %arg10[%add3A_37, %dma_start3A] : memref<10240x16xf32, #tpu.memory_space<vmem_shared>> -> memref<128x16xf32, #tpu.memory_space<vmem_shared>>
      %dma_start3A_77 = arith.constant 0 : i32
      %dma_start3A_78 = tpu.memref_slice %arg10[%add3A_37, %dma_start3A_77] : memref<10240x16xf32, #tpu.memory_space<vmem_shared>> -> memref<128x16xf32, #tpu.memory_space<vmem_shared>>
      tpu.enqueue_dma source(%dma_start3A_78 : memref<128x16xf32, #tpu.memory_space<vmem_shared>>) target(%arg8 : memref<128x16xf32, #tpu.memory_space<vmem>>) target_semaphore(%run_scoped3A : memref<!tpu.dma_semaphore, #tpu.memory_space<semaphore_mem>>)
      %dma_wait3A = arith.constant 0 : i32
      %dma_wait3A_79 = tpu.memref_slice %arg10[%add3A_37, %dma_wait3A] : memref<10240x16xf32, #tpu.memory_space<vmem_shared>> -> memref<128x16xf32, #tpu.memory_space<vmem_shared>>
      %dma_wait3A_80 = arith.constant 0 : i32
      %dma_wait3A_81 = tpu.memref_slice %arg10[%add3A_37, %dma_wait3A_80] : memref<10240x16xf32, #tpu.memory_space<vmem_shared>> -> memref<128x16xf32, #tpu.memory_space<vmem_shared>>
      tpu.wait_dma2 semaphore(%run_scoped3A : memref<!tpu.dma_semaphore, #tpu.memory_space<semaphore_mem>>) src(%dma_wait3A_81 : memref<128x16xf32, #tpu.memory_space<vmem_shared>>) dst(%arg8 : memref<128x16xf32, #tpu.memory_space<vmem>>)
      tpu.yield
    }) : () -> ()
    %add3A_38 = arith.constant 0 : i32
    %add3A_39 = arith.addi %mul3A_8, %add3A_38 : i32
    "tpu.region"() ({
      %run_scoped3A = tpu.sem_alloc : memref<!tpu.dma_semaphore, #tpu.memory_space<semaphore_mem>>
      %dma_start3A = arith.constant 0 : i32
      %dma_start3A_76 = tpu.memref_slice %arg4[%arg0, %add3A_39, %dma_start3A] : memref<2x10240x16xf32, #tpu.memory_space<hbm>> -> memref<1x128x16xf32, #tpu.memory_space<hbm>>
      %dma_start3A_77 = tpu.memref_squeeze %dma_start3A_76 : memref<1x128x16xf32, #tpu.memory_space<hbm>> -> memref<128x16xf32, #tpu.memory_space<hbm>>
      %dma_start3A_78 = arith.constant 0 : i32
      %dma_start3A_79 = tpu.memref_slice %arg4[%arg0, %add3A_39, %dma_start3A_78] : memref<2x10240x16xf32, #tpu.memory_space<hbm>> -> memref<1x128x16xf32, #tpu.memory_space<hbm>>
      %dma_start3A_80 = tpu.memref_squeeze %dma_start3A_79 : memref<1x128x16xf32, #tpu.memory_space<hbm>> -> memref<128x16xf32, #tpu.memory_space<hbm>>
      tpu.enqueue_dma source(%arg8 : memref<128x16xf32, #tpu.memory_space<vmem>>) target(%dma_start3A_80 : memref<128x16xf32, #tpu.memory_space<hbm>>) target_semaphore(%run_scoped3A : memref<!tpu.dma_semaphore, #tpu.memory_space<semaphore_mem>>)
      %dma_wait3A = arith.constant 0 : i32
      %dma_wait3A_81 = tpu.memref_slice %arg4[%arg0, %add3A_39, %dma_wait3A] : memref<2x10240x16xf32, #tpu.memory_space<hbm>> -> memref<1x128x16xf32, #tpu.memory_space<hbm>>
      %dma_wait3A_82 = tpu.memref_squeeze %dma_wait3A_81 : memref<1x128x16xf32, #tpu.memory_space<hbm>> -> memref<128x16xf32, #tpu.memory_space<hbm>>
      %dma_wait3A_83 = arith.constant 0 : i32
      %dma_wait3A_84 = tpu.memref_slice %arg4[%arg0, %add3A_39, %dma_wait3A_83] : memref<2x10240x16xf32, #tpu.memory_space<hbm>> -> memref<1x128x16xf32, #tpu.memory_space<hbm>>
      %dma_wait3A_85 = tpu.memref_squeeze %dma_wait3A_84 : memref<1x128x16xf32, #tpu.memory_space<hbm>> -> memref<128x16xf32, #tpu.memory_space<hbm>>
      tpu.wait_dma2 semaphore(%run_scoped3A : memref<!tpu.dma_semaphore, #tpu.memory_space<semaphore_mem>>) src(%arg8 : memref<128x16xf32, #tpu.memory_space<vmem>>) dst(%dma_wait3A_85 : memref<128x16xf32, #tpu.memory_space<hbm>>)
      tpu.yield
    }) : () -> ()
    %add3A_40 = arith.constant 0 : i32
    %add3A_41 = arith.addi %mul3A_8, %add3A_40 : i32
    "tpu.region"() ({
      %run_scoped3A = tpu.sem_alloc : memref<!tpu.dma_semaphore, #tpu.memory_space<semaphore_mem>>
      %dma_start3A = arith.constant 0 : i32
      %dma_start3A_76 = tpu.memref_slice %arg11[%add3A_41, %dma_start3A] : memref<10240x16xf32, #tpu.memory_space<vmem_shared>> -> memref<128x16xf32, #tpu.memory_space<vmem_shared>>
      %dma_start3A_77 = arith.constant 0 : i32
      %dma_start3A_78 = tpu.memref_slice %arg11[%add3A_41, %dma_start3A_77] : memref<10240x16xf32, #tpu.memory_space<vmem_shared>> -> memref<128x16xf32, #tpu.memory_space<vmem_shared>>
      tpu.enqueue_dma source(%dma_start3A_78 : memref<128x16xf32, #tpu.memory_space<vmem_shared>>) target(%arg9 : memref<128x16xf32, #tpu.memory_space<vmem>>) target_semaphore(%run_scoped3A : memref<!tpu.dma_semaphore, #tpu.memory_space<semaphore_mem>>)
      %dma_wait3A = arith.constant 0 : i32
      %dma_wait3A_79 = tpu.memref_slice %arg11[%add3A_41, %dma_wait3A] : memref<10240x16xf32, #tpu.memory_space<vmem_shared>> -> memref<128x16xf32, #tpu.memory_space<vmem_shared>>
      %dma_wait3A_80 = arith.constant 0 : i32
      %dma_wait3A_81 = tpu.memref_slice %arg11[%add3A_41, %dma_wait3A_80] : memref<10240x16xf32, #tpu.memory_space<vmem_shared>> -> memref<128x16xf32, #tpu.memory_space<vmem_shared>>
      tpu.wait_dma2 semaphore(%run_scoped3A : memref<!tpu.dma_semaphore, #tpu.memory_space<semaphore_mem>>) src(%dma_wait3A_81 : memref<128x16xf32, #tpu.memory_space<vmem_shared>>) dst(%arg9 : memref<128x16xf32, #tpu.memory_space<vmem>>)
      tpu.yield
    }) : () -> ()
    %add3A_42 = arith.constant 0 : i32
    %add3A_43 = arith.addi %mul3A_8, %add3A_42 : i32
    "tpu.region"() ({
      %run_scoped3A = tpu.sem_alloc : memref<!tpu.dma_semaphore, #tpu.memory_space<semaphore_mem>>
      %dma_start3A = arith.constant 0 : i32
      %dma_start3A_76 = tpu.memref_slice %arg5[%arg0, %add3A_43, %dma_start3A] : memref<2x10240x16xf32, #tpu.memory_space<hbm>> -> memref<1x128x16xf32, #tpu.memory_space<hbm>>
      %dma_start3A_77 = tpu.memref_squeeze %dma_start3A_76 : memref<1x128x16xf32, #tpu.memory_space<hbm>> -> memref<128x16xf32, #tpu.memory_space<hbm>>
      %dma_start3A_78 = arith.constant 0 : i32
      %dma_start3A_79 = tpu.memref_slice %arg5[%arg0, %add3A_43, %dma_start3A_78] : memref<2x10240x16xf32, #tpu.memory_space<hbm>> -> memref<1x128x16xf32, #tpu.memory_space<hbm>>
      %dma_start3A_80 = tpu.memref_squeeze %dma_start3A_79 : memref<1x128x16xf32, #tpu.memory_space<hbm>> -> memref<128x16xf32, #tpu.memory_space<hbm>>
      tpu.enqueue_dma source(%arg9 : memref<128x16xf32, #tpu.memory_space<vmem>>) target(%dma_start3A_80 : memref<128x16xf32, #tpu.memory_space<hbm>>) target_semaphore(%run_scoped3A : memref<!tpu.dma_semaphore, #tpu.memory_space<semaphore_mem>>)
      %dma_wait3A = arith.constant 0 : i32
      %dma_wait3A_81 = tpu.memref_slice %arg5[%arg0, %add3A_43, %dma_wait3A] : memref<2x10240x16xf32, #tpu.memory_space<hbm>> -> memref<1x128x16xf32, #tpu.memory_space<hbm>>
      %dma_wait3A_82 = tpu.memref_squeeze %dma_wait3A_81 : memref<1x128x16xf32, #tpu.memory_space<hbm>> -> memref<128x16xf32, #tpu.memory_space<hbm>>
      %dma_wait3A_83 = arith.constant 0 : i32
      %dma_wait3A_84 = tpu.memref_slice %arg5[%arg0, %add3A_43, %dma_wait3A_83] : memref<2x10240x16xf32, #tpu.memory_space<hbm>> -> memref<1x128x16xf32, #tpu.memory_space<hbm>>
      %dma_wait3A_85 = tpu.memref_squeeze %dma_wait3A_84 : memref<1x128x16xf32, #tpu.memory_space<hbm>> -> memref<128x16xf32, #tpu.memory_space<hbm>>
      tpu.wait_dma2 semaphore(%run_scoped3A : memref<!tpu.dma_semaphore, #tpu.memory_space<semaphore_mem>>) src(%arg9 : memref<128x16xf32, #tpu.memory_space<vmem>>) dst(%dma_wait3A_85 : memref<128x16xf32, #tpu.memory_space<hbm>>)
      tpu.yield
    }) : () -> ()
    %add3A_44 = arith.constant 128 : i32
    %add3A_45 = arith.addi %mul3A_8, %add3A_44 : i32
    "tpu.region"() ({
      %run_scoped3A = tpu.sem_alloc : memref<!tpu.dma_semaphore, #tpu.memory_space<semaphore_mem>>
      %dma_start3A = arith.constant 0 : i32
      %dma_start3A_76 = tpu.memref_slice %arg10[%add3A_45, %dma_start3A] : memref<10240x16xf32, #tpu.memory_space<vmem_shared>> -> memref<128x16xf32, #tpu.memory_space<vmem_shared>>
      %dma_start3A_77 = arith.constant 0 : i32
      %dma_start3A_78 = tpu.memref_slice %arg10[%add3A_45, %dma_start3A_77] : memref<10240x16xf32, #tpu.memory_space<vmem_shared>> -> memref<128x16xf32, #tpu.memory_space<vmem_shared>>
      tpu.enqueue_dma source(%dma_start3A_78 : memref<128x16xf32, #tpu.memory_space<vmem_shared>>) target(%arg8 : memref<128x16xf32, #tpu.memory_space<vmem>>) target_semaphore(%run_scoped3A : memref<!tpu.dma_semaphore, #tpu.memory_space<semaphore_mem>>)
      %dma_wait3A = arith.constant 0 : i32
      %dma_wait3A_79 = tpu.memref_slice %arg10[%add3A_45, %dma_wait3A] : memref<10240x16xf32, #tpu.memory_space<vmem_shared>> -> memref<128x16xf32, #tpu.memory_space<vmem_shared>>
      %dma_wait3A_80 = arith.constant 0 : i32
      %dma_wait3A_81 = tpu.memref_slice %arg10[%add3A_45, %dma_wait3A_80] : memref<10240x16xf32, #tpu.memory_space<vmem_shared>> -> memref<128x16xf32, #tpu.memory_space<vmem_shared>>
      tpu.wait_dma2 semaphore(%run_scoped3A : memref<!tpu.dma_semaphore, #tpu.memory_space<semaphore_mem>>) src(%dma_wait3A_81 : memref<128x16xf32, #tpu.memory_space<vmem_shared>>) dst(%arg8 : memref<128x16xf32, #tpu.memory_space<vmem>>)
      tpu.yield
    }) : () -> ()
    %add3A_46 = arith.constant 128 : i32
    %add3A_47 = arith.addi %mul3A_8, %add3A_46 : i32
    "tpu.region"() ({
      %run_scoped3A = tpu.sem_alloc : memref<!tpu.dma_semaphore, #tpu.memory_space<semaphore_mem>>
      %dma_start3A = arith.constant 0 : i32
      %dma_start3A_76 = tpu.memref_slice %arg4[%arg0, %add3A_47, %dma_start3A] : memref<2x10240x16xf32, #tpu.memory_space<hbm>> -> memref<1x128x16xf32, #tpu.memory_space<hbm>>
      %dma_start3A_77 = tpu.memref_squeeze %dma_start3A_76 : memref<1x128x16xf32, #tpu.memory_space<hbm>> -> memref<128x16xf32, #tpu.memory_space<hbm>>
      %dma_start3A_78 = arith.constant 0 : i32
      %dma_start3A_79 = tpu.memref_slice %arg4[%arg0, %add3A_47, %dma_start3A_78] : memref<2x10240x16xf32, #tpu.memory_space<hbm>> -> memref<1x128x16xf32, #tpu.memory_space<hbm>>
      %dma_start3A_80 = tpu.memref_squeeze %dma_start3A_79 : memref<1x128x16xf32, #tpu.memory_space<hbm>> -> memref<128x16xf32, #tpu.memory_space<hbm>>
      tpu.enqueue_dma source(%arg8 : memref<128x16xf32, #tpu.memory_space<vmem>>) target(%dma_start3A_80 : memref<128x16xf32, #tpu.memory_space<hbm>>) target_semaphore(%run_scoped3A : memref<!tpu.dma_semaphore, #tpu.memory_space<semaphore_mem>>)
      %dma_wait3A = arith.constant 0 : i32
      %dma_wait3A_81 = tpu.memref_slice %arg4[%arg0, %add3A_47, %dma_wait3A] : memref<2x10240x16xf32, #tpu.memory_space<hbm>> -> memref<1x128x16xf32, #tpu.memory_space<hbm>>
      %dma_wait3A_82 = tpu.memref_squeeze %dma_wait3A_81 : memref<1x128x16xf32, #tpu.memory_space<hbm>> -> memref<128x16xf32, #tpu.memory_space<hbm>>
      %dma_wait3A_83 = arith.constant 0 : i32
      %dma_wait3A_84 = tpu.memref_slice %arg4[%arg0, %add3A_47, %dma_wait3A_83] : memref<2x10240x16xf32, #tpu.memory_space<hbm>> -> memref<1x128x16xf32, #tpu.memory_space<hbm>>
      %dma_wait3A_85 = tpu.memref_squeeze %dma_wait3A_84 : memref<1x128x16xf32, #tpu.memory_space<hbm>> -> memref<128x16xf32, #tpu.memory_space<hbm>>
      tpu.wait_dma2 semaphore(%run_scoped3A : memref<!tpu.dma_semaphore, #tpu.memory_space<semaphore_mem>>) src(%arg8 : memref<128x16xf32, #tpu.memory_space<vmem>>) dst(%dma_wait3A_85 : memref<128x16xf32, #tpu.memory_space<hbm>>)
      tpu.yield
    }) : () -> ()
    %add3A_48 = arith.constant 128 : i32
    %add3A_49 = arith.addi %mul3A_8, %add3A_48 : i32
    "tpu.region"() ({
      %run_scoped3A = tpu.sem_alloc : memref<!tpu.dma_semaphore, #tpu.memory_space<semaphore_mem>>
      %dma_start3A = arith.constant 0 : i32
      %dma_start3A_76 = tpu.memref_slice %arg11[%add3A_49, %dma_start3A] : memref<10240x16xf32, #tpu.memory_space<vmem_shared>> -> memref<128x16xf32, #tpu.memory_space<vmem_shared>>
      %dma_start3A_77 = arith.constant 0 : i32
      %dma_start3A_78 = tpu.memref_slice %arg11[%add3A_49, %dma_start3A_77] : memref<10240x16xf32, #tpu.memory_space<vmem_shared>> -> memref<128x16xf32, #tpu.memory_space<vmem_shared>>
      tpu.enqueue_dma source(%dma_start3A_78 : memref<128x16xf32, #tpu.memory_space<vmem_shared>>) target(%arg9 : memref<128x16xf32, #tpu.memory_space<vmem>>) target_semaphore(%run_scoped3A : memref<!tpu.dma_semaphore, #tpu.memory_space<semaphore_mem>>)
      %dma_wait3A = arith.constant 0 : i32
      %dma_wait3A_79 = tpu.memref_slice %arg11[%add3A_49, %dma_wait3A] : memref<10240x16xf32, #tpu.memory_space<vmem_shared>> -> memref<128x16xf32, #tpu.memory_space<vmem_shared>>
      %dma_wait3A_80 = arith.constant 0 : i32
      %dma_wait3A_81 = tpu.memref_slice %arg11[%add3A_49, %dma_wait3A_80] : memref<10240x16xf32, #tpu.memory_space<vmem_shared>> -> memref<128x16xf32, #tpu.memory_space<vmem_shared>>
      tpu.wait_dma2 semaphore(%run_scoped3A : memref<!tpu.dma_semaphore, #tpu.memory_space<semaphore_mem>>) src(%dma_wait3A_81 : memref<128x16xf32, #tpu.memory_space<vmem_shared>>) dst(%arg9 : memref<128x16xf32, #tpu.memory_space<vmem>>)
      tpu.yield
    }) : () -> ()
    %add3A_50 = arith.constant 128 : i32
    %add3A_51 = arith.addi %mul3A_8, %add3A_50 : i32
    "tpu.region"() ({
      %run_scoped3A = tpu.sem_alloc : memref<!tpu.dma_semaphore, #tpu.memory_space<semaphore_mem>>
      %dma_start3A = arith.constant 0 : i32
      %dma_start3A_76 = tpu.memref_slice %arg5[%arg0, %add3A_51, %dma_start3A] : memref<2x10240x16xf32, #tpu.memory_space<hbm>> -> memref<1x128x16xf32, #tpu.memory_space<hbm>>
      %dma_start3A_77 = tpu.memref_squeeze %dma_start3A_76 : memref<1x128x16xf32, #tpu.memory_space<hbm>> -> memref<128x16xf32, #tpu.memory_space<hbm>>
      %dma_start3A_78 = arith.constant 0 : i32
      %dma_start3A_79 = tpu.memref_slice %arg5[%arg0, %add3A_51, %dma_start3A_78] : memref<2x10240x16xf32, #tpu.memory_space<hbm>> -> memref<1x128x16xf32, #tpu.memory_space<hbm>>
      %dma_start3A_80 = tpu.memref_squeeze %dma_start3A_79 : memref<1x128x16xf32, #tpu.memory_space<hbm>> -> memref<128x16xf32, #tpu.memory_space<hbm>>
      tpu.enqueue_dma source(%arg9 : memref<128x16xf32, #tpu.memory_space<vmem>>) target(%dma_start3A_80 : memref<128x16xf32, #tpu.memory_space<hbm>>) target_semaphore(%run_scoped3A : memref<!tpu.dma_semaphore, #tpu.memory_space<semaphore_mem>>)
      %dma_wait3A = arith.constant 0 : i32
      %dma_wait3A_81 = tpu.memref_slice %arg5[%arg0, %add3A_51, %dma_wait3A] : memref<2x10240x16xf32, #tpu.memory_space<hbm>> -> memref<1x128x16xf32, #tpu.memory_space<hbm>>
      %dma_wait3A_82 = tpu.memref_squeeze %dma_wait3A_81 : memref<1x128x16xf32, #tpu.memory_space<hbm>> -> memref<128x16xf32, #tpu.memory_space<hbm>>
      %dma_wait3A_83 = arith.constant 0 : i32
      %dma_wait3A_84 = tpu.memref_slice %arg5[%arg0, %add3A_51, %dma_wait3A_83] : memref<2x10240x16xf32, #tpu.memory_space<hbm>> -> memref<1x128x16xf32, #tpu.memory_space<hbm>>
      %dma_wait3A_85 = tpu.memref_squeeze %dma_wait3A_84 : memref<1x128x16xf32, #tpu.memory_space<hbm>> -> memref<128x16xf32, #tpu.memory_space<hbm>>
      tpu.wait_dma2 semaphore(%run_scoped3A : memref<!tpu.dma_semaphore, #tpu.memory_space<semaphore_mem>>) src(%arg9 : memref<128x16xf32, #tpu.memory_space<vmem>>) dst(%dma_wait3A_85 : memref<128x16xf32, #tpu.memory_space<hbm>>)
      tpu.yield
    }) : () -> ()
    %add3A_52 = arith.constant 256 : i32
    %add3A_53 = arith.addi %mul3A_8, %add3A_52 : i32
    "tpu.region"() ({
      %run_scoped3A = tpu.sem_alloc : memref<!tpu.dma_semaphore, #tpu.memory_space<semaphore_mem>>
      %dma_start3A = arith.constant 0 : i32
      %dma_start3A_76 = tpu.memref_slice %arg10[%add3A_53, %dma_start3A] : memref<10240x16xf32, #tpu.memory_space<vmem_shared>> -> memref<128x16xf32, #tpu.memory_space<vmem_shared>>
      %dma_start3A_77 = arith.constant 0 : i32
      %dma_start3A_78 = tpu.memref_slice %arg10[%add3A_53, %dma_start3A_77] : memref<10240x16xf32, #tpu.memory_space<vmem_shared>> -> memref<128x16xf32, #tpu.memory_space<vmem_shared>>
      tpu.enqueue_dma source(%dma_start3A_78 : memref<128x16xf32, #tpu.memory_space<vmem_shared>>) target(%arg8 : memref<128x16xf32, #tpu.memory_space<vmem>>) target_semaphore(%run_scoped3A : memref<!tpu.dma_semaphore, #tpu.memory_space<semaphore_mem>>)
      %dma_wait3A = arith.constant 0 : i32
      %dma_wait3A_79 = tpu.memref_slice %arg10[%add3A_53, %dma_wait3A] : memref<10240x16xf32, #tpu.memory_space<vmem_shared>> -> memref<128x16xf32, #tpu.memory_space<vmem_shared>>
      %dma_wait3A_80 = arith.constant 0 : i32
      %dma_wait3A_81 = tpu.memref_slice %arg10[%add3A_53, %dma_wait3A_80] : memref<10240x16xf32, #tpu.memory_space<vmem_shared>> -> memref<128x16xf32, #tpu.memory_space<vmem_shared>>
      tpu.wait_dma2 semaphore(%run_scoped3A : memref<!tpu.dma_semaphore, #tpu.memory_space<semaphore_mem>>) src(%dma_wait3A_81 : memref<128x16xf32, #tpu.memory_space<vmem_shared>>) dst(%arg8 : memref<128x16xf32, #tpu.memory_space<vmem>>)
      tpu.yield
    }) : () -> ()
    %add3A_54 = arith.constant 256 : i32
    %add3A_55 = arith.addi %mul3A_8, %add3A_54 : i32
    "tpu.region"() ({
      %run_scoped3A = tpu.sem_alloc : memref<!tpu.dma_semaphore, #tpu.memory_space<semaphore_mem>>
      %dma_start3A = arith.constant 0 : i32
      %dma_start3A_76 = tpu.memref_slice %arg4[%arg0, %add3A_55, %dma_start3A] : memref<2x10240x16xf32, #tpu.memory_space<hbm>> -> memref<1x128x16xf32, #tpu.memory_space<hbm>>
      %dma_start3A_77 = tpu.memref_squeeze %dma_start3A_76 : memref<1x128x16xf32, #tpu.memory_space<hbm>> -> memref<128x16xf32, #tpu.memory_space<hbm>>
      %dma_start3A_78 = arith.constant 0 : i32
      %dma_start3A_79 = tpu.memref_slice %arg4[%arg0, %add3A_55, %dma_start3A_78] : memref<2x10240x16xf32, #tpu.memory_space<hbm>> -> memref<1x128x16xf32, #tpu.memory_space<hbm>>
      %dma_start3A_80 = tpu.memref_squeeze %dma_start3A_79 : memref<1x128x16xf32, #tpu.memory_space<hbm>> -> memref<128x16xf32, #tpu.memory_space<hbm>>
      tpu.enqueue_dma source(%arg8 : memref<128x16xf32, #tpu.memory_space<vmem>>) target(%dma_start3A_80 : memref<128x16xf32, #tpu.memory_space<hbm>>) target_semaphore(%run_scoped3A : memref<!tpu.dma_semaphore, #tpu.memory_space<semaphore_mem>>)
      %dma_wait3A = arith.constant 0 : i32
      %dma_wait3A_81 = tpu.memref_slice %arg4[%arg0, %add3A_55, %dma_wait3A] : memref<2x10240x16xf32, #tpu.memory_space<hbm>> -> memref<1x128x16xf32, #tpu.memory_space<hbm>>
      %dma_wait3A_82 = tpu.memref_squeeze %dma_wait3A_81 : memref<1x128x16xf32, #tpu.memory_space<hbm>> -> memref<128x16xf32, #tpu.memory_space<hbm>>
      %dma_wait3A_83 = arith.constant 0 : i32
      %dma_wait3A_84 = tpu.memref_slice %arg4[%arg0, %add3A_55, %dma_wait3A_83] : memref<2x10240x16xf32, #tpu.memory_space<hbm>> -> memref<1x128x16xf32, #tpu.memory_space<hbm>>
      %dma_wait3A_85 = tpu.memref_squeeze %dma_wait3A_84 : memref<1x128x16xf32, #tpu.memory_space<hbm>> -> memref<128x16xf32, #tpu.memory_space<hbm>>
      tpu.wait_dma2 semaphore(%run_scoped3A : memref<!tpu.dma_semaphore, #tpu.memory_space<semaphore_mem>>) src(%arg8 : memref<128x16xf32, #tpu.memory_space<vmem>>) dst(%dma_wait3A_85 : memref<128x16xf32, #tpu.memory_space<hbm>>)
      tpu.yield
    }) : () -> ()
    %add3A_56 = arith.constant 256 : i32
    %add3A_57 = arith.addi %mul3A_8, %add3A_56 : i32
    "tpu.region"() ({
      %run_scoped3A = tpu.sem_alloc : memref<!tpu.dma_semaphore, #tpu.memory_space<semaphore_mem>>
      %dma_start3A = arith.constant 0 : i32
      %dma_start3A_76 = tpu.memref_slice %arg11[%add3A_57, %dma_start3A] : memref<10240x16xf32, #tpu.memory_space<vmem_shared>> -> memref<128x16xf32, #tpu.memory_space<vmem_shared>>
      %dma_start3A_77 = arith.constant 0 : i32
      %dma_start3A_78 = tpu.memref_slice %arg11[%add3A_57, %dma_start3A_77] : memref<10240x16xf32, #tpu.memory_space<vmem_shared>> -> memref<128x16xf32, #tpu.memory_space<vmem_shared>>
      tpu.enqueue_dma source(%dma_start3A_78 : memref<128x16xf32, #tpu.memory_space<vmem_shared>>) target(%arg9 : memref<128x16xf32, #tpu.memory_space<vmem>>) target_semaphore(%run_scoped3A : memref<!tpu.dma_semaphore, #tpu.memory_space<semaphore_mem>>)
      %dma_wait3A = arith.constant 0 : i32
      %dma_wait3A_79 = tpu.memref_slice %arg11[%add3A_57, %dma_wait3A] : memref<10240x16xf32, #tpu.memory_space<vmem_shared>> -> memref<128x16xf32, #tpu.memory_space<vmem_shared>>
      %dma_wait3A_80 = arith.constant 0 : i32
      %dma_wait3A_81 = tpu.memref_slice %arg11[%add3A_57, %dma_wait3A_80] : memref<10240x16xf32, #tpu.memory_space<vmem_shared>> -> memref<128x16xf32, #tpu.memory_space<vmem_shared>>
      tpu.wait_dma2 semaphore(%run_scoped3A : memref<!tpu.dma_semaphore, #tpu.memory_space<semaphore_mem>>) src(%dma_wait3A_81 : memref<128x16xf32, #tpu.memory_space<vmem_shared>>) dst(%arg9 : memref<128x16xf32, #tpu.memory_space<vmem>>)
      tpu.yield
    }) : () -> ()
    %add3A_58 = arith.constant 256 : i32
    %add3A_59 = arith.addi %mul3A_8, %add3A_58 : i32
    "tpu.region"() ({
      %run_scoped3A = tpu.sem_alloc : memref<!tpu.dma_semaphore, #tpu.memory_space<semaphore_mem>>
      %dma_start3A = arith.constant 0 : i32
      %dma_start3A_76 = tpu.memref_slice %arg5[%arg0, %add3A_59, %dma_start3A] : memref<2x10240x16xf32, #tpu.memory_space<hbm>> -> memref<1x128x16xf32, #tpu.memory_space<hbm>>
      %dma_start3A_77 = tpu.memref_squeeze %dma_start3A_76 : memref<1x128x16xf32, #tpu.memory_space<hbm>> -> memref<128x16xf32, #tpu.memory_space<hbm>>
      %dma_start3A_78 = arith.constant 0 : i32
      %dma_start3A_79 = tpu.memref_slice %arg5[%arg0, %add3A_59, %dma_start3A_78] : memref<2x10240x16xf32, #tpu.memory_space<hbm>> -> memref<1x128x16xf32, #tpu.memory_space<hbm>>
      %dma_start3A_80 = tpu.memref_squeeze %dma_start3A_79 : memref<1x128x16xf32, #tpu.memory_space<hbm>> -> memref<128x16xf32, #tpu.memory_space<hbm>>
      tpu.enqueue_dma source(%arg9 : memref<128x16xf32, #tpu.memory_space<vmem>>) target(%dma_start3A_80 : memref<128x16xf32, #tpu.memory_space<hbm>>) target_semaphore(%run_scoped3A : memref<!tpu.dma_semaphore, #tpu.memory_space<semaphore_mem>>)
      %dma_wait3A = arith.constant 0 : i32
      %dma_wait3A_81 = tpu.memref_slice %arg5[%arg0, %add3A_59, %dma_wait3A] : memref<2x10240x16xf32, #tpu.memory_space<hbm>> -> memref<1x128x16xf32, #tpu.memory_space<hbm>>
      %dma_wait3A_82 = tpu.memref_squeeze %dma_wait3A_81 : memref<1x128x16xf32, #tpu.memory_space<hbm>> -> memref<128x16xf32, #tpu.memory_space<hbm>>
      %dma_wait3A_83 = arith.constant 0 : i32
      %dma_wait3A_84 = tpu.memref_slice %arg5[%arg0, %add3A_59, %dma_wait3A_83] : memref<2x10240x16xf32, #tpu.memory_space<hbm>> -> memref<1x128x16xf32, #tpu.memory_space<hbm>>
      %dma_wait3A_85 = tpu.memref_squeeze %dma_wait3A_84 : memref<1x128x16xf32, #tpu.memory_space<hbm>> -> memref<128x16xf32, #tpu.memory_space<hbm>>
      tpu.wait_dma2 semaphore(%run_scoped3A : memref<!tpu.dma_semaphore, #tpu.memory_space<semaphore_mem>>) src(%arg9 : memref<128x16xf32, #tpu.memory_space<vmem>>) dst(%dma_wait3A_85 : memref<128x16xf32, #tpu.memory_space<hbm>>)
      tpu.yield
    }) : () -> ()
    %add3A_60 = arith.constant 384 : i32
    %add3A_61 = arith.addi %mul3A_8, %add3A_60 : i32
    "tpu.region"() ({
      %run_scoped3A = tpu.sem_alloc : memref<!tpu.dma_semaphore, #tpu.memory_space<semaphore_mem>>
      %dma_start3A = arith.constant 0 : i32
      %dma_start3A_76 = tpu.memref_slice %arg10[%add3A_61, %dma_start3A] : memref<10240x16xf32, #tpu.memory_space<vmem_shared>> -> memref<128x16xf32, #tpu.memory_space<vmem_shared>>
      %dma_start3A_77 = arith.constant 0 : i32
      %dma_start3A_78 = tpu.memref_slice %arg10[%add3A_61, %dma_start3A_77] : memref<10240x16xf32, #tpu.memory_space<vmem_shared>> -> memref<128x16xf32, #tpu.memory_space<vmem_shared>>
      tpu.enqueue_dma source(%dma_start3A_78 : memref<128x16xf32, #tpu.memory_space<vmem_shared>>) target(%arg8 : memref<128x16xf32, #tpu.memory_space<vmem>>) target_semaphore(%run_scoped3A : memref<!tpu.dma_semaphore, #tpu.memory_space<semaphore_mem>>)
      %dma_wait3A = arith.constant 0 : i32
      %dma_wait3A_79 = tpu.memref_slice %arg10[%add3A_61, %dma_wait3A] : memref<10240x16xf32, #tpu.memory_space<vmem_shared>> -> memref<128x16xf32, #tpu.memory_space<vmem_shared>>
      %dma_wait3A_80 = arith.constant 0 : i32
      %dma_wait3A_81 = tpu.memref_slice %arg10[%add3A_61, %dma_wait3A_80] : memref<10240x16xf32, #tpu.memory_space<vmem_shared>> -> memref<128x16xf32, #tpu.memory_space<vmem_shared>>
      tpu.wait_dma2 semaphore(%run_scoped3A : memref<!tpu.dma_semaphore, #tpu.memory_space<semaphore_mem>>) src(%dma_wait3A_81 : memref<128x16xf32, #tpu.memory_space<vmem_shared>>) dst(%arg8 : memref<128x16xf32, #tpu.memory_space<vmem>>)
      tpu.yield
    }) : () -> ()
    %add3A_62 = arith.constant 384 : i32
    %add3A_63 = arith.addi %mul3A_8, %add3A_62 : i32
    "tpu.region"() ({
      %run_scoped3A = tpu.sem_alloc : memref<!tpu.dma_semaphore, #tpu.memory_space<semaphore_mem>>
      %dma_start3A = arith.constant 0 : i32
      %dma_start3A_76 = tpu.memref_slice %arg4[%arg0, %add3A_63, %dma_start3A] : memref<2x10240x16xf32, #tpu.memory_space<hbm>> -> memref<1x128x16xf32, #tpu.memory_space<hbm>>
      %dma_start3A_77 = tpu.memref_squeeze %dma_start3A_76 : memref<1x128x16xf32, #tpu.memory_space<hbm>> -> memref<128x16xf32, #tpu.memory_space<hbm>>
      %dma_start3A_78 = arith.constant 0 : i32
      %dma_start3A_79 = tpu.memref_slice %arg4[%arg0, %add3A_63, %dma_start3A_78] : memref<2x10240x16xf32, #tpu.memory_space<hbm>> -> memref<1x128x16xf32, #tpu.memory_space<hbm>>
      %dma_start3A_80 = tpu.memref_squeeze %dma_start3A_79 : memref<1x128x16xf32, #tpu.memory_space<hbm>> -> memref<128x16xf32, #tpu.memory_space<hbm>>
      tpu.enqueue_dma source(%arg8 : memref<128x16xf32, #tpu.memory_space<vmem>>) target(%dma_start3A_80 : memref<128x16xf32, #tpu.memory_space<hbm>>) target_semaphore(%run_scoped3A : memref<!tpu.dma_semaphore, #tpu.memory_space<semaphore_mem>>)
      %dma_wait3A = arith.constant 0 : i32
      %dma_wait3A_81 = tpu.memref_slice %arg4[%arg0, %add3A_63, %dma_wait3A] : memref<2x10240x16xf32, #tpu.memory_space<hbm>> -> memref<1x128x16xf32, #tpu.memory_space<hbm>>
      %dma_wait3A_82 = tpu.memref_squeeze %dma_wait3A_81 : memref<1x128x16xf32, #tpu.memory_space<hbm>> -> memref<128x16xf32, #tpu.memory_space<hbm>>
      %dma_wait3A_83 = arith.constant 0 : i32
      %dma_wait3A_84 = tpu.memref_slice %arg4[%arg0, %add3A_63, %dma_wait3A_83] : memref<2x10240x16xf32, #tpu.memory_space<hbm>> -> memref<1x128x16xf32, #tpu.memory_space<hbm>>
      %dma_wait3A_85 = tpu.memref_squeeze %dma_wait3A_84 : memref<1x128x16xf32, #tpu.memory_space<hbm>> -> memref<128x16xf32, #tpu.memory_space<hbm>>
      tpu.wait_dma2 semaphore(%run_scoped3A : memref<!tpu.dma_semaphore, #tpu.memory_space<semaphore_mem>>) src(%arg8 : memref<128x16xf32, #tpu.memory_space<vmem>>) dst(%dma_wait3A_85 : memref<128x16xf32, #tpu.memory_space<hbm>>)
      tpu.yield
    }) : () -> ()
    %add3A_64 = arith.constant 384 : i32
    %add3A_65 = arith.addi %mul3A_8, %add3A_64 : i32
    "tpu.region"() ({
      %run_scoped3A = tpu.sem_alloc : memref<!tpu.dma_semaphore, #tpu.memory_space<semaphore_mem>>
      %dma_start3A = arith.constant 0 : i32
      %dma_start3A_76 = tpu.memref_slice %arg11[%add3A_65, %dma_start3A] : memref<10240x16xf32, #tpu.memory_space<vmem_shared>> -> memref<128x16xf32, #tpu.memory_space<vmem_shared>>
      %dma_start3A_77 = arith.constant 0 : i32
      %dma_start3A_78 = tpu.memref_slice %arg11[%add3A_65, %dma_start3A_77] : memref<10240x16xf32, #tpu.memory_space<vmem_shared>> -> memref<128x16xf32, #tpu.memory_space<vmem_shared>>
      tpu.enqueue_dma source(%dma_start3A_78 : memref<128x16xf32, #tpu.memory_space<vmem_shared>>) target(%arg9 : memref<128x16xf32, #tpu.memory_space<vmem>>) target_semaphore(%run_scoped3A : memref<!tpu.dma_semaphore, #tpu.memory_space<semaphore_mem>>)
      %dma_wait3A = arith.constant 0 : i32
      %dma_wait3A_79 = tpu.memref_slice %arg11[%add3A_65, %dma_wait3A] : memref<10240x16xf32, #tpu.memory_space<vmem_shared>> -> memref<128x16xf32, #tpu.memory_space<vmem_shared>>
      %dma_wait3A_80 = arith.constant 0 : i32
      %dma_wait3A_81 = tpu.memref_slice %arg11[%add3A_65, %dma_wait3A_80] : memref<10240x16xf32, #tpu.memory_space<vmem_shared>> -> memref<128x16xf32, #tpu.memory_space<vmem_shared>>
      tpu.wait_dma2 semaphore(%run_scoped3A : memref<!tpu.dma_semaphore, #tpu.memory_space<semaphore_mem>>) src(%dma_wait3A_81 : memref<128x16xf32, #tpu.memory_space<vmem_shared>>) dst(%arg9 : memref<128x16xf32, #tpu.memory_space<vmem>>)
      tpu.yield
    }) : () -> ()
    %add3A_66 = arith.constant 384 : i32
    %add3A_67 = arith.addi %mul3A_8, %add3A_66 : i32
    "tpu.region"() ({
      %run_scoped3A = tpu.sem_alloc : memref<!tpu.dma_semaphore, #tpu.memory_space<semaphore_mem>>
      %dma_start3A = arith.constant 0 : i32
      %dma_start3A_76 = tpu.memref_slice %arg5[%arg0, %add3A_67, %dma_start3A] : memref<2x10240x16xf32, #tpu.memory_space<hbm>> -> memref<1x128x16xf32, #tpu.memory_space<hbm>>
      %dma_start3A_77 = tpu.memref_squeeze %dma_start3A_76 : memref<1x128x16xf32, #tpu.memory_space<hbm>> -> memref<128x16xf32, #tpu.memory_space<hbm>>
      %dma_start3A_78 = arith.constant 0 : i32
      %dma_start3A_79 = tpu.memref_slice %arg5[%arg0, %add3A_67, %dma_start3A_78] : memref<2x10240x16xf32, #tpu.memory_space<hbm>> -> memref<1x128x16xf32, #tpu.memory_space<hbm>>
      %dma_start3A_80 = tpu.memref_squeeze %dma_start3A_79 : memref<1x128x16xf32, #tpu.memory_space<hbm>> -> memref<128x16xf32, #tpu.memory_space<hbm>>
      tpu.enqueue_dma source(%arg9 : memref<128x16xf32, #tpu.memory_space<vmem>>) target(%dma_start3A_80 : memref<128x16xf32, #tpu.memory_space<hbm>>) target_semaphore(%run_scoped3A : memref<!tpu.dma_semaphore, #tpu.memory_space<semaphore_mem>>)
      %dma_wait3A = arith.constant 0 : i32
      %dma_wait3A_81 = tpu.memref_slice %arg5[%arg0, %add3A_67, %dma_wait3A] : memref<2x10240x16xf32, #tpu.memory_space<hbm>> -> memref<1x128x16xf32, #tpu.memory_space<hbm>>
      %dma_wait3A_82 = tpu.memref_squeeze %dma_wait3A_81 : memref<1x128x16xf32, #tpu.memory_space<hbm>> -> memref<128x16xf32, #tpu.memory_space<hbm>>
      %dma_wait3A_83 = arith.constant 0 : i32
      %dma_wait3A_84 = tpu.memref_slice %arg5[%arg0, %add3A_67, %dma_wait3A_83] : memref<2x10240x16xf32, #tpu.memory_space<hbm>> -> memref<1x128x16xf32, #tpu.memory_space<hbm>>
      %dma_wait3A_85 = tpu.memref_squeeze %dma_wait3A_84 : memref<1x128x16xf32, #tpu.memory_space<hbm>> -> memref<128x16xf32, #tpu.memory_space<hbm>>
      tpu.wait_dma2 semaphore(%run_scoped3A : memref<!tpu.dma_semaphore, #tpu.memory_space<semaphore_mem>>) src(%arg9 : memref<128x16xf32, #tpu.memory_space<vmem>>) dst(%dma_wait3A_85 : memref<128x16xf32, #tpu.memory_space<hbm>>)
      tpu.yield
    }) : () -> ()
    %add3A_68 = arith.constant 512 : i32
    %add3A_69 = arith.addi %mul3A_8, %add3A_68 : i32
    "tpu.region"() ({
      %run_scoped3A = tpu.sem_alloc : memref<!tpu.dma_semaphore, #tpu.memory_space<semaphore_mem>>
      %dma_start3A = arith.constant 0 : i32
      %dma_start3A_76 = tpu.memref_slice %arg10[%add3A_69, %dma_start3A] : memref<10240x16xf32, #tpu.memory_space<vmem_shared>> -> memref<128x16xf32, #tpu.memory_space<vmem_shared>>
      %dma_start3A_77 = arith.constant 0 : i32
      %dma_start3A_78 = tpu.memref_slice %arg10[%add3A_69, %dma_start3A_77] : memref<10240x16xf32, #tpu.memory_space<vmem_shared>> -> memref<128x16xf32, #tpu.memory_space<vmem_shared>>
      tpu.enqueue_dma source(%dma_start3A_78 : memref<128x16xf32, #tpu.memory_space<vmem_shared>>) target(%arg8 : memref<128x16xf32, #tpu.memory_space<vmem>>) target_semaphore(%run_scoped3A : memref<!tpu.dma_semaphore, #tpu.memory_space<semaphore_mem>>)
      %dma_wait3A = arith.constant 0 : i32
      %dma_wait3A_79 = tpu.memref_slice %arg10[%add3A_69, %dma_wait3A] : memref<10240x16xf32, #tpu.memory_space<vmem_shared>> -> memref<128x16xf32, #tpu.memory_space<vmem_shared>>
      %dma_wait3A_80 = arith.constant 0 : i32
      %dma_wait3A_81 = tpu.memref_slice %arg10[%add3A_69, %dma_wait3A_80] : memref<10240x16xf32, #tpu.memory_space<vmem_shared>> -> memref<128x16xf32, #tpu.memory_space<vmem_shared>>
      tpu.wait_dma2 semaphore(%run_scoped3A : memref<!tpu.dma_semaphore, #tpu.memory_space<semaphore_mem>>) src(%dma_wait3A_81 : memref<128x16xf32, #tpu.memory_space<vmem_shared>>) dst(%arg8 : memref<128x16xf32, #tpu.memory_space<vmem>>)
      tpu.yield
    }) : () -> ()
    %add3A_70 = arith.constant 512 : i32
    %add3A_71 = arith.addi %mul3A_8, %add3A_70 : i32
    "tpu.region"() ({
      %run_scoped3A = tpu.sem_alloc : memref<!tpu.dma_semaphore, #tpu.memory_space<semaphore_mem>>
      %dma_start3A = arith.constant 0 : i32
      %dma_start3A_76 = tpu.memref_slice %arg4[%arg0, %add3A_71, %dma_start3A] : memref<2x10240x16xf32, #tpu.memory_space<hbm>> -> memref<1x128x16xf32, #tpu.memory_space<hbm>>
      %dma_start3A_77 = tpu.memref_squeeze %dma_start3A_76 : memref<1x128x16xf32, #tpu.memory_space<hbm>> -> memref<128x16xf32, #tpu.memory_space<hbm>>
      %dma_start3A_78 = arith.constant 0 : i32
      %dma_start3A_79 = tpu.memref_slice %arg4[%arg0, %add3A_71, %dma_start3A_78] : memref<2x10240x16xf32, #tpu.memory_space<hbm>> -> memref<1x128x16xf32, #tpu.memory_space<hbm>>
      %dma_start3A_80 = tpu.memref_squeeze %dma_start3A_79 : memref<1x128x16xf32, #tpu.memory_space<hbm>> -> memref<128x16xf32, #tpu.memory_space<hbm>>
      tpu.enqueue_dma source(%arg8 : memref<128x16xf32, #tpu.memory_space<vmem>>) target(%dma_start3A_80 : memref<128x16xf32, #tpu.memory_space<hbm>>) target_semaphore(%run_scoped3A : memref<!tpu.dma_semaphore, #tpu.memory_space<semaphore_mem>>)
      %dma_wait3A = arith.constant 0 : i32
      %dma_wait3A_81 = tpu.memref_slice %arg4[%arg0, %add3A_71, %dma_wait3A] : memref<2x10240x16xf32, #tpu.memory_space<hbm>> -> memref<1x128x16xf32, #tpu.memory_space<hbm>>
      %dma_wait3A_82 = tpu.memref_squeeze %dma_wait3A_81 : memref<1x128x16xf32, #tpu.memory_space<hbm>> -> memref<128x16xf32, #tpu.memory_space<hbm>>
      %dma_wait3A_83 = arith.constant 0 : i32
      %dma_wait3A_84 = tpu.memref_slice %arg4[%arg0, %add3A_71, %dma_wait3A_83] : memref<2x10240x16xf32, #tpu.memory_space<hbm>> -> memref<1x128x16xf32, #tpu.memory_space<hbm>>
      %dma_wait3A_85 = tpu.memref_squeeze %dma_wait3A_84 : memref<1x128x16xf32, #tpu.memory_space<hbm>> -> memref<128x16xf32, #tpu.memory_space<hbm>>
      tpu.wait_dma2 semaphore(%run_scoped3A : memref<!tpu.dma_semaphore, #tpu.memory_space<semaphore_mem>>) src(%arg8 : memref<128x16xf32, #tpu.memory_space<vmem>>) dst(%dma_wait3A_85 : memref<128x16xf32, #tpu.memory_space<hbm>>)
      tpu.yield
    }) : () -> ()
    %add3A_72 = arith.constant 512 : i32
    %add3A_73 = arith.addi %mul3A_8, %add3A_72 : i32
    "tpu.region"() ({
      %run_scoped3A = tpu.sem_alloc : memref<!tpu.dma_semaphore, #tpu.memory_space<semaphore_mem>>
      %dma_start3A = arith.constant 0 : i32
      %dma_start3A_76 = tpu.memref_slice %arg11[%add3A_73, %dma_start3A] : memref<10240x16xf32, #tpu.memory_space<vmem_shared>> -> memref<128x16xf32, #tpu.memory_space<vmem_shared>>
      %dma_start3A_77 = arith.constant 0 : i32
      %dma_start3A_78 = tpu.memref_slice %arg11[%add3A_73, %dma_start3A_77] : memref<10240x16xf32, #tpu.memory_space<vmem_shared>> -> memref<128x16xf32, #tpu.memory_space<vmem_shared>>
      tpu.enqueue_dma source(%dma_start3A_78 : memref<128x16xf32, #tpu.memory_space<vmem_shared>>) target(%arg9 : memref<128x16xf32, #tpu.memory_space<vmem>>) target_semaphore(%run_scoped3A : memref<!tpu.dma_semaphore, #tpu.memory_space<semaphore_mem>>)
      %dma_wait3A = arith.constant 0 : i32
      %dma_wait3A_79 = tpu.memref_slice %arg11[%add3A_73, %dma_wait3A] : memref<10240x16xf32, #tpu.memory_space<vmem_shared>> -> memref<128x16xf32, #tpu.memory_space<vmem_shared>>
      %dma_wait3A_80 = arith.constant 0 : i32
      %dma_wait3A_81 = tpu.memref_slice %arg11[%add3A_73, %dma_wait3A_80] : memref<10240x16xf32, #tpu.memory_space<vmem_shared>> -> memref<128x16xf32, #tpu.memory_space<vmem_shared>>
      tpu.wait_dma2 semaphore(%run_scoped3A : memref<!tpu.dma_semaphore, #tpu.memory_space<semaphore_mem>>) src(%dma_wait3A_81 : memref<128x16xf32, #tpu.memory_space<vmem_shared>>) dst(%arg9 : memref<128x16xf32, #tpu.memory_space<vmem>>)
      tpu.yield
    }) : () -> ()
    %add3A_74 = arith.constant 512 : i32
    %add3A_75 = arith.addi %mul3A_8, %add3A_74 : i32
    "tpu.region"() ({
      %run_scoped3A = tpu.sem_alloc : memref<!tpu.dma_semaphore, #tpu.memory_space<semaphore_mem>>
      %dma_start3A = arith.constant 0 : i32
      %dma_start3A_76 = tpu.memref_slice %arg5[%arg0, %add3A_75, %dma_start3A] : memref<2x10240x16xf32, #tpu.memory_space<hbm>> -> memref<1x128x16xf32, #tpu.memory_space<hbm>>
      %dma_start3A_77 = tpu.memref_squeeze %dma_start3A_76 : memref<1x128x16xf32, #tpu.memory_space<hbm>> -> memref<128x16xf32, #tpu.memory_space<hbm>>
      %dma_start3A_78 = arith.constant 0 : i32
      %dma_start3A_79 = tpu.memref_slice %arg5[%arg0, %add3A_75, %dma_start3A_78] : memref<2x10240x16xf32, #tpu.memory_space<hbm>> -> memref<1x128x16xf32, #tpu.memory_space<hbm>>
      %dma_start3A_80 = tpu.memref_squeeze %dma_start3A_79 : memref<1x128x16xf32, #tpu.memory_space<hbm>> -> memref<128x16xf32, #tpu.memory_space<hbm>>
      tpu.enqueue_dma source(%arg9 : memref<128x16xf32, #tpu.memory_space<vmem>>) target(%dma_start3A_80 : memref<128x16xf32, #tpu.memory_space<hbm>>) target_semaphore(%run_scoped3A : memref<!tpu.dma_semaphore, #tpu.memory_space<semaphore_mem>>)
      %dma_wait3A = arith.constant 0 : i32
      %dma_wait3A_81 = tpu.memref_slice %arg5[%arg0, %add3A_75, %dma_wait3A] : memref<2x10240x16xf32, #tpu.memory_space<hbm>> -> memref<1x128x16xf32, #tpu.memory_space<hbm>>
      %dma_wait3A_82 = tpu.memref_squeeze %dma_wait3A_81 : memref<1x128x16xf32, #tpu.memory_space<hbm>> -> memref<128x16xf32, #tpu.memory_space<hbm>>
      %dma_wait3A_83 = arith.constant 0 : i32
      %dma_wait3A_84 = tpu.memref_slice %arg5[%arg0, %add3A_75, %dma_wait3A_83] : memref<2x10240x16xf32, #tpu.memory_space<hbm>> -> memref<1x128x16xf32, #tpu.memory_space<hbm>>
      %dma_wait3A_85 = tpu.memref_squeeze %dma_wait3A_84 : memref<1x128x16xf32, #tpu.memory_space<hbm>> -> memref<128x16xf32, #tpu.memory_space<hbm>>
      tpu.wait_dma2 semaphore(%run_scoped3A : memref<!tpu.dma_semaphore, #tpu.memory_space<semaphore_mem>>) src(%arg9 : memref<128x16xf32, #tpu.memory_space<vmem>>) dst(%dma_wait3A_85 : memref<128x16xf32, #tpu.memory_space<hbm>>)
      tpu.yield
    }) : () -> ()
    return
  }
}

#map = affine_map<(d0, d1) -> (0, 0)>
#map1 = affine_map<(d0, d1) -> (0, 0, 0)>
module attributes {stable_mosaic.version = 14 : i64} {
  func.func @sck(%arg0: i32, %arg1: i32, %arg2: memref<10240x128xf32, #tpu.memory_space<hbm>>, %arg3: memref<16x160x128xi32, #tpu.memory_space<hbm>>, %arg4: memref<16x160x128xi32, #tpu.memory_space<hbm>>, %arg5: memref<2x10240x128xf32, #tpu.memory_space<hbm>>, %arg6: memref<16x128xi32, #tpu.memory_space<vmem>>, %arg7: memref<16x128xi32, #tpu.memory_space<vmem>>, %arg8: memref<128x128xf32, #tpu.memory_space<vmem>>, %arg9: memref<128x128xf32, #tpu.memory_space<vmem>>, %arg10: memref<10240x128xf32, #tpu.memory_space<vmem_shared>>, %arg11: memref<!tpu.dma_semaphore, #tpu.memory_space<semaphore_mem>>, %arg12: memref<!tpu.dma_semaphore, #tpu.memory_space<semaphore_mem>>, %arg13: memref<!tpu.dma_semaphore, #tpu.memory_space<semaphore_mem>>, %arg14: memref<!tpu.dma_semaphore, #tpu.memory_space<semaphore_mem>>) attributes {dimension_semantics = [#tpu.dimension_semantics<core_parallel>, #tpu.dimension_semantics<subcore_parallel>], iteration_bounds = array<i64: 2, 16>, scalar_prefetch = 0 : i64, scratch_operands = 9 : i64, tpu.core_type = #tpu.core_type<sc_vector_subcore>, window_params = [{transform_indices = #map}, {transform_indices = #map1}, {transform_indices = #map1}, {transform_indices = #map1}]} {
    %mul3A = arith.constant 128 : i32
    %mul3A_0 = arith.muli %arg0, %mul3A : i32
    %scan3A = arith.constant 0 : i32
    %scan3A_1 = arith.constant 0 : i32
    %scan3A_2 = arith.constant 128 : i32
    %scan3A_3 = arith.addi %scan3A_1, %scan3A_2 : i32
    %scan3A_4 = arith.constant 1 : i32
    %scan3A_5 = scf.for %scan3A_46 = %scan3A_1 to %scan3A_3 step %scan3A_4 iter_args(%scan3A_47 = %scan3A) -> (i32)  : i32 {
      %scan3A_48 = arith.constant 0 : i32
      %scan3A_49 = arith.constant 0 : i32
      %scan3A_50 = arith.constant 8 : i32
      %scan3A_51 = arith.addi %scan3A_49, %scan3A_50 : i32
      %scan3A_52 = arith.constant 1 : i32
      %scan3A_53 = scf.for %scan3A_56 = %scan3A_49 to %scan3A_51 step %scan3A_52 iter_args(%scan3A_57 = %scan3A_48) -> (i32)  : i32 {
        %broadcast_in_dim3A = arith.constant 0.000000e+00 : f32
        %broadcast_in_dim3A_58 = vector.broadcast %broadcast_in_dim3A : f32 to vector<16xf32>
        %mul3A_59 = arith.constant 16 : i32
        %mul3A_60 = arith.muli %scan3A_56, %mul3A_59 : i32
        %swap3A = arith.index_cast %scan3A_46 : i32 to index
        %swap3A_61 = arith.index_cast %mul3A_60 : i32 to index
        %swap3A_62 = tpu.vector_load %arg8[%swap3A, %swap3A_61] {strides = array<i32>} : memref<128x128xf32, #tpu.memory_space<vmem>>, vector<1x16xf32>,
        %swap3A_63 = vector.shape_cast %swap3A_62 : vector<1x16xf32> to vector<16xf32>
        %swap3A_64 = vector.shape_cast %broadcast_in_dim3A_58 : vector<16xf32> to vector<1x16xf32>
        tpu.vector_store %arg8[%swap3A, %swap3A_61], %swap3A_64 {strides = array<i32>} : memref<128x128xf32, #tpu.memory_space<vmem>>, vector<1x16xf32>,
        %scan3A_65 = arith.constant 0 : i32
        scf.yield %scan3A_65 : i32
      }
      %scan3A_54 = arith.constant 8 : i32
      %scan3A_55 = arith.constant 0 : i32
      scf.yield %scan3A_55 : i32
    }
    %scan3A_6 = arith.constant 128 : i32
    %mul3A_7 = arith.constant 640 : i32
    %mul3A_8 = arith.muli %arg1, %mul3A_7 : i32
    %add3A = arith.constant 0 : i32
    %add3A_9 = arith.addi %mul3A_8, %add3A : i32
    "tpu.region"() ({
      %run_scoped3A = tpu.sem_alloc : memref<!tpu.dma_semaphore, #tpu.memory_space<semaphore_mem>>
      %dma_start3A = arith.constant 0 : i32
      %dma_start3A_46 = tpu.memref_slice %arg10[%add3A_9, %dma_start3A] : memref<10240x128xf32, #tpu.memory_space<vmem_shared>> -> memref<128x128xf32, #tpu.memory_space<vmem_shared>>
      %dma_start3A_47 = arith.constant 0 : i32
      %dma_start3A_48 = tpu.memref_slice %arg10[%add3A_9, %dma_start3A_47] : memref<10240x128xf32, #tpu.memory_space<vmem_shared>> -> memref<128x128xf32, #tpu.memory_space<vmem_shared>>
      tpu.enqueue_dma source(%arg8 : memref<128x128xf32, #tpu.memory_space<vmem>>) target(%dma_start3A_48 : memref<128x128xf32, #tpu.memory_space<vmem_shared>>) target_semaphore(%run_scoped3A : memref<!tpu.dma_semaphore, #tpu.memory_space<semaphore_mem>>)
      %dma_wait3A = arith.constant 0 : i32
      %dma_wait3A_49 = tpu.memref_slice %arg10[%add3A_9, %dma_wait3A] : memref<10240x128xf32, #tpu.memory_space<vmem_shared>> -> memref<128x128xf32, #tpu.memory_space<vmem_shared>>
      %dma_wait3A_50 = arith.constant 0 : i32
      %dma_wait3A_51 = tpu.memref_slice %arg10[%add3A_9, %dma_wait3A_50] : memref<10240x128xf32, #tpu.memory_space<vmem_shared>> -> memref<128x128xf32, #tpu.memory_space<vmem_shared>>
      tpu.wait_dma2 semaphore(%run_scoped3A : memref<!tpu.dma_semaphore, #tpu.memory_space<semaphore_mem>>) src(%arg8 : memref<128x128xf32, #tpu.memory_space<vmem>>) dst(%dma_wait3A_51 : memref<128x128xf32, #tpu.memory_space<vmem_shared>>)
      tpu.yield
    }) : () -> ()
    %add3A_10 = arith.constant 128 : i32
    %add3A_11 = arith.addi %mul3A_8, %add3A_10 : i32
    "tpu.region"() ({
      %run_scoped3A = tpu.sem_alloc : memref<!tpu.dma_semaphore, #tpu.memory_space<semaphore_mem>>
      %dma_start3A = arith.constant 0 : i32
      %dma_start3A_46 = tpu.memref_slice %arg10[%add3A_11, %dma_start3A] : memref<10240x128xf32, #tpu.memory_space<vmem_shared>> -> memref<128x128xf32, #tpu.memory_space<vmem_shared>>
      %dma_start3A_47 = arith.constant 0 : i32
      %dma_start3A_48 = tpu.memref_slice %arg10[%add3A_11, %dma_start3A_47] : memref<10240x128xf32, #tpu.memory_space<vmem_shared>> -> memref<128x128xf32, #tpu.memory_space<vmem_shared>>
      tpu.enqueue_dma source(%arg8 : memref<128x128xf32, #tpu.memory_space<vmem>>) target(%dma_start3A_48 : memref<128x128xf32, #tpu.memory_space<vmem_shared>>) target_semaphore(%run_scoped3A : memref<!tpu.dma_semaphore, #tpu.memory_space<semaphore_mem>>)
      %dma_wait3A = arith.constant 0 : i32
      %dma_wait3A_49 = tpu.memref_slice %arg10[%add3A_11, %dma_wait3A] : memref<10240x128xf32, #tpu.memory_space<vmem_shared>> -> memref<128x128xf32, #tpu.memory_space<vmem_shared>>
      %dma_wait3A_50 = arith.constant 0 : i32
      %dma_wait3A_51 = tpu.memref_slice %arg10[%add3A_11, %dma_wait3A_50] : memref<10240x128xf32, #tpu.memory_space<vmem_shared>> -> memref<128x128xf32, #tpu.memory_space<vmem_shared>>
      tpu.wait_dma2 semaphore(%run_scoped3A : memref<!tpu.dma_semaphore, #tpu.memory_space<semaphore_mem>>) src(%arg8 : memref<128x128xf32, #tpu.memory_space<vmem>>) dst(%dma_wait3A_51 : memref<128x128xf32, #tpu.memory_space<vmem_shared>>)
      tpu.yield
    }) : () -> ()
    %add3A_12 = arith.constant 256 : i32
    %add3A_13 = arith.addi %mul3A_8, %add3A_12 : i32
    "tpu.region"() ({
      %run_scoped3A = tpu.sem_alloc : memref<!tpu.dma_semaphore, #tpu.memory_space<semaphore_mem>>
      %dma_start3A = arith.constant 0 : i32
      %dma_start3A_46 = tpu.memref_slice %arg10[%add3A_13, %dma_start3A] : memref<10240x128xf32, #tpu.memory_space<vmem_shared>> -> memref<128x128xf32, #tpu.memory_space<vmem_shared>>
      %dma_start3A_47 = arith.constant 0 : i32
      %dma_start3A_48 = tpu.memref_slice %arg10[%add3A_13, %dma_start3A_47] : memref<10240x128xf32, #tpu.memory_space<vmem_shared>> -> memref<128x128xf32, #tpu.memory_space<vmem_shared>>
      tpu.enqueue_dma source(%arg8 : memref<128x128xf32, #tpu.memory_space<vmem>>) target(%dma_start3A_48 : memref<128x128xf32, #tpu.memory_space<vmem_shared>>) target_semaphore(%run_scoped3A : memref<!tpu.dma_semaphore, #tpu.memory_space<semaphore_mem>>)
      %dma_wait3A = arith.constant 0 : i32
      %dma_wait3A_49 = tpu.memref_slice %arg10[%add3A_13, %dma_wait3A] : memref<10240x128xf32, #tpu.memory_space<vmem_shared>> -> memref<128x128xf32, #tpu.memory_space<vmem_shared>>
      %dma_wait3A_50 = arith.constant 0 : i32
      %dma_wait3A_51 = tpu.memref_slice %arg10[%add3A_13, %dma_wait3A_50] : memref<10240x128xf32, #tpu.memory_space<vmem_shared>> -> memref<128x128xf32, #tpu.memory_space<vmem_shared>>
      tpu.wait_dma2 semaphore(%run_scoped3A : memref<!tpu.dma_semaphore, #tpu.memory_space<semaphore_mem>>) src(%arg8 : memref<128x128xf32, #tpu.memory_space<vmem>>) dst(%dma_wait3A_51 : memref<128x128xf32, #tpu.memory_space<vmem_shared>>)
      tpu.yield
    }) : () -> ()
    %add3A_14 = arith.constant 384 : i32
    %add3A_15 = arith.addi %mul3A_8, %add3A_14 : i32
    "tpu.region"() ({
      %run_scoped3A = tpu.sem_alloc : memref<!tpu.dma_semaphore, #tpu.memory_space<semaphore_mem>>
      %dma_start3A = arith.constant 0 : i32
      %dma_start3A_46 = tpu.memref_slice %arg10[%add3A_15, %dma_start3A] : memref<10240x128xf32, #tpu.memory_space<vmem_shared>> -> memref<128x128xf32, #tpu.memory_space<vmem_shared>>
      %dma_start3A_47 = arith.constant 0 : i32
      %dma_start3A_48 = tpu.memref_slice %arg10[%add3A_15, %dma_start3A_47] : memref<10240x128xf32, #tpu.memory_space<vmem_shared>> -> memref<128x128xf32, #tpu.memory_space<vmem_shared>>
      tpu.enqueue_dma source(%arg8 : memref<128x128xf32, #tpu.memory_space<vmem>>) target(%dma_start3A_48 : memref<128x128xf32, #tpu.memory_space<vmem_shared>>) target_semaphore(%run_scoped3A : memref<!tpu.dma_semaphore, #tpu.memory_space<semaphore_mem>>)
      %dma_wait3A = arith.constant 0 : i32
      %dma_wait3A_49 = tpu.memref_slice %arg10[%add3A_15, %dma_wait3A] : memref<10240x128xf32, #tpu.memory_space<vmem_shared>> -> memref<128x128xf32, #tpu.memory_space<vmem_shared>>
      %dma_wait3A_50 = arith.constant 0 : i32
      %dma_wait3A_51 = tpu.memref_slice %arg10[%add3A_15, %dma_wait3A_50] : memref<10240x128xf32, #tpu.memory_space<vmem_shared>> -> memref<128x128xf32, #tpu.memory_space<vmem_shared>>
      tpu.wait_dma2 semaphore(%run_scoped3A : memref<!tpu.dma_semaphore, #tpu.memory_space<semaphore_mem>>) src(%arg8 : memref<128x128xf32, #tpu.memory_space<vmem>>) dst(%dma_wait3A_51 : memref<128x128xf32, #tpu.memory_space<vmem_shared>>)
      tpu.yield
    }) : () -> ()
    %add3A_16 = arith.constant 512 : i32
    %add3A_17 = arith.addi %mul3A_8, %add3A_16 : i32
    "tpu.region"() ({
      %run_scoped3A = tpu.sem_alloc : memref<!tpu.dma_semaphore, #tpu.memory_space<semaphore_mem>>
      %dma_start3A = arith.constant 0 : i32
      %dma_start3A_46 = tpu.memref_slice %arg10[%add3A_17, %dma_start3A] : memref<10240x128xf32, #tpu.memory_space<vmem_shared>> -> memref<128x128xf32, #tpu.memory_space<vmem_shared>>
      %dma_start3A_47 = arith.constant 0 : i32
      %dma_start3A_48 = tpu.memref_slice %arg10[%add3A_17, %dma_start3A_47] : memref<10240x128xf32, #tpu.memory_space<vmem_shared>> -> memref<128x128xf32, #tpu.memory_space<vmem_shared>>
      tpu.enqueue_dma source(%arg8 : memref<128x128xf32, #tpu.memory_space<vmem>>) target(%dma_start3A_48 : memref<128x128xf32, #tpu.memory_space<vmem_shared>>) target_semaphore(%run_scoped3A : memref<!tpu.dma_semaphore, #tpu.memory_space<semaphore_mem>>)
      %dma_wait3A = arith.constant 0 : i32
      %dma_wait3A_49 = tpu.memref_slice %arg10[%add3A_17, %dma_wait3A] : memref<10240x128xf32, #tpu.memory_space<vmem_shared>> -> memref<128x128xf32, #tpu.memory_space<vmem_shared>>
      %dma_wait3A_50 = arith.constant 0 : i32
      %dma_wait3A_51 = tpu.memref_slice %arg10[%add3A_17, %dma_wait3A_50] : memref<10240x128xf32, #tpu.memory_space<vmem_shared>> -> memref<128x128xf32, #tpu.memory_space<vmem_shared>>
      tpu.wait_dma2 semaphore(%run_scoped3A : memref<!tpu.dma_semaphore, #tpu.memory_space<semaphore_mem>>) src(%arg8 : memref<128x128xf32, #tpu.memory_space<vmem>>) dst(%dma_wait3A_51 : memref<128x128xf32, #tpu.memory_space<vmem_shared>>)
      tpu.yield
    }) : () -> ()
    %barrier3A = arith.constant 0 : index
    tpu.barrier barrier_id(%barrier3A)
    %eq3A = arith.constant 0 : i32
    %eq3A_18 = arith.cmpi eq, %arg0, %eq3A : i32
    %convert_element_type3A = arith.extui %eq3A_18 : i1 to i32
    %cond3A = arith.constant 0 : i32
    %cond3A_19 = arith.cmpi ne, %convert_element_type3A, %cond3A : i32
    scf.if %cond3A_19 {
      %scan3A_46 = arith.constant 0 : i32
      %scan3A_47 = arith.constant 0 : i32
      %scan3A_48 = arith.constant 8 : i32
      %scan3A_49 = arith.addi %scan3A_47, %scan3A_48 : i32
      %scan3A_50 = arith.constant 1 : i32
      %scan3A_51 = scf.for %scan3A_53 = %scan3A_47 to %scan3A_49 step %scan3A_50 iter_args(%scan3A_54 = %scan3A_46) -> (i32)  : i32 {
        %mul3A_55 = arith.constant 16 : i32
        %mul3A_56 = arith.muli %scan3A_53, %mul3A_55 : i32
        %add3A_57 = arith.addi %mul3A_0, %mul3A_56 : i32
        "tpu.region"() ({
          %run_scoped3A = tpu.sem_alloc : memref<!tpu.dma_semaphore, #tpu.memory_space<semaphore_mem>>
          %dma_start3A_86 = arith.constant 0 : i32
          %dma_start3A_87 = tpu.memref_slice %arg3[%arg1, %add3A_57, %dma_start3A_86] : memref<16x160x128xi32, #tpu.memory_space<hbm>> -> memref<1x16x128xi32, #tpu.memory_space<hbm>>
          %dma_start3A_88 = tpu.memref_squeeze %dma_start3A_87 : memref<1x16x128xi32, #tpu.memory_space<hbm>> -> memref<16x128xi32, #tpu.memory_space<hbm>>
          %dma_start3A_89 = arith.constant 0 : i32
          %dma_start3A_90 = tpu.memref_slice %arg3[%arg1, %add3A_57, %dma_start3A_89] : memref<16x160x128xi32, #tpu.memory_space<hbm>> -> memref<1x16x128xi32, #tpu.memory_space<hbm>>
          %dma_start3A_91 = tpu.memref_squeeze %dma_start3A_90 : memref<1x16x128xi32, #tpu.memory_space<hbm>> -> memref<16x128xi32, #tpu.memory_space<hbm>>
          tpu.enqueue_dma source(%dma_start3A_91 : memref<16x128xi32, #tpu.memory_space<hbm>>) target(%arg6 : memref<16x128xi32, #tpu.memory_space<vmem>>) target_semaphore(%run_scoped3A : memref<!tpu.dma_semaphore, #tpu.memory_space<semaphore_mem>>)
          %dma_wait3A_92 = arith.constant 0 : i32
          %dma_wait3A_93 = tpu.memref_slice %arg3[%arg1, %add3A_57, %dma_wait3A_92] : memref<16x160x128xi32, #tpu.memory_space<hbm>> -> memref<1x16x128xi32, #tpu.memory_space<hbm>>
          %dma_wait3A_94 = tpu.memref_squeeze %dma_wait3A_93 : memref<1x16x128xi32, #tpu.memory_space<hbm>> -> memref<16x128xi32, #tpu.memory_space<hbm>>
          %dma_wait3A_95 = arith.constant 0 : i32
          %dma_wait3A_96 = tpu.memref_slice %arg3[%arg1, %add3A_57, %dma_wait3A_95] : memref<16x160x128xi32, #tpu.memory_space<hbm>> -> memref<1x16x128xi32, #tpu.memory_space<hbm>>
          %dma_wait3A_97 = tpu.memref_squeeze %dma_wait3A_96 : memref<1x16x128xi32, #tpu.memory_space<hbm>> -> memref<16x128xi32, #tpu.memory_space<hbm>>
          tpu.wait_dma2 semaphore(%run_scoped3A : memref<!tpu.dma_semaphore, #tpu.memory_space<semaphore_mem>>) src(%dma_wait3A_97 : memref<16x128xi32, #tpu.memory_space<hbm>>) dst(%arg6 : memref<16x128xi32, #tpu.memory_space<vmem>>)
          tpu.yield
        }) : () -> ()
        %mul3A_58 = arith.constant 16 : i32
        %mul3A_59 = arith.muli %scan3A_53, %mul3A_58 : i32
        %add3A_60 = arith.addi %mul3A_0, %mul3A_59 : i32
        "tpu.region"() ({
          %run_scoped3A = tpu.sem_alloc : memref<!tpu.dma_semaphore, #tpu.memory_space<semaphore_mem>>
          %dma_start3A_86 = arith.constant 0 : i32
          %dma_start3A_87 = tpu.memref_slice %arg4[%arg1, %add3A_60, %dma_start3A_86] : memref<16x160x128xi32, #tpu.memory_space<hbm>> -> memref<1x16x128xi32, #tpu.memory_space<hbm>>
          %dma_start3A_88 = tpu.memref_squeeze %dma_start3A_87 : memref<1x16x128xi32, #tpu.memory_space<hbm>> -> memref<16x128xi32, #tpu.memory_space<hbm>>
          %dma_start3A_89 = arith.constant 0 : i32
          %dma_start3A_90 = tpu.memref_slice %arg4[%arg1, %add3A_60, %dma_start3A_89] : memref<16x160x128xi32, #tpu.memory_space<hbm>> -> memref<1x16x128xi32, #tpu.memory_space<hbm>>
          %dma_start3A_91 = tpu.memref_squeeze %dma_start3A_90 : memref<1x16x128xi32, #tpu.memory_space<hbm>> -> memref<16x128xi32, #tpu.memory_space<hbm>>
          tpu.enqueue_dma source(%dma_start3A_91 : memref<16x128xi32, #tpu.memory_space<hbm>>) target(%arg7 : memref<16x128xi32, #tpu.memory_space<vmem>>) target_semaphore(%run_scoped3A : memref<!tpu.dma_semaphore, #tpu.memory_space<semaphore_mem>>)
          %dma_wait3A_92 = arith.constant 0 : i32
          %dma_wait3A_93 = tpu.memref_slice %arg4[%arg1, %add3A_60, %dma_wait3A_92] : memref<16x160x128xi32, #tpu.memory_space<hbm>> -> memref<1x16x128xi32, #tpu.memory_space<hbm>>
          %dma_wait3A_94 = tpu.memref_squeeze %dma_wait3A_93 : memref<1x16x128xi32, #tpu.memory_space<hbm>> -> memref<16x128xi32, #tpu.memory_space<hbm>>
          %dma_wait3A_95 = arith.constant 0 : i32
          %dma_wait3A_96 = tpu.memref_slice %arg4[%arg1, %add3A_60, %dma_wait3A_95] : memref<16x160x128xi32, #tpu.memory_space<hbm>> -> memref<1x16x128xi32, #tpu.memory_space<hbm>>
          %dma_wait3A_97 = tpu.memref_squeeze %dma_wait3A_96 : memref<1x16x128xi32, #tpu.memory_space<hbm>> -> memref<16x128xi32, #tpu.memory_space<hbm>>
          tpu.wait_dma2 semaphore(%run_scoped3A : memref<!tpu.dma_semaphore, #tpu.memory_space<semaphore_mem>>) src(%dma_wait3A_97 : memref<16x128xi32, #tpu.memory_space<hbm>>) dst(%arg7 : memref<16x128xi32, #tpu.memory_space<vmem>>)
          tpu.yield
        }) : () -> ()
        %dma_start3A = arith.constant 0 : i32
        %dma_start3A_61 = arith.constant 0 : i32
        %dma_start3A_62 = tpu.memref_slice %arg6[%dma_start3A, %dma_start3A_61] : memref<16x128xi32, #tpu.memory_space<vmem>> -> memref<1x128xi32, #tpu.memory_space<vmem>>
        %dma_start3A_63 = tpu.memref_squeeze %dma_start3A_62 : memref<1x128xi32, #tpu.memory_space<vmem>> -> memref<128xi32, #tpu.memory_space<vmem>>
        %dma_start3A_64 = arith.constant 0 : i32
        %dma_start3A_65 = arith.constant 0 : i32
        %dma_start3A_66 = tpu.memref_slice %arg2[%dma_start3A_64, %dma_start3A_65] : memref<10240x128xf32, #tpu.memory_space<hbm>> -> memref<10240x128xf32, #tpu.memory_space<hbm>>
        tpu.enqueue_indirect_dma source(%dma_start3A_66 : memref<10240x128xf32, #tpu.memory_space<hbm>>) target(%arg8 : memref<128x128xf32, #tpu.memory_space<vmem>>) offsets(%dma_start3A_63 : memref<128xi32, #tpu.memory_space<vmem>>) semaphore(%arg11 : memref<!tpu.dma_semaphore, #tpu.memory_space<semaphore_mem>>)
        %scan3A_67 = arith.constant 0 : i32
        %scan3A_68 = arith.constant 0 : i32
        %scan3A_69 = arith.constant 8 : i32
        %scan3A_70 = arith.addi %scan3A_68, %scan3A_69 : i32
        %scan3A_71 = arith.constant 1 : i32
        %scan3A_72 = scf.for %scan3A_86 = %scan3A_68 to %scan3A_70 step %scan3A_71 iter_args(%scan3A_87 = %scan3A_67) -> (i32)  : i32 {
          %mul3A_88 = arith.constant 2 : i32
          %mul3A_89 = arith.muli %mul3A_88, %scan3A_86 : i32
          %gt3A = arith.constant 0 : i32
          %gt3A_90 = arith.cmpi sgt, %scan3A_86, %gt3A : i32
          %convert_element_type3A_91 = arith.extui %gt3A_90 : i1 to i32
          %cond3A_92 = arith.constant 0 : i32
          %cond3A_93 = arith.cmpi ne, %convert_element_type3A_91, %cond3A_92 : i32
          scf.if %cond3A_93 {
            %dma_wait3A_135 = arith.constant 0 : i32
            %dma_wait3A_136 = arith.constant 0 : i32
            %dma_wait3A_137 = tpu.memref_slice %arg2[%dma_wait3A_135, %dma_wait3A_136] : memref<10240x128xf32, #tpu.memory_space<hbm>> -> memref<128x128xf32, #tpu.memory_space<hbm>>
            %dma_wait3A_138 = arith.constant 0 : i32
            %dma_wait3A_139 = arith.constant 0 : i32
            %dma_wait3A_140 = tpu.memref_slice %arg2[%dma_wait3A_138, %dma_wait3A_139] : memref<10240x128xf32, #tpu.memory_space<hbm>> -> memref<128x128xf32, #tpu.memory_space<hbm>>
            tpu.wait_dma2 semaphore(%arg14 : memref<!tpu.dma_semaphore, #tpu.memory_space<semaphore_mem>>) src(%dma_wait3A_140 : memref<128x128xf32, #tpu.memory_space<hbm>>) dst(%arg9 : memref<128x128xf32, #tpu.memory_space<vmem>>)
          } else {
          }
          %add3A_94 = arith.constant 1 : i32
          %add3A_95 = arith.addi %mul3A_89, %add3A_94 : i32
          %dma_start3A_96 = arith.constant 0 : i32
          %dma_start3A_97 = tpu.memref_slice %arg6[%add3A_95, %dma_start3A_96] : memref<16x128xi32, #tpu.memory_space<vmem>> -> memref<1x128xi32, #tpu.memory_space<vmem>>
          %dma_start3A_98 = tpu.memref_squeeze %dma_start3A_97 : memref<1x128xi32, #tpu.memory_space<vmem>> -> memref<128xi32, #tpu.memory_space<vmem>>
          %dma_start3A_99 = arith.constant 0 : i32
          %dma_start3A_100 = arith.constant 0 : i32
          %dma_start3A_101 = tpu.memref_slice %arg2[%dma_start3A_99, %dma_start3A_100] : memref<10240x128xf32, #tpu.memory_space<hbm>> -> memref<10240x128xf32, #tpu.memory_space<hbm>>
          tpu.enqueue_indirect_dma source(%dma_start3A_101 : memref<10240x128xf32, #tpu.memory_space<hbm>>) target(%arg9 : memref<128x128xf32, #tpu.memory_space<vmem>>) offsets(%dma_start3A_98 : memref<128xi32, #tpu.memory_space<vmem>>) semaphore(%arg12 : memref<!tpu.dma_semaphore, #tpu.memory_space<semaphore_mem>>)
          %dma_wait3A_102 = arith.constant 0 : i32
          %dma_wait3A_103 = arith.constant 0 : i32
          %dma_wait3A_104 = tpu.memref_slice %arg2[%dma_wait3A_102, %dma_wait3A_103] : memref<10240x128xf32, #tpu.memory_space<hbm>> -> memref<128x128xf32, #tpu.memory_space<hbm>>
          %dma_wait3A_105 = arith.constant 0 : i32
          %dma_wait3A_106 = arith.constant 0 : i32
          %dma_wait3A_107 = tpu.memref_slice %arg2[%dma_wait3A_105, %dma_wait3A_106] : memref<10240x128xf32, #tpu.memory_space<hbm>> -> memref<128x128xf32, #tpu.memory_space<hbm>>
          tpu.wait_dma2 semaphore(%arg11 : memref<!tpu.dma_semaphore, #tpu.memory_space<semaphore_mem>>) src(%dma_wait3A_107 : memref<128x128xf32, #tpu.memory_space<hbm>>) dst(%arg8 : memref<128x128xf32, #tpu.memory_space<vmem>>)
          %dma_start3A_108 = arith.constant 0 : i32
          %dma_start3A_109 = tpu.memref_slice %arg7[%mul3A_89, %dma_start3A_108] : memref<16x128xi32, #tpu.memory_space<vmem>> -> memref<1x128xi32, #tpu.memory_space<vmem>>
          %dma_start3A_110 = tpu.memref_squeeze %dma_start3A_109 : memref<1x128xi32, #tpu.memory_space<vmem>> -> memref<128xi32, #tpu.memory_space<vmem>>
          %dma_start3A_111 = arith.constant 0 : i32
          %dma_start3A_112 = arith.constant 0 : i32
          %dma_start3A_113 = tpu.memref_slice %arg10[%dma_start3A_111, %dma_start3A_112] : memref<10240x128xf32, #tpu.memory_space<vmem_shared>> -> memref<10240x128xf32, #tpu.memory_space<vmem_shared>>
          tpu.enqueue_indirect_dma source(%arg8 : memref<128x128xf32, #tpu.memory_space<vmem>>) target(%dma_start3A_113 : memref<10240x128xf32, #tpu.memory_space<vmem_shared>>) offsets(%dma_start3A_110 : memref<128xi32, #tpu.memory_space<vmem>>) semaphore(%arg13 : memref<!tpu.dma_semaphore, #tpu.memory_space<semaphore_mem>>) {add = true}
          %add3A_114 = arith.constant 2 : i32
          %add3A_115 = arith.addi %mul3A_89, %add3A_114 : i32
          %lt3A = arith.constant 16 : i32
          %lt3A_116 = arith.cmpi slt, %add3A_115, %lt3A : i32
          %convert_element_type3A_117 = arith.extui %lt3A_116 : i1 to i32
          %cond3A_118 = arith.constant 0 : i32
          %cond3A_119 = arith.cmpi ne, %convert_element_type3A_117, %cond3A_118 : i32
          scf.if %cond3A_119 {
            %dma_wait3A_135 = arith.constant 0 : i32
            %dma_wait3A_136 = arith.constant 0 : i32
            %dma_wait3A_137 = tpu.memref_slice %arg2[%dma_wait3A_135, %dma_wait3A_136] : memref<10240x128xf32, #tpu.memory_space<hbm>> -> memref<128x128xf32, #tpu.memory_space<hbm>>
            %dma_wait3A_138 = arith.constant 0 : i32
            %dma_wait3A_139 = arith.constant 0 : i32
            %dma_wait3A_140 = tpu.memref_slice %arg2[%dma_wait3A_138, %dma_wait3A_139] : memref<10240x128xf32, #tpu.memory_space<hbm>> -> memref<128x128xf32, #tpu.memory_space<hbm>>
            tpu.wait_dma2 semaphore(%arg13 : memref<!tpu.dma_semaphore, #tpu.memory_space<semaphore_mem>>) src(%dma_wait3A_140 : memref<128x128xf32, #tpu.memory_space<hbm>>) dst(%arg8 : memref<128x128xf32, #tpu.memory_space<vmem>>)
            %add3A_141 = arith.constant 2 : i32
            %add3A_142 = arith.addi %mul3A_89, %add3A_141 : i32
            %dma_start3A_143 = arith.constant 0 : i32
            %dma_start3A_144 = tpu.memref_slice %arg6[%add3A_142, %dma_start3A_143] : memref<16x128xi32, #tpu.memory_space<vmem>> -> memref<1x128xi32, #tpu.memory_space<vmem>>
            %dma_start3A_145 = tpu.memref_squeeze %dma_start3A_144 : memref<1x128xi32, #tpu.memory_space<vmem>> -> memref<128xi32, #tpu.memory_space<vmem>>
            %dma_start3A_146 = arith.constant 0 : i32
            %dma_start3A_147 = arith.constant 0 : i32
            %dma_start3A_148 = tpu.memref_slice %arg2[%dma_start3A_146, %dma_start3A_147] : memref<10240x128xf32, #tpu.memory_space<hbm>> -> memref<10240x128xf32, #tpu.memory_space<hbm>>
            tpu.enqueue_indirect_dma source(%dma_start3A_148 : memref<10240x128xf32, #tpu.memory_space<hbm>>) target(%arg8 : memref<128x128xf32, #tpu.memory_space<vmem>>) offsets(%dma_start3A_145 : memref<128xi32, #tpu.memory_space<vmem>>) semaphore(%arg11 : memref<!tpu.dma_semaphore, #tpu.memory_space<semaphore_mem>>)
          } else {
          }
          %dma_wait3A_120 = arith.constant 0 : i32
          %dma_wait3A_121 = arith.constant 0 : i32
          %dma_wait3A_122 = tpu.memref_slice %arg2[%dma_wait3A_120, %dma_wait3A_121] : memref<10240x128xf32, #tpu.memory_space<hbm>> -> memref<128x128xf32, #tpu.memory_space<hbm>>
          %dma_wait3A_123 = arith.constant 0 : i32
          %dma_wait3A_124 = arith.constant 0 : i32
          %dma_wait3A_125 = tpu.memref_slice %arg2[%dma_wait3A_123, %dma_wait3A_124] : memref<10240x128xf32, #tpu.memory_space<hbm>> -> memref<128x128xf32, #tpu.memory_space<hbm>>
          tpu.wait_dma2 semaphore(%arg12 : memref<!tpu.dma_semaphore, #tpu.memory_space<semaphore_mem>>) src(%dma_wait3A_125 : memref<128x128xf32, #tpu.memory_space<hbm>>) dst(%arg9 : memref<128x128xf32, #tpu.memory_space<vmem>>)
          %add3A_126 = arith.constant 1 : i32
          %add3A_127 = arith.addi %mul3A_89, %add3A_126 : i32
          %dma_start3A_128 = arith.constant 0 : i32
          %dma_start3A_129 = tpu.memref_slice %arg7[%add3A_127, %dma_start3A_128] : memref<16x128xi32, #tpu.memory_space<vmem>> -> memref<1x128xi32, #tpu.memory_space<vmem>>
          %dma_start3A_130 = tpu.memref_squeeze %dma_start3A_129 : memref<1x128xi32, #tpu.memory_space<vmem>> -> memref<128xi32, #tpu.memory_space<vmem>>
          %dma_start3A_131 = arith.constant 0 : i32
          %dma_start3A_132 = arith.constant 0 : i32
          %dma_start3A_133 = tpu.memref_slice %arg10[%dma_start3A_131, %dma_start3A_132] : memref<10240x128xf32, #tpu.memory_space<vmem_shared>> -> memref<10240x128xf32, #tpu.memory_space<vmem_shared>>
          tpu.enqueue_indirect_dma source(%arg9 : memref<128x128xf32, #tpu.memory_space<vmem>>) target(%dma_start3A_133 : memref<10240x128xf32, #tpu.memory_space<vmem_shared>>) offsets(%dma_start3A_130 : memref<128xi32, #tpu.memory_space<vmem>>) semaphore(%arg14 : memref<!tpu.dma_semaphore, #tpu.memory_space<semaphore_mem>>) {add = true}
          %scan3A_134 = arith.constant 0 : i32
          scf.yield %scan3A_134 : i32
        }
        %scan3A_73 = arith.constant 8 : i32
        %dma_wait3A = arith.constant 0 : i32
        %dma_wait3A_74 = arith.constant 0 : i32
        %dma_wait3A_75 = tpu.memref_slice %arg2[%dma_wait3A, %dma_wait3A_74] : memref<10240x128xf32, #tpu.memory_space<hbm>> -> memref<128x128xf32, #tpu.memory_space<hbm>>
        %dma_wait3A_76 = arith.constant 0 : i32
        %dma_wait3A_77 = arith.constant 0 : i32
        %dma_wait3A_78 = tpu.memref_slice %arg2[%dma_wait3A_76, %dma_wait3A_77] : memref<10240x128xf32, #tpu.memory_space<hbm>> -> memref<128x128xf32, #tpu.memory_space<hbm>>
        tpu.wait_dma2 semaphore(%arg13 : memref<!tpu.dma_semaphore, #tpu.memory_space<semaphore_mem>>) src(%dma_wait3A_78 : memref<128x128xf32, #tpu.memory_space<hbm>>) dst(%arg8 : memref<128x128xf32, #tpu.memory_space<vmem>>)
        %dma_wait3A_79 = arith.constant 0 : i32
        %dma_wait3A_80 = arith.constant 0 : i32
        %dma_wait3A_81 = tpu.memref_slice %arg2[%dma_wait3A_79, %dma_wait3A_80] : memref<10240x128xf32, #tpu.memory_space<hbm>> -> memref<128x128xf32, #tpu.memory_space<hbm>>
        %dma_wait3A_82 = arith.constant 0 : i32
        %dma_wait3A_83 = arith.constant 0 : i32
        %dma_wait3A_84 = tpu.memref_slice %arg2[%dma_wait3A_82, %dma_wait3A_83] : memref<10240x128xf32, #tpu.memory_space<hbm>> -> memref<128x128xf32, #tpu.memory_space<hbm>>
        tpu.wait_dma2 semaphore(%arg14 : memref<!tpu.dma_semaphore, #tpu.memory_space<semaphore_mem>>) src(%dma_wait3A_84 : memref<128x128xf32, #tpu.memory_space<hbm>>) dst(%arg9 : memref<128x128xf32, #tpu.memory_space<vmem>>)
        %scan3A_85 = arith.constant 0 : i32
        scf.yield %scan3A_85 : i32
      }
      %scan3A_52 = arith.constant 8 : i32
    } else {
    }
    %eq3A_20 = arith.constant 1 : i32
    %eq3A_21 = arith.cmpi eq, %arg0, %eq3A_20 : i32
    %convert_element_type3A_22 = arith.extui %eq3A_21 : i1 to i32
    %cond3A_23 = arith.constant 0 : i32
    %cond3A_24 = arith.cmpi ne, %convert_element_type3A_22, %cond3A_23 : i32
    scf.if %cond3A_24 {
      %scan3A_46 = arith.constant 0 : i32
      %scan3A_47 = arith.constant 0 : i32
      %scan3A_48 = arith.constant 2 : i32
      %scan3A_49 = arith.addi %scan3A_47, %scan3A_48 : i32
      %scan3A_50 = arith.constant 1 : i32
      %scan3A_51 = scf.for %scan3A_53 = %scan3A_47 to %scan3A_49 step %scan3A_50 iter_args(%scan3A_54 = %scan3A_46) -> (i32)  : i32 {
        %mul3A_55 = arith.constant 16 : i32
        %mul3A_56 = arith.muli %scan3A_53, %mul3A_55 : i32
        %add3A_57 = arith.addi %mul3A_0, %mul3A_56 : i32
        "tpu.region"() ({
          %run_scoped3A = tpu.sem_alloc : memref<!tpu.dma_semaphore, #tpu.memory_space<semaphore_mem>>
          %dma_start3A_86 = arith.constant 0 : i32
          %dma_start3A_87 = tpu.memref_slice %arg3[%arg1, %add3A_57, %dma_start3A_86] : memref<16x160x128xi32, #tpu.memory_space<hbm>> -> memref<1x16x128xi32, #tpu.memory_space<hbm>>
          %dma_start3A_88 = tpu.memref_squeeze %dma_start3A_87 : memref<1x16x128xi32, #tpu.memory_space<hbm>> -> memref<16x128xi32, #tpu.memory_space<hbm>>
          %dma_start3A_89 = arith.constant 0 : i32
          %dma_start3A_90 = tpu.memref_slice %arg3[%arg1, %add3A_57, %dma_start3A_89] : memref<16x160x128xi32, #tpu.memory_space<hbm>> -> memref<1x16x128xi32, #tpu.memory_space<hbm>>
          %dma_start3A_91 = tpu.memref_squeeze %dma_start3A_90 : memref<1x16x128xi32, #tpu.memory_space<hbm>> -> memref<16x128xi32, #tpu.memory_space<hbm>>
          tpu.enqueue_dma source(%dma_start3A_91 : memref<16x128xi32, #tpu.memory_space<hbm>>) target(%arg6 : memref<16x128xi32, #tpu.memory_space<vmem>>) target_semaphore(%run_scoped3A : memref<!tpu.dma_semaphore, #tpu.memory_space<semaphore_mem>>)
          %dma_wait3A_92 = arith.constant 0 : i32
          %dma_wait3A_93 = tpu.memref_slice %arg3[%arg1, %add3A_57, %dma_wait3A_92] : memref<16x160x128xi32, #tpu.memory_space<hbm>> -> memref<1x16x128xi32, #tpu.memory_space<hbm>>
          %dma_wait3A_94 = tpu.memref_squeeze %dma_wait3A_93 : memref<1x16x128xi32, #tpu.memory_space<hbm>> -> memref<16x128xi32, #tpu.memory_space<hbm>>
          %dma_wait3A_95 = arith.constant 0 : i32
          %dma_wait3A_96 = tpu.memref_slice %arg3[%arg1, %add3A_57, %dma_wait3A_95] : memref<16x160x128xi32, #tpu.memory_space<hbm>> -> memref<1x16x128xi32, #tpu.memory_space<hbm>>
          %dma_wait3A_97 = tpu.memref_squeeze %dma_wait3A_96 : memref<1x16x128xi32, #tpu.memory_space<hbm>> -> memref<16x128xi32, #tpu.memory_space<hbm>>
          tpu.wait_dma2 semaphore(%run_scoped3A : memref<!tpu.dma_semaphore, #tpu.memory_space<semaphore_mem>>) src(%dma_wait3A_97 : memref<16x128xi32, #tpu.memory_space<hbm>>) dst(%arg6 : memref<16x128xi32, #tpu.memory_space<vmem>>)
          tpu.yield
        }) : () -> ()
        %mul3A_58 = arith.constant 16 : i32
        %mul3A_59 = arith.muli %scan3A_53, %mul3A_58 : i32
        %add3A_60 = arith.addi %mul3A_0, %mul3A_59 : i32
        "tpu.region"() ({
          %run_scoped3A = tpu.sem_alloc : memref<!tpu.dma_semaphore, #tpu.memory_space<semaphore_mem>>
          %dma_start3A_86 = arith.constant 0 : i32
          %dma_start3A_87 = tpu.memref_slice %arg4[%arg1, %add3A_60, %dma_start3A_86] : memref<16x160x128xi32, #tpu.memory_space<hbm>> -> memref<1x16x128xi32, #tpu.memory_space<hbm>>
          %dma_start3A_88 = tpu.memref_squeeze %dma_start3A_87 : memref<1x16x128xi32, #tpu.memory_space<hbm>> -> memref<16x128xi32, #tpu.memory_space<hbm>>
          %dma_start3A_89 = arith.constant 0 : i32
          %dma_start3A_90 = tpu.memref_slice %arg4[%arg1, %add3A_60, %dma_start3A_89] : memref<16x160x128xi32, #tpu.memory_space<hbm>> -> memref<1x16x128xi32, #tpu.memory_space<hbm>>
          %dma_start3A_91 = tpu.memref_squeeze %dma_start3A_90 : memref<1x16x128xi32, #tpu.memory_space<hbm>> -> memref<16x128xi32, #tpu.memory_space<hbm>>
          tpu.enqueue_dma source(%dma_start3A_91 : memref<16x128xi32, #tpu.memory_space<hbm>>) target(%arg7 : memref<16x128xi32, #tpu.memory_space<vmem>>) target_semaphore(%run_scoped3A : memref<!tpu.dma_semaphore, #tpu.memory_space<semaphore_mem>>)
          %dma_wait3A_92 = arith.constant 0 : i32
          %dma_wait3A_93 = tpu.memref_slice %arg4[%arg1, %add3A_60, %dma_wait3A_92] : memref<16x160x128xi32, #tpu.memory_space<hbm>> -> memref<1x16x128xi32, #tpu.memory_space<hbm>>
          %dma_wait3A_94 = tpu.memref_squeeze %dma_wait3A_93 : memref<1x16x128xi32, #tpu.memory_space<hbm>> -> memref<16x128xi32, #tpu.memory_space<hbm>>
          %dma_wait3A_95 = arith.constant 0 : i32
          %dma_wait3A_96 = tpu.memref_slice %arg4[%arg1, %add3A_60, %dma_wait3A_95] : memref<16x160x128xi32, #tpu.memory_space<hbm>> -> memref<1x16x128xi32, #tpu.memory_space<hbm>>
          %dma_wait3A_97 = tpu.memref_squeeze %dma_wait3A_96 : memref<1x16x128xi32, #tpu.memory_space<hbm>> -> memref<16x128xi32, #tpu.memory_space<hbm>>
          tpu.wait_dma2 semaphore(%run_scoped3A : memref<!tpu.dma_semaphore, #tpu.memory_space<semaphore_mem>>) src(%dma_wait3A_97 : memref<16x128xi32, #tpu.memory_space<hbm>>) dst(%arg7 : memref<16x128xi32, #tpu.memory_space<vmem>>)
          tpu.yield
        }) : () -> ()
        %dma_start3A = arith.constant 0 : i32
        %dma_start3A_61 = arith.constant 0 : i32
        %dma_start3A_62 = tpu.memref_slice %arg6[%dma_start3A, %dma_start3A_61] : memref<16x128xi32, #tpu.memory_space<vmem>> -> memref<1x128xi32, #tpu.memory_space<vmem>>
        %dma_start3A_63 = tpu.memref_squeeze %dma_start3A_62 : memref<1x128xi32, #tpu.memory_space<vmem>> -> memref<128xi32, #tpu.memory_space<vmem>>
        %dma_start3A_64 = arith.constant 0 : i32
        %dma_start3A_65 = arith.constant 0 : i32
        %dma_start3A_66 = tpu.memref_slice %arg2[%dma_start3A_64, %dma_start3A_65] : memref<10240x128xf32, #tpu.memory_space<hbm>> -> memref<10240x128xf32, #tpu.memory_space<hbm>>
        tpu.enqueue_indirect_dma source(%dma_start3A_66 : memref<10240x128xf32, #tpu.memory_space<hbm>>) target(%arg8 : memref<128x128xf32, #tpu.memory_space<vmem>>) offsets(%dma_start3A_63 : memref<128xi32, #tpu.memory_space<vmem>>) semaphore(%arg11 : memref<!tpu.dma_semaphore, #tpu.memory_space<semaphore_mem>>)
        %scan3A_67 = arith.constant 0 : i32
        %scan3A_68 = arith.constant 0 : i32
        %scan3A_69 = arith.constant 8 : i32
        %scan3A_70 = arith.addi %scan3A_68, %scan3A_69 : i32
        %scan3A_71 = arith.constant 1 : i32
        %scan3A_72 = scf.for %scan3A_86 = %scan3A_68 to %scan3A_70 step %scan3A_71 iter_args(%scan3A_87 = %scan3A_67) -> (i32)  : i32 {
          %mul3A_88 = arith.constant 2 : i32
          %mul3A_89 = arith.muli %mul3A_88, %scan3A_86 : i32
          %gt3A = arith.constant 0 : i32
          %gt3A_90 = arith.cmpi sgt, %scan3A_86, %gt3A : i32
          %convert_element_type3A_91 = arith.extui %gt3A_90 : i1 to i32
          %cond3A_92 = arith.constant 0 : i32
          %cond3A_93 = arith.cmpi ne, %convert_element_type3A_91, %cond3A_92 : i32
          scf.if %cond3A_93 {
            %dma_wait3A_135 = arith.constant 0 : i32
            %dma_wait3A_136 = arith.constant 0 : i32
            %dma_wait3A_137 = tpu.memref_slice %arg2[%dma_wait3A_135, %dma_wait3A_136] : memref<10240x128xf32, #tpu.memory_space<hbm>> -> memref<128x128xf32, #tpu.memory_space<hbm>>
            %dma_wait3A_138 = arith.constant 0 : i32
            %dma_wait3A_139 = arith.constant 0 : i32
            %dma_wait3A_140 = tpu.memref_slice %arg2[%dma_wait3A_138, %dma_wait3A_139] : memref<10240x128xf32, #tpu.memory_space<hbm>> -> memref<128x128xf32, #tpu.memory_space<hbm>>
            tpu.wait_dma2 semaphore(%arg14 : memref<!tpu.dma_semaphore, #tpu.memory_space<semaphore_mem>>) src(%dma_wait3A_140 : memref<128x128xf32, #tpu.memory_space<hbm>>) dst(%arg9 : memref<128x128xf32, #tpu.memory_space<vmem>>)
          } else {
          }
          %add3A_94 = arith.constant 1 : i32
          %add3A_95 = arith.addi %mul3A_89, %add3A_94 : i32
          %dma_start3A_96 = arith.constant 0 : i32
          %dma_start3A_97 = tpu.memref_slice %arg6[%add3A_95, %dma_start3A_96] : memref<16x128xi32, #tpu.memory_space<vmem>> -> memref<1x128xi32, #tpu.memory_space<vmem>>
          %dma_start3A_98 = tpu.memref_squeeze %dma_start3A_97 : memref<1x128xi32, #tpu.memory_space<vmem>> -> memref<128xi32, #tpu.memory_space<vmem>>
          %dma_start3A_99 = arith.constant 0 : i32
          %dma_start3A_100 = arith.constant 0 : i32
          %dma_start3A_101 = tpu.memref_slice %arg2[%dma_start3A_99, %dma_start3A_100] : memref<10240x128xf32, #tpu.memory_space<hbm>> -> memref<10240x128xf32, #tpu.memory_space<hbm>>
          tpu.enqueue_indirect_dma source(%dma_start3A_101 : memref<10240x128xf32, #tpu.memory_space<hbm>>) target(%arg9 : memref<128x128xf32, #tpu.memory_space<vmem>>) offsets(%dma_start3A_98 : memref<128xi32, #tpu.memory_space<vmem>>) semaphore(%arg12 : memref<!tpu.dma_semaphore, #tpu.memory_space<semaphore_mem>>)
          %dma_wait3A_102 = arith.constant 0 : i32
          %dma_wait3A_103 = arith.constant 0 : i32
          %dma_wait3A_104 = tpu.memref_slice %arg2[%dma_wait3A_102, %dma_wait3A_103] : memref<10240x128xf32, #tpu.memory_space<hbm>> -> memref<128x128xf32, #tpu.memory_space<hbm>>
          %dma_wait3A_105 = arith.constant 0 : i32
          %dma_wait3A_106 = arith.constant 0 : i32
          %dma_wait3A_107 = tpu.memref_slice %arg2[%dma_wait3A_105, %dma_wait3A_106] : memref<10240x128xf32, #tpu.memory_space<hbm>> -> memref<128x128xf32, #tpu.memory_space<hbm>>
          tpu.wait_dma2 semaphore(%arg11 : memref<!tpu.dma_semaphore, #tpu.memory_space<semaphore_mem>>) src(%dma_wait3A_107 : memref<128x128xf32, #tpu.memory_space<hbm>>) dst(%arg8 : memref<128x128xf32, #tpu.memory_space<vmem>>)
          %dma_start3A_108 = arith.constant 0 : i32
          %dma_start3A_109 = tpu.memref_slice %arg7[%mul3A_89, %dma_start3A_108] : memref<16x128xi32, #tpu.memory_space<vmem>> -> memref<1x128xi32, #tpu.memory_space<vmem>>
          %dma_start3A_110 = tpu.memref_squeeze %dma_start3A_109 : memref<1x128xi32, #tpu.memory_space<vmem>> -> memref<128xi32, #tpu.memory_space<vmem>>
          %dma_start3A_111 = arith.constant 0 : i32
          %dma_start3A_112 = arith.constant 0 : i32
          %dma_start3A_113 = tpu.memref_slice %arg10[%dma_start3A_111, %dma_start3A_112] : memref<10240x128xf32, #tpu.memory_space<vmem_shared>> -> memref<10240x128xf32, #tpu.memory_space<vmem_shared>>
          tpu.enqueue_indirect_dma source(%arg8 : memref<128x128xf32, #tpu.memory_space<vmem>>) target(%dma_start3A_113 : memref<10240x128xf32, #tpu.memory_space<vmem_shared>>) offsets(%dma_start3A_110 : memref<128xi32, #tpu.memory_space<vmem>>) semaphore(%arg13 : memref<!tpu.dma_semaphore, #tpu.memory_space<semaphore_mem>>) {add = true}
          %add3A_114 = arith.constant 2 : i32
          %add3A_115 = arith.addi %mul3A_89, %add3A_114 : i32
          %lt3A = arith.constant 16 : i32
          %lt3A_116 = arith.cmpi slt, %add3A_115, %lt3A : i32
          %convert_element_type3A_117 = arith.extui %lt3A_116 : i1 to i32
          %cond3A_118 = arith.constant 0 : i32
          %cond3A_119 = arith.cmpi ne, %convert_element_type3A_117, %cond3A_118 : i32
          scf.if %cond3A_119 {
            %dma_wait3A_135 = arith.constant 0 : i32
            %dma_wait3A_136 = arith.constant 0 : i32
            %dma_wait3A_137 = tpu.memref_slice %arg2[%dma_wait3A_135, %dma_wait3A_136] : memref<10240x128xf32, #tpu.memory_space<hbm>> -> memref<128x128xf32, #tpu.memory_space<hbm>>
            %dma_wait3A_138 = arith.constant 0 : i32
            %dma_wait3A_139 = arith.constant 0 : i32
            %dma_wait3A_140 = tpu.memref_slice %arg2[%dma_wait3A_138, %dma_wait3A_139] : memref<10240x128xf32, #tpu.memory_space<hbm>> -> memref<128x128xf32, #tpu.memory_space<hbm>>
            tpu.wait_dma2 semaphore(%arg13 : memref<!tpu.dma_semaphore, #tpu.memory_space<semaphore_mem>>) src(%dma_wait3A_140 : memref<128x128xf32, #tpu.memory_space<hbm>>) dst(%arg8 : memref<128x128xf32, #tpu.memory_space<vmem>>)
            %add3A_141 = arith.constant 2 : i32
            %add3A_142 = arith.addi %mul3A_89, %add3A_141 : i32
            %dma_start3A_143 = arith.constant 0 : i32
            %dma_start3A_144 = tpu.memref_slice %arg6[%add3A_142, %dma_start3A_143] : memref<16x128xi32, #tpu.memory_space<vmem>> -> memref<1x128xi32, #tpu.memory_space<vmem>>
            %dma_start3A_145 = tpu.memref_squeeze %dma_start3A_144 : memref<1x128xi32, #tpu.memory_space<vmem>> -> memref<128xi32, #tpu.memory_space<vmem>>
            %dma_start3A_146 = arith.constant 0 : i32
            %dma_start3A_147 = arith.constant 0 : i32
            %dma_start3A_148 = tpu.memref_slice %arg2[%dma_start3A_146, %dma_start3A_147] : memref<10240x128xf32, #tpu.memory_space<hbm>> -> memref<10240x128xf32, #tpu.memory_space<hbm>>
            tpu.enqueue_indirect_dma source(%dma_start3A_148 : memref<10240x128xf32, #tpu.memory_space<hbm>>) target(%arg8 : memref<128x128xf32, #tpu.memory_space<vmem>>) offsets(%dma_start3A_145 : memref<128xi32, #tpu.memory_space<vmem>>) semaphore(%arg11 : memref<!tpu.dma_semaphore, #tpu.memory_space<semaphore_mem>>)
          } else {
          }
          %dma_wait3A_120 = arith.constant 0 : i32
          %dma_wait3A_121 = arith.constant 0 : i32
          %dma_wait3A_122 = tpu.memref_slice %arg2[%dma_wait3A_120, %dma_wait3A_121] : memref<10240x128xf32, #tpu.memory_space<hbm>> -> memref<128x128xf32, #tpu.memory_space<hbm>>
          %dma_wait3A_123 = arith.constant 0 : i32
          %dma_wait3A_124 = arith.constant 0 : i32
          %dma_wait3A_125 = tpu.memref_slice %arg2[%dma_wait3A_123, %dma_wait3A_124] : memref<10240x128xf32, #tpu.memory_space<hbm>> -> memref<128x128xf32, #tpu.memory_space<hbm>>
          tpu.wait_dma2 semaphore(%arg12 : memref<!tpu.dma_semaphore, #tpu.memory_space<semaphore_mem>>) src(%dma_wait3A_125 : memref<128x128xf32, #tpu.memory_space<hbm>>) dst(%arg9 : memref<128x128xf32, #tpu.memory_space<vmem>>)
          %add3A_126 = arith.constant 1 : i32
          %add3A_127 = arith.addi %mul3A_89, %add3A_126 : i32
          %dma_start3A_128 = arith.constant 0 : i32
          %dma_start3A_129 = tpu.memref_slice %arg7[%add3A_127, %dma_start3A_128] : memref<16x128xi32, #tpu.memory_space<vmem>> -> memref<1x128xi32, #tpu.memory_space<vmem>>
          %dma_start3A_130 = tpu.memref_squeeze %dma_start3A_129 : memref<1x128xi32, #tpu.memory_space<vmem>> -> memref<128xi32, #tpu.memory_space<vmem>>
          %dma_start3A_131 = arith.constant 0 : i32
          %dma_start3A_132 = arith.constant 0 : i32
          %dma_start3A_133 = tpu.memref_slice %arg10[%dma_start3A_131, %dma_start3A_132] : memref<10240x128xf32, #tpu.memory_space<vmem_shared>> -> memref<10240x128xf32, #tpu.memory_space<vmem_shared>>
          tpu.enqueue_indirect_dma source(%arg9 : memref<128x128xf32, #tpu.memory_space<vmem>>) target(%dma_start3A_133 : memref<10240x128xf32, #tpu.memory_space<vmem_shared>>) offsets(%dma_start3A_130 : memref<128xi32, #tpu.memory_space<vmem>>) semaphore(%arg14 : memref<!tpu.dma_semaphore, #tpu.memory_space<semaphore_mem>>) {add = true}
          %scan3A_134 = arith.constant 0 : i32
          scf.yield %scan3A_134 : i32
        }
        %scan3A_73 = arith.constant 8 : i32
        %dma_wait3A = arith.constant 0 : i32
        %dma_wait3A_74 = arith.constant 0 : i32
        %dma_wait3A_75 = tpu.memref_slice %arg2[%dma_wait3A, %dma_wait3A_74] : memref<10240x128xf32, #tpu.memory_space<hbm>> -> memref<128x128xf32, #tpu.memory_space<hbm>>
        %dma_wait3A_76 = arith.constant 0 : i32
        %dma_wait3A_77 = arith.constant 0 : i32
        %dma_wait3A_78 = tpu.memref_slice %arg2[%dma_wait3A_76, %dma_wait3A_77] : memref<10240x128xf32, #tpu.memory_space<hbm>> -> memref<128x128xf32, #tpu.memory_space<hbm>>
        tpu.wait_dma2 semaphore(%arg13 : memref<!tpu.dma_semaphore, #tpu.memory_space<semaphore_mem>>) src(%dma_wait3A_78 : memref<128x128xf32, #tpu.memory_space<hbm>>) dst(%arg8 : memref<128x128xf32, #tpu.memory_space<vmem>>)
        %dma_wait3A_79 = arith.constant 0 : i32
        %dma_wait3A_80 = arith.constant 0 : i32
        %dma_wait3A_81 = tpu.memref_slice %arg2[%dma_wait3A_79, %dma_wait3A_80] : memref<10240x128xf32, #tpu.memory_space<hbm>> -> memref<128x128xf32, #tpu.memory_space<hbm>>
        %dma_wait3A_82 = arith.constant 0 : i32
        %dma_wait3A_83 = arith.constant 0 : i32
        %dma_wait3A_84 = tpu.memref_slice %arg2[%dma_wait3A_82, %dma_wait3A_83] : memref<10240x128xf32, #tpu.memory_space<hbm>> -> memref<128x128xf32, #tpu.memory_space<hbm>>
        tpu.wait_dma2 semaphore(%arg14 : memref<!tpu.dma_semaphore, #tpu.memory_space<semaphore_mem>>) src(%dma_wait3A_84 : memref<128x128xf32, #tpu.memory_space<hbm>>) dst(%arg9 : memref<128x128xf32, #tpu.memory_space<vmem>>)
        %scan3A_85 = arith.constant 0 : i32
        scf.yield %scan3A_85 : i32
      }
      %scan3A_52 = arith.constant 2 : i32
    } else {
    }
    %barrier3A_25 = arith.constant 0 : index
    tpu.barrier barrier_id(%barrier3A_25)
    %add3A_26 = arith.constant 0 : i32
    %add3A_27 = arith.addi %mul3A_8, %add3A_26 : i32
    "tpu.region"() ({
      %run_scoped3A = tpu.sem_alloc : memref<!tpu.dma_semaphore, #tpu.memory_space<semaphore_mem>>
      %dma_start3A = arith.constant 0 : i32
      %dma_start3A_46 = tpu.memref_slice %arg10[%add3A_27, %dma_start3A] : memref<10240x128xf32, #tpu.memory_space<vmem_shared>> -> memref<128x128xf32, #tpu.memory_space<vmem_shared>>
      %dma_start3A_47 = arith.constant 0 : i32
      %dma_start3A_48 = tpu.memref_slice %arg10[%add3A_27, %dma_start3A_47] : memref<10240x128xf32, #tpu.memory_space<vmem_shared>> -> memref<128x128xf32, #tpu.memory_space<vmem_shared>>
      tpu.enqueue_dma source(%dma_start3A_48 : memref<128x128xf32, #tpu.memory_space<vmem_shared>>) target(%arg8 : memref<128x128xf32, #tpu.memory_space<vmem>>) target_semaphore(%run_scoped3A : memref<!tpu.dma_semaphore, #tpu.memory_space<semaphore_mem>>)
      %dma_wait3A = arith.constant 0 : i32
      %dma_wait3A_49 = tpu.memref_slice %arg10[%add3A_27, %dma_wait3A] : memref<10240x128xf32, #tpu.memory_space<vmem_shared>> -> memref<128x128xf32, #tpu.memory_space<vmem_shared>>
      %dma_wait3A_50 = arith.constant 0 : i32
      %dma_wait3A_51 = tpu.memref_slice %arg10[%add3A_27, %dma_wait3A_50] : memref<10240x128xf32, #tpu.memory_space<vmem_shared>> -> memref<128x128xf32, #tpu.memory_space<vmem_shared>>
      tpu.wait_dma2 semaphore(%run_scoped3A : memref<!tpu.dma_semaphore, #tpu.memory_space<semaphore_mem>>) src(%dma_wait3A_51 : memref<128x128xf32, #tpu.memory_space<vmem_shared>>) dst(%arg8 : memref<128x128xf32, #tpu.memory_space<vmem>>)
      tpu.yield
    }) : () -> ()
    %add3A_28 = arith.constant 0 : i32
    %add3A_29 = arith.addi %mul3A_8, %add3A_28 : i32
    "tpu.region"() ({
      %run_scoped3A = tpu.sem_alloc : memref<!tpu.dma_semaphore, #tpu.memory_space<semaphore_mem>>
      %dma_start3A = arith.constant 0 : i32
      %dma_start3A_46 = tpu.memref_slice %arg5[%arg0, %add3A_29, %dma_start3A] : memref<2x10240x128xf32, #tpu.memory_space<hbm>> -> memref<1x128x128xf32, #tpu.memory_space<hbm>>
      %dma_start3A_47 = tpu.memref_squeeze %dma_start3A_46 : memref<1x128x128xf32, #tpu.memory_space<hbm>> -> memref<128x128xf32, #tpu.memory_space<hbm>>
      %dma_start3A_48 = arith.constant 0 : i32
      %dma_start3A_49 = tpu.memref_slice %arg5[%arg0, %add3A_29, %dma_start3A_48] : memref<2x10240x128xf32, #tpu.memory_space<hbm>> -> memref<1x128x128xf32, #tpu.memory_space<hbm>>
      %dma_start3A_50 = tpu.memref_squeeze %dma_start3A_49 : memref<1x128x128xf32, #tpu.memory_space<hbm>> -> memref<128x128xf32, #tpu.memory_space<hbm>>
      tpu.enqueue_dma source(%arg8 : memref<128x128xf32, #tpu.memory_space<vmem>>) target(%dma_start3A_50 : memref<128x128xf32, #tpu.memory_space<hbm>>) target_semaphore(%run_scoped3A : memref<!tpu.dma_semaphore, #tpu.memory_space<semaphore_mem>>)
      %dma_wait3A = arith.constant 0 : i32
      %dma_wait3A_51 = tpu.memref_slice %arg5[%arg0, %add3A_29, %dma_wait3A] : memref<2x10240x128xf32, #tpu.memory_space<hbm>> -> memref<1x128x128xf32, #tpu.memory_space<hbm>>
      %dma_wait3A_52 = tpu.memref_squeeze %dma_wait3A_51 : memref<1x128x128xf32, #tpu.memory_space<hbm>> -> memref<128x128xf32, #tpu.memory_space<hbm>>
      %dma_wait3A_53 = arith.constant 0 : i32
      %dma_wait3A_54 = tpu.memref_slice %arg5[%arg0, %add3A_29, %dma_wait3A_53] : memref<2x10240x128xf32, #tpu.memory_space<hbm>> -> memref<1x128x128xf32, #tpu.memory_space<hbm>>
      %dma_wait3A_55 = tpu.memref_squeeze %dma_wait3A_54 : memref<1x128x128xf32, #tpu.memory_space<hbm>> -> memref<128x128xf32, #tpu.memory_space<hbm>>
      tpu.wait_dma2 semaphore(%run_scoped3A : memref<!tpu.dma_semaphore, #tpu.memory_space<semaphore_mem>>) src(%arg8 : memref<128x128xf32, #tpu.memory_space<vmem>>) dst(%dma_wait3A_55 : memref<128x128xf32, #tpu.memory_space<hbm>>)
      tpu.yield
    }) : () -> ()
    %add3A_30 = arith.constant 128 : i32
    %add3A_31 = arith.addi %mul3A_8, %add3A_30 : i32
    "tpu.region"() ({
      %run_scoped3A = tpu.sem_alloc : memref<!tpu.dma_semaphore, #tpu.memory_space<semaphore_mem>>
      %dma_start3A = arith.constant 0 : i32
      %dma_start3A_46 = tpu.memref_slice %arg10[%add3A_31, %dma_start3A] : memref<10240x128xf32, #tpu.memory_space<vmem_shared>> -> memref<128x128xf32, #tpu.memory_space<vmem_shared>>
      %dma_start3A_47 = arith.constant 0 : i32
      %dma_start3A_48 = tpu.memref_slice %arg10[%add3A_31, %dma_start3A_47] : memref<10240x128xf32, #tpu.memory_space<vmem_shared>> -> memref<128x128xf32, #tpu.memory_space<vmem_shared>>
      tpu.enqueue_dma source(%dma_start3A_48 : memref<128x128xf32, #tpu.memory_space<vmem_shared>>) target(%arg8 : memref<128x128xf32, #tpu.memory_space<vmem>>) target_semaphore(%run_scoped3A : memref<!tpu.dma_semaphore, #tpu.memory_space<semaphore_mem>>)
      %dma_wait3A = arith.constant 0 : i32
      %dma_wait3A_49 = tpu.memref_slice %arg10[%add3A_31, %dma_wait3A] : memref<10240x128xf32, #tpu.memory_space<vmem_shared>> -> memref<128x128xf32, #tpu.memory_space<vmem_shared>>
      %dma_wait3A_50 = arith.constant 0 : i32
      %dma_wait3A_51 = tpu.memref_slice %arg10[%add3A_31, %dma_wait3A_50] : memref<10240x128xf32, #tpu.memory_space<vmem_shared>> -> memref<128x128xf32, #tpu.memory_space<vmem_shared>>
      tpu.wait_dma2 semaphore(%run_scoped3A : memref<!tpu.dma_semaphore, #tpu.memory_space<semaphore_mem>>) src(%dma_wait3A_51 : memref<128x128xf32, #tpu.memory_space<vmem_shared>>) dst(%arg8 : memref<128x128xf32, #tpu.memory_space<vmem>>)
      tpu.yield
    }) : () -> ()
    %add3A_32 = arith.constant 128 : i32
    %add3A_33 = arith.addi %mul3A_8, %add3A_32 : i32
    "tpu.region"() ({
      %run_scoped3A = tpu.sem_alloc : memref<!tpu.dma_semaphore, #tpu.memory_space<semaphore_mem>>
      %dma_start3A = arith.constant 0 : i32
      %dma_start3A_46 = tpu.memref_slice %arg5[%arg0, %add3A_33, %dma_start3A] : memref<2x10240x128xf32, #tpu.memory_space<hbm>> -> memref<1x128x128xf32, #tpu.memory_space<hbm>>
      %dma_start3A_47 = tpu.memref_squeeze %dma_start3A_46 : memref<1x128x128xf32, #tpu.memory_space<hbm>> -> memref<128x128xf32, #tpu.memory_space<hbm>>
      %dma_start3A_48 = arith.constant 0 : i32
      %dma_start3A_49 = tpu.memref_slice %arg5[%arg0, %add3A_33, %dma_start3A_48] : memref<2x10240x128xf32, #tpu.memory_space<hbm>> -> memref<1x128x128xf32, #tpu.memory_space<hbm>>
      %dma_start3A_50 = tpu.memref_squeeze %dma_start3A_49 : memref<1x128x128xf32, #tpu.memory_space<hbm>> -> memref<128x128xf32, #tpu.memory_space<hbm>>
      tpu.enqueue_dma source(%arg8 : memref<128x128xf32, #tpu.memory_space<vmem>>) target(%dma_start3A_50 : memref<128x128xf32, #tpu.memory_space<hbm>>) target_semaphore(%run_scoped3A : memref<!tpu.dma_semaphore, #tpu.memory_space<semaphore_mem>>)
      %dma_wait3A = arith.constant 0 : i32
      %dma_wait3A_51 = tpu.memref_slice %arg5[%arg0, %add3A_33, %dma_wait3A] : memref<2x10240x128xf32, #tpu.memory_space<hbm>> -> memref<1x128x128xf32, #tpu.memory_space<hbm>>
      %dma_wait3A_52 = tpu.memref_squeeze %dma_wait3A_51 : memref<1x128x128xf32, #tpu.memory_space<hbm>> -> memref<128x128xf32, #tpu.memory_space<hbm>>
      %dma_wait3A_53 = arith.constant 0 : i32
      %dma_wait3A_54 = tpu.memref_slice %arg5[%arg0, %add3A_33, %dma_wait3A_53] : memref<2x10240x128xf32, #tpu.memory_space<hbm>> -> memref<1x128x128xf32, #tpu.memory_space<hbm>>
      %dma_wait3A_55 = tpu.memref_squeeze %dma_wait3A_54 : memref<1x128x128xf32, #tpu.memory_space<hbm>> -> memref<128x128xf32, #tpu.memory_space<hbm>>
      tpu.wait_dma2 semaphore(%run_scoped3A : memref<!tpu.dma_semaphore, #tpu.memory_space<semaphore_mem>>) src(%arg8 : memref<128x128xf32, #tpu.memory_space<vmem>>) dst(%dma_wait3A_55 : memref<128x128xf32, #tpu.memory_space<hbm>>)
      tpu.yield
    }) : () -> ()
    %add3A_34 = arith.constant 256 : i32
    %add3A_35 = arith.addi %mul3A_8, %add3A_34 : i32
    "tpu.region"() ({
      %run_scoped3A = tpu.sem_alloc : memref<!tpu.dma_semaphore, #tpu.memory_space<semaphore_mem>>
      %dma_start3A = arith.constant 0 : i32
      %dma_start3A_46 = tpu.memref_slice %arg10[%add3A_35, %dma_start3A] : memref<10240x128xf32, #tpu.memory_space<vmem_shared>> -> memref<128x128xf32, #tpu.memory_space<vmem_shared>>
      %dma_start3A_47 = arith.constant 0 : i32
      %dma_start3A_48 = tpu.memref_slice %arg10[%add3A_35, %dma_start3A_47] : memref<10240x128xf32, #tpu.memory_space<vmem_shared>> -> memref<128x128xf32, #tpu.memory_space<vmem_shared>>
      tpu.enqueue_dma source(%dma_start3A_48 : memref<128x128xf32, #tpu.memory_space<vmem_shared>>) target(%arg8 : memref<128x128xf32, #tpu.memory_space<vmem>>) target_semaphore(%run_scoped3A : memref<!tpu.dma_semaphore, #tpu.memory_space<semaphore_mem>>)
      %dma_wait3A = arith.constant 0 : i32
      %dma_wait3A_49 = tpu.memref_slice %arg10[%add3A_35, %dma_wait3A] : memref<10240x128xf32, #tpu.memory_space<vmem_shared>> -> memref<128x128xf32, #tpu.memory_space<vmem_shared>>
      %dma_wait3A_50 = arith.constant 0 : i32
      %dma_wait3A_51 = tpu.memref_slice %arg10[%add3A_35, %dma_wait3A_50] : memref<10240x128xf32, #tpu.memory_space<vmem_shared>> -> memref<128x128xf32, #tpu.memory_space<vmem_shared>>
      tpu.wait_dma2 semaphore(%run_scoped3A : memref<!tpu.dma_semaphore, #tpu.memory_space<semaphore_mem>>) src(%dma_wait3A_51 : memref<128x128xf32, #tpu.memory_space<vmem_shared>>) dst(%arg8 : memref<128x128xf32, #tpu.memory_space<vmem>>)
      tpu.yield
    }) : () -> ()
    %add3A_36 = arith.constant 256 : i32
    %add3A_37 = arith.addi %mul3A_8, %add3A_36 : i32
    "tpu.region"() ({
      %run_scoped3A = tpu.sem_alloc : memref<!tpu.dma_semaphore, #tpu.memory_space<semaphore_mem>>
      %dma_start3A = arith.constant 0 : i32
      %dma_start3A_46 = tpu.memref_slice %arg5[%arg0, %add3A_37, %dma_start3A] : memref<2x10240x128xf32, #tpu.memory_space<hbm>> -> memref<1x128x128xf32, #tpu.memory_space<hbm>>
      %dma_start3A_47 = tpu.memref_squeeze %dma_start3A_46 : memref<1x128x128xf32, #tpu.memory_space<hbm>> -> memref<128x128xf32, #tpu.memory_space<hbm>>
      %dma_start3A_48 = arith.constant 0 : i32
      %dma_start3A_49 = tpu.memref_slice %arg5[%arg0, %add3A_37, %dma_start3A_48] : memref<2x10240x128xf32, #tpu.memory_space<hbm>> -> memref<1x128x128xf32, #tpu.memory_space<hbm>>
      %dma_start3A_50 = tpu.memref_squeeze %dma_start3A_49 : memref<1x128x128xf32, #tpu.memory_space<hbm>> -> memref<128x128xf32, #tpu.memory_space<hbm>>
      tpu.enqueue_dma source(%arg8 : memref<128x128xf32, #tpu.memory_space<vmem>>) target(%dma_start3A_50 : memref<128x128xf32, #tpu.memory_space<hbm>>) target_semaphore(%run_scoped3A : memref<!tpu.dma_semaphore, #tpu.memory_space<semaphore_mem>>)
      %dma_wait3A = arith.constant 0 : i32
      %dma_wait3A_51 = tpu.memref_slice %arg5[%arg0, %add3A_37, %dma_wait3A] : memref<2x10240x128xf32, #tpu.memory_space<hbm>> -> memref<1x128x128xf32, #tpu.memory_space<hbm>>
      %dma_wait3A_52 = tpu.memref_squeeze %dma_wait3A_51 : memref<1x128x128xf32, #tpu.memory_space<hbm>> -> memref<128x128xf32, #tpu.memory_space<hbm>>
      %dma_wait3A_53 = arith.constant 0 : i32
      %dma_wait3A_54 = tpu.memref_slice %arg5[%arg0, %add3A_37, %dma_wait3A_53] : memref<2x10240x128xf32, #tpu.memory_space<hbm>> -> memref<1x128x128xf32, #tpu.memory_space<hbm>>
      %dma_wait3A_55 = tpu.memref_squeeze %dma_wait3A_54 : memref<1x128x128xf32, #tpu.memory_space<hbm>> -> memref<128x128xf32, #tpu.memory_space<hbm>>
      tpu.wait_dma2 semaphore(%run_scoped3A : memref<!tpu.dma_semaphore, #tpu.memory_space<semaphore_mem>>) src(%arg8 : memref<128x128xf32, #tpu.memory_space<vmem>>) dst(%dma_wait3A_55 : memref<128x128xf32, #tpu.memory_space<hbm>>)
      tpu.yield
    }) : () -> ()
    %add3A_38 = arith.constant 384 : i32
    %add3A_39 = arith.addi %mul3A_8, %add3A_38 : i32
    "tpu.region"() ({
      %run_scoped3A = tpu.sem_alloc : memref<!tpu.dma_semaphore, #tpu.memory_space<semaphore_mem>>
      %dma_start3A = arith.constant 0 : i32
      %dma_start3A_46 = tpu.memref_slice %arg10[%add3A_39, %dma_start3A] : memref<10240x128xf32, #tpu.memory_space<vmem_shared>> -> memref<128x128xf32, #tpu.memory_space<vmem_shared>>
      %dma_start3A_47 = arith.constant 0 : i32
      %dma_start3A_48 = tpu.memref_slice %arg10[%add3A_39, %dma_start3A_47] : memref<10240x128xf32, #tpu.memory_space<vmem_shared>> -> memref<128x128xf32, #tpu.memory_space<vmem_shared>>
      tpu.enqueue_dma source(%dma_start3A_48 : memref<128x128xf32, #tpu.memory_space<vmem_shared>>) target(%arg8 : memref<128x128xf32, #tpu.memory_space<vmem>>) target_semaphore(%run_scoped3A : memref<!tpu.dma_semaphore, #tpu.memory_space<semaphore_mem>>)
      %dma_wait3A = arith.constant 0 : i32
      %dma_wait3A_49 = tpu.memref_slice %arg10[%add3A_39, %dma_wait3A] : memref<10240x128xf32, #tpu.memory_space<vmem_shared>> -> memref<128x128xf32, #tpu.memory_space<vmem_shared>>
      %dma_wait3A_50 = arith.constant 0 : i32
      %dma_wait3A_51 = tpu.memref_slice %arg10[%add3A_39, %dma_wait3A_50] : memref<10240x128xf32, #tpu.memory_space<vmem_shared>> -> memref<128x128xf32, #tpu.memory_space<vmem_shared>>
      tpu.wait_dma2 semaphore(%run_scoped3A : memref<!tpu.dma_semaphore, #tpu.memory_space<semaphore_mem>>) src(%dma_wait3A_51 : memref<128x128xf32, #tpu.memory_space<vmem_shared>>) dst(%arg8 : memref<128x128xf32, #tpu.memory_space<vmem>>)
      tpu.yield
    }) : () -> ()
    %add3A_40 = arith.constant 384 : i32
    %add3A_41 = arith.addi %mul3A_8, %add3A_40 : i32
    "tpu.region"() ({
      %run_scoped3A = tpu.sem_alloc : memref<!tpu.dma_semaphore, #tpu.memory_space<semaphore_mem>>
      %dma_start3A = arith.constant 0 : i32
      %dma_start3A_46 = tpu.memref_slice %arg5[%arg0, %add3A_41, %dma_start3A] : memref<2x10240x128xf32, #tpu.memory_space<hbm>> -> memref<1x128x128xf32, #tpu.memory_space<hbm>>
      %dma_start3A_47 = tpu.memref_squeeze %dma_start3A_46 : memref<1x128x128xf32, #tpu.memory_space<hbm>> -> memref<128x128xf32, #tpu.memory_space<hbm>>
      %dma_start3A_48 = arith.constant 0 : i32
      %dma_start3A_49 = tpu.memref_slice %arg5[%arg0, %add3A_41, %dma_start3A_48] : memref<2x10240x128xf32, #tpu.memory_space<hbm>> -> memref<1x128x128xf32, #tpu.memory_space<hbm>>
      %dma_start3A_50 = tpu.memref_squeeze %dma_start3A_49 : memref<1x128x128xf32, #tpu.memory_space<hbm>> -> memref<128x128xf32, #tpu.memory_space<hbm>>
      tpu.enqueue_dma source(%arg8 : memref<128x128xf32, #tpu.memory_space<vmem>>) target(%dma_start3A_50 : memref<128x128xf32, #tpu.memory_space<hbm>>) target_semaphore(%run_scoped3A : memref<!tpu.dma_semaphore, #tpu.memory_space<semaphore_mem>>)
      %dma_wait3A = arith.constant 0 : i32
      %dma_wait3A_51 = tpu.memref_slice %arg5[%arg0, %add3A_41, %dma_wait3A] : memref<2x10240x128xf32, #tpu.memory_space<hbm>> -> memref<1x128x128xf32, #tpu.memory_space<hbm>>
      %dma_wait3A_52 = tpu.memref_squeeze %dma_wait3A_51 : memref<1x128x128xf32, #tpu.memory_space<hbm>> -> memref<128x128xf32, #tpu.memory_space<hbm>>
      %dma_wait3A_53 = arith.constant 0 : i32
      %dma_wait3A_54 = tpu.memref_slice %arg5[%arg0, %add3A_41, %dma_wait3A_53] : memref<2x10240x128xf32, #tpu.memory_space<hbm>> -> memref<1x128x128xf32, #tpu.memory_space<hbm>>
      %dma_wait3A_55 = tpu.memref_squeeze %dma_wait3A_54 : memref<1x128x128xf32, #tpu.memory_space<hbm>> -> memref<128x128xf32, #tpu.memory_space<hbm>>
      tpu.wait_dma2 semaphore(%run_scoped3A : memref<!tpu.dma_semaphore, #tpu.memory_space<semaphore_mem>>) src(%arg8 : memref<128x128xf32, #tpu.memory_space<vmem>>) dst(%dma_wait3A_55 : memref<128x128xf32, #tpu.memory_space<hbm>>)
      tpu.yield
    }) : () -> ()
    %add3A_42 = arith.constant 512 : i32
    %add3A_43 = arith.addi %mul3A_8, %add3A_42 : i32
    "tpu.region"() ({
      %run_scoped3A = tpu.sem_alloc : memref<!tpu.dma_semaphore, #tpu.memory_space<semaphore_mem>>
      %dma_start3A = arith.constant 0 : i32
      %dma_start3A_46 = tpu.memref_slice %arg10[%add3A_43, %dma_start3A] : memref<10240x128xf32, #tpu.memory_space<vmem_shared>> -> memref<128x128xf32, #tpu.memory_space<vmem_shared>>
      %dma_start3A_47 = arith.constant 0 : i32
      %dma_start3A_48 = tpu.memref_slice %arg10[%add3A_43, %dma_start3A_47] : memref<10240x128xf32, #tpu.memory_space<vmem_shared>> -> memref<128x128xf32, #tpu.memory_space<vmem_shared>>
      tpu.enqueue_dma source(%dma_start3A_48 : memref<128x128xf32, #tpu.memory_space<vmem_shared>>) target(%arg8 : memref<128x128xf32, #tpu.memory_space<vmem>>) target_semaphore(%run_scoped3A : memref<!tpu.dma_semaphore, #tpu.memory_space<semaphore_mem>>)
      %dma_wait3A = arith.constant 0 : i32
      %dma_wait3A_49 = tpu.memref_slice %arg10[%add3A_43, %dma_wait3A] : memref<10240x128xf32, #tpu.memory_space<vmem_shared>> -> memref<128x128xf32, #tpu.memory_space<vmem_shared>>
      %dma_wait3A_50 = arith.constant 0 : i32
      %dma_wait3A_51 = tpu.memref_slice %arg10[%add3A_43, %dma_wait3A_50] : memref<10240x128xf32, #tpu.memory_space<vmem_shared>> -> memref<128x128xf32, #tpu.memory_space<vmem_shared>>
      tpu.wait_dma2 semaphore(%run_scoped3A : memref<!tpu.dma_semaphore, #tpu.memory_space<semaphore_mem>>) src(%dma_wait3A_51 : memref<128x128xf32, #tpu.memory_space<vmem_shared>>) dst(%arg8 : memref<128x128xf32, #tpu.memory_space<vmem>>)
      tpu.yield
    }) : () -> ()
    %add3A_44 = arith.constant 512 : i32
    %add3A_45 = arith.addi %mul3A_8, %add3A_44 : i32
    "tpu.region"() ({
      %run_scoped3A = tpu.sem_alloc : memref<!tpu.dma_semaphore, #tpu.memory_space<semaphore_mem>>
      %dma_start3A = arith.constant 0 : i32
      %dma_start3A_46 = tpu.memref_slice %arg5[%arg0, %add3A_45, %dma_start3A] : memref<2x10240x128xf32, #tpu.memory_space<hbm>> -> memref<1x128x128xf32, #tpu.memory_space<hbm>>
      %dma_start3A_47 = tpu.memref_squeeze %dma_start3A_46 : memref<1x128x128xf32, #tpu.memory_space<hbm>> -> memref<128x128xf32, #tpu.memory_space<hbm>>
      %dma_start3A_48 = arith.constant 0 : i32
      %dma_start3A_49 = tpu.memref_slice %arg5[%arg0, %add3A_45, %dma_start3A_48] : memref<2x10240x128xf32, #tpu.memory_space<hbm>> -> memref<1x128x128xf32, #tpu.memory_space<hbm>>
      %dma_start3A_50 = tpu.memref_squeeze %dma_start3A_49 : memref<1x128x128xf32, #tpu.memory_space<hbm>> -> memref<128x128xf32, #tpu.memory_space<hbm>>
      tpu.enqueue_dma source(%arg8 : memref<128x128xf32, #tpu.memory_space<vmem>>) target(%dma_start3A_50 : memref<128x128xf32, #tpu.memory_space<hbm>>) target_semaphore(%run_scoped3A : memref<!tpu.dma_semaphore, #tpu.memory_space<semaphore_mem>>)
      %dma_wait3A = arith.constant 0 : i32
      %dma_wait3A_51 = tpu.memref_slice %arg5[%arg0, %add3A_45, %dma_wait3A] : memref<2x10240x128xf32, #tpu.memory_space<hbm>> -> memref<1x128x128xf32, #tpu.memory_space<hbm>>
      %dma_wait3A_52 = tpu.memref_squeeze %dma_wait3A_51 : memref<1x128x128xf32, #tpu.memory_space<hbm>> -> memref<128x128xf32, #tpu.memory_space<hbm>>
      %dma_wait3A_53 = arith.constant 0 : i32
      %dma_wait3A_54 = tpu.memref_slice %arg5[%arg0, %add3A_45, %dma_wait3A_53] : memref<2x10240x128xf32, #tpu.memory_space<hbm>> -> memref<1x128x128xf32, #tpu.memory_space<hbm>>
      %dma_wait3A_55 = tpu.memref_squeeze %dma_wait3A_54 : memref<1x128x128xf32, #tpu.memory_space<hbm>> -> memref<128x128xf32, #tpu.memory_space<hbm>>
      tpu.wait_dma2 semaphore(%run_scoped3A : memref<!tpu.dma_semaphore, #tpu.memory_space<semaphore_mem>>) src(%arg8 : memref<128x128xf32, #tpu.memory_space<vmem>>) dst(%dma_wait3A_55 : memref<128x128xf32, #tpu.memory_space<hbm>>)
      tpu.yield
    }) : () -> ()
    return
  }
}

#map = affine_map<(d0, d1) -> (0, 0)>
#map1 = affine_map<(d0, d1) -> (0, 0, 0)>
module attributes {stable_mosaic.version = 14 : i64} {
  func.func @sck(%arg0: i32, %arg1: i32, %arg2: memref<10240x128xf32, #tpu.memory_space<hbm>>, %arg3: memref<16x160x128xi32, #tpu.memory_space<hbm>>, %arg4: memref<16x160x128xi32, #tpu.memory_space<hbm>>, %arg5: memref<2x10240x128xf32, #tpu.memory_space<hbm>>, %arg6: memref<16x128xi32, #tpu.memory_space<vmem>>, %arg7: memref<16x128xi32, #tpu.memory_space<vmem>>, %arg8: memref<128x128xf32, #tpu.memory_space<vmem>>, %arg9: memref<128x128xf32, #tpu.memory_space<vmem>>, %arg10: memref<10240x128xf32, #tpu.memory_space<vmem_shared>>, %arg11: memref<!tpu.dma_semaphore, #tpu.memory_space<semaphore_mem>>, %arg12: memref<!tpu.dma_semaphore, #tpu.memory_space<semaphore_mem>>, %arg13: memref<!tpu.dma_semaphore, #tpu.memory_space<semaphore_mem>>, %arg14: memref<!tpu.dma_semaphore, #tpu.memory_space<semaphore_mem>>) attributes {dimension_semantics = [#tpu.dimension_semantics<core_parallel>, #tpu.dimension_semantics<subcore_parallel>], iteration_bounds = array<i64: 2, 16>, scalar_prefetch = 0 : i64, scratch_operands = 9 : i64, tpu.core_type = #tpu.core_type<sc_vector_subcore>, window_params = [{transform_indices = #map}, {transform_indices = #map1}, {transform_indices = #map1}, {transform_indices = #map1}]} {
    %mul3A = arith.constant 128 : i32
    %mul3A_0 = arith.muli %arg0, %mul3A : i32
    %scan3A = arith.constant 0 : i32
    %scan3A_1 = arith.constant 0 : i32
    %scan3A_2 = arith.constant 128 : i32
    %scan3A_3 = arith.addi %scan3A_1, %scan3A_2 : i32
    %scan3A_4 = arith.constant 1 : i32
    %scan3A_5 = scf.for %scan3A_46 = %scan3A_1 to %scan3A_3 step %scan3A_4 iter_args(%scan3A_47 = %scan3A) -> (i32)  : i32 {
      %scan3A_48 = arith.constant 0 : i32
      %scan3A_49 = arith.constant 0 : i32
      %scan3A_50 = arith.constant 8 : i32
      %scan3A_51 = arith.addi %scan3A_49, %scan3A_50 : i32
      %scan3A_52 = arith.constant 1 : i32
      %scan3A_53 = scf.for %scan3A_56 = %scan3A_49 to %scan3A_51 step %scan3A_52 iter_args(%scan3A_57 = %scan3A_48) -> (i32)  : i32 {
        %broadcast_in_dim3A = arith.constant 0.000000e+00 : f32
        %broadcast_in_dim3A_58 = vector.broadcast %broadcast_in_dim3A : f32 to vector<16xf32>
        %mul3A_59 = arith.constant 16 : i32
        %mul3A_60 = arith.muli %scan3A_56, %mul3A_59 : i32
        %swap3A = arith.index_cast %scan3A_46 : i32 to index
        %swap3A_61 = arith.index_cast %mul3A_60 : i32 to index
        %swap3A_62 = tpu.vector_load %arg8[%swap3A, %swap3A_61] {strides = array<i32>} : memref<128x128xf32, #tpu.memory_space<vmem>>, vector<1x16xf32>,
        %swap3A_63 = vector.shape_cast %swap3A_62 : vector<1x16xf32> to vector<16xf32>
        %swap3A_64 = vector.shape_cast %broadcast_in_dim3A_58 : vector<16xf32> to vector<1x16xf32>
        tpu.vector_store %arg8[%swap3A, %swap3A_61], %swap3A_64 {strides = array<i32>} : memref<128x128xf32, #tpu.memory_space<vmem>>, vector<1x16xf32>,
        %scan3A_65 = arith.constant 0 : i32
        scf.yield %scan3A_65 : i32
      }
      %scan3A_54 = arith.constant 8 : i32
      %scan3A_55 = arith.constant 0 : i32
      scf.yield %scan3A_55 : i32
    }
    %scan3A_6 = arith.constant 128 : i32
    %mul3A_7 = arith.constant 640 : i32
    %mul3A_8 = arith.muli %arg1, %mul3A_7 : i32
    %add3A = arith.constant 0 : i32
    %add3A_9 = arith.addi %mul3A_8, %add3A : i32
    "tpu.region"() ({
      %run_scoped3A = tpu.sem_alloc : memref<!tpu.dma_semaphore, #tpu.memory_space<semaphore_mem>>
      %dma_start3A = arith.constant 0 : i32
      %dma_start3A_46 = tpu.memref_slice %arg10[%add3A_9, %dma_start3A] : memref<10240x128xf32, #tpu.memory_space<vmem_shared>> -> memref<128x128xf32, #tpu.memory_space<vmem_shared>>
      %dma_start3A_47 = arith.constant 0 : i32
      %dma_start3A_48 = tpu.memref_slice %arg10[%add3A_9, %dma_start3A_47] : memref<10240x128xf32, #tpu.memory_space<vmem_shared>> -> memref<128x128xf32, #tpu.memory_space<vmem_shared>>
      tpu.enqueue_dma source(%arg8 : memref<128x128xf32, #tpu.memory_space<vmem>>) target(%dma_start3A_48 : memref<128x128xf32, #tpu.memory_space<vmem_shared>>) target_semaphore(%run_scoped3A : memref<!tpu.dma_semaphore, #tpu.memory_space<semaphore_mem>>)
      %dma_wait3A = arith.constant 0 : i32
      %dma_wait3A_49 = tpu.memref_slice %arg10[%add3A_9, %dma_wait3A] : memref<10240x128xf32, #tpu.memory_space<vmem_shared>> -> memref<128x128xf32, #tpu.memory_space<vmem_shared>>
      %dma_wait3A_50 = arith.constant 0 : i32
      %dma_wait3A_51 = tpu.memref_slice %arg10[%add3A_9, %dma_wait3A_50] : memref<10240x128xf32, #tpu.memory_space<vmem_shared>> -> memref<128x128xf32, #tpu.memory_space<vmem_shared>>
      tpu.wait_dma2 semaphore(%run_scoped3A : memref<!tpu.dma_semaphore, #tpu.memory_space<semaphore_mem>>) src(%arg8 : memref<128x128xf32, #tpu.memory_space<vmem>>) dst(%dma_wait3A_51 : memref<128x128xf32, #tpu.memory_space<vmem_shared>>)
      tpu.yield
    }) : () -> ()
    %add3A_10 = arith.constant 128 : i32
    %add3A_11 = arith.addi %mul3A_8, %add3A_10 : i32
    "tpu.region"() ({
      %run_scoped3A = tpu.sem_alloc : memref<!tpu.dma_semaphore, #tpu.memory_space<semaphore_mem>>
      %dma_start3A = arith.constant 0 : i32
      %dma_start3A_46 = tpu.memref_slice %arg10[%add3A_11, %dma_start3A] : memref<10240x128xf32, #tpu.memory_space<vmem_shared>> -> memref<128x128xf32, #tpu.memory_space<vmem_shared>>
      %dma_start3A_47 = arith.constant 0 : i32
      %dma_start3A_48 = tpu.memref_slice %arg10[%add3A_11, %dma_start3A_47] : memref<10240x128xf32, #tpu.memory_space<vmem_shared>> -> memref<128x128xf32, #tpu.memory_space<vmem_shared>>
      tpu.enqueue_dma source(%arg8 : memref<128x128xf32, #tpu.memory_space<vmem>>) target(%dma_start3A_48 : memref<128x128xf32, #tpu.memory_space<vmem_shared>>) target_semaphore(%run_scoped3A : memref<!tpu.dma_semaphore, #tpu.memory_space<semaphore_mem>>)
      %dma_wait3A = arith.constant 0 : i32
      %dma_wait3A_49 = tpu.memref_slice %arg10[%add3A_11, %dma_wait3A] : memref<10240x128xf32, #tpu.memory_space<vmem_shared>> -> memref<128x128xf32, #tpu.memory_space<vmem_shared>>
      %dma_wait3A_50 = arith.constant 0 : i32
      %dma_wait3A_51 = tpu.memref_slice %arg10[%add3A_11, %dma_wait3A_50] : memref<10240x128xf32, #tpu.memory_space<vmem_shared>> -> memref<128x128xf32, #tpu.memory_space<vmem_shared>>
      tpu.wait_dma2 semaphore(%run_scoped3A : memref<!tpu.dma_semaphore, #tpu.memory_space<semaphore_mem>>) src(%arg8 : memref<128x128xf32, #tpu.memory_space<vmem>>) dst(%dma_wait3A_51 : memref<128x128xf32, #tpu.memory_space<vmem_shared>>)
      tpu.yield
    }) : () -> ()
    %add3A_12 = arith.constant 256 : i32
    %add3A_13 = arith.addi %mul3A_8, %add3A_12 : i32
    "tpu.region"() ({
      %run_scoped3A = tpu.sem_alloc : memref<!tpu.dma_semaphore, #tpu.memory_space<semaphore_mem>>
      %dma_start3A = arith.constant 0 : i32
      %dma_start3A_46 = tpu.memref_slice %arg10[%add3A_13, %dma_start3A] : memref<10240x128xf32, #tpu.memory_space<vmem_shared>> -> memref<128x128xf32, #tpu.memory_space<vmem_shared>>
      %dma_start3A_47 = arith.constant 0 : i32
      %dma_start3A_48 = tpu.memref_slice %arg10[%add3A_13, %dma_start3A_47] : memref<10240x128xf32, #tpu.memory_space<vmem_shared>> -> memref<128x128xf32, #tpu.memory_space<vmem_shared>>
      tpu.enqueue_dma source(%arg8 : memref<128x128xf32, #tpu.memory_space<vmem>>) target(%dma_start3A_48 : memref<128x128xf32, #tpu.memory_space<vmem_shared>>) target_semaphore(%run_scoped3A : memref<!tpu.dma_semaphore, #tpu.memory_space<semaphore_mem>>)
      %dma_wait3A = arith.constant 0 : i32
      %dma_wait3A_49 = tpu.memref_slice %arg10[%add3A_13, %dma_wait3A] : memref<10240x128xf32, #tpu.memory_space<vmem_shared>> -> memref<128x128xf32, #tpu.memory_space<vmem_shared>>
      %dma_wait3A_50 = arith.constant 0 : i32
      %dma_wait3A_51 = tpu.memref_slice %arg10[%add3A_13, %dma_wait3A_50] : memref<10240x128xf32, #tpu.memory_space<vmem_shared>> -> memref<128x128xf32, #tpu.memory_space<vmem_shared>>
      tpu.wait_dma2 semaphore(%run_scoped3A : memref<!tpu.dma_semaphore, #tpu.memory_space<semaphore_mem>>) src(%arg8 : memref<128x128xf32, #tpu.memory_space<vmem>>) dst(%dma_wait3A_51 : memref<128x128xf32, #tpu.memory_space<vmem_shared>>)
      tpu.yield
    }) : () -> ()
    %add3A_14 = arith.constant 384 : i32
    %add3A_15 = arith.addi %mul3A_8, %add3A_14 : i32
    "tpu.region"() ({
      %run_scoped3A = tpu.sem_alloc : memref<!tpu.dma_semaphore, #tpu.memory_space<semaphore_mem>>
      %dma_start3A = arith.constant 0 : i32
      %dma_start3A_46 = tpu.memref_slice %arg10[%add3A_15, %dma_start3A] : memref<10240x128xf32, #tpu.memory_space<vmem_shared>> -> memref<128x128xf32, #tpu.memory_space<vmem_shared>>
      %dma_start3A_47 = arith.constant 0 : i32
      %dma_start3A_48 = tpu.memref_slice %arg10[%add3A_15, %dma_start3A_47] : memref<10240x128xf32, #tpu.memory_space<vmem_shared>> -> memref<128x128xf32, #tpu.memory_space<vmem_shared>>
      tpu.enqueue_dma source(%arg8 : memref<128x128xf32, #tpu.memory_space<vmem>>) target(%dma_start3A_48 : memref<128x128xf32, #tpu.memory_space<vmem_shared>>) target_semaphore(%run_scoped3A : memref<!tpu.dma_semaphore, #tpu.memory_space<semaphore_mem>>)
      %dma_wait3A = arith.constant 0 : i32
      %dma_wait3A_49 = tpu.memref_slice %arg10[%add3A_15, %dma_wait3A] : memref<10240x128xf32, #tpu.memory_space<vmem_shared>> -> memref<128x128xf32, #tpu.memory_space<vmem_shared>>
      %dma_wait3A_50 = arith.constant 0 : i32
      %dma_wait3A_51 = tpu.memref_slice %arg10[%add3A_15, %dma_wait3A_50] : memref<10240x128xf32, #tpu.memory_space<vmem_shared>> -> memref<128x128xf32, #tpu.memory_space<vmem_shared>>
      tpu.wait_dma2 semaphore(%run_scoped3A : memref<!tpu.dma_semaphore, #tpu.memory_space<semaphore_mem>>) src(%arg8 : memref<128x128xf32, #tpu.memory_space<vmem>>) dst(%dma_wait3A_51 : memref<128x128xf32, #tpu.memory_space<vmem_shared>>)
      tpu.yield
    }) : () -> ()
    %add3A_16 = arith.constant 512 : i32
    %add3A_17 = arith.addi %mul3A_8, %add3A_16 : i32
    "tpu.region"() ({
      %run_scoped3A = tpu.sem_alloc : memref<!tpu.dma_semaphore, #tpu.memory_space<semaphore_mem>>
      %dma_start3A = arith.constant 0 : i32
      %dma_start3A_46 = tpu.memref_slice %arg10[%add3A_17, %dma_start3A] : memref<10240x128xf32, #tpu.memory_space<vmem_shared>> -> memref<128x128xf32, #tpu.memory_space<vmem_shared>>
      %dma_start3A_47 = arith.constant 0 : i32
      %dma_start3A_48 = tpu.memref_slice %arg10[%add3A_17, %dma_start3A_47] : memref<10240x128xf32, #tpu.memory_space<vmem_shared>> -> memref<128x128xf32, #tpu.memory_space<vmem_shared>>
      tpu.enqueue_dma source(%arg8 : memref<128x128xf32, #tpu.memory_space<vmem>>) target(%dma_start3A_48 : memref<128x128xf32, #tpu.memory_space<vmem_shared>>) target_semaphore(%run_scoped3A : memref<!tpu.dma_semaphore, #tpu.memory_space<semaphore_mem>>)
      %dma_wait3A = arith.constant 0 : i32
      %dma_wait3A_49 = tpu.memref_slice %arg10[%add3A_17, %dma_wait3A] : memref<10240x128xf32, #tpu.memory_space<vmem_shared>> -> memref<128x128xf32, #tpu.memory_space<vmem_shared>>
      %dma_wait3A_50 = arith.constant 0 : i32
      %dma_wait3A_51 = tpu.memref_slice %arg10[%add3A_17, %dma_wait3A_50] : memref<10240x128xf32, #tpu.memory_space<vmem_shared>> -> memref<128x128xf32, #tpu.memory_space<vmem_shared>>
      tpu.wait_dma2 semaphore(%run_scoped3A : memref<!tpu.dma_semaphore, #tpu.memory_space<semaphore_mem>>) src(%arg8 : memref<128x128xf32, #tpu.memory_space<vmem>>) dst(%dma_wait3A_51 : memref<128x128xf32, #tpu.memory_space<vmem_shared>>)
      tpu.yield
    }) : () -> ()
    %barrier3A = arith.constant 0 : index
    tpu.barrier barrier_id(%barrier3A)
    %eq3A = arith.constant 0 : i32
    %eq3A_18 = arith.cmpi eq, %arg0, %eq3A : i32
    %convert_element_type3A = arith.extui %eq3A_18 : i1 to i32
    %cond3A = arith.constant 0 : i32
    %cond3A_19 = arith.cmpi ne, %convert_element_type3A, %cond3A : i32
    scf.if %cond3A_19 {
      %scan3A_46 = arith.constant 0 : i32
      %scan3A_47 = arith.constant 0 : i32
      %scan3A_48 = arith.constant 8 : i32
      %scan3A_49 = arith.addi %scan3A_47, %scan3A_48 : i32
      %scan3A_50 = arith.constant 1 : i32
      %scan3A_51 = scf.for %scan3A_53 = %scan3A_47 to %scan3A_49 step %scan3A_50 iter_args(%scan3A_54 = %scan3A_46) -> (i32)  : i32 {
        %mul3A_55 = arith.constant 16 : i32
        %mul3A_56 = arith.muli %scan3A_53, %mul3A_55 : i32
        %add3A_57 = arith.addi %mul3A_0, %mul3A_56 : i32
        "tpu.region"() ({
          %run_scoped3A = tpu.sem_alloc : memref<!tpu.dma_semaphore, #tpu.memory_space<semaphore_mem>>
          %dma_start3A_86 = arith.constant 0 : i32
          %dma_start3A_87 = tpu.memref_slice %arg3[%arg1, %add3A_57, %dma_start3A_86] : memref<16x160x128xi32, #tpu.memory_space<hbm>> -> memref<1x16x128xi32, #tpu.memory_space<hbm>>
          %dma_start3A_88 = tpu.memref_squeeze %dma_start3A_87 : memref<1x16x128xi32, #tpu.memory_space<hbm>> -> memref<16x128xi32, #tpu.memory_space<hbm>>
          %dma_start3A_89 = arith.constant 0 : i32
          %dma_start3A_90 = tpu.memref_slice %arg3[%arg1, %add3A_57, %dma_start3A_89] : memref<16x160x128xi32, #tpu.memory_space<hbm>> -> memref<1x16x128xi32, #tpu.memory_space<hbm>>
          %dma_start3A_91 = tpu.memref_squeeze %dma_start3A_90 : memref<1x16x128xi32, #tpu.memory_space<hbm>> -> memref<16x128xi32, #tpu.memory_space<hbm>>
          tpu.enqueue_dma source(%dma_start3A_91 : memref<16x128xi32, #tpu.memory_space<hbm>>) target(%arg6 : memref<16x128xi32, #tpu.memory_space<vmem>>) target_semaphore(%run_scoped3A : memref<!tpu.dma_semaphore, #tpu.memory_space<semaphore_mem>>)
          %dma_wait3A_92 = arith.constant 0 : i32
          %dma_wait3A_93 = tpu.memref_slice %arg3[%arg1, %add3A_57, %dma_wait3A_92] : memref<16x160x128xi32, #tpu.memory_space<hbm>> -> memref<1x16x128xi32, #tpu.memory_space<hbm>>
          %dma_wait3A_94 = tpu.memref_squeeze %dma_wait3A_93 : memref<1x16x128xi32, #tpu.memory_space<hbm>> -> memref<16x128xi32, #tpu.memory_space<hbm>>
          %dma_wait3A_95 = arith.constant 0 : i32
          %dma_wait3A_96 = tpu.memref_slice %arg3[%arg1, %add3A_57, %dma_wait3A_95] : memref<16x160x128xi32, #tpu.memory_space<hbm>> -> memref<1x16x128xi32, #tpu.memory_space<hbm>>
          %dma_wait3A_97 = tpu.memref_squeeze %dma_wait3A_96 : memref<1x16x128xi32, #tpu.memory_space<hbm>> -> memref<16x128xi32, #tpu.memory_space<hbm>>
          tpu.wait_dma2 semaphore(%run_scoped3A : memref<!tpu.dma_semaphore, #tpu.memory_space<semaphore_mem>>) src(%dma_wait3A_97 : memref<16x128xi32, #tpu.memory_space<hbm>>) dst(%arg6 : memref<16x128xi32, #tpu.memory_space<vmem>>)
          tpu.yield
        }) : () -> ()
        %mul3A_58 = arith.constant 16 : i32
        %mul3A_59 = arith.muli %scan3A_53, %mul3A_58 : i32
        %add3A_60 = arith.addi %mul3A_0, %mul3A_59 : i32
        "tpu.region"() ({
          %run_scoped3A = tpu.sem_alloc : memref<!tpu.dma_semaphore, #tpu.memory_space<semaphore_mem>>
          %dma_start3A_86 = arith.constant 0 : i32
          %dma_start3A_87 = tpu.memref_slice %arg4[%arg1, %add3A_60, %dma_start3A_86] : memref<16x160x128xi32, #tpu.memory_space<hbm>> -> memref<1x16x128xi32, #tpu.memory_space<hbm>>
          %dma_start3A_88 = tpu.memref_squeeze %dma_start3A_87 : memref<1x16x128xi32, #tpu.memory_space<hbm>> -> memref<16x128xi32, #tpu.memory_space<hbm>>
          %dma_start3A_89 = arith.constant 0 : i32
          %dma_start3A_90 = tpu.memref_slice %arg4[%arg1, %add3A_60, %dma_start3A_89] : memref<16x160x128xi32, #tpu.memory_space<hbm>> -> memref<1x16x128xi32, #tpu.memory_space<hbm>>
          %dma_start3A_91 = tpu.memref_squeeze %dma_start3A_90 : memref<1x16x128xi32, #tpu.memory_space<hbm>> -> memref<16x128xi32, #tpu.memory_space<hbm>>
          tpu.enqueue_dma source(%dma_start3A_91 : memref<16x128xi32, #tpu.memory_space<hbm>>) target(%arg7 : memref<16x128xi32, #tpu.memory_space<vmem>>) target_semaphore(%run_scoped3A : memref<!tpu.dma_semaphore, #tpu.memory_space<semaphore_mem>>)
          %dma_wait3A_92 = arith.constant 0 : i32
          %dma_wait3A_93 = tpu.memref_slice %arg4[%arg1, %add3A_60, %dma_wait3A_92] : memref<16x160x128xi32, #tpu.memory_space<hbm>> -> memref<1x16x128xi32, #tpu.memory_space<hbm>>
          %dma_wait3A_94 = tpu.memref_squeeze %dma_wait3A_93 : memref<1x16x128xi32, #tpu.memory_space<hbm>> -> memref<16x128xi32, #tpu.memory_space<hbm>>
          %dma_wait3A_95 = arith.constant 0 : i32
          %dma_wait3A_96 = tpu.memref_slice %arg4[%arg1, %add3A_60, %dma_wait3A_95] : memref<16x160x128xi32, #tpu.memory_space<hbm>> -> memref<1x16x128xi32, #tpu.memory_space<hbm>>
          %dma_wait3A_97 = tpu.memref_squeeze %dma_wait3A_96 : memref<1x16x128xi32, #tpu.memory_space<hbm>> -> memref<16x128xi32, #tpu.memory_space<hbm>>
          tpu.wait_dma2 semaphore(%run_scoped3A : memref<!tpu.dma_semaphore, #tpu.memory_space<semaphore_mem>>) src(%dma_wait3A_97 : memref<16x128xi32, #tpu.memory_space<hbm>>) dst(%arg7 : memref<16x128xi32, #tpu.memory_space<vmem>>)
          tpu.yield
        }) : () -> ()
        %dma_start3A = arith.constant 0 : i32
        %dma_start3A_61 = arith.constant 0 : i32
        %dma_start3A_62 = tpu.memref_slice %arg6[%dma_start3A, %dma_start3A_61] : memref<16x128xi32, #tpu.memory_space<vmem>> -> memref<1x128xi32, #tpu.memory_space<vmem>>
        %dma_start3A_63 = tpu.memref_squeeze %dma_start3A_62 : memref<1x128xi32, #tpu.memory_space<vmem>> -> memref<128xi32, #tpu.memory_space<vmem>>
        %dma_start3A_64 = arith.constant 0 : i32
        %dma_start3A_65 = arith.constant 0 : i32
        %dma_start3A_66 = tpu.memref_slice %arg2[%dma_start3A_64, %dma_start3A_65] : memref<10240x128xf32, #tpu.memory_space<hbm>> -> memref<10240x128xf32, #tpu.memory_space<hbm>>
        tpu.enqueue_indirect_dma source(%dma_start3A_66 : memref<10240x128xf32, #tpu.memory_space<hbm>>) target(%arg8 : memref<128x128xf32, #tpu.memory_space<vmem>>) offsets(%dma_start3A_63 : memref<128xi32, #tpu.memory_space<vmem>>) semaphore(%arg11 : memref<!tpu.dma_semaphore, #tpu.memory_space<semaphore_mem>>)
        %scan3A_67 = arith.constant 0 : i32
        %scan3A_68 = arith.constant 0 : i32
        %scan3A_69 = arith.constant 8 : i32
        %scan3A_70 = arith.addi %scan3A_68, %scan3A_69 : i32
        %scan3A_71 = arith.constant 1 : i32
        %scan3A_72 = scf.for %scan3A_86 = %scan3A_68 to %scan3A_70 step %scan3A_71 iter_args(%scan3A_87 = %scan3A_67) -> (i32)  : i32 {
          %mul3A_88 = arith.constant 2 : i32
          %mul3A_89 = arith.muli %mul3A_88, %scan3A_86 : i32
          %gt3A = arith.constant 0 : i32
          %gt3A_90 = arith.cmpi sgt, %scan3A_86, %gt3A : i32
          %convert_element_type3A_91 = arith.extui %gt3A_90 : i1 to i32
          %cond3A_92 = arith.constant 0 : i32
          %cond3A_93 = arith.cmpi ne, %convert_element_type3A_91, %cond3A_92 : i32
          scf.if %cond3A_93 {
            %dma_wait3A_135 = arith.constant 0 : i32
            %dma_wait3A_136 = arith.constant 0 : i32
            %dma_wait3A_137 = tpu.memref_slice %arg2[%dma_wait3A_135, %dma_wait3A_136] : memref<10240x128xf32, #tpu.memory_space<hbm>> -> memref<128x128xf32, #tpu.memory_space<hbm>>
            %dma_wait3A_138 = arith.constant 0 : i32
            %dma_wait3A_139 = arith.constant 0 : i32
            %dma_wait3A_140 = tpu.memref_slice %arg2[%dma_wait3A_138, %dma_wait3A_139] : memref<10240x128xf32, #tpu.memory_space<hbm>> -> memref<128x128xf32, #tpu.memory_space<hbm>>
            tpu.wait_dma2 semaphore(%arg14 : memref<!tpu.dma_semaphore, #tpu.memory_space<semaphore_mem>>) src(%dma_wait3A_140 : memref<128x128xf32, #tpu.memory_space<hbm>>) dst(%arg9 : memref<128x128xf32, #tpu.memory_space<vmem>>)
          } else {
          }
          %add3A_94 = arith.constant 1 : i32
          %add3A_95 = arith.addi %mul3A_89, %add3A_94 : i32
          %dma_start3A_96 = arith.constant 0 : i32
          %dma_start3A_97 = tpu.memref_slice %arg6[%add3A_95, %dma_start3A_96] : memref<16x128xi32, #tpu.memory_space<vmem>> -> memref<1x128xi32, #tpu.memory_space<vmem>>
          %dma_start3A_98 = tpu.memref_squeeze %dma_start3A_97 : memref<1x128xi32, #tpu.memory_space<vmem>> -> memref<128xi32, #tpu.memory_space<vmem>>
          %dma_start3A_99 = arith.constant 0 : i32
          %dma_start3A_100 = arith.constant 0 : i32
          %dma_start3A_101 = tpu.memref_slice %arg2[%dma_start3A_99, %dma_start3A_100] : memref<10240x128xf32, #tpu.memory_space<hbm>> -> memref<10240x128xf32, #tpu.memory_space<hbm>>
          tpu.enqueue_indirect_dma source(%dma_start3A_101 : memref<10240x128xf32, #tpu.memory_space<hbm>>) target(%arg9 : memref<128x128xf32, #tpu.memory_space<vmem>>) offsets(%dma_start3A_98 : memref<128xi32, #tpu.memory_space<vmem>>) semaphore(%arg12 : memref<!tpu.dma_semaphore, #tpu.memory_space<semaphore_mem>>)
          %dma_wait3A_102 = arith.constant 0 : i32
          %dma_wait3A_103 = arith.constant 0 : i32
          %dma_wait3A_104 = tpu.memref_slice %arg2[%dma_wait3A_102, %dma_wait3A_103] : memref<10240x128xf32, #tpu.memory_space<hbm>> -> memref<128x128xf32, #tpu.memory_space<hbm>>
          %dma_wait3A_105 = arith.constant 0 : i32
          %dma_wait3A_106 = arith.constant 0 : i32
          %dma_wait3A_107 = tpu.memref_slice %arg2[%dma_wait3A_105, %dma_wait3A_106] : memref<10240x128xf32, #tpu.memory_space<hbm>> -> memref<128x128xf32, #tpu.memory_space<hbm>>
          tpu.wait_dma2 semaphore(%arg11 : memref<!tpu.dma_semaphore, #tpu.memory_space<semaphore_mem>>) src(%dma_wait3A_107 : memref<128x128xf32, #tpu.memory_space<hbm>>) dst(%arg8 : memref<128x128xf32, #tpu.memory_space<vmem>>)
          %dma_start3A_108 = arith.constant 0 : i32
          %dma_start3A_109 = tpu.memref_slice %arg7[%mul3A_89, %dma_start3A_108] : memref<16x128xi32, #tpu.memory_space<vmem>> -> memref<1x128xi32, #tpu.memory_space<vmem>>
          %dma_start3A_110 = tpu.memref_squeeze %dma_start3A_109 : memref<1x128xi32, #tpu.memory_space<vmem>> -> memref<128xi32, #tpu.memory_space<vmem>>
          %dma_start3A_111 = arith.constant 0 : i32
          %dma_start3A_112 = arith.constant 0 : i32
          %dma_start3A_113 = tpu.memref_slice %arg10[%dma_start3A_111, %dma_start3A_112] : memref<10240x128xf32, #tpu.memory_space<vmem_shared>> -> memref<10240x128xf32, #tpu.memory_space<vmem_shared>>
          tpu.enqueue_indirect_dma source(%arg8 : memref<128x128xf32, #tpu.memory_space<vmem>>) target(%dma_start3A_113 : memref<10240x128xf32, #tpu.memory_space<vmem_shared>>) offsets(%dma_start3A_110 : memref<128xi32, #tpu.memory_space<vmem>>) semaphore(%arg13 : memref<!tpu.dma_semaphore, #tpu.memory_space<semaphore_mem>>) {add = true}
          %add3A_114 = arith.constant 2 : i32
          %add3A_115 = arith.addi %mul3A_89, %add3A_114 : i32
          %lt3A = arith.constant 16 : i32
          %lt3A_116 = arith.cmpi slt, %add3A_115, %lt3A : i32
          %convert_element_type3A_117 = arith.extui %lt3A_116 : i1 to i32
          %cond3A_118 = arith.constant 0 : i32
          %cond3A_119 = arith.cmpi ne, %convert_element_type3A_117, %cond3A_118 : i32
          scf.if %cond3A_119 {
            %dma_wait3A_135 = arith.constant 0 : i32
            %dma_wait3A_136 = arith.constant 0 : i32
            %dma_wait3A_137 = tpu.memref_slice %arg2[%dma_wait3A_135, %dma_wait3A_136] : memref<10240x128xf32, #tpu.memory_space<hbm>> -> memref<128x128xf32, #tpu.memory_space<hbm>>
            %dma_wait3A_138 = arith.constant 0 : i32
            %dma_wait3A_139 = arith.constant 0 : i32
            %dma_wait3A_140 = tpu.memref_slice %arg2[%dma_wait3A_138, %dma_wait3A_139] : memref<10240x128xf32, #tpu.memory_space<hbm>> -> memref<128x128xf32, #tpu.memory_space<hbm>>
            tpu.wait_dma2 semaphore(%arg13 : memref<!tpu.dma_semaphore, #tpu.memory_space<semaphore_mem>>) src(%dma_wait3A_140 : memref<128x128xf32, #tpu.memory_space<hbm>>) dst(%arg8 : memref<128x128xf32, #tpu.memory_space<vmem>>)
            %add3A_141 = arith.constant 2 : i32
            %add3A_142 = arith.addi %mul3A_89, %add3A_141 : i32
            %dma_start3A_143 = arith.constant 0 : i32
            %dma_start3A_144 = tpu.memref_slice %arg6[%add3A_142, %dma_start3A_143] : memref<16x128xi32, #tpu.memory_space<vmem>> -> memref<1x128xi32, #tpu.memory_space<vmem>>
            %dma_start3A_145 = tpu.memref_squeeze %dma_start3A_144 : memref<1x128xi32, #tpu.memory_space<vmem>> -> memref<128xi32, #tpu.memory_space<vmem>>
            %dma_start3A_146 = arith.constant 0 : i32
            %dma_start3A_147 = arith.constant 0 : i32
            %dma_start3A_148 = tpu.memref_slice %arg2[%dma_start3A_146, %dma_start3A_147] : memref<10240x128xf32, #tpu.memory_space<hbm>> -> memref<10240x128xf32, #tpu.memory_space<hbm>>
            tpu.enqueue_indirect_dma source(%dma_start3A_148 : memref<10240x128xf32, #tpu.memory_space<hbm>>) target(%arg8 : memref<128x128xf32, #tpu.memory_space<vmem>>) offsets(%dma_start3A_145 : memref<128xi32, #tpu.memory_space<vmem>>) semaphore(%arg11 : memref<!tpu.dma_semaphore, #tpu.memory_space<semaphore_mem>>)
          } else {
          }
          %dma_wait3A_120 = arith.constant 0 : i32
          %dma_wait3A_121 = arith.constant 0 : i32
          %dma_wait3A_122 = tpu.memref_slice %arg2[%dma_wait3A_120, %dma_wait3A_121] : memref<10240x128xf32, #tpu.memory_space<hbm>> -> memref<128x128xf32, #tpu.memory_space<hbm>>
          %dma_wait3A_123 = arith.constant 0 : i32
          %dma_wait3A_124 = arith.constant 0 : i32
          %dma_wait3A_125 = tpu.memref_slice %arg2[%dma_wait3A_123, %dma_wait3A_124] : memref<10240x128xf32, #tpu.memory_space<hbm>> -> memref<128x128xf32, #tpu.memory_space<hbm>>
          tpu.wait_dma2 semaphore(%arg12 : memref<!tpu.dma_semaphore, #tpu.memory_space<semaphore_mem>>) src(%dma_wait3A_125 : memref<128x128xf32, #tpu.memory_space<hbm>>) dst(%arg9 : memref<128x128xf32, #tpu.memory_space<vmem>>)
          %add3A_126 = arith.constant 1 : i32
          %add3A_127 = arith.addi %mul3A_89, %add3A_126 : i32
          %dma_start3A_128 = arith.constant 0 : i32
          %dma_start3A_129 = tpu.memref_slice %arg7[%add3A_127, %dma_start3A_128] : memref<16x128xi32, #tpu.memory_space<vmem>> -> memref<1x128xi32, #tpu.memory_space<vmem>>
          %dma_start3A_130 = tpu.memref_squeeze %dma_start3A_129 : memref<1x128xi32, #tpu.memory_space<vmem>> -> memref<128xi32, #tpu.memory_space<vmem>>
          %dma_start3A_131 = arith.constant 0 : i32
          %dma_start3A_132 = arith.constant 0 : i32
          %dma_start3A_133 = tpu.memref_slice %arg10[%dma_start3A_131, %dma_start3A_132] : memref<10240x128xf32, #tpu.memory_space<vmem_shared>> -> memref<10240x128xf32, #tpu.memory_space<vmem_shared>>
          tpu.enqueue_indirect_dma source(%arg9 : memref<128x128xf32, #tpu.memory_space<vmem>>) target(%dma_start3A_133 : memref<10240x128xf32, #tpu.memory_space<vmem_shared>>) offsets(%dma_start3A_130 : memref<128xi32, #tpu.memory_space<vmem>>) semaphore(%arg14 : memref<!tpu.dma_semaphore, #tpu.memory_space<semaphore_mem>>) {add = true}
          %scan3A_134 = arith.constant 0 : i32
          scf.yield %scan3A_134 : i32
        }
        %scan3A_73 = arith.constant 8 : i32
        %dma_wait3A = arith.constant 0 : i32
        %dma_wait3A_74 = arith.constant 0 : i32
        %dma_wait3A_75 = tpu.memref_slice %arg2[%dma_wait3A, %dma_wait3A_74] : memref<10240x128xf32, #tpu.memory_space<hbm>> -> memref<128x128xf32, #tpu.memory_space<hbm>>
        %dma_wait3A_76 = arith.constant 0 : i32
        %dma_wait3A_77 = arith.constant 0 : i32
        %dma_wait3A_78 = tpu.memref_slice %arg2[%dma_wait3A_76, %dma_wait3A_77] : memref<10240x128xf32, #tpu.memory_space<hbm>> -> memref<128x128xf32, #tpu.memory_space<hbm>>
        tpu.wait_dma2 semaphore(%arg13 : memref<!tpu.dma_semaphore, #tpu.memory_space<semaphore_mem>>) src(%dma_wait3A_78 : memref<128x128xf32, #tpu.memory_space<hbm>>) dst(%arg8 : memref<128x128xf32, #tpu.memory_space<vmem>>)
        %dma_wait3A_79 = arith.constant 0 : i32
        %dma_wait3A_80 = arith.constant 0 : i32
        %dma_wait3A_81 = tpu.memref_slice %arg2[%dma_wait3A_79, %dma_wait3A_80] : memref<10240x128xf32, #tpu.memory_space<hbm>> -> memref<128x128xf32, #tpu.memory_space<hbm>>
        %dma_wait3A_82 = arith.constant 0 : i32
        %dma_wait3A_83 = arith.constant 0 : i32
        %dma_wait3A_84 = tpu.memref_slice %arg2[%dma_wait3A_82, %dma_wait3A_83] : memref<10240x128xf32, #tpu.memory_space<hbm>> -> memref<128x128xf32, #tpu.memory_space<hbm>>
        tpu.wait_dma2 semaphore(%arg14 : memref<!tpu.dma_semaphore, #tpu.memory_space<semaphore_mem>>) src(%dma_wait3A_84 : memref<128x128xf32, #tpu.memory_space<hbm>>) dst(%arg9 : memref<128x128xf32, #tpu.memory_space<vmem>>)
        %scan3A_85 = arith.constant 0 : i32
        scf.yield %scan3A_85 : i32
      }
      %scan3A_52 = arith.constant 8 : i32
    } else {
    }
    %eq3A_20 = arith.constant 1 : i32
    %eq3A_21 = arith.cmpi eq, %arg0, %eq3A_20 : i32
    %convert_element_type3A_22 = arith.extui %eq3A_21 : i1 to i32
    %cond3A_23 = arith.constant 0 : i32
    %cond3A_24 = arith.cmpi ne, %convert_element_type3A_22, %cond3A_23 : i32
    scf.if %cond3A_24 {
      %scan3A_46 = arith.constant 0 : i32
      %scan3A_47 = arith.constant 0 : i32
      %scan3A_48 = arith.constant 2 : i32
      %scan3A_49 = arith.addi %scan3A_47, %scan3A_48 : i32
      %scan3A_50 = arith.constant 1 : i32
      %scan3A_51 = scf.for %scan3A_53 = %scan3A_47 to %scan3A_49 step %scan3A_50 iter_args(%scan3A_54 = %scan3A_46) -> (i32)  : i32 {
        %mul3A_55 = arith.constant 16 : i32
        %mul3A_56 = arith.muli %scan3A_53, %mul3A_55 : i32
        %add3A_57 = arith.addi %mul3A_0, %mul3A_56 : i32
        "tpu.region"() ({
          %run_scoped3A = tpu.sem_alloc : memref<!tpu.dma_semaphore, #tpu.memory_space<semaphore_mem>>
          %dma_start3A_86 = arith.constant 0 : i32
          %dma_start3A_87 = tpu.memref_slice %arg3[%arg1, %add3A_57, %dma_start3A_86] : memref<16x160x128xi32, #tpu.memory_space<hbm>> -> memref<1x16x128xi32, #tpu.memory_space<hbm>>
          %dma_start3A_88 = tpu.memref_squeeze %dma_start3A_87 : memref<1x16x128xi32, #tpu.memory_space<hbm>> -> memref<16x128xi32, #tpu.memory_space<hbm>>
          %dma_start3A_89 = arith.constant 0 : i32
          %dma_start3A_90 = tpu.memref_slice %arg3[%arg1, %add3A_57, %dma_start3A_89] : memref<16x160x128xi32, #tpu.memory_space<hbm>> -> memref<1x16x128xi32, #tpu.memory_space<hbm>>
          %dma_start3A_91 = tpu.memref_squeeze %dma_start3A_90 : memref<1x16x128xi32, #tpu.memory_space<hbm>> -> memref<16x128xi32, #tpu.memory_space<hbm>>
          tpu.enqueue_dma source(%dma_start3A_91 : memref<16x128xi32, #tpu.memory_space<hbm>>) target(%arg6 : memref<16x128xi32, #tpu.memory_space<vmem>>) target_semaphore(%run_scoped3A : memref<!tpu.dma_semaphore, #tpu.memory_space<semaphore_mem>>)
          %dma_wait3A_92 = arith.constant 0 : i32
          %dma_wait3A_93 = tpu.memref_slice %arg3[%arg1, %add3A_57, %dma_wait3A_92] : memref<16x160x128xi32, #tpu.memory_space<hbm>> -> memref<1x16x128xi32, #tpu.memory_space<hbm>>
          %dma_wait3A_94 = tpu.memref_squeeze %dma_wait3A_93 : memref<1x16x128xi32, #tpu.memory_space<hbm>> -> memref<16x128xi32, #tpu.memory_space<hbm>>
          %dma_wait3A_95 = arith.constant 0 : i32
          %dma_wait3A_96 = tpu.memref_slice %arg3[%arg1, %add3A_57, %dma_wait3A_95] : memref<16x160x128xi32, #tpu.memory_space<hbm>> -> memref<1x16x128xi32, #tpu.memory_space<hbm>>
          %dma_wait3A_97 = tpu.memref_squeeze %dma_wait3A_96 : memref<1x16x128xi32, #tpu.memory_space<hbm>> -> memref<16x128xi32, #tpu.memory_space<hbm>>
          tpu.wait_dma2 semaphore(%run_scoped3A : memref<!tpu.dma_semaphore, #tpu.memory_space<semaphore_mem>>) src(%dma_wait3A_97 : memref<16x128xi32, #tpu.memory_space<hbm>>) dst(%arg6 : memref<16x128xi32, #tpu.memory_space<vmem>>)
          tpu.yield
        }) : () -> ()
        %mul3A_58 = arith.constant 16 : i32
        %mul3A_59 = arith.muli %scan3A_53, %mul3A_58 : i32
        %add3A_60 = arith.addi %mul3A_0, %mul3A_59 : i32
        "tpu.region"() ({
          %run_scoped3A = tpu.sem_alloc : memref<!tpu.dma_semaphore, #tpu.memory_space<semaphore_mem>>
          %dma_start3A_86 = arith.constant 0 : i32
          %dma_start3A_87 = tpu.memref_slice %arg4[%arg1, %add3A_60, %dma_start3A_86] : memref<16x160x128xi32, #tpu.memory_space<hbm>> -> memref<1x16x128xi32, #tpu.memory_space<hbm>>
          %dma_start3A_88 = tpu.memref_squeeze %dma_start3A_87 : memref<1x16x128xi32, #tpu.memory_space<hbm>> -> memref<16x128xi32, #tpu.memory_space<hbm>>
          %dma_start3A_89 = arith.constant 0 : i32
          %dma_start3A_90 = tpu.memref_slice %arg4[%arg1, %add3A_60, %dma_start3A_89] : memref<16x160x128xi32, #tpu.memory_space<hbm>> -> memref<1x16x128xi32, #tpu.memory_space<hbm>>
          %dma_start3A_91 = tpu.memref_squeeze %dma_start3A_90 : memref<1x16x128xi32, #tpu.memory_space<hbm>> -> memref<16x128xi32, #tpu.memory_space<hbm>>
          tpu.enqueue_dma source(%dma_start3A_91 : memref<16x128xi32, #tpu.memory_space<hbm>>) target(%arg7 : memref<16x128xi32, #tpu.memory_space<vmem>>) target_semaphore(%run_scoped3A : memref<!tpu.dma_semaphore, #tpu.memory_space<semaphore_mem>>)
          %dma_wait3A_92 = arith.constant 0 : i32
          %dma_wait3A_93 = tpu.memref_slice %arg4[%arg1, %add3A_60, %dma_wait3A_92] : memref<16x160x128xi32, #tpu.memory_space<hbm>> -> memref<1x16x128xi32, #tpu.memory_space<hbm>>
          %dma_wait3A_94 = tpu.memref_squeeze %dma_wait3A_93 : memref<1x16x128xi32, #tpu.memory_space<hbm>> -> memref<16x128xi32, #tpu.memory_space<hbm>>
          %dma_wait3A_95 = arith.constant 0 : i32
          %dma_wait3A_96 = tpu.memref_slice %arg4[%arg1, %add3A_60, %dma_wait3A_95] : memref<16x160x128xi32, #tpu.memory_space<hbm>> -> memref<1x16x128xi32, #tpu.memory_space<hbm>>
          %dma_wait3A_97 = tpu.memref_squeeze %dma_wait3A_96 : memref<1x16x128xi32, #tpu.memory_space<hbm>> -> memref<16x128xi32, #tpu.memory_space<hbm>>
          tpu.wait_dma2 semaphore(%run_scoped3A : memref<!tpu.dma_semaphore, #tpu.memory_space<semaphore_mem>>) src(%dma_wait3A_97 : memref<16x128xi32, #tpu.memory_space<hbm>>) dst(%arg7 : memref<16x128xi32, #tpu.memory_space<vmem>>)
          tpu.yield
        }) : () -> ()
        %dma_start3A = arith.constant 0 : i32
        %dma_start3A_61 = arith.constant 0 : i32
        %dma_start3A_62 = tpu.memref_slice %arg6[%dma_start3A, %dma_start3A_61] : memref<16x128xi32, #tpu.memory_space<vmem>> -> memref<1x128xi32, #tpu.memory_space<vmem>>
        %dma_start3A_63 = tpu.memref_squeeze %dma_start3A_62 : memref<1x128xi32, #tpu.memory_space<vmem>> -> memref<128xi32, #tpu.memory_space<vmem>>
        %dma_start3A_64 = arith.constant 0 : i32
        %dma_start3A_65 = arith.constant 0 : i32
        %dma_start3A_66 = tpu.memref_slice %arg2[%dma_start3A_64, %dma_start3A_65] : memref<10240x128xf32, #tpu.memory_space<hbm>> -> memref<10240x128xf32, #tpu.memory_space<hbm>>
        tpu.enqueue_indirect_dma source(%dma_start3A_66 : memref<10240x128xf32, #tpu.memory_space<hbm>>) target(%arg8 : memref<128x128xf32, #tpu.memory_space<vmem>>) offsets(%dma_start3A_63 : memref<128xi32, #tpu.memory_space<vmem>>) semaphore(%arg11 : memref<!tpu.dma_semaphore, #tpu.memory_space<semaphore_mem>>)
        %scan3A_67 = arith.constant 0 : i32
        %scan3A_68 = arith.constant 0 : i32
        %scan3A_69 = arith.constant 8 : i32
        %scan3A_70 = arith.addi %scan3A_68, %scan3A_69 : i32
        %scan3A_71 = arith.constant 1 : i32
        %scan3A_72 = scf.for %scan3A_86 = %scan3A_68 to %scan3A_70 step %scan3A_71 iter_args(%scan3A_87 = %scan3A_67) -> (i32)  : i32 {
          %mul3A_88 = arith.constant 2 : i32
          %mul3A_89 = arith.muli %mul3A_88, %scan3A_86 : i32
          %gt3A = arith.constant 0 : i32
          %gt3A_90 = arith.cmpi sgt, %scan3A_86, %gt3A : i32
          %convert_element_type3A_91 = arith.extui %gt3A_90 : i1 to i32
          %cond3A_92 = arith.constant 0 : i32
          %cond3A_93 = arith.cmpi ne, %convert_element_type3A_91, %cond3A_92 : i32
          scf.if %cond3A_93 {
            %dma_wait3A_135 = arith.constant 0 : i32
            %dma_wait3A_136 = arith.constant 0 : i32
            %dma_wait3A_137 = tpu.memref_slice %arg2[%dma_wait3A_135, %dma_wait3A_136] : memref<10240x128xf32, #tpu.memory_space<hbm>> -> memref<128x128xf32, #tpu.memory_space<hbm>>
            %dma_wait3A_138 = arith.constant 0 : i32
            %dma_wait3A_139 = arith.constant 0 : i32
            %dma_wait3A_140 = tpu.memref_slice %arg2[%dma_wait3A_138, %dma_wait3A_139] : memref<10240x128xf32, #tpu.memory_space<hbm>> -> memref<128x128xf32, #tpu.memory_space<hbm>>
            tpu.wait_dma2 semaphore(%arg14 : memref<!tpu.dma_semaphore, #tpu.memory_space<semaphore_mem>>) src(%dma_wait3A_140 : memref<128x128xf32, #tpu.memory_space<hbm>>) dst(%arg9 : memref<128x128xf32, #tpu.memory_space<vmem>>)
          } else {
          }
          %add3A_94 = arith.constant 1 : i32
          %add3A_95 = arith.addi %mul3A_89, %add3A_94 : i32
          %dma_start3A_96 = arith.constant 0 : i32
          %dma_start3A_97 = tpu.memref_slice %arg6[%add3A_95, %dma_start3A_96] : memref<16x128xi32, #tpu.memory_space<vmem>> -> memref<1x128xi32, #tpu.memory_space<vmem>>
          %dma_start3A_98 = tpu.memref_squeeze %dma_start3A_97 : memref<1x128xi32, #tpu.memory_space<vmem>> -> memref<128xi32, #tpu.memory_space<vmem>>
          %dma_start3A_99 = arith.constant 0 : i32
          %dma_start3A_100 = arith.constant 0 : i32
          %dma_start3A_101 = tpu.memref_slice %arg2[%dma_start3A_99, %dma_start3A_100] : memref<10240x128xf32, #tpu.memory_space<hbm>> -> memref<10240x128xf32, #tpu.memory_space<hbm>>
          tpu.enqueue_indirect_dma source(%dma_start3A_101 : memref<10240x128xf32, #tpu.memory_space<hbm>>) target(%arg9 : memref<128x128xf32, #tpu.memory_space<vmem>>) offsets(%dma_start3A_98 : memref<128xi32, #tpu.memory_space<vmem>>) semaphore(%arg12 : memref<!tpu.dma_semaphore, #tpu.memory_space<semaphore_mem>>)
          %dma_wait3A_102 = arith.constant 0 : i32
          %dma_wait3A_103 = arith.constant 0 : i32
          %dma_wait3A_104 = tpu.memref_slice %arg2[%dma_wait3A_102, %dma_wait3A_103] : memref<10240x128xf32, #tpu.memory_space<hbm>> -> memref<128x128xf32, #tpu.memory_space<hbm>>
          %dma_wait3A_105 = arith.constant 0 : i32
          %dma_wait3A_106 = arith.constant 0 : i32
          %dma_wait3A_107 = tpu.memref_slice %arg2[%dma_wait3A_105, %dma_wait3A_106] : memref<10240x128xf32, #tpu.memory_space<hbm>> -> memref<128x128xf32, #tpu.memory_space<hbm>>
          tpu.wait_dma2 semaphore(%arg11 : memref<!tpu.dma_semaphore, #tpu.memory_space<semaphore_mem>>) src(%dma_wait3A_107 : memref<128x128xf32, #tpu.memory_space<hbm>>) dst(%arg8 : memref<128x128xf32, #tpu.memory_space<vmem>>)
          %dma_start3A_108 = arith.constant 0 : i32
          %dma_start3A_109 = tpu.memref_slice %arg7[%mul3A_89, %dma_start3A_108] : memref<16x128xi32, #tpu.memory_space<vmem>> -> memref<1x128xi32, #tpu.memory_space<vmem>>
          %dma_start3A_110 = tpu.memref_squeeze %dma_start3A_109 : memref<1x128xi32, #tpu.memory_space<vmem>> -> memref<128xi32, #tpu.memory_space<vmem>>
          %dma_start3A_111 = arith.constant 0 : i32
          %dma_start3A_112 = arith.constant 0 : i32
          %dma_start3A_113 = tpu.memref_slice %arg10[%dma_start3A_111, %dma_start3A_112] : memref<10240x128xf32, #tpu.memory_space<vmem_shared>> -> memref<10240x128xf32, #tpu.memory_space<vmem_shared>>
          tpu.enqueue_indirect_dma source(%arg8 : memref<128x128xf32, #tpu.memory_space<vmem>>) target(%dma_start3A_113 : memref<10240x128xf32, #tpu.memory_space<vmem_shared>>) offsets(%dma_start3A_110 : memref<128xi32, #tpu.memory_space<vmem>>) semaphore(%arg13 : memref<!tpu.dma_semaphore, #tpu.memory_space<semaphore_mem>>) {add = true}
          %add3A_114 = arith.constant 2 : i32
          %add3A_115 = arith.addi %mul3A_89, %add3A_114 : i32
          %lt3A = arith.constant 16 : i32
          %lt3A_116 = arith.cmpi slt, %add3A_115, %lt3A : i32
          %convert_element_type3A_117 = arith.extui %lt3A_116 : i1 to i32
          %cond3A_118 = arith.constant 0 : i32
          %cond3A_119 = arith.cmpi ne, %convert_element_type3A_117, %cond3A_118 : i32
          scf.if %cond3A_119 {
            %dma_wait3A_135 = arith.constant 0 : i32
            %dma_wait3A_136 = arith.constant 0 : i32
            %dma_wait3A_137 = tpu.memref_slice %arg2[%dma_wait3A_135, %dma_wait3A_136] : memref<10240x128xf32, #tpu.memory_space<hbm>> -> memref<128x128xf32, #tpu.memory_space<hbm>>
            %dma_wait3A_138 = arith.constant 0 : i32
            %dma_wait3A_139 = arith.constant 0 : i32
            %dma_wait3A_140 = tpu.memref_slice %arg2[%dma_wait3A_138, %dma_wait3A_139] : memref<10240x128xf32, #tpu.memory_space<hbm>> -> memref<128x128xf32, #tpu.memory_space<hbm>>
            tpu.wait_dma2 semaphore(%arg13 : memref<!tpu.dma_semaphore, #tpu.memory_space<semaphore_mem>>) src(%dma_wait3A_140 : memref<128x128xf32, #tpu.memory_space<hbm>>) dst(%arg8 : memref<128x128xf32, #tpu.memory_space<vmem>>)
            %add3A_141 = arith.constant 2 : i32
            %add3A_142 = arith.addi %mul3A_89, %add3A_141 : i32
            %dma_start3A_143 = arith.constant 0 : i32
            %dma_start3A_144 = tpu.memref_slice %arg6[%add3A_142, %dma_start3A_143] : memref<16x128xi32, #tpu.memory_space<vmem>> -> memref<1x128xi32, #tpu.memory_space<vmem>>
            %dma_start3A_145 = tpu.memref_squeeze %dma_start3A_144 : memref<1x128xi32, #tpu.memory_space<vmem>> -> memref<128xi32, #tpu.memory_space<vmem>>
            %dma_start3A_146 = arith.constant 0 : i32
            %dma_start3A_147 = arith.constant 0 : i32
            %dma_start3A_148 = tpu.memref_slice %arg2[%dma_start3A_146, %dma_start3A_147] : memref<10240x128xf32, #tpu.memory_space<hbm>> -> memref<10240x128xf32, #tpu.memory_space<hbm>>
            tpu.enqueue_indirect_dma source(%dma_start3A_148 : memref<10240x128xf32, #tpu.memory_space<hbm>>) target(%arg8 : memref<128x128xf32, #tpu.memory_space<vmem>>) offsets(%dma_start3A_145 : memref<128xi32, #tpu.memory_space<vmem>>) semaphore(%arg11 : memref<!tpu.dma_semaphore, #tpu.memory_space<semaphore_mem>>)
          } else {
          }
          %dma_wait3A_120 = arith.constant 0 : i32
          %dma_wait3A_121 = arith.constant 0 : i32
          %dma_wait3A_122 = tpu.memref_slice %arg2[%dma_wait3A_120, %dma_wait3A_121] : memref<10240x128xf32, #tpu.memory_space<hbm>> -> memref<128x128xf32, #tpu.memory_space<hbm>>
          %dma_wait3A_123 = arith.constant 0 : i32
          %dma_wait3A_124 = arith.constant 0 : i32
          %dma_wait3A_125 = tpu.memref_slice %arg2[%dma_wait3A_123, %dma_wait3A_124] : memref<10240x128xf32, #tpu.memory_space<hbm>> -> memref<128x128xf32, #tpu.memory_space<hbm>>
          tpu.wait_dma2 semaphore(%arg12 : memref<!tpu.dma_semaphore, #tpu.memory_space<semaphore_mem>>) src(%dma_wait3A_125 : memref<128x128xf32, #tpu.memory_space<hbm>>) dst(%arg9 : memref<128x128xf32, #tpu.memory_space<vmem>>)
          %add3A_126 = arith.constant 1 : i32
          %add3A_127 = arith.addi %mul3A_89, %add3A_126 : i32
          %dma_start3A_128 = arith.constant 0 : i32
          %dma_start3A_129 = tpu.memref_slice %arg7[%add3A_127, %dma_start3A_128] : memref<16x128xi32, #tpu.memory_space<vmem>> -> memref<1x128xi32, #tpu.memory_space<vmem>>
          %dma_start3A_130 = tpu.memref_squeeze %dma_start3A_129 : memref<1x128xi32, #tpu.memory_space<vmem>> -> memref<128xi32, #tpu.memory_space<vmem>>
          %dma_start3A_131 = arith.constant 0 : i32
          %dma_start3A_132 = arith.constant 0 : i32
          %dma_start3A_133 = tpu.memref_slice %arg10[%dma_start3A_131, %dma_start3A_132] : memref<10240x128xf32, #tpu.memory_space<vmem_shared>> -> memref<10240x128xf32, #tpu.memory_space<vmem_shared>>
          tpu.enqueue_indirect_dma source(%arg9 : memref<128x128xf32, #tpu.memory_space<vmem>>) target(%dma_start3A_133 : memref<10240x128xf32, #tpu.memory_space<vmem_shared>>) offsets(%dma_start3A_130 : memref<128xi32, #tpu.memory_space<vmem>>) semaphore(%arg14 : memref<!tpu.dma_semaphore, #tpu.memory_space<semaphore_mem>>) {add = true}
          %scan3A_134 = arith.constant 0 : i32
          scf.yield %scan3A_134 : i32
        }
        %scan3A_73 = arith.constant 8 : i32
        %dma_wait3A = arith.constant 0 : i32
        %dma_wait3A_74 = arith.constant 0 : i32
        %dma_wait3A_75 = tpu.memref_slice %arg2[%dma_wait3A, %dma_wait3A_74] : memref<10240x128xf32, #tpu.memory_space<hbm>> -> memref<128x128xf32, #tpu.memory_space<hbm>>
        %dma_wait3A_76 = arith.constant 0 : i32
        %dma_wait3A_77 = arith.constant 0 : i32
        %dma_wait3A_78 = tpu.memref_slice %arg2[%dma_wait3A_76, %dma_wait3A_77] : memref<10240x128xf32, #tpu.memory_space<hbm>> -> memref<128x128xf32, #tpu.memory_space<hbm>>
        tpu.wait_dma2 semaphore(%arg13 : memref<!tpu.dma_semaphore, #tpu.memory_space<semaphore_mem>>) src(%dma_wait3A_78 : memref<128x128xf32, #tpu.memory_space<hbm>>) dst(%arg8 : memref<128x128xf32, #tpu.memory_space<vmem>>)
        %dma_wait3A_79 = arith.constant 0 : i32
        %dma_wait3A_80 = arith.constant 0 : i32
        %dma_wait3A_81 = tpu.memref_slice %arg2[%dma_wait3A_79, %dma_wait3A_80] : memref<10240x128xf32, #tpu.memory_space<hbm>> -> memref<128x128xf32, #tpu.memory_space<hbm>>
        %dma_wait3A_82 = arith.constant 0 : i32
        %dma_wait3A_83 = arith.constant 0 : i32
        %dma_wait3A_84 = tpu.memref_slice %arg2[%dma_wait3A_82, %dma_wait3A_83] : memref<10240x128xf32, #tpu.memory_space<hbm>> -> memref<128x128xf32, #tpu.memory_space<hbm>>
        tpu.wait_dma2 semaphore(%arg14 : memref<!tpu.dma_semaphore, #tpu.memory_space<semaphore_mem>>) src(%dma_wait3A_84 : memref<128x128xf32, #tpu.memory_space<hbm>>) dst(%arg9 : memref<128x128xf32, #tpu.memory_space<vmem>>)
        %scan3A_85 = arith.constant 0 : i32
        scf.yield %scan3A_85 : i32
      }
      %scan3A_52 = arith.constant 2 : i32
    } else {
    }
    %barrier3A_25 = arith.constant 0 : index
    tpu.barrier barrier_id(%barrier3A_25)
    %add3A_26 = arith.constant 0 : i32
    %add3A_27 = arith.addi %mul3A_8, %add3A_26 : i32
    "tpu.region"() ({
      %run_scoped3A = tpu.sem_alloc : memref<!tpu.dma_semaphore, #tpu.memory_space<semaphore_mem>>
      %dma_start3A = arith.constant 0 : i32
      %dma_start3A_46 = tpu.memref_slice %arg10[%add3A_27, %dma_start3A] : memref<10240x128xf32, #tpu.memory_space<vmem_shared>> -> memref<128x128xf32, #tpu.memory_space<vmem_shared>>
      %dma_start3A_47 = arith.constant 0 : i32
      %dma_start3A_48 = tpu.memref_slice %arg10[%add3A_27, %dma_start3A_47] : memref<10240x128xf32, #tpu.memory_space<vmem_shared>> -> memref<128x128xf32, #tpu.memory_space<vmem_shared>>
      tpu.enqueue_dma source(%dma_start3A_48 : memref<128x128xf32, #tpu.memory_space<vmem_shared>>) target(%arg8 : memref<128x128xf32, #tpu.memory_space<vmem>>) target_semaphore(%run_scoped3A : memref<!tpu.dma_semaphore, #tpu.memory_space<semaphore_mem>>)
      %dma_wait3A = arith.constant 0 : i32
      %dma_wait3A_49 = tpu.memref_slice %arg10[%add3A_27, %dma_wait3A] : memref<10240x128xf32, #tpu.memory_space<vmem_shared>> -> memref<128x128xf32, #tpu.memory_space<vmem_shared>>
      %dma_wait3A_50 = arith.constant 0 : i32
      %dma_wait3A_51 = tpu.memref_slice %arg10[%add3A_27, %dma_wait3A_50] : memref<10240x128xf32, #tpu.memory_space<vmem_shared>> -> memref<128x128xf32, #tpu.memory_space<vmem_shared>>
      tpu.wait_dma2 semaphore(%run_scoped3A : memref<!tpu.dma_semaphore, #tpu.memory_space<semaphore_mem>>) src(%dma_wait3A_51 : memref<128x128xf32, #tpu.memory_space<vmem_shared>>) dst(%arg8 : memref<128x128xf32, #tpu.memory_space<vmem>>)
      tpu.yield
    }) : () -> ()
    %add3A_28 = arith.constant 0 : i32
    %add3A_29 = arith.addi %mul3A_8, %add3A_28 : i32
    "tpu.region"() ({
      %run_scoped3A = tpu.sem_alloc : memref<!tpu.dma_semaphore, #tpu.memory_space<semaphore_mem>>
      %dma_start3A = arith.constant 0 : i32
      %dma_start3A_46 = tpu.memref_slice %arg5[%arg0, %add3A_29, %dma_start3A] : memref<2x10240x128xf32, #tpu.memory_space<hbm>> -> memref<1x128x128xf32, #tpu.memory_space<hbm>>
      %dma_start3A_47 = tpu.memref_squeeze %dma_start3A_46 : memref<1x128x128xf32, #tpu.memory_space<hbm>> -> memref<128x128xf32, #tpu.memory_space<hbm>>
      %dma_start3A_48 = arith.constant 0 : i32
      %dma_start3A_49 = tpu.memref_slice %arg5[%arg0, %add3A_29, %dma_start3A_48] : memref<2x10240x128xf32, #tpu.memory_space<hbm>> -> memref<1x128x128xf32, #tpu.memory_space<hbm>>
      %dma_start3A_50 = tpu.memref_squeeze %dma_start3A_49 : memref<1x128x128xf32, #tpu.memory_space<hbm>> -> memref<128x128xf32, #tpu.memory_space<hbm>>
      tpu.enqueue_dma source(%arg8 : memref<128x128xf32, #tpu.memory_space<vmem>>) target(%dma_start3A_50 : memref<128x128xf32, #tpu.memory_space<hbm>>) target_semaphore(%run_scoped3A : memref<!tpu.dma_semaphore, #tpu.memory_space<semaphore_mem>>)
      %dma_wait3A = arith.constant 0 : i32
      %dma_wait3A_51 = tpu.memref_slice %arg5[%arg0, %add3A_29, %dma_wait3A] : memref<2x10240x128xf32, #tpu.memory_space<hbm>> -> memref<1x128x128xf32, #tpu.memory_space<hbm>>
      %dma_wait3A_52 = tpu.memref_squeeze %dma_wait3A_51 : memref<1x128x128xf32, #tpu.memory_space<hbm>> -> memref<128x128xf32, #tpu.memory_space<hbm>>
      %dma_wait3A_53 = arith.constant 0 : i32
      %dma_wait3A_54 = tpu.memref_slice %arg5[%arg0, %add3A_29, %dma_wait3A_53] : memref<2x10240x128xf32, #tpu.memory_space<hbm>> -> memref<1x128x128xf32, #tpu.memory_space<hbm>>
      %dma_wait3A_55 = tpu.memref_squeeze %dma_wait3A_54 : memref<1x128x128xf32, #tpu.memory_space<hbm>> -> memref<128x128xf32, #tpu.memory_space<hbm>>
      tpu.wait_dma2 semaphore(%run_scoped3A : memref<!tpu.dma_semaphore, #tpu.memory_space<semaphore_mem>>) src(%arg8 : memref<128x128xf32, #tpu.memory_space<vmem>>) dst(%dma_wait3A_55 : memref<128x128xf32, #tpu.memory_space<hbm>>)
      tpu.yield
    }) : () -> ()
    %add3A_30 = arith.constant 128 : i32
    %add3A_31 = arith.addi %mul3A_8, %add3A_30 : i32
    "tpu.region"() ({
      %run_scoped3A = tpu.sem_alloc : memref<!tpu.dma_semaphore, #tpu.memory_space<semaphore_mem>>
      %dma_start3A = arith.constant 0 : i32
      %dma_start3A_46 = tpu.memref_slice %arg10[%add3A_31, %dma_start3A] : memref<10240x128xf32, #tpu.memory_space<vmem_shared>> -> memref<128x128xf32, #tpu.memory_space<vmem_shared>>
      %dma_start3A_47 = arith.constant 0 : i32
      %dma_start3A_48 = tpu.memref_slice %arg10[%add3A_31, %dma_start3A_47] : memref<10240x128xf32, #tpu.memory_space<vmem_shared>> -> memref<128x128xf32, #tpu.memory_space<vmem_shared>>
      tpu.enqueue_dma source(%dma_start3A_48 : memref<128x128xf32, #tpu.memory_space<vmem_shared>>) target(%arg8 : memref<128x128xf32, #tpu.memory_space<vmem>>) target_semaphore(%run_scoped3A : memref<!tpu.dma_semaphore, #tpu.memory_space<semaphore_mem>>)
      %dma_wait3A = arith.constant 0 : i32
      %dma_wait3A_49 = tpu.memref_slice %arg10[%add3A_31, %dma_wait3A] : memref<10240x128xf32, #tpu.memory_space<vmem_shared>> -> memref<128x128xf32, #tpu.memory_space<vmem_shared>>
      %dma_wait3A_50 = arith.constant 0 : i32
      %dma_wait3A_51 = tpu.memref_slice %arg10[%add3A_31, %dma_wait3A_50] : memref<10240x128xf32, #tpu.memory_space<vmem_shared>> -> memref<128x128xf32, #tpu.memory_space<vmem_shared>>
      tpu.wait_dma2 semaphore(%run_scoped3A : memref<!tpu.dma_semaphore, #tpu.memory_space<semaphore_mem>>) src(%dma_wait3A_51 : memref<128x128xf32, #tpu.memory_space<vmem_shared>>) dst(%arg8 : memref<128x128xf32, #tpu.memory_space<vmem>>)
      tpu.yield
    }) : () -> ()
    %add3A_32 = arith.constant 128 : i32
    %add3A_33 = arith.addi %mul3A_8, %add3A_32 : i32
    "tpu.region"() ({
      %run_scoped3A = tpu.sem_alloc : memref<!tpu.dma_semaphore, #tpu.memory_space<semaphore_mem>>
      %dma_start3A = arith.constant 0 : i32
      %dma_start3A_46 = tpu.memref_slice %arg5[%arg0, %add3A_33, %dma_start3A] : memref<2x10240x128xf32, #tpu.memory_space<hbm>> -> memref<1x128x128xf32, #tpu.memory_space<hbm>>
      %dma_start3A_47 = tpu.memref_squeeze %dma_start3A_46 : memref<1x128x128xf32, #tpu.memory_space<hbm>> -> memref<128x128xf32, #tpu.memory_space<hbm>>
      %dma_start3A_48 = arith.constant 0 : i32
      %dma_start3A_49 = tpu.memref_slice %arg5[%arg0, %add3A_33, %dma_start3A_48] : memref<2x10240x128xf32, #tpu.memory_space<hbm>> -> memref<1x128x128xf32, #tpu.memory_space<hbm>>
      %dma_start3A_50 = tpu.memref_squeeze %dma_start3A_49 : memref<1x128x128xf32, #tpu.memory_space<hbm>> -> memref<128x128xf32, #tpu.memory_space<hbm>>
      tpu.enqueue_dma source(%arg8 : memref<128x128xf32, #tpu.memory_space<vmem>>) target(%dma_start3A_50 : memref<128x128xf32, #tpu.memory_space<hbm>>) target_semaphore(%run_scoped3A : memref<!tpu.dma_semaphore, #tpu.memory_space<semaphore_mem>>)
      %dma_wait3A = arith.constant 0 : i32
      %dma_wait3A_51 = tpu.memref_slice %arg5[%arg0, %add3A_33, %dma_wait3A] : memref<2x10240x128xf32, #tpu.memory_space<hbm>> -> memref<1x128x128xf32, #tpu.memory_space<hbm>>
      %dma_wait3A_52 = tpu.memref_squeeze %dma_wait3A_51 : memref<1x128x128xf32, #tpu.memory_space<hbm>> -> memref<128x128xf32, #tpu.memory_space<hbm>>
      %dma_wait3A_53 = arith.constant 0 : i32
      %dma_wait3A_54 = tpu.memref_slice %arg5[%arg0, %add3A_33, %dma_wait3A_53] : memref<2x10240x128xf32, #tpu.memory_space<hbm>> -> memref<1x128x128xf32, #tpu.memory_space<hbm>>
      %dma_wait3A_55 = tpu.memref_squeeze %dma_wait3A_54 : memref<1x128x128xf32, #tpu.memory_space<hbm>> -> memref<128x128xf32, #tpu.memory_space<hbm>>
      tpu.wait_dma2 semaphore(%run_scoped3A : memref<!tpu.dma_semaphore, #tpu.memory_space<semaphore_mem>>) src(%arg8 : memref<128x128xf32, #tpu.memory_space<vmem>>) dst(%dma_wait3A_55 : memref<128x128xf32, #tpu.memory_space<hbm>>)
      tpu.yield
    }) : () -> ()
    %add3A_34 = arith.constant 256 : i32
    %add3A_35 = arith.addi %mul3A_8, %add3A_34 : i32
    "tpu.region"() ({
      %run_scoped3A = tpu.sem_alloc : memref<!tpu.dma_semaphore, #tpu.memory_space<semaphore_mem>>
      %dma_start3A = arith.constant 0 : i32
      %dma_start3A_46 = tpu.memref_slice %arg10[%add3A_35, %dma_start3A] : memref<10240x128xf32, #tpu.memory_space<vmem_shared>> -> memref<128x128xf32, #tpu.memory_space<vmem_shared>>
      %dma_start3A_47 = arith.constant 0 : i32
      %dma_start3A_48 = tpu.memref_slice %arg10[%add3A_35, %dma_start3A_47] : memref<10240x128xf32, #tpu.memory_space<vmem_shared>> -> memref<128x128xf32, #tpu.memory_space<vmem_shared>>
      tpu.enqueue_dma source(%dma_start3A_48 : memref<128x128xf32, #tpu.memory_space<vmem_shared>>) target(%arg8 : memref<128x128xf32, #tpu.memory_space<vmem>>) target_semaphore(%run_scoped3A : memref<!tpu.dma_semaphore, #tpu.memory_space<semaphore_mem>>)
      %dma_wait3A = arith.constant 0 : i32
      %dma_wait3A_49 = tpu.memref_slice %arg10[%add3A_35, %dma_wait3A] : memref<10240x128xf32, #tpu.memory_space<vmem_shared>> -> memref<128x128xf32, #tpu.memory_space<vmem_shared>>
      %dma_wait3A_50 = arith.constant 0 : i32
      %dma_wait3A_51 = tpu.memref_slice %arg10[%add3A_35, %dma_wait3A_50] : memref<10240x128xf32, #tpu.memory_space<vmem_shared>> -> memref<128x128xf32, #tpu.memory_space<vmem_shared>>
      tpu.wait_dma2 semaphore(%run_scoped3A : memref<!tpu.dma_semaphore, #tpu.memory_space<semaphore_mem>>) src(%dma_wait3A_51 : memref<128x128xf32, #tpu.memory_space<vmem_shared>>) dst(%arg8 : memref<128x128xf32, #tpu.memory_space<vmem>>)
      tpu.yield
    }) : () -> ()
    %add3A_36 = arith.constant 256 : i32
    %add3A_37 = arith.addi %mul3A_8, %add3A_36 : i32
    "tpu.region"() ({
      %run_scoped3A = tpu.sem_alloc : memref<!tpu.dma_semaphore, #tpu.memory_space<semaphore_mem>>
      %dma_start3A = arith.constant 0 : i32
      %dma_start3A_46 = tpu.memref_slice %arg5[%arg0, %add3A_37, %dma_start3A] : memref<2x10240x128xf32, #tpu.memory_space<hbm>> -> memref<1x128x128xf32, #tpu.memory_space<hbm>>
      %dma_start3A_47 = tpu.memref_squeeze %dma_start3A_46 : memref<1x128x128xf32, #tpu.memory_space<hbm>> -> memref<128x128xf32, #tpu.memory_space<hbm>>
      %dma_start3A_48 = arith.constant 0 : i32
      %dma_start3A_49 = tpu.memref_slice %arg5[%arg0, %add3A_37, %dma_start3A_48] : memref<2x10240x128xf32, #tpu.memory_space<hbm>> -> memref<1x128x128xf32, #tpu.memory_space<hbm>>
      %dma_start3A_50 = tpu.memref_squeeze %dma_start3A_49 : memref<1x128x128xf32, #tpu.memory_space<hbm>> -> memref<128x128xf32, #tpu.memory_space<hbm>>
      tpu.enqueue_dma source(%arg8 : memref<128x128xf32, #tpu.memory_space<vmem>>) target(%dma_start3A_50 : memref<128x128xf32, #tpu.memory_space<hbm>>) target_semaphore(%run_scoped3A : memref<!tpu.dma_semaphore, #tpu.memory_space<semaphore_mem>>)
      %dma_wait3A = arith.constant 0 : i32
      %dma_wait3A_51 = tpu.memref_slice %arg5[%arg0, %add3A_37, %dma_wait3A] : memref<2x10240x128xf32, #tpu.memory_space<hbm>> -> memref<1x128x128xf32, #tpu.memory_space<hbm>>
      %dma_wait3A_52 = tpu.memref_squeeze %dma_wait3A_51 : memref<1x128x128xf32, #tpu.memory_space<hbm>> -> memref<128x128xf32, #tpu.memory_space<hbm>>
      %dma_wait3A_53 = arith.constant 0 : i32
      %dma_wait3A_54 = tpu.memref_slice %arg5[%arg0, %add3A_37, %dma_wait3A_53] : memref<2x10240x128xf32, #tpu.memory_space<hbm>> -> memref<1x128x128xf32, #tpu.memory_space<hbm>>
      %dma_wait3A_55 = tpu.memref_squeeze %dma_wait3A_54 : memref<1x128x128xf32, #tpu.memory_space<hbm>> -> memref<128x128xf32, #tpu.memory_space<hbm>>
      tpu.wait_dma2 semaphore(%run_scoped3A : memref<!tpu.dma_semaphore, #tpu.memory_space<semaphore_mem>>) src(%arg8 : memref<128x128xf32, #tpu.memory_space<vmem>>) dst(%dma_wait3A_55 : memref<128x128xf32, #tpu.memory_space<hbm>>)
      tpu.yield
    }) : () -> ()
    %add3A_38 = arith.constant 384 : i32
    %add3A_39 = arith.addi %mul3A_8, %add3A_38 : i32
    "tpu.region"() ({
      %run_scoped3A = tpu.sem_alloc : memref<!tpu.dma_semaphore, #tpu.memory_space<semaphore_mem>>
      %dma_start3A = arith.constant 0 : i32
      %dma_start3A_46 = tpu.memref_slice %arg10[%add3A_39, %dma_start3A] : memref<10240x128xf32, #tpu.memory_space<vmem_shared>> -> memref<128x128xf32, #tpu.memory_space<vmem_shared>>
      %dma_start3A_47 = arith.constant 0 : i32
      %dma_start3A_48 = tpu.memref_slice %arg10[%add3A_39, %dma_start3A_47] : memref<10240x128xf32, #tpu.memory_space<vmem_shared>> -> memref<128x128xf32, #tpu.memory_space<vmem_shared>>
      tpu.enqueue_dma source(%dma_start3A_48 : memref<128x128xf32, #tpu.memory_space<vmem_shared>>) target(%arg8 : memref<128x128xf32, #tpu.memory_space<vmem>>) target_semaphore(%run_scoped3A : memref<!tpu.dma_semaphore, #tpu.memory_space<semaphore_mem>>)
      %dma_wait3A = arith.constant 0 : i32
      %dma_wait3A_49 = tpu.memref_slice %arg10[%add3A_39, %dma_wait3A] : memref<10240x128xf32, #tpu.memory_space<vmem_shared>> -> memref<128x128xf32, #tpu.memory_space<vmem_shared>>
      %dma_wait3A_50 = arith.constant 0 : i32
      %dma_wait3A_51 = tpu.memref_slice %arg10[%add3A_39, %dma_wait3A_50] : memref<10240x128xf32, #tpu.memory_space<vmem_shared>> -> memref<128x128xf32, #tpu.memory_space<vmem_shared>>
      tpu.wait_dma2 semaphore(%run_scoped3A : memref<!tpu.dma_semaphore, #tpu.memory_space<semaphore_mem>>) src(%dma_wait3A_51 : memref<128x128xf32, #tpu.memory_space<vmem_shared>>) dst(%arg8 : memref<128x128xf32, #tpu.memory_space<vmem>>)
      tpu.yield
    }) : () -> ()
    %add3A_40 = arith.constant 384 : i32
    %add3A_41 = arith.addi %mul3A_8, %add3A_40 : i32
    "tpu.region"() ({
      %run_scoped3A = tpu.sem_alloc : memref<!tpu.dma_semaphore, #tpu.memory_space<semaphore_mem>>
      %dma_start3A = arith.constant 0 : i32
      %dma_start3A_46 = tpu.memref_slice %arg5[%arg0, %add3A_41, %dma_start3A] : memref<2x10240x128xf32, #tpu.memory_space<hbm>> -> memref<1x128x128xf32, #tpu.memory_space<hbm>>
      %dma_start3A_47 = tpu.memref_squeeze %dma_start3A_46 : memref<1x128x128xf32, #tpu.memory_space<hbm>> -> memref<128x128xf32, #tpu.memory_space<hbm>>
      %dma_start3A_48 = arith.constant 0 : i32
      %dma_start3A_49 = tpu.memref_slice %arg5[%arg0, %add3A_41, %dma_start3A_48] : memref<2x10240x128xf32, #tpu.memory_space<hbm>> -> memref<1x128x128xf32, #tpu.memory_space<hbm>>
      %dma_start3A_50 = tpu.memref_squeeze %dma_start3A_49 : memref<1x128x128xf32, #tpu.memory_space<hbm>> -> memref<128x128xf32, #tpu.memory_space<hbm>>
      tpu.enqueue_dma source(%arg8 : memref<128x128xf32, #tpu.memory_space<vmem>>) target(%dma_start3A_50 : memref<128x128xf32, #tpu.memory_space<hbm>>) target_semaphore(%run_scoped3A : memref<!tpu.dma_semaphore, #tpu.memory_space<semaphore_mem>>)
      %dma_wait3A = arith.constant 0 : i32
      %dma_wait3A_51 = tpu.memref_slice %arg5[%arg0, %add3A_41, %dma_wait3A] : memref<2x10240x128xf32, #tpu.memory_space<hbm>> -> memref<1x128x128xf32, #tpu.memory_space<hbm>>
      %dma_wait3A_52 = tpu.memref_squeeze %dma_wait3A_51 : memref<1x128x128xf32, #tpu.memory_space<hbm>> -> memref<128x128xf32, #tpu.memory_space<hbm>>
      %dma_wait3A_53 = arith.constant 0 : i32
      %dma_wait3A_54 = tpu.memref_slice %arg5[%arg0, %add3A_41, %dma_wait3A_53] : memref<2x10240x128xf32, #tpu.memory_space<hbm>> -> memref<1x128x128xf32, #tpu.memory_space<hbm>>
      %dma_wait3A_55 = tpu.memref_squeeze %dma_wait3A_54 : memref<1x128x128xf32, #tpu.memory_space<hbm>> -> memref<128x128xf32, #tpu.memory_space<hbm>>
      tpu.wait_dma2 semaphore(%run_scoped3A : memref<!tpu.dma_semaphore, #tpu.memory_space<semaphore_mem>>) src(%arg8 : memref<128x128xf32, #tpu.memory_space<vmem>>) dst(%dma_wait3A_55 : memref<128x128xf32, #tpu.memory_space<hbm>>)
      tpu.yield
    }) : () -> ()
    %add3A_42 = arith.constant 512 : i32
    %add3A_43 = arith.addi %mul3A_8, %add3A_42 : i32
    "tpu.region"() ({
      %run_scoped3A = tpu.sem_alloc : memref<!tpu.dma_semaphore, #tpu.memory_space<semaphore_mem>>
      %dma_start3A = arith.constant 0 : i32
      %dma_start3A_46 = tpu.memref_slice %arg10[%add3A_43, %dma_start3A] : memref<10240x128xf32, #tpu.memory_space<vmem_shared>> -> memref<128x128xf32, #tpu.memory_space<vmem_shared>>
      %dma_start3A_47 = arith.constant 0 : i32
      %dma_start3A_48 = tpu.memref_slice %arg10[%add3A_43, %dma_start3A_47] : memref<10240x128xf32, #tpu.memory_space<vmem_shared>> -> memref<128x128xf32, #tpu.memory_space<vmem_shared>>
      tpu.enqueue_dma source(%dma_start3A_48 : memref<128x128xf32, #tpu.memory_space<vmem_shared>>) target(%arg8 : memref<128x128xf32, #tpu.memory_space<vmem>>) target_semaphore(%run_scoped3A : memref<!tpu.dma_semaphore, #tpu.memory_space<semaphore_mem>>)
      %dma_wait3A = arith.constant 0 : i32
      %dma_wait3A_49 = tpu.memref_slice %arg10[%add3A_43, %dma_wait3A] : memref<10240x128xf32, #tpu.memory_space<vmem_shared>> -> memref<128x128xf32, #tpu.memory_space<vmem_shared>>
      %dma_wait3A_50 = arith.constant 0 : i32
      %dma_wait3A_51 = tpu.memref_slice %arg10[%add3A_43, %dma_wait3A_50] : memref<10240x128xf32, #tpu.memory_space<vmem_shared>> -> memref<128x128xf32, #tpu.memory_space<vmem_shared>>
      tpu.wait_dma2 semaphore(%run_scoped3A : memref<!tpu.dma_semaphore, #tpu.memory_space<semaphore_mem>>) src(%dma_wait3A_51 : memref<128x128xf32, #tpu.memory_space<vmem_shared>>) dst(%arg8 : memref<128x128xf32, #tpu.memory_space<vmem>>)
      tpu.yield
    }) : () -> ()
    %add3A_44 = arith.constant 512 : i32
    %add3A_45 = arith.addi %mul3A_8, %add3A_44 : i32
    "tpu.region"() ({
      %run_scoped3A = tpu.sem_alloc : memref<!tpu.dma_semaphore, #tpu.memory_space<semaphore_mem>>
      %dma_start3A = arith.constant 0 : i32
      %dma_start3A_46 = tpu.memref_slice %arg5[%arg0, %add3A_45, %dma_start3A] : memref<2x10240x128xf32, #tpu.memory_space<hbm>> -> memref<1x128x128xf32, #tpu.memory_space<hbm>>
      %dma_start3A_47 = tpu.memref_squeeze %dma_start3A_46 : memref<1x128x128xf32, #tpu.memory_space<hbm>> -> memref<128x128xf32, #tpu.memory_space<hbm>>
      %dma_start3A_48 = arith.constant 0 : i32
      %dma_start3A_49 = tpu.memref_slice %arg5[%arg0, %add3A_45, %dma_start3A_48] : memref<2x10240x128xf32, #tpu.memory_space<hbm>> -> memref<1x128x128xf32, #tpu.memory_space<hbm>>
      %dma_start3A_50 = tpu.memref_squeeze %dma_start3A_49 : memref<1x128x128xf32, #tpu.memory_space<hbm>> -> memref<128x128xf32, #tpu.memory_space<hbm>>
      tpu.enqueue_dma source(%arg8 : memref<128x128xf32, #tpu.memory_space<vmem>>) target(%dma_start3A_50 : memref<128x128xf32, #tpu.memory_space<hbm>>) target_semaphore(%run_scoped3A : memref<!tpu.dma_semaphore, #tpu.memory_space<semaphore_mem>>)
      %dma_wait3A = arith.constant 0 : i32
      %dma_wait3A_51 = tpu.memref_slice %arg5[%arg0, %add3A_45, %dma_wait3A] : memref<2x10240x128xf32, #tpu.memory_space<hbm>> -> memref<1x128x128xf32, #tpu.memory_space<hbm>>
      %dma_wait3A_52 = tpu.memref_squeeze %dma_wait3A_51 : memref<1x128x128xf32, #tpu.memory_space<hbm>> -> memref<128x128xf32, #tpu.memory_space<hbm>>
      %dma_wait3A_53 = arith.constant 0 : i32
      %dma_wait3A_54 = tpu.memref_slice %arg5[%arg0, %add3A_45, %dma_wait3A_53] : memref<2x10240x128xf32, #tpu.memory_space<hbm>> -> memref<1x128x128xf32, #tpu.memory_space<hbm>>
      %dma_wait3A_55 = tpu.memref_squeeze %dma_wait3A_54 : memref<1x128x128xf32, #tpu.memory_space<hbm>> -> memref<128x128xf32, #tpu.memory_space<hbm>>
      tpu.wait_dma2 semaphore(%run_scoped3A : memref<!tpu.dma_semaphore, #tpu.memory_space<semaphore_mem>>) src(%arg8 : memref<128x128xf32, #tpu.memory_space<vmem>>) dst(%dma_wait3A_55 : memref<128x128xf32, #tpu.memory_space<hbm>>)
      tpu.yield
    }) : () -> ()
    return
  }
}

module attributes {stable_mosaic.version = 14 : i64} {
  func.func @body(%arg0: i32, %arg1: memref<1024x128xf32, #tpu.memory_space<vmem>>, %arg2: memref<128x128xf32, #tpu.memory_space<vmem>>, %arg3: memref<1024x128xf32, #tpu.memory_space<vmem>>) attributes {dimension_semantics = [#tpu.dimension_semantics<arbitrary>], iteration_bounds = array<i64: 10>, scalar_prefetch = 0 : i64, scratch_operands = 0 : i64, tpu.core_type = #tpu.core_type<tc>, window_params = [{transform_indices = @transform_0, window_bounds = array<i64: 1024, 128>}, {pipeline_mode = #tpu.pipeline_mode<synchronous>, transform_indices = @transform_1, window_bounds = array<i64: 128, 128>}, {transform_indices = @transform_2, window_bounds = array<i64: 1024, 128>}]} {
    %get3A = arith.constant 0 : index
    %get3A_0 = arith.constant 0 : index
    %get3A_1 = vector.load %arg1[%get3A, %get3A_0] : memref<1024x128xf32, #tpu.memory_space<vmem>>, vector<1024x128xf32>
    %get3A_2 = arith.constant 0 : index
    %get3A_3 = arith.constant 0 : index
    %get3A_4 = vector.load %arg2[%get3A_2, %get3A_3] : memref<128x128xf32, #tpu.memory_space<vmem>>, vector<128x128xf32>
    %dot_general3A = arith.constant dense<0.000000e+00> : vector<1024x128xf32>
    %dot_general3A_5 = tpu.matmul %get3A_1, %get3A_4, %dot_general3A {dimension_numbers = #tpu.dot_dimension_numbers<[1], [1], [0], [0], [0, 0, 1, 0], [], []>, transpose_lhs_hint = false} : vector<1024x128xf32>, vector<128x128xf32>, vector<1024x128xf32> -> vector<1024x128xf32>
    %swap3A = arith.constant 0 : index
    %swap3A_6 = arith.constant 0 : index
    %swap3A_7 = vector.load %arg3[%swap3A, %swap3A_6] : memref<1024x128xf32, #tpu.memory_space<vmem>>, vector<1024x128xf32>
    tpu.vector_store %arg3[%swap3A, %swap3A_6], %dot_general3A_5 {strides = array<i32>} : memref<1024x128xf32, #tpu.memory_space<vmem>>, vector<1024x128xf32>,
    return
  }
  func.func @transform_0(%arg0: i32) -> (i32, i32) {
    %c0_i32 = arith.constant 0 : i32
    %c0_i32_0 = arith.constant 0 : i32
    return %arg0, %c0_i32 : i32, i32
  }
  func.func @transform_1(%arg0: i32) -> (i32, i32) {
    %c0_i32 = arith.constant 0 : i32
    %c0_i32_0 = arith.constant 0 : i32
    %c0_i32_1 = arith.constant 0 : i32
    return %c0_i32, %c0_i32_0 : i32, i32
  }
  func.func @transform_2(%arg0: i32) -> (i32, i32) {
    %c0_i32 = arith.constant 0 : i32
    %c0_i32_0 = arith.constant 0 : i32
    return %arg0, %c0_i32 : i32, i32
  }
}

module attributes {stable_mosaic.version = 14 : i64} {
  func.func @body(%arg0: i32, %arg1: memref<2x1024x128xf32, #tpu.memory_space<vmem>>, %arg2: memref<2x1024x16xf32, #tpu.memory_space<vmem>>, %arg3: memref<1024x128xf32, #tpu.memory_space<vmem>>) attributes {dimension_semantics = [#tpu.dimension_semantics<arbitrary>], iteration_bounds = array<i64: 10>, scalar_prefetch = 0 : i64, scratch_operands = 0 : i64, tpu.core_type = #tpu.core_type<tc>, window_params = [{transform_indices = @transform_0, window_bounds = array<i64: 2, 1024, 128>}, {transform_indices = @transform_1, window_bounds = array<i64: 2, 1024, 16>}, {transform_indices = @transform_2, window_bounds = array<i64: 1024, 128>}]} {
    %get3A = arith.constant 0 : index
    %get3A_0 = arith.constant 0 : index
    %get3A_1 = arith.constant 0 : index
    %get3A_2 = vector.load %arg1[%get3A, %get3A_0, %get3A_1] : memref<2x1024x128xf32, #tpu.memory_space<vmem>>, vector<1x1024x128xf32>
    %get3A_3 = vector.shape_cast %get3A_2 : vector<1x1024x128xf32> to vector<1024x128xf32>
    %get3A_4 = arith.constant 1 : index
    %get3A_5 = arith.constant 0 : index
    %get3A_6 = arith.constant 0 : index
    %get3A_7 = vector.load %arg1[%get3A_4, %get3A_5, %get3A_6] : memref<2x1024x128xf32, #tpu.memory_space<vmem>>, vector<1x1024x128xf32>
    %get3A_8 = vector.shape_cast %get3A_7 : vector<1x1024x128xf32> to vector<1024x128xf32>
    %add3A = arith.addf %get3A_3, %get3A_8 : vector<1024x128xf32>
    %get3A_9 = arith.constant 0 : index
    %get3A_10 = arith.constant 0 : index
    %get3A_11 = arith.constant 0 : index
    %get3A_12 = vector.load %arg2[%get3A_9, %get3A_10, %get3A_11] : memref<2x1024x16xf32, #tpu.memory_space<vmem>>, vector<1x1024x1xf32>
    %get3A_13 = vector.shape_cast %get3A_12 : vector<1x1024x1xf32> to vector<1024x1xf32>
    %get3A_14 = arith.constant 1 : index
    %get3A_15 = arith.constant 0 : index
    %get3A_16 = arith.constant 0 : index
    %get3A_17 = vector.load %arg2[%get3A_14, %get3A_15, %get3A_16] : memref<2x1024x16xf32, #tpu.memory_space<vmem>>, vector<1x1024x1xf32>
    %get3A_18 = vector.shape_cast %get3A_17 : vector<1x1024x1xf32> to vector<1024x1xf32>
    %add3A_19 = arith.addf %get3A_13, %get3A_18 : vector<1024x1xf32>
    %add3A_20 = arith.constant 9.99999993E-9 : f32
    %add3A_21 = vector.broadcast %add3A_20 : f32 to vector<1024x1xf32>
    %add3A_22 = arith.addf %add3A_19, %add3A_21 : vector<1024x1xf32>
    %div3A = vector.broadcast %add3A_22 : vector<1024x1xf32> to vector<1024x128xf32>
    %div3A_23 = arith.divf %add3A, %div3A : vector<1024x128xf32>
    %swap3A = arith.constant 0 : index
    %swap3A_24 = arith.constant 0 : index
    %swap3A_25 = vector.load %arg3[%swap3A, %swap3A_24] : memref<1024x128xf32, #tpu.memory_space<vmem>>, vector<1024x128xf32>
    tpu.vector_store %arg3[%swap3A, %swap3A_24], %div3A_23 {strides = array<i32>} : memref<1024x128xf32, #tpu.memory_space<vmem>>, vector<1024x128xf32>,
    return
  }
  func.func @transform_0(%arg0: i32) -> (i32, i32, i32) {
    %c0_i32 = arith.constant 0 : i32
    %c0_i32_0 = arith.constant 0 : i32
    %c0_i32_1 = arith.constant 0 : i32
    return %c0_i32, %arg0, %c0_i32_0 : i32, i32, i32
  }
  func.func @transform_1(%arg0: i32) -> (i32, i32, i32) {
    %c0_i32 = arith.constant 0 : i32
    %c0_i32_0 = arith.constant 0 : i32
    %c0_i32_1 = arith.constant 0 : i32
    return %c0_i32, %arg0, %c0_i32_0 : i32, i32, i32
  }
  func.func @transform_2(%arg0: i32) -> (i32, i32) {
    %c0_i32 = arith.constant 0 : i32
    %c0_i32_0 = arith.constant 0 : i32
    return %arg0, %c0_i32 : i32, i32
  }
}

module attributes {stable_mosaic.version = 14 : i64} {
  func.func @body(%arg0: i32, %arg1: memref<2x1024x128xf32, #tpu.memory_space<vmem>>, %arg2: memref<2x1024x16xf32, #tpu.memory_space<vmem>>, %arg3: memref<1024x128xf32, #tpu.memory_space<vmem>>, %arg4: memref<1x128xf32, #tpu.memory_space<vmem>>, %arg5: memref<1024x128xf32, #tpu.memory_space<vmem>>) attributes {dimension_semantics = [#tpu.dimension_semantics<arbitrary>], iteration_bounds = array<i64: 10>, scalar_prefetch = 0 : i64, scratch_operands = 0 : i64, tpu.core_type = #tpu.core_type<tc>, window_params = [{transform_indices = @transform_0, window_bounds = array<i64: 2, 1024, 128>}, {transform_indices = @transform_1, window_bounds = array<i64: 2, 1024, 16>}, {transform_indices = @transform_2, window_bounds = array<i64: 1024, 128>}, {pipeline_mode = #tpu.pipeline_mode<synchronous>, transform_indices = @transform_3, window_bounds = array<i64: 1, 128>}, {transform_indices = @transform_4, window_bounds = array<i64: 1024, 128>}]} {
    %get3A = arith.constant 0 : index
    %get3A_0 = arith.constant 0 : index
    %get3A_1 = arith.constant 0 : index
    %get3A_2 = vector.load %arg1[%get3A, %get3A_0, %get3A_1] : memref<2x1024x128xf32, #tpu.memory_space<vmem>>, vector<1x1024x128xf32>
    %get3A_3 = vector.shape_cast %get3A_2 : vector<1x1024x128xf32> to vector<1024x128xf32>
    %get3A_4 = arith.constant 1 : index
    %get3A_5 = arith.constant 0 : index
    %get3A_6 = arith.constant 0 : index
    %get3A_7 = vector.load %arg1[%get3A_4, %get3A_5, %get3A_6] : memref<2x1024x128xf32, #tpu.memory_space<vmem>>, vector<1x1024x128xf32>
    %get3A_8 = vector.shape_cast %get3A_7 : vector<1x1024x128xf32> to vector<1024x128xf32>
    %add3A = arith.addf %get3A_3, %get3A_8 : vector<1024x128xf32>
    %get3A_9 = arith.constant 0 : index
    %get3A_10 = arith.constant 0 : index
    %get3A_11 = arith.constant 0 : index
    %get3A_12 = vector.load %arg2[%get3A_9, %get3A_10, %get3A_11] : memref<2x1024x16xf32, #tpu.memory_space<vmem>>, vector<1x1024x1xf32>
    %get3A_13 = vector.shape_cast %get3A_12 : vector<1x1024x1xf32> to vector<1024x1xf32>
    %get3A_14 = arith.constant 1 : index
    %get3A_15 = arith.constant 0 : index
    %get3A_16 = arith.constant 0 : index
    %get3A_17 = vector.load %arg2[%get3A_14, %get3A_15, %get3A_16] : memref<2x1024x16xf32, #tpu.memory_space<vmem>>, vector<1x1024x1xf32>
    %get3A_18 = vector.shape_cast %get3A_17 : vector<1x1024x1xf32> to vector<1024x1xf32>
    %add3A_19 = arith.addf %get3A_13, %get3A_18 : vector<1024x1xf32>
    %add3A_20 = arith.constant 9.99999993E-9 : f32
    %add3A_21 = vector.broadcast %add3A_20 : f32 to vector<1024x1xf32>
    %add3A_22 = arith.addf %add3A_19, %add3A_21 : vector<1024x1xf32>
    %div3A = vector.broadcast %add3A_22 : vector<1024x1xf32> to vector<1024x128xf32>
    %div3A_23 = arith.divf %add3A, %div3A : vector<1024x128xf32>
    %get3A_24 = arith.constant 0 : index
    %get3A_25 = arith.constant 0 : index
    %get3A_26 = vector.load %arg3[%get3A_24, %get3A_25] : memref<1024x128xf32, #tpu.memory_space<vmem>>, vector<1024x128xf32>
    %add3A_27 = arith.addf %div3A_23, %get3A_26 : vector<1024x128xf32>
    %get3A_28 = arith.constant 0 : index
    %get3A_29 = arith.constant 0 : index
    %get3A_30 = vector.load %arg4[%get3A_28, %get3A_29] : memref<1x128xf32, #tpu.memory_space<vmem>>, vector<1x128xf32>
    %add3A_31 = vector.broadcast %get3A_30 : vector<1x128xf32> to vector<1024x128xf32>
    %add3A_32 = arith.addf %add3A_27, %add3A_31 : vector<1024x128xf32>
    %swap3A = arith.constant 0 : index
    %swap3A_33 = arith.constant 0 : index
    %swap3A_34 = vector.load %arg5[%swap3A, %swap3A_33] : memref<1024x128xf32, #tpu.memory_space<vmem>>, vector<1024x128xf32>
    tpu.vector_store %arg5[%swap3A, %swap3A_33], %add3A_32 {strides = array<i32>} : memref<1024x128xf32, #tpu.memory_space<vmem>>, vector<1024x128xf32>,
    return
  }
  func.func @transform_0(%arg0: i32) -> (i32, i32, i32) {
    %c0_i32 = arith.constant 0 : i32
    %c0_i32_0 = arith.constant 0 : i32
    %c0_i32_1 = arith.constant 0 : i32
    return %c0_i32, %arg0, %c0_i32_0 : i32, i32, i32
  }
  func.func @transform_1(%arg0: i32) -> (i32, i32, i32) {
    %c0_i32 = arith.constant 0 : i32
    %c0_i32_0 = arith.constant 0 : i32
    %c0_i32_1 = arith.constant 0 : i32
    return %c0_i32, %arg0, %c0_i32_0 : i32, i32, i32
  }
  func.func @transform_2(%arg0: i32) -> (i32, i32) {
    %c0_i32 = arith.constant 0 : i32
    %c0_i32_0 = arith.constant 0 : i32
    return %arg0, %c0_i32 : i32, i32
  }
  func.func @transform_3(%arg0: i32) -> (i32, i32) {
    %c0_i32 = arith.constant 0 : i32
    %c0_i32_0 = arith.constant 0 : i32
    %c0_i32_1 = arith.constant 0 : i32
    return %c0_i32, %c0_i32_0 : i32, i32
  }
  func.func @transform_4(%arg0: i32) -> (i32, i32) {
    %c0_i32 = arith.constant 0 : i32
    %c0_i32_0 = arith.constant 0 : i32
    return %arg0, %c0_i32 : i32, i32
  }
}

</mosaic_0001>

<sc_bundles>
// kernel: kernel.11.cloned.1.call-start
scs
__scs_entry_jumppad:
0x0: {  	(pc) =	sbr.rel $0x88, $3  }
0x1: {  	(tag) =	ssettag $0x0;
	lr =	simm.s32 $0x1  }
0x2: {  	[smem:$0x3F9D] =	sst lr;
	_ =	strace $0xD0000000  }
0x3: {  	_ = 	snop  }
0x4: {  	_ = 	snop  }
0x5: {  	_ = 	snop  }
0x6: {  	_ = 	snop  }
0x7: {  	_ = 	snop  }
__scs_overlays_trampoline_lowered:
0x8: {  	[smem:$0x3FAC] =	sst s0  }
0x9: {  	[smem:$0x3FAD] =	sst s1  }
0xa: {  	[smem:$0x3FAE] =	sst s2  }
0xb: {  	[smem:$0x3FAF] =	sst s3  }
0xc: {  	[smem:$0x3FB0] =	sst s4  }
0xd: {  	[smem:$0x3FB1] =	sst s5  }
0xe: {  	[smem:$0x3FB2] =	sst s6  }
0xf: {  	[smem:$0x3FB3] =	sst s7  }
0x10: {  	[smem:$0x3FB4] =	sst s8  }
0x11: {  	[smem:$0x3FB5] =	sst s9;
	s0 =	simm.s32 @!p0 $0x0  }
0x12: {  	s1 =	sld [smem:$0x3F9B];
	s0 =	simm.s32 @p0 $0x1  }
0x13: {  	[smem:$0x3FB6] =	sst s0;
	s0 =	simm.s32 @!p1 $0x0  }
0x14: {  	s2 =	sld [smem:$0x3F9A];
	s0 =	simm.s32 @p1 $0x1  }
0x15: {  	[smem:$0x3FB7] =	sst s0;
	s0 =	simm.s32 @!p2 $0x0  }
0x16: {  	s3 =	sld [smem:$0x3FDB];
	s0 =	simm.s32 @p2 $0x1  }
0x17: {  	s4 =	simm.s32 $0x1BF5;
	[smem:$0x3FB9] =	sst s0  }
0x18: {  	s0 =	sld [smem:$0x3F9C];
	_ =	swait.ge [sflag:s4], $0x0  }
0x19: {  	s7 =	sld [smem:$0x3F9D]  }
0x1a: {  	s8 =	sadd.s32 $0xFFFFE003, lr  }
0x1b: {  	s9 =	sadd.s32 $0xFFFFFEF7, lr;
	s5 =	simm.s32 $0xFFFFFFFF;
	p2 =	slt.u32 s8, $0xFFFFF086  }
0x1c: {  	p1 =	slt.u32 s9, $0xF7A;
	s5 =	simm.s32 @!p2 $0x0  }
0x1d: {  	s5 =	simm.s32 @p1 $0x1;
	p0 =	seq.s32 s7, s2  }
0x1e: {  	s7 =	smul.u32 @!p0 $0xF7A, s2;
	p2 =	seq.s32 @!p0 s5, $0x0  }
0x1f: {  	s9 =	smul.u32 $0xF7A, s1;
	s8 =	simm.s32 @!p0 $0x1BF5;
	p2 =	por !p2, p0  }
0x20: {  	[sflag:s8] =	ssyncset.s32 @!p0 $0xFFFFF086;
	s6 =	sadd.s32 @!p0 s3, s7;
	s7 =	simm.s32 @!p0 $0x108  }
0x21: {  	s3 =	sadd.s32 s3, s9;
	s6 =	sadd.s32 @!p0 $0x88, s6;
	s7 =	simm.s32 @p2 $0x1082  }
0x22: {  	[simem:s7], [sflag:s8] =	dma.local @!p0 [hbm:s6], $0xF7A  }
0x23: {  	s9 =	sor.u32 $0xD0000000, s2;
	s6 =	simm.s32 $0x108;
	_ =	swait.ge @!p0 [sflag:s8], $0x0  }
0x24: {  	s3 =	sadd.s32 $0x88, s3;
	s6 =	simm.s32 @!p1 $0x1082;
	[sflag:s4] =	ssyncset.s32 $0xFFFFF086  }
0x25: {  	[simem:s6], [sflag:s4] =	dma.local [hbm:s3], $0xF7A  }
0x26: {  	[smem:$0x3F9D] =	sst s1;
	(tag) =	ssettag s2;
	_ =	strace s9  }
0x27: {  	s1 =	sld [smem:$0x3FAD]  }
0x28: {  	s2 =	sld [smem:$0x3FAE]  }
0x29: {  	s4 =	sld [smem:$0x3FB0]  }
0x2a: {  	p0 =	seq.s32 s5, $0x0;
	s5 =	sld [smem:$0x3FB1]  }
0x2b: {  	s6 =	sld [smem:$0x3FB2]  }
0x2c: {  	s7 =	sld [smem:$0x3FB3]  }
0x2d: {  	s3 =	simm.s32 $0x108;
	s8 =	sld [smem:$0x3FB4]  }
0x2e: {  	s3 =	simm.s32 @!p0 $0x1082;
	s9 =	sld [smem:$0x3FB5]  }
0x2f: {  	lr =	sadd.s32 s0, s3;
	s0 =	sld [smem:$0x3FAC]  }
0x30: {  	s3 =	sld [smem:$0x3FAF]  }
0x31: {  	[smem:$0x3FB8] =	sst s10  }
0x32: {  	s10 =	sld [smem:$0x3FB6];
	_ =	sdelay $0x3  }
0x33: {  	p0 =	seq.s32 s10, $0x1;
	s10 =	sld [smem:$0x3FB8];
	_ =	sdelay $0x3  }
0x34: {  	[smem:$0x3FB8] =	sst s10  }
0x35: {  	s10 =	sld [smem:$0x3FB7];
	_ =	sdelay $0x3  }
0x36: {  	p1 =	seq.s32 s10, $0x1;
	s10 =	sld [smem:$0x3FB8];
	_ =	sdelay $0x3  }
0x37: {  	[smem:$0x3FB8] =	sst s10  }
0x38: {  	s10 =	sld [smem:$0x3FB9]  }
0x39: {  	_ = 	snop;
	(pc) =	sbr.ind lr, $3  }
0x3a: {  	_ = 	snop  }
0x3b: {  	_ = 	snop  }
0x3c: {  	p2 =	seq.s32 s10, $0x1;
	s10 =	sld [smem:$0x3FB8]  }
0x3d: {  	_ =	shalt  }
0x3e: {  	_ =	shalt  }
0x3f: {  	_ =	shalt  }
0x40: {  	_ =	shalt  }
0x41: {  	_ =	shalt  }
0x42: {  	_ =	shalt  }
0x43: {  	_ =	shalt  }
0x44: {  	_ =	shalt  }
0x45: {  	_ =	shalt  }
0x46: {  	_ =	shalt  }
0x47: {  	_ =	shalt  }
0x48: {  	_ =	shalt  }
0x49: {  	_ =	shalt  }
0x4a: {  	_ =	shalt  }
0x4b: {  	_ =	shalt  }
0x4c: {  	_ =	shalt  }
0x4d: {  	_ =	shalt  }
0x4e: {  	_ =	shalt  }
0x4f: {  	_ =	shalt  }
0x50: {  	_ =	shalt  }
0x51: {  	_ =	shalt  }
0x52: {  	_ =	shalt  }
0x53: {  	_ =	shalt  }
0x54: {  	_ =	shalt  }
0x55: {  	_ =	shalt  }
0x56: {  	_ =	shalt  }
0x57: {  	_ =	shalt  }
0x58: {  	_ =	shalt  }
0x59: {  	_ =	shalt  }
0x5a: {  	_ =	shalt  }
0x5b: {  	_ =	shalt  }
0x5c: {  	_ =	shalt  }
0x5d: {  	_ =	shalt  }
0x5e: {  	_ =	shalt  }
0x5f: {  	_ =	shalt  }
0x60: {  	_ =	shalt  }
0x61: {  	_ =	shalt  }
0x62: {  	_ =	shalt  }
0x63: {  	_ =	shalt  }
0x64: {  	_ =	shalt  }
0x65: {  	_ =	shalt  }
0x66: {  	_ =	shalt  }
0x67: {  	_ =	shalt  }
0x68: {  	_ =	shalt  }
0x69: {  	_ =	shalt  }
0x6a: {  	_ =	shalt  }
0x6b: {  	_ =	shalt  }
0x6c: {  	_ =	shalt  }
0x6d: {  	_ =	shalt  }
0x6e: {  	_ =	shalt  }
0x6f: {  	_ =	shalt  }
0x70: {  	_ =	shalt  }
0x71: {  	_ =	shalt  }
0x72: {  	_ =	shalt  }
0x73: {  	_ =	shalt  }
0x74: {  	_ =	shalt  }
0x75: {  	_ =	shalt  }
0x76: {  	_ =	shalt  }
0x77: {  	_ =	shalt  }
0x78: {  	_ =	shalt  }
0x79: {  	_ =	shalt  }
0x7a: {  	_ =	shalt  }
0x7b: {  	_ =	shalt  }
0x7c: {  	_ =	shalt  }
0x7d: {  	_ =	shalt  }
0x7e: {  	_ =	shalt  }
0x7f: {  	_ =	shalt  }
0x80: {  	_ =	shalt  }
0x81: {  	_ =	shalt  }
0x82: {  	_ =	shalt  }
0x83: {  	_ =	shalt  }
0x84: {  	_ =	shalt  }
0x85: {  	_ =	shalt  }
0x86: {  	_ =	shalt  }
0x87: {  	_ =	shalt  }
.Lfunc_end0:
.L_simem_size_0:
called_computation.1_lowered:
.L_overlay_start_0:
0x88: {  	s2 =	sld [smem:$0x3FD9]  }
0x89: {  	s3 =	sld [smem:$0x3FFE];
	_ =	sdelay $0x1  }
0x8a: {  	s1 =	srdreg.scid  }
0x8b: {  	s0 =	sand.u32 $0x1, s1  }
0x8c: {  	s17 =	sshll.u32 s0, $0xA;
	s2 =	sadd.s32 s3, s2  }
0x8d: {  	s2 =	sadd.s32 s2, s17  }
0x8e: {  	[smem:$0x3FC4] =	sst s2  }
0x8f: {  	_ = 	snop  }
0x90: {  	s2 =	sld [smem:$0x3FD0];
	(tm) =	ssettm $0x1  }
0x91: {  	s18 =	sld [smem:$0x3FFB];
	_ =	sdelay $0x3  }
0x92: {  	_ =	strace s18  }
0x93: {  	s3 =	sld [smem:$0x3FFC];
	_ =	sdelay $0x3  }
0x94: {  	_ =	strace s3  }
0x95: {  	s3 =	sld [smem:$0x3FFD];
	_ =	sdelay $0x3  }
0x96: {  	_ =	strace s3  }
0x97: {  	_ =	strace $0x8FFFFFFF  }
0x98: {  	s19 =	sld [smem:$0x3FDB];
	_ =	sdelay $0x1  }
0x99: {  	s4 =	simm.s32 $_scs_section_size  }
0x9a: {  	s5 =	simm.s32 $_size__tile_overlayer_lowered;
	s6 =	simm.s32 $_tile_overlayer_lowered  }
0x9b: {  	s22 =	simm.s32 $0x1BFF;
	s21 =	sshll.u32 s6, $0x1;
	s3 =	sadd.s32 s4, s19  }
0x9c: {  	s7 =	simm.s32 $0x0;
	s20 =	sshll.u32 s5, $0x1;
	s5 =	sadd.s32 s21, s3  }
0x9d: {  	[timem:s7], [sflag:s22] =	dma.local [hbm:s5], s20  }
0x9e: {  	_ =	swait.ge [sflag:s22], s20  }
0x9f: {  	s4 =	ssub.s32 $0x0, s20;
	[sflag:s22] =	ssyncset.done $0x0  }
0xa0: {  	[sflag:s22] =	ssyncadd.s32 s4;
	_ =	sdelay $0x1  }
0xa1: {  	s23 =	simm.s32 $0x1B8B  }
0xa2: {  	_ =	swait.ge [sflag:s23], $0x1  }
0xa3: {  	[sflag:s23] =	ssyncset.done $0x0  }
0xa4: {  	s25 =	simm.s32 $0x1B8E;
	s24 =	sld [smem:$0x3FFE];
	[sflag:s23] =	ssyncadd.s32 $0xFFFFFFFF  }
0xa5: {  	s26 =	simm.s32 $execute0_lowered;
	[smem:$0x3FD2] =	sst s25  }
0xa6: {  	s5 =	sshll.u32 s26, $0x1;
	_ =	strace $0x80000046;
	[dreg:$0x1] =	wrdreg $0xFFFFFFFF  }
0xa7: {  	s28 =	simm.s32 $_size_execute0_lowered;
	s3 =	sadd.s32 s3, s5;
	[dreg:$0x0] =	wrdreg $0x0  }
0xa8: {  	s5 =	sshll.u32 s28, $0x1;
	[dreg:$0x2] =	wrdreg s3  }
0xa9: {  	[dreg:$0x3] =	wrdreg s5  }
0xaa: {  	[dreg:$0x4] =	wrdreg $0xC0  }
0xab: {  	_ =	task [dreg:s7], $0x5FFFF  }
0xac: {  	[dreg:$0x1] =	wrdreg $0xFFFFFFFF  }
0xad: {  	[dreg:$0x0] =	wrdreg $0x60  }
0xae: {  	[dreg:$0x2] =	wrdreg s24  }
0xaf: {  	[dreg:$0x3] =	wrdreg s2  }
0xb0: {  	[dreg:$0x4] =	wrdreg $0x20000  }
0xb1: {  	[dreg:$0x5] =	wrdreg $0x48000  }
0xb2: {  	[dreg:$0x6] =	wrdreg $0xA  }
0xb3: {  	_ =	task.clear_ibuf [dreg:s7], $0x7FFFF;
	_ =	strace $0x90000046  }
0xb4: {  	s29 =	simm.s32 $0xA;
	_ =	strace $0x80000048  }
0xb5: {  	_ =	swait.ge [sflag:s29], $0x1  }
0xb6: {  	[sflag:s29] =	ssyncadd.s32 $0xFFFFFFFF  }
0xb7: {  	_ =	strace $0x90000048  }
0xb8: {  	_ =	sfence  }
0xb9: {  	s30 =	sld [smem:$0x0];
	_ =	sdelay $0x2  }
0xba: {  	s31 =	sshll.u32 s1, $0xD;
	s1 =	sshrl.u32 s1, $0x2  }
0xbb: {  	s3 =	sand.u32 $0x4000, s31;
	s1 =	sadd.s32 s1, s30  }
0xbc: {  	s0 =	sor.u32 s3, s0;
	s1 =	sshll.u32 s1, $0x11  }
0xbd: {  	s0 =	sor.u32 s1, s0  }
0xbe: {  	s0 =	sadd.s32 $0x8F2B, s0  }
0xbf: {  	[sflag:s0] =	ssyncadd.remote.s32 $0x1  }
0xc0: {  	_ =	sfence.sel $0xFFFF  }
0xc1: {  	[dreg:$0x0] =	wrdreg $0xFFFFFFFF;
	(pc) =	sbr.abs _section_cstart, $3  }
0xc2: {  	[dreg:$0x1] =	wrdreg $0xFFFFFFFF  }
0xc3: {  	_ =	task.clear_ibuf [dreg:s7], $0x2FFFF;
	_ =	strace $0x9FFFFFFF  }
0xc4: {  	(tm) =	ssettm $0x7FFFFFFF  }
0xc5: {  	_ =	shalt  }
tec
execute0_lowered:
.L_overlay_start_1:
0x0: {  	(tag) =	ssettag $0x1  }
0x1: {  	s0 =	rddreg [dreg:$0x0]  }
0x2: {  	s1 =	rddreg [dreg:$0x1]  }
0x3: {  	s2 =	rddreg [dreg:$0x2]  }
0x4: {  	s3 =	rddreg [dreg:$0x3];
	s4 =	simm.s32 $0x0;
	s5 =	srdreg.scid  }
0x5: {  	s19 =	stileid.u32;
	s31 =	simm.s32 $0x1800;
	[smem:$0x7FF] =	sst s4  }
0x6: {  	s5 =	sand.u32 $0x1, s5;
	s6 =	sadd.s32 $0x2600, s0;
	s11 =	smul.u32 $0x2800, s19  }
0x7: {  	s12 =	sadd.s32 $0xC600, s0;
	s0 =	sadd.s32 $0x16600, s0;
	_ =	strace $0x80000047  }
0x8: {  	s7 =	ssub.s32 $0x2, s5;
	s15 =	smul.u32 $0x28000, s5;
	p0 =	seq.s32 s5, $0x1  }
0x9: {  	s8 =	sshrl.u32 s7, $0x1;
	s14 =	sadd.s32 $0x800, s11;
	s16 =	sadd.s32 $0x1000, s11  }
0xa: {  	s17 =	sadd.s32 $0x1800, s11;
	s13 =	ssub.s32 s7, s8;
	s7 =	sadd.s32 s11, s2  }
0xb: {  	s8 =	sadd.s32 s11, s3;
	s9 =	sadd.s32 s14, s2;
	s10 =	sadd.s32 s14, s3  }
0xc: {  	s18 =	sadd.s32 s11, s15;
	s11 =	sadd.s32 $0x2000, s11;
	s14 =	sadd.s32 s15, s14  }
0xd: {  	s21 =	sadd.s32 s15, s16;
	s23 =	sadd.s32 s15, s17;
	s18 =	sshrl.u32 s18, $0x3  }
0xe: {  	s26 =	sshrl.u32 s14, $0x3;
	s22 =	sshrl.u32 s21, $0x3;
	s14 =	sshrl.u32 s23, $0x3  }
0xf: {  	s15 =	sadd.s32 s15, s11;
	s21 =	sadd.s32 s16, s2;
	s25 =	sadd.s32 s12, s18  }
0x10: {  	s23 =	smul.u32 $0x5000, s19;
	s18 =	sadd.s32 s0, s18;
	[dreg:$0x5] =	wrdreg s25  }
0x11: {  	s28 =	sadd.s32 s11, s3;
	s20 =	sadd.s32 s12, s26;
	[dreg:$0x6] =	wrdreg s18  }
0x12: {  	s29 =	smax.u32 s13, $0x1;
	s5 =	sadd.s32 s0, s26;
	[dreg:$0x7] =	wrdreg s20  }
0x13: {  	s13 =	simm.s32 $0x0;
	s24 =	sadd.s32 s12, s22;
	[dreg:$0x8] =	wrdreg s5  }
0x14: {  	s26 =	sshrl.u32 s15, $0x3;
	[dreg:$0x9] =	wrdreg s24;
	s5 =	sadd.s32 s0, s22  }
0x15: {  	s25 =	sadd.s32 s12, s14;
	s14 =	sadd.s32 s0, s14;
	s12 =	sadd.s32 s12, s26  }
.Ltmp0:
0x16: {  	s20 =	sadd.s32 s0, s26;
	[dreg:$0xa] =	wrdreg s5;
	(pc) =	sbr.rel .LBB2_1-.Ltmp0, $4  }
0x17: {  	s22 =	sadd.s32 s16, s3;
	s24 =	sadd.s32 s17, s2;
	[dreg:$0xb] =	wrdreg s25  }
0x18: {  	s26 =	sadd.s32 s11, s2;
	s30 =	sadd.s32 $0x2800, s23;
	[dreg:$0xc] =	wrdreg s14  }
0x19: {  	s0 =	simm.s32 $0x1;
	s11 =	simm.s32 $0x80;
	[dreg:$0xd] =	wrdreg s12  }
0x1a: {  	v0 =	vimm.f32 $1.000000000e+00;
	v1 =	vimm.f32 $0.0e+00;
	s25 =	sadd.s32 s17, s3;
	s5 =	simm.s32 $0x800;
	s12 =	simm.s32 $0x1000  }
.LBB2_10:
0x1b: {  	[bflag:$0x0] =	sbarrier.arrive $0xFFFF  }
0x1c: {  	[tilespmem:s12], [sflag:$0x1] =	stream.linear.gather [spmem:s7], $0x800, $0x38;
	[tilespmem:$0x7000] =	vst v63  }
0x1d: {  	_ =	swait.ge [sflag:s0], $0x800  }
0x1e: {  	[sflag:s0] =	ssyncset.done $0x0  }
0x1f: {  	s14 =	rddreg [dreg:$0x5];
	[sflag:s0] =	ssyncadd.s32 $0xFFFFF800  }
0x20: {  	[hbm4b:s14+s4] =	stream.linear.scatter [tilespmem:s12], [sflag:$0x1], $0x800, $0x38;
	[tilespmem:$0x7000] =	vst v63  }
0x21: {  	_ =	swait.ge [sflag:s0], $0x800  }
0x22: {  	[sflag:s0] =	ssyncset.done $0x0  }
0x23: {  	[sflag:s0] =	ssyncadd.s32 $0xFFFFF800  }
0x24: {  	[tilespmem:s31], [sflag:$0x1] =	stream.linear.gather [spmem:s8], $0x800, $0x38;
	[tilespmem:$0x7000] =	vst v63  }
0x25: {  	_ =	swait.ge [sflag:s0], $0x800  }
0x26: {  	[sflag:s0] =	ssyncset.done $0x0  }
0x27: {  	s17 =	rddreg [dreg:$0x6];
	[sflag:s0] =	ssyncadd.s32 $0xFFFFF800  }
0x28: {  	[hbm4b:s17+s4] =	stream.linear.scatter [tilespmem:s31], [sflag:$0x1], $0x800, $0x38;
	[tilespmem:$0x7000] =	vst v63  }
0x29: {  	_ =	swait.ge [sflag:s0], $0x800  }
0x2a: {  	[sflag:s0] =	ssyncset.done $0x0  }
0x2b: {  	[sflag:s0] =	ssyncadd.s32 $0xFFFFF800  }
0x2c: {  	[tilespmem:s12], [sflag:$0x1] =	stream.linear.gather [spmem:s9], $0x800, $0x38;
	[tilespmem:$0x7000] =	vst v63  }
0x2d: {  	_ =	swait.ge [sflag:s0], $0x800  }
0x2e: {  	[sflag:s0] =	ssyncset.done $0x0  }
0x2f: {  	s18 =	rddreg [dreg:$0x7];
	[sflag:s0] =	ssyncadd.s32 $0xFFFFF800  }
0x30: {  	[hbm4b:s18+s4] =	stream.linear.scatter [tilespmem:s12], [sflag:$0x1], $0x800, $0x38;
	[tilespmem:$0x7000] =	vst v63  }
0x31: {  	_ =	swait.ge [sflag:s0], $0x800  }
0x32: {  	[sflag:s0] =	ssyncset.done $0x0  }
0x33: {  	[sflag:s0] =	ssyncadd.s32 $0xFFFFF800  }
0x34: {  	[tilespmem:s31], [sflag:$0x1] =	stream.linear.gather [spmem:s10], $0x800, $0x38;
	[tilespmem:$0x7000] =	vst v63  }
0x35: {  	_ =	swait.ge [sflag:s0], $0x800  }
0x36: {  	[sflag:s0] =	ssyncset.done $0x0  }
0x37: {  	s19 =	rddreg [dreg:$0x8];
	[sflag:s0] =	ssyncadd.s32 $0xFFFFF800  }
0x38: {  	[hbm4b:s19+s4] =	stream.linear.scatter [tilespmem:s31], [sflag:$0x1], $0x800, $0x38;
	[tilespmem:$0x7000] =	vst v63  }
0x39: {  	_ =	swait.ge [sflag:s0], $0x800  }
0x3a: {  	[sflag:s0] =	ssyncset.done $0x0  }
0x3b: {  	[sflag:s0] =	ssyncadd.s32 $0xFFFFF800  }
0x3c: {  	[tilespmem:s12], [sflag:$0x1] =	stream.linear.gather [spmem:s21], $0x800, $0x38;
	[tilespmem:$0x7000] =	vst v63  }
0x3d: {  	_ =	swait.ge [sflag:s0], $0x800  }
0x3e: {  	[sflag:s0] =	ssyncset.done $0x0  }
0x3f: {  	s15 =	rddreg [dreg:$0x9];
	[sflag:s0] =	ssyncadd.s32 $0xFFFFF800  }
0x40: {  	[hbm4b:s15+s4] =	stream.linear.scatter [tilespmem:s12], [sflag:$0x1], $0x800, $0x38;
	[tilespmem:$0x7000] =	vst v63  }
0x41: {  	_ =	swait.ge [sflag:s0], $0x800  }
0x42: {  	[sflag:s0] =	ssyncset.done $0x0  }
0x43: {  	[sflag:s0] =	ssyncadd.s32 $0xFFFFF800  }
0x44: {  	[tilespmem:s31], [sflag:$0x1] =	stream.linear.gather [spmem:s22], $0x800, $0x38;
	[tilespmem:$0x7000] =	vst v63  }
0x45: {  	_ =	swait.ge [sflag:s0], $0x800  }
0x46: {  	[sflag:s0] =	ssyncset.done $0x0  }
0x47: {  	s16 =	rddreg [dreg:$0xa];
	[sflag:s0] =	ssyncadd.s32 $0xFFFFF800  }
0x48: {  	[hbm4b:s16+s4] =	stream.linear.scatter [tilespmem:s31], [sflag:$0x1], $0x800, $0x38;
	[tilespmem:$0x7000] =	vst v63  }
0x49: {  	_ =	swait.ge [sflag:s0], $0x800  }
0x4a: {  	[sflag:s0] =	ssyncset.done $0x0  }
0x4b: {  	[sflag:s0] =	ssyncadd.s32 $0xFFFFF800  }
0x4c: {  	[tilespmem:s12], [sflag:$0x1] =	stream.linear.gather [spmem:s24], $0x800, $0x38;
	[tilespmem:$0x7000] =	vst v63  }
0x4d: {  	_ =	swait.ge [sflag:s0], $0x800  }
0x4e: {  	[sflag:s0] =	ssyncset.done $0x0  }
0x4f: {  	s17 =	rddreg [dreg:$0xb];
	[sflag:s0] =	ssyncadd.s32 $0xFFFFF800  }
0x50: {  	[hbm4b:s17+s4] =	stream.linear.scatter [tilespmem:s12], [sflag:$0x1], $0x800, $0x38;
	[tilespmem:$0x7000] =	vst v63  }
0x51: {  	_ =	swait.ge [sflag:s0], $0x800  }
0x52: {  	[sflag:s0] =	ssyncset.done $0x0  }
0x53: {  	[sflag:s0] =	ssyncadd.s32 $0xFFFFF800  }
0x54: {  	[tilespmem:s31], [sflag:$0x1] =	stream.linear.gather [spmem:s25], $0x800, $0x38;
	[tilespmem:$0x7000] =	vst v63  }
0x55: {  	_ =	swait.ge [sflag:s0], $0x800  }
0x56: {  	[sflag:s0] =	ssyncset.done $0x0  }
0x57: {  	s18 =	rddreg [dreg:$0xc];
	[sflag:s0] =	ssyncadd.s32 $0xFFFFF800  }
0x58: {  	[hbm4b:s18+s4] =	stream.linear.scatter [tilespmem:s31], [sflag:$0x1], $0x800, $0x38;
	[tilespmem:$0x7000] =	vst v63  }
0x59: {  	_ =	swait.ge [sflag:s0], $0x800  }
0x5a: {  	[sflag:s0] =	ssyncset.done $0x0  }
0x5b: {  	[sflag:s0] =	ssyncadd.s32 $0xFFFFF800  }
0x5c: {  	[tilespmem:s12], [sflag:$0x1] =	stream.linear.gather [spmem:s26], $0x800, $0x38;
	[tilespmem:$0x7000] =	vst v63  }
0x5d: {  	_ =	swait.ge [sflag:s0], $0x800  }
0x5e: {  	[sflag:s0] =	ssyncset.done $0x0  }
0x5f: {  	s19 =	rddreg [dreg:$0xd];
	[sflag:s0] =	ssyncadd.s32 $0xFFFFF800  }
0x60: {  	[hbm4b:s19+s4] =	stream.linear.scatter [tilespmem:s12], [sflag:$0x1], $0x800, $0x38;
	[tilespmem:$0x7000] =	vst v63  }
0x61: {  	_ =	swait.ge [sflag:s0], $0x800  }
0x62: {  	[sflag:s0] =	ssyncset.done $0x0  }
0x63: {  	[sflag:s0] =	ssyncadd.s32 $0xFFFFF800  }
0x64: {  	[tilespmem:s31], [sflag:$0x1] =	stream.linear.gather [spmem:s28], $0x800, $0x38;
	[tilespmem:$0x7000] =	vst v63  }
0x65: {  	s13 =	sadd.s32 $0x1, s13;
	_ =	swait.ge [sflag:s0], $0x800  }
0x66: {  	p1 =	sne.s32 s13, s29;
	[sflag:s0] =	ssyncset.done $0x0  }
.Ltmp1:
0x67: {  	[sflag:s0] =	ssyncadd.s32 $0xFFFFF800;
	(pc) =	sbr.rel @!p1 .LBB2_11-.Ltmp1, $4  }
0x68: {  	[hbm4b:s20+s4] =	stream.linear.scatter [tilespmem:s31], [sflag:$0x1], $0x800, $0x38;
	[tilespmem:$0x7000] =	vst v63  }
0x69: {  	_ =	swait.ge [sflag:s0], $0x800  }
0x6a: {  	[sflag:s0] =	ssyncset.done $0x0  }
0x6b: {  	[sflag:s0] =	ssyncadd.s32 $0xFFFFF800  }
.LBB2_1:
0x6c: {  	s14 =	simm.s32 $0x40;
	s15 =	simm.s32 $0x0  }
.LBB2_2:
0x6d: {  	p1 =	sne.s32 s14, $0x1FC0;
	[tilespmem:s15+$0x1000] =	vst v0;
	s16 =	smov.u32 s14;
	s14 =	sadd.s32 $0x40, s14  }
.Ltmp2:
0x6e: {  	[tilespmem:s15+$0x1800] =	vst v1;
	(pc) =	sbr.rel @p1 .LBB2_2-.Ltmp2, $2  }
0x6f: {  	_ =	sdelay $0x2  }
0x70: {  	s15 =	sshra.s32 s16, $0x2  }
0x71: {  	[tilespmem:s15+$0x1000] =	vst v0  }
0x72: {  	[tilespmem:s15+$0x1800] =	vst v1  }
0x73: {  	[spmem:s7] =	stream.linear.scatter [tilespmem:s31], [sflag:$0x1], $0x800, $0x38;
	[tilespmem:$0x7000] =	vst v63  }
0x74: {  	_ =	swait.ge [sflag:s0], $0x800  }
0x75: {  	[sflag:s0] =	ssyncset.done $0x0  }
0x76: {  	[sflag:s0] =	ssyncadd.s32 $0xFFFFF800  }
0x77: {  	[spmem:s8] =	stream.linear.scatter [tilespmem:s31], [sflag:$0x1], $0x800, $0x38;
	[tilespmem:$0x7000] =	vst v63  }
0x78: {  	_ =	swait.ge [sflag:s0], $0x800  }
0x79: {  	[sflag:s0] =	ssyncset.done $0x0  }
0x7a: {  	[sflag:s0] =	ssyncadd.s32 $0xFFFFF800  }
0x7b: {  	[spmem:s9] =	stream.linear.scatter [tilespmem:s31], [sflag:$0x1], $0x800, $0x38;
	[tilespmem:$0x7000] =	vst v63  }
0x7c: {  	_ =	swait.ge [sflag:s0], $0x800  }
0x7d: {  	[sflag:s0] =	ssyncset.done $0x0  }
0x7e: {  	[sflag:s0] =	ssyncadd.s32 $0xFFFFF800  }
0x7f: {  	[spmem:s10] =	stream.linear.scatter [tilespmem:s31], [sflag:$0x1], $0x800, $0x38;
	[tilespmem:$0x7000] =	vst v63  }
0x80: {  	_ =	swait.ge [sflag:s0], $0x800  }
0x81: {  	[sflag:s0] =	ssyncset.done $0x0  }
0x82: {  	[sflag:s0] =	ssyncadd.s32 $0xFFFFF800  }
0x83: {  	[spmem:s21] =	stream.linear.scatter [tilespmem:s31], [sflag:$0x1], $0x800, $0x38;
	[tilespmem:$0x7000] =	vst v63  }
0x84: {  	_ =	swait.ge [sflag:s0], $0x800  }
0x85: {  	[sflag:s0] =	ssyncset.done $0x0  }
0x86: {  	[sflag:s0] =	ssyncadd.s32 $0xFFFFF800  }
0x87: {  	[spmem:s22] =	stream.linear.scatter [tilespmem:s31], [sflag:$0x1], $0x800, $0x38;
	[tilespmem:$0x7000] =	vst v63  }
0x88: {  	_ =	swait.ge [sflag:s0], $0x800  }
0x89: {  	[sflag:s0] =	ssyncset.done $0x0  }
0x8a: {  	[sflag:s0] =	ssyncadd.s32 $0xFFFFF800  }
0x8b: {  	[spmem:s24] =	stream.linear.scatter [tilespmem:s31], [sflag:$0x1], $0x800, $0x38;
	[tilespmem:$0x7000] =	vst v63  }
0x8c: {  	_ =	swait.ge [sflag:s0], $0x800  }
0x8d: {  	[sflag:s0] =	ssyncset.done $0x0  }
0x8e: {  	[sflag:s0] =	ssyncadd.s32 $0xFFFFF800  }
0x8f: {  	[spmem:s25] =	stream.linear.scatter [tilespmem:s31], [sflag:$0x1], $0x800, $0x38;
	[tilespmem:$0x7000] =	vst v63  }
0x90: {  	_ =	swait.ge [sflag:s0], $0x800  }
0x91: {  	[sflag:s0] =	ssyncset.done $0x0  }
0x92: {  	[sflag:s0] =	ssyncadd.s32 $0xFFFFF800  }
0x93: {  	[spmem:s26] =	stream.linear.scatter [tilespmem:s31], [sflag:$0x1], $0x800, $0x38;
	[tilespmem:$0x7000] =	vst v63  }
0x94: {  	_ =	swait.ge [sflag:s0], $0x800  }
0x95: {  	[sflag:s0] =	ssyncset.done $0x0  }
0x96: {  	[sflag:s0] =	ssyncadd.s32 $0xFFFFF800  }
0x97: {  	[spmem:s28] =	stream.linear.scatter [tilespmem:s31], [sflag:$0x1], $0x800, $0x38;
	[tilespmem:$0x7000] =	vst v63  }
.Ltmp3:
0x98: {  	_ =	swait.ge [sflag:s0], $0x800;
	(pc) =	sbr.rel @!p0 .LBB2_4-.Ltmp3, $4  }
0x99: {  	[sflag:s0] =	ssyncset.done $0x0  }
0x9a: {  	[sflag:s0] =	ssyncadd.s32 $0xFFFFF800  }
0x9b: {  	[bflag:$0x0] =	sbarrier.arrive $0xFFFF  }
0x9c: {  	s14 =	simm.s32 $0x0;
	s15 =	simm.s32 $0x0;
	s16 =	simm.s32 $0x0  }
.LBB2_7:
0x9d: {  	s15 =	sshll.u32 s16, $0xB  }
0x9e: {  	s15 =	sadd.s32 s15, s30  }
0x9f: {  	s15 =	sshrl.u32 s15, $0x3  }
0xa0: {  	s17 =	sadd.s32 s6, s15  }
0xa1: {  	[tilespmem:s14], [sflag:$0x1] =	stream.linear.gather [hbm4b:s17+s14], $0x800, $0x38;
	[tilespmem:$0x7000] =	vst v63  }
0xa2: {  	_ =	swait.ge [sflag:s0], $0x800  }
0xa3: {  	[sflag:s0] =	ssyncset.done $0x0  }
0xa4: {  	s15 =	sadd.s32 s1, s15;
	[sflag:s0] =	ssyncadd.s32 $0xFFFFF800  }
0xa5: {  	[tilespmem:s5], [sflag:$0x1] =	stream.linear.gather [hbm4b:s15+s14], $0x800, $0x38;
	[tilespmem:$0x7000] =	vst v63  }
0xa6: {  	_ =	swait.ge [sflag:s0], $0x800  }
0xa7: {  	[sflag:s0] =	ssyncset.done $0x0  }
0xa8: {  	s18 =	simm.s32 $0x0;
	[sflag:s0] =	ssyncadd.s32 $0xFFFFF800  }
0xa9: {  	[spmem:s2] =	stream.indirect.scatter.add.f32 [tilespmem:s12], [sflag:$0x1], $0x10, s18, s11, $0xb8;
	[tilespmem:$0x7000] =	vst v63  }
0xaa: {  	_ =	swait.ge [sflag:s0], $0x800  }
0xab: {  	[sflag:s0] =	ssyncset.done $0x0  }
0xac: {  	s19 =	simm.s32 $0x800;
	[sflag:s0] =	ssyncadd.s32 $0xFFFFF800  }
0xad: {  	[spmem:s3] =	stream.indirect.scatter.add.f32 [tilespmem:s12], [sflag:$0x1], $0x10, s19, s11, $0xb8;
	[tilespmem:$0x7000] =	vst v63  }
0xae: {  	_ =	swait.ge [sflag:s0], $0x800  }
0xaf: {  	s17 =	simm.s32 $0x400;
	s15 =	simm.s32 $0x200;
	[sflag:s0] =	ssyncset.done $0x0  }
.LBB2_8:
0xb0: {  	s18 =	sshra.s32 s15, $0x2  }
0xb1: {  	[sflag:s0] =	ssyncadd.s32 $0xFFFFF800;
	s15 =	smov.u32 s17;
	s19 =	sadd.s32 $0x200, s17  }
0xb2: {  	[spmem:s2] =	stream.indirect.scatter.add.f32 [tilespmem:s12], [sflag:$0x1], $0x10, s18, s11, $0xb8;
	[tilespmem:$0x7000] =	vst v63  }
0xb3: {  	p1 =	sne.s32 s17, $0x1E00;
	_ =	swait.ge [sflag:s0], $0x800  }
.Ltmp4:
0xb4: {  	[sflag:s0] =	ssyncset.done $0x0;
	(pc) =	sbr.rel @p1 .LBB2_8-.Ltmp4, $4  }
0xb5: {  	s17 =	sadd.s32 $0x800, s18;
	[sflag:s0] =	ssyncadd.s32 $0xFFFFF800  }
0xb6: {  	[spmem:s3] =	stream.indirect.scatter.add.f32 [tilespmem:s12], [sflag:$0x1], $0x10, s17, s11, $0xb8;
	[tilespmem:$0x7000] =	vst v63  }
0xb7: {  	_ =	swait.ge [sflag:s0], $0x800  }
0xb8: {  	s17 =	smov.u32 s19;
	[sflag:s0] =	ssyncset.done $0x0  }
0xb9: {  	s15 =	sshra.s32 s15, $0x2;
	[sflag:s0] =	ssyncadd.s32 $0xFFFFF800  }
0xba: {  	[spmem:s2] =	stream.indirect.scatter.add.f32 [tilespmem:s12], [sflag:$0x1], $0x10, s15, s11, $0xb8;
	[tilespmem:$0x7000] =	vst v63  }
0xbb: {  	_ =	swait.ge [sflag:s0], $0x800  }
0xbc: {  	s16 =	sadd.s32 $0x1, s16;
	[sflag:s0] =	ssyncset.done $0x0  }
0xbd: {  	s15 =	sadd.s32 $0x800, s15;
	p1 =	sne.s32 s16, $0x5;
	[sflag:s0] =	ssyncadd.s32 $0xFFFFF800  }
0xbe: {  	[spmem:s3] =	stream.indirect.scatter.add.f32 [tilespmem:s12], [sflag:$0x1], $0x10, s15, s11, $0xb8;
	[tilespmem:$0x7000] =	vst v63  }
.Ltmp5:
0xbf: {  	_ = 	snop;
	(pc) =	sbr.rel @p1 .LBB2_7-.Ltmp5, $4  }
.Ltmp6:
0xc0: {  	_ = 	snop;
	(pc) =	sbr.rel @!p1 .LBB2_10-.Ltmp6, $4  }
0xc1: {  	_ =	swait.ge [sflag:s0], $0x800  }
0xc2: {  	[sflag:s0] =	ssyncset.done $0x0  }
0xc3: {  	[sflag:s0] =	ssyncadd.s32 $0xFFFFF800  }
0xc4: {  	_ = 	snop  }
.LBB2_4:
0xc5: {  	s16 =	sshll.u32 s15, $0xB  }
0xc6: {  	s16 =	sadd.s32 s23, s16  }
0xc7: {  	s16 =	sshrl.u32 s16, $0x3  }
0xc8: {  	s17 =	sadd.s32 s6, s16  }
0xc9: {  	[tilespmem:s14], [sflag:$0x1] =	stream.linear.gather [hbm4b:s17+s14], $0x800, $0x38;
	[tilespmem:$0x7000] =	vst v63  }
0xca: {  	_ =	swait.ge [sflag:s0], $0x800  }
0xcb: {  	[sflag:s0] =	ssyncset.done $0x0  }
0xcc: {  	s16 =	sadd.s32 s1, s16;
	[sflag:s0] =	ssyncadd.s32 $0xFFFFF800  }
0xcd: {  	[tilespmem:s5], [sflag:$0x1] =	stream.linear.gather [hbm4b:s16+s14], $0x800, $0x38;
	[tilespmem:$0x7000] =	vst v63  }
0xce: {  	_ =	swait.ge [sflag:s0], $0x800  }
0xcf: {  	[sflag:s0] =	ssyncset.done $0x0  }
0xd0: {  	s18 =	simm.s32 $0x0;
	[sflag:s0] =	ssyncadd.s32 $0xFFFFF800  }
0xd1: {  	[spmem:s2] =	stream.indirect.scatter.add.f32 [tilespmem:s12], [sflag:$0x1], $0x10, s18, s11, $0xb8;
	[tilespmem:$0x7000] =	vst v63  }
0xd2: {  	_ =	swait.ge [sflag:s0], $0x800  }
0xd3: {  	[sflag:s0] =	ssyncset.done $0x0  }
0xd4: {  	s19 =	simm.s32 $0x800;
	[sflag:s0] =	ssyncadd.s32 $0xFFFFF800  }
0xd5: {  	[spmem:s3] =	stream.indirect.scatter.add.f32 [tilespmem:s12], [sflag:$0x1], $0x10, s19, s11, $0xb8;
	[tilespmem:$0x7000] =	vst v63  }
0xd6: {  	_ =	swait.ge [sflag:s0], $0x800  }
0xd7: {  	s17 =	simm.s32 $0x400;
	s16 =	simm.s32 $0x200;
	[sflag:s0] =	ssyncset.done $0x0  }
.LBB2_5:
0xd8: {  	s18 =	sshra.s32 s16, $0x2  }
0xd9: {  	[sflag:s0] =	ssyncadd.s32 $0xFFFFF800;
	s16 =	smov.u32 s17;
	s19 =	sadd.s32 $0x200, s17  }
0xda: {  	[spmem:s2] =	stream.indirect.scatter.add.f32 [tilespmem:s12], [sflag:$0x1], $0x10, s18, s11, $0xb8;
	[tilespmem:$0x7000] =	vst v63  }
0xdb: {  	p1 =	sne.s32 s17, $0x1E00;
	_ =	swait.ge [sflag:s0], $0x800  }
.Ltmp7:
0xdc: {  	[sflag:s0] =	ssyncset.done $0x0;
	(pc) =	sbr.rel @p1 .LBB2_5-.Ltmp7, $4  }
0xdd: {  	s17 =	sadd.s32 $0x800, s18;
	[sflag:s0] =	ssyncadd.s32 $0xFFFFF800  }
0xde: {  	[spmem:s3] =	stream.indirect.scatter.add.f32 [tilespmem:s12], [sflag:$0x1], $0x10, s17, s11, $0xb8;
	[tilespmem:$0x7000] =	vst v63  }
0xdf: {  	_ =	swait.ge [sflag:s0], $0x800  }
0xe0: {  	s17 =	smov.u32 s19;
	[sflag:s0] =	ssyncset.done $0x0  }
0xe1: {  	s16 =	sshra.s32 s16, $0x2;
	[sflag:s0] =	ssyncadd.s32 $0xFFFFF800  }
0xe2: {  	[spmem:s2] =	stream.indirect.scatter.add.f32 [tilespmem:s12], [sflag:$0x1], $0x10, s16, s11, $0xb8;
	[tilespmem:$0x7000] =	vst v63  }
0xe3: {  	_ =	swait.ge [sflag:s0], $0x800  }
0xe4: {  	s15 =	sadd.s32 $0x1, s15;
	[sflag:s0] =	ssyncset.done $0x0  }
0xe5: {  	s16 =	sadd.s32 $0x800, s16;
	p1 =	seq.s32 s15, $0x5;
	[sflag:s0] =	ssyncadd.s32 $0xFFFFF800  }
0xe6: {  	[spmem:s3] =	stream.indirect.scatter.add.f32 [tilespmem:s12], [sflag:$0x1], $0x10, s16, s11, $0xb8;
	[tilespmem:$0x7000] =	vst v63  }
.Ltmp8:
0xe7: {  	_ = 	snop;
	(pc) =	sbr.rel @!p1 .LBB2_4-.Ltmp8, $4  }
.Ltmp9:
0xe8: {  	_ = 	snop;
	(pc) =	sbr.rel @p1 .LBB2_10-.Ltmp9, $4  }
0xe9: {  	_ =	swait.ge [sflag:s0], $0x800  }
0xea: {  	[sflag:s0] =	ssyncset.done $0x0  }
0xeb: {  	[sflag:s0] =	ssyncadd.s32 $0xFFFFF800  }
0xec: {  	_ = 	snop  }
.LBB2_11:
0xed: {  	_ =	sfence.sel $0x180000  }
0xee: {  	[bflag:$0x0] =	sbarrier.arrive $0xFFFF  }
0xef: {  	_ =	strace $0x90000047  }
0xf0: {  	s0 =	stileid.u32;
	[bflag:$0x2] =	sbarrier.arrive $0xFFFF  }
0xf1: {  	p0 =	sne.s32 s0, $0x0;
	s0 =	rddreg [dreg:$0x4]  }
0xf2: {  	s0 =	sadd.s32 @!p0 $0x100000, s0  }
0xf3: {  	[sflag:s0] =	ssyncadd.tile.s32 @!p0 $0x1;
	_ =	shalt  }
.Lfunc_end2:
_tile_overlayer_lowered:
.L_overlay_start_2:
0xf4: {  	(tag) =	ssettag $0x2  }
0xf5: {  	s0 =	rddreg [dreg:$0x0];
	s2 =	stileid.u32  }
0xf6: {  	s1 =	rddreg [dreg:$0x1];
	p0 =	sne.s32 s2, $0x0  }
0xf7: {  	s3 =	rddreg [dreg:$0x2];
	[bflag:$0x3] =	sbarrier.arrive $0xFFFF;
	s2 =	simm.s32 @!p0 $0x1C01  }
0xf8: {  	[timem:s3], [sflag:s2] =	dma.local @!p0 [hbm:s0], s1  }
0xf9: {  	s0 =	simm.s32 @!p0 $0x1  }
0xfa: {  	_ =	swait.ge @!p0 [sflag:s0], s1  }
0xfb: {  	s1 =	ssub.s32 @!p0 $0x0, s1;
	[sflag:s0] =	ssyncset.done @!p0 $0x0  }
0xfc: {  	[sflag:s0] =	ssyncadd.s32 @!p0 s1  }
0xfd: {  	[bflag:$0x3] =	sbarrier.arrive $0xFFFF  }
0xfe: {  	_ =	shalt  }

// kernel: kernel.14.cloned.1.call-start
scs
__scs_entry_jumppad:
0x0: {  	(pc) =	sbr.rel $0x88, $3  }
0x1: {  	(tag) =	ssettag $0x0;
	lr =	simm.s32 $0x1  }
0x2: {  	[smem:$0x3F9D] =	sst lr;
	_ =	strace $0xD0000000  }
0x3: {  	_ = 	snop  }
0x4: {  	_ = 	snop  }
0x5: {  	_ = 	snop  }
0x6: {  	_ = 	snop  }
0x7: {  	_ = 	snop  }
__scs_overlays_trampoline_lowered:
0x8: {  	[smem:$0x3FAC] =	sst s0  }
0x9: {  	[smem:$0x3FAD] =	sst s1  }
0xa: {  	[smem:$0x3FAE] =	sst s2  }
0xb: {  	[smem:$0x3FAF] =	sst s3  }
0xc: {  	[smem:$0x3FB0] =	sst s4  }
0xd: {  	[smem:$0x3FB1] =	sst s5  }
0xe: {  	[smem:$0x3FB2] =	sst s6  }
0xf: {  	[smem:$0x3FB3] =	sst s7  }
0x10: {  	[smem:$0x3FB4] =	sst s8  }
0x11: {  	[smem:$0x3FB5] =	sst s9;
	s0 =	simm.s32 @!p0 $0x0  }
0x12: {  	s1 =	sld [smem:$0x3F9B];
	s0 =	simm.s32 @p0 $0x1  }
0x13: {  	[smem:$0x3FB6] =	sst s0;
	s0 =	simm.s32 @!p1 $0x0  }
0x14: {  	s2 =	sld [smem:$0x3F9A];
	s0 =	simm.s32 @p1 $0x1  }
0x15: {  	[smem:$0x3FB7] =	sst s0;
	s0 =	simm.s32 @!p2 $0x0  }
0x16: {  	s3 =	sld [smem:$0x3FDB];
	s0 =	simm.s32 @p2 $0x1  }
0x17: {  	s4 =	simm.s32 $0x1BF5;
	[smem:$0x3FB9] =	sst s0  }
0x18: {  	s0 =	sld [smem:$0x3F9C];
	_ =	swait.ge [sflag:s4], $0x0  }
0x19: {  	s7 =	sld [smem:$0x3F9D]  }
0x1a: {  	s8 =	sadd.s32 $0xFFFFE003, lr  }
0x1b: {  	s9 =	sadd.s32 $0xFFFFFEF7, lr;
	s5 =	simm.s32 $0xFFFFFFFF;
	p2 =	slt.u32 s8, $0xFFFFF086  }
0x1c: {  	p1 =	slt.u32 s9, $0xF7A;
	s5 =	simm.s32 @!p2 $0x0  }
0x1d: {  	s5 =	simm.s32 @p1 $0x1;
	p0 =	seq.s32 s7, s2  }
0x1e: {  	s7 =	smul.u32 @!p0 $0xF7A, s2;
	p2 =	seq.s32 @!p0 s5, $0x0  }
0x1f: {  	s9 =	smul.u32 $0xF7A, s1;
	s8 =	simm.s32 @!p0 $0x1BF5;
	p2 =	por !p2, p0  }
0x20: {  	[sflag:s8] =	ssyncset.s32 @!p0 $0xFFFFF086;
	s6 =	sadd.s32 @!p0 s3, s7;
	s7 =	simm.s32 @!p0 $0x108  }
0x21: {  	s3 =	sadd.s32 s3, s9;
	s6 =	sadd.s32 @!p0 $0x88, s6;
	s7 =	simm.s32 @p2 $0x1082  }
0x22: {  	[simem:s7], [sflag:s8] =	dma.local @!p0 [hbm:s6], $0xF7A  }
0x23: {  	s9 =	sor.u32 $0xD0000000, s2;
	s6 =	simm.s32 $0x108;
	_ =	swait.ge @!p0 [sflag:s8], $0x0  }
0x24: {  	s3 =	sadd.s32 $0x88, s3;
	s6 =	simm.s32 @!p1 $0x1082;
	[sflag:s4] =	ssyncset.s32 $0xFFFFF086  }
0x25: {  	[simem:s6], [sflag:s4] =	dma.local [hbm:s3], $0xF7A  }
0x26: {  	[smem:$0x3F9D] =	sst s1;
	(tag) =	ssettag s2;
	_ =	strace s9  }
0x27: {  	s1 =	sld [smem:$0x3FAD]  }
0x28: {  	s2 =	sld [smem:$0x3FAE]  }
0x29: {  	s4 =	sld [smem:$0x3FB0]  }
0x2a: {  	p0 =	seq.s32 s5, $0x0;
	s5 =	sld [smem:$0x3FB1]  }
0x2b: {  	s6 =	sld [smem:$0x3FB2]  }
0x2c: {  	s7 =	sld [smem:$0x3FB3]  }
0x2d: {  	s3 =	simm.s32 $0x108;
	s8 =	sld [smem:$0x3FB4]  }
0x2e: {  	s3 =	simm.s32 @!p0 $0x1082;
	s9 =	sld [smem:$0x3FB5]  }
0x2f: {  	lr =	sadd.s32 s0, s3;
	s0 =	sld [smem:$0x3FAC]  }
0x30: {  	s3 =	sld [smem:$0x3FAF]  }
0x31: {  	[smem:$0x3FB8] =	sst s10  }
0x32: {  	s10 =	sld [smem:$0x3FB6];
	_ =	sdelay $0x3  }
0x33: {  	p0 =	seq.s32 s10, $0x1;
	s10 =	sld [smem:$0x3FB8];
	_ =	sdelay $0x3  }
0x34: {  	[smem:$0x3FB8] =	sst s10  }
0x35: {  	s10 =	sld [smem:$0x3FB7];
	_ =	sdelay $0x3  }
0x36: {  	p1 =	seq.s32 s10, $0x1;
	s10 =	sld [smem:$0x3FB8];
	_ =	sdelay $0x3  }
0x37: {  	[smem:$0x3FB8] =	sst s10  }
0x38: {  	s10 =	sld [smem:$0x3FB9]  }
0x39: {  	_ = 	snop;
	(pc) =	sbr.ind lr, $3  }
0x3a: {  	_ = 	snop  }
0x3b: {  	_ = 	snop  }
0x3c: {  	p2 =	seq.s32 s10, $0x1;
	s10 =	sld [smem:$0x3FB8]  }
0x3d: {  	_ =	shalt  }
0x3e: {  	_ =	shalt  }
0x3f: {  	_ =	shalt  }
0x40: {  	_ =	shalt  }
0x41: {  	_ =	shalt  }
0x42: {  	_ =	shalt  }
0x43: {  	_ =	shalt  }
0x44: {  	_ =	shalt  }
0x45: {  	_ =	shalt  }
0x46: {  	_ =	shalt  }
0x47: {  	_ =	shalt  }
0x48: {  	_ =	shalt  }
0x49: {  	_ =	shalt  }
0x4a: {  	_ =	shalt  }
0x4b: {  	_ =	shalt  }
0x4c: {  	_ =	shalt  }
0x4d: {  	_ =	shalt  }
0x4e: {  	_ =	shalt  }
0x4f: {  	_ =	shalt  }
0x50: {  	_ =	shalt  }
0x51: {  	_ =	shalt  }
0x52: {  	_ =	shalt  }
0x53: {  	_ =	shalt  }
0x54: {  	_ =	shalt  }
0x55: {  	_ =	shalt  }
0x56: {  	_ =	shalt  }
0x57: {  	_ =	shalt  }
0x58: {  	_ =	shalt  }
0x59: {  	_ =	shalt  }
0x5a: {  	_ =	shalt  }
0x5b: {  	_ =	shalt  }
0x5c: {  	_ =	shalt  }
0x5d: {  	_ =	shalt  }
0x5e: {  	_ =	shalt  }
0x5f: {  	_ =	shalt  }
0x60: {  	_ =	shalt  }
0x61: {  	_ =	shalt  }
0x62: {  	_ =	shalt  }
0x63: {  	_ =	shalt  }
0x64: {  	_ =	shalt  }
0x65: {  	_ =	shalt  }
0x66: {  	_ =	shalt  }
0x67: {  	_ =	shalt  }
0x68: {  	_ =	shalt  }
0x69: {  	_ =	shalt  }
0x6a: {  	_ =	shalt  }
0x6b: {  	_ =	shalt  }
0x6c: {  	_ =	shalt  }
0x6d: {  	_ =	shalt  }
0x6e: {  	_ =	shalt  }
0x6f: {  	_ =	shalt  }
0x70: {  	_ =	shalt  }
0x71: {  	_ =	shalt  }
0x72: {  	_ =	shalt  }
0x73: {  	_ =	shalt  }
0x74: {  	_ =	shalt  }
0x75: {  	_ =	shalt  }
0x76: {  	_ =	shalt  }
0x77: {  	_ =	shalt  }
0x78: {  	_ =	shalt  }
0x79: {  	_ =	shalt  }
0x7a: {  	_ =	shalt  }
0x7b: {  	_ =	shalt  }
0x7c: {  	_ =	shalt  }
0x7d: {  	_ =	shalt  }
0x7e: {  	_ =	shalt  }
0x7f: {  	_ =	shalt  }
0x80: {  	_ =	shalt  }
0x81: {  	_ =	shalt  }
0x82: {  	_ =	shalt  }
0x83: {  	_ =	shalt  }
0x84: {  	_ =	shalt  }
0x85: {  	_ =	shalt  }
0x86: {  	_ =	shalt  }
0x87: {  	_ =	shalt  }
.Lfunc_end0:
.L_simem_size_0:
called_computation.2_lowered:
.L_overlay_start_0:
0x88: {  	s2 =	sld [smem:$0x3FD9]  }
0x89: {  	s3 =	sld [smem:$0x3FFE];
	_ =	sdelay $0x1  }
0x8a: {  	s1 =	srdreg.scid  }
0x8b: {  	s0 =	sand.u32 $0x1, s1  }
0x8c: {  	s17 =	sshll.u32 s0, $0xA;
	s2 =	sadd.s32 s3, s2  }
0x8d: {  	s2 =	sadd.s32 s2, s17  }
0x8e: {  	[smem:$0x3FC4] =	sst s2  }
0x8f: {  	_ = 	snop  }
0x90: {  	s2 =	sld [smem:$0x3FD0];
	(tm) =	ssettm $0x1  }
0x91: {  	s18 =	sld [smem:$0x3FFB];
	_ =	sdelay $0x3  }
0x92: {  	_ =	strace s18  }
0x93: {  	s3 =	sld [smem:$0x3FFC];
	_ =	sdelay $0x3  }
0x94: {  	_ =	strace s3  }
0x95: {  	s3 =	sld [smem:$0x3FFD];
	_ =	sdelay $0x3  }
0x96: {  	_ =	strace s3  }
0x97: {  	_ =	strace $0x8FFFFFFF  }
0x98: {  	s19 =	sld [smem:$0x3FDB];
	_ =	sdelay $0x1  }
0x99: {  	s4 =	simm.s32 $_scs_section_size  }
0x9a: {  	s5 =	simm.s32 $_size__tile_overlayer_lowered;
	s6 =	simm.s32 $_tile_overlayer_lowered  }
0x9b: {  	s22 =	simm.s32 $0x1BFF;
	s21 =	sshll.u32 s6, $0x1;
	s3 =	sadd.s32 s4, s19  }
0x9c: {  	s7 =	simm.s32 $0x0;
	s20 =	sshll.u32 s5, $0x1;
	s5 =	sadd.s32 s21, s3  }
0x9d: {  	[timem:s7], [sflag:s22] =	dma.local [hbm:s5], s20  }
0x9e: {  	_ =	swait.ge [sflag:s22], s20  }
0x9f: {  	s4 =	ssub.s32 $0x0, s20;
	[sflag:s22] =	ssyncset.done $0x0  }
0xa0: {  	[sflag:s22] =	ssyncadd.s32 s4;
	_ =	sdelay $0x1  }
0xa1: {  	s23 =	simm.s32 $0x1B8B  }
0xa2: {  	_ =	swait.ge [sflag:s23], $0x1  }
0xa3: {  	[sflag:s23] =	ssyncset.done $0x0  }
0xa4: {  	s25 =	simm.s32 $0x1B8E;
	s24 =	sld [smem:$0x3FFE];
	[sflag:s23] =	ssyncadd.s32 $0xFFFFFFFF  }
0xa5: {  	s26 =	simm.s32 $execute0_lowered;
	[smem:$0x3FD2] =	sst s25  }
0xa6: {  	s5 =	sshll.u32 s26, $0x1;
	_ =	strace $0x8000004C;
	[dreg:$0x1] =	wrdreg $0xFFFFFFFF  }
0xa7: {  	s28 =	simm.s32 $_size_execute0_lowered;
	s3 =	sadd.s32 s3, s5;
	[dreg:$0x0] =	wrdreg $0x0  }
0xa8: {  	s5 =	sshll.u32 s28, $0x1;
	[dreg:$0x2] =	wrdreg s3  }
0xa9: {  	[dreg:$0x3] =	wrdreg s5  }
0xaa: {  	[dreg:$0x4] =	wrdreg $0xC0  }
0xab: {  	_ =	task [dreg:s7], $0x5FFFF  }
0xac: {  	[dreg:$0x1] =	wrdreg $0xFFFFFFFF  }
0xad: {  	[dreg:$0x0] =	wrdreg $0x60  }
0xae: {  	[dreg:$0x2] =	wrdreg s24  }
0xaf: {  	[dreg:$0x3] =	wrdreg s2  }
0xb0: {  	[dreg:$0x4] =	wrdreg $0x90000  }
0xb1: {  	[dreg:$0x5] =	wrdreg $0x9  }
0xb2: {  	_ =	task.clear_ibuf [dreg:s7], $0x6FFFF;
	_ =	strace $0x9000004C  }
0xb3: {  	s29 =	simm.s32 $0x9;
	_ =	strace $0x8000004E  }
0xb4: {  	_ =	swait.ge [sflag:s29], $0x1  }
0xb5: {  	[sflag:s29] =	ssyncadd.s32 $0xFFFFFFFF  }
0xb6: {  	_ =	strace $0x9000004E  }
0xb7: {  	_ =	sfence  }
0xb8: {  	s30 =	sld [smem:$0x0];
	_ =	sdelay $0x2  }
0xb9: {  	s31 =	sshll.u32 s1, $0xD;
	s1 =	sshrl.u32 s1, $0x2  }
0xba: {  	s3 =	sand.u32 $0x4000, s31;
	s1 =	sadd.s32 s1, s30  }
0xbb: {  	s0 =	sor.u32 s3, s0;
	s1 =	sshll.u32 s1, $0x11  }
0xbc: {  	s0 =	sor.u32 s1, s0  }
0xbd: {  	s0 =	sadd.s32 $0x8F2B, s0  }
0xbe: {  	[sflag:s0] =	ssyncadd.remote.s32 $0x1  }
0xbf: {  	_ =	sfence.sel $0xFFFF  }
0xc0: {  	[dreg:$0x0] =	wrdreg $0xFFFFFFFF;
	(pc) =	sbr.abs _section_cstart, $3  }
0xc1: {  	[dreg:$0x1] =	wrdreg $0xFFFFFFFF  }
0xc2: {  	_ =	task.clear_ibuf [dreg:s7], $0x2FFFF;
	_ =	strace $0x9FFFFFFF  }
0xc3: {  	(tm) =	ssettm $0x7FFFFFFF  }
tec
execute0_lowered:
.L_overlay_start_1:
0x0: {  	(tag) =	ssettag $0x1  }
0x1: {  	s0 =	rddreg [dreg:$0x0]  }
0x2: {  	s13 =	rddreg [dreg:$0x1]  }
0x3: {  	s2 =	rddreg [dreg:$0x2];
	s4 =	simm.s32 $0x0  }
0x4: {  	s1 =	srdreg.scid;
	s14 =	stileid.u32;
	s29 =	simm.s32 $0x4  }
0x5: {  	s28 =	simm.s32 $0x700;
	s30 =	simm.s32 $0xE80;
	s3 =	smul.u32 $0x50000, s14  }
0x6: {  	s31 =	simm.s32 $0x780;
	[smem:$0x7FF] =	sst s4;
	s7 =	smul.u32 $0x14000, s14  }
0x7: {  	s1 =	sand.u32 $0x1, s1;
	s5 =	sadd.s32 $0x48600, s0;
	s12 =	smul.u32 $0x5000, s14  }
0x8: {  	s15 =	sadd.s32 $0x2600, s0;
	s0 =	sadd.s32 $0x70600, s0;
	s20 =	smul.u32 $0xA00, s14  }
0x9: {  	s14 =	simm.s32 $0x480;
	_ =	strace $0x8000004D;
	s6 =	ssub.s32 $0x2, s1  }
0xa: {  	s10 =	smul.u32 $0x140000, s1;
	p0 =	seq.s32 s1, $0x1;
	[dreg:$0x6] =	wrdreg s15  }
0xb: {  	s8 =	sshrl.u32 s6, $0x1;
	s3 =	sshrl.u32 s3, $0x2;
	s21 =	sadd.s32 $0x4000, s7  }
0xc: {  	s23 =	sadd.s32 $0x8000, s7;
	s24 =	sadd.s32 $0xC000, s7;
	s25 =	sadd.s32 $0x10000, s7  }
0xd: {  	s6 =	ssub.s32 s6, s8;
	s3 =	sadd.s32 s3, s2;
	s22 =	sadd.s32 s21, s2  }
0xe: {  	s9 =	sadd.s32 s23, s2;
	s11 =	sadd.s32 s24, s2;
	[dreg:$0x7] =	wrdreg s3  }
0xf: {  	s16 =	sadd.s32 s25, s2;
	s26 =	sadd.s32 s7, s10;
	[dreg:$0x8] =	wrdreg s22  }
0x10: {  	s17 =	sadd.s32 s10, s21;
	s19 =	sadd.s32 s10, s24;
	[dreg:$0x9] =	wrdreg s9  }
0x11: {  	s24 =	sadd.s32 s20, s13;
	s13 =	simm.s32 $0xB80;
	[dreg:$0xa] =	wrdreg s11  }
0x12: {  	s8 =	simm.s32 $0x500;
	[dreg:$0xb] =	wrdreg s16;
	s16 =	sadd.s32 $0x4000, s12  }
0x13: {  	s1 =	sshrl.u32 s26, $0x3;
	s18 =	sshrl.u32 s17, $0x3;
	s3 =	sadd.s32 s10, s23  }
0x14: {  	s22 =	sshrl.u32 s19, $0x3;
	s23 =	sadd.s32 s10, s25;
	[dreg:$0x4] =	wrdreg s24  }
0x15: {  	s25 =	sadd.s32 s20, s15;
	s26 =	smax.u32 s6, $0x1;
	s19 =	simm.s32 $0x1000  }
0x16: {  	s20 =	simm.s32 $0x5;
	s24 =	simm.s32 $0x3;
	s15 =	simm.s32 $0xC00  }
0x17: {  	s9 =	simm.s32 $0xC80;
	s10 =	simm.s32 $0x580;
	s11 =	simm.s32 $0xD00  }
0x18: {  	s6 =	simm.s32 $0xD80;
	s12 =	simm.s32 $0x680;
	[dreg:$0xc] =	wrdreg s16  }
0x19: {  	s1 =	sadd.s32 s0, s1;
	s3 =	sshrl.u32 s3, $0x3;
	[dreg:$0x12] =	wrdreg s26  }
0x1a: {  	[dreg:$0x5] =	wrdreg s25;
	s26 =	simm.s32 $0x2;
	s16 =	simm.s32 $0x800  }
0x1b: {  	s25 =	simm.s32 $0xE00;
	[dreg:$0xd] =	wrdreg s1;
	s1 =	sadd.s32 s0, s18  }
.Ltmp0:
0x1c: {  	s21 =	sadd.s32 s0, s3;
	[dreg:$0xe] =	wrdreg s1;
	(pc) =	sbr.rel .LBB2_1-.Ltmp0, $4  }
0x1d: {  	s3 =	simm.s32 $0xF80;
	[dreg:$0xf] =	wrdreg s21;
	s1 =	sadd.s32 s0, s22  }
0x1e: {  	s21 =	simm.s32 $0x80;
	[dreg:$0x10] =	wrdreg s1;
	s1 =	sshrl.u32 s23, $0x3  }
0x1f: {  	s22 =	simm.s32 $0x5000;
	s23 =	simm.s32 $0x1;
	s0 =	sadd.s32 s0, s1  }
0x20: {  	v0 =	vimm.f32 $0.0e+00;
	s1 =	simm.s32 $0x600;
	[dreg:$0x11] =	wrdreg s0;
	s0 =	simm.s32 $0x0  }
.LBB2_6:
0x21: {  	[sflag:s29] =	ssyncadd.s32 $0xFFFFC000  }
.LBB2_8:
0x22: {  	[bflag:$0x0] =	sbarrier.arrive $0xFFFF  }
0x23: {  	s7 =	rddreg [dreg:$0x7]  }
0x24: {  	[tilespmem:s19], [sflag:$0x5] =	stream.linear.gather [spmem:s7], $0x4000, $0x38;
	[tilespmem:$0x1D000] =	vst v63  }
0x25: {  	_ =	swait.ge [sflag:s20], $0x4000  }
0x26: {  	[sflag:s20] =	ssyncset.done $0x0  }
0x27: {  	s18 =	rddreg [dreg:$0xd];
	[sflag:s20] =	ssyncadd.s32 $0xFFFFC000  }
0x28: {  	[hbm4b:s18+s4] =	stream.linear.scatter [tilespmem:s19], [sflag:$0x5], $0x4000, $0x38;
	[tilespmem:$0x1D000] =	vst v63  }
0x29: {  	_ =	swait.ge [sflag:s20], $0x4000  }
0x2a: {  	[sflag:s20] =	ssyncset.done $0x0  }
0x2b: {  	s0 =	rddreg [dreg:$0x8];
	[sflag:s20] =	ssyncadd.s32 $0xFFFFC000  }
0x2c: {  	[tilespmem:s19], [sflag:$0x5] =	stream.linear.gather [spmem:s0], $0x4000, $0x38;
	[tilespmem:$0x1D000] =	vst v63  }
0x2d: {  	_ =	swait.ge [sflag:s20], $0x4000  }
0x2e: {  	[sflag:s20] =	ssyncset.done $0x0  }
0x2f: {  	s17 =	rddreg [dreg:$0xe];
	[sflag:s20] =	ssyncadd.s32 $0xFFFFC000  }
0x30: {  	[hbm4b:s17+s4] =	stream.linear.scatter [tilespmem:s19], [sflag:$0x5], $0x4000, $0x38;
	[tilespmem:$0x1D000] =	vst v63  }
0x31: {  	_ =	swait.ge [sflag:s20], $0x4000  }
0x32: {  	[sflag:s20] =	ssyncset.done $0x0  }
0x33: {  	s18 =	rddreg [dreg:$0x9];
	[sflag:s20] =	ssyncadd.s32 $0xFFFFC000  }
0x34: {  	[tilespmem:s19], [sflag:$0x5] =	stream.linear.gather [spmem:s18], $0x4000, $0x38;
	[tilespmem:$0x1D000] =	vst v63  }
0x35: {  	_ =	swait.ge [sflag:s20], $0x4000  }
0x36: {  	[sflag:s20] =	ssyncset.done $0x0  }
0x37: {  	s0 =	rddreg [dreg:$0xf];
	[sflag:s20] =	ssyncadd.s32 $0xFFFFC000  }
0x38: {  	[hbm4b:s0+s4] =	stream.linear.scatter [tilespmem:s19], [sflag:$0x5], $0x4000, $0x38;
	[tilespmem:$0x1D000] =	vst v63  }
0x39: {  	_ =	swait.ge [sflag:s20], $0x4000  }
0x3a: {  	[sflag:s20] =	ssyncset.done $0x0  }
0x3b: {  	s17 =	rddreg [dreg:$0xa];
	[sflag:s20] =	ssyncadd.s32 $0xFFFFC000  }
0x3c: {  	[tilespmem:s19], [sflag:$0x5] =	stream.linear.gather [spmem:s17], $0x4000, $0x38;
	[tilespmem:$0x1D000] =	vst v63  }
0x3d: {  	_ =	swait.ge [sflag:s20], $0x4000  }
0x3e: {  	[sflag:s20] =	ssyncset.done $0x0  }
0x3f: {  	s18 =	rddreg [dreg:$0x10];
	[sflag:s20] =	ssyncadd.s32 $0xFFFFC000  }
0x40: {  	[hbm4b:s18+s4] =	stream.linear.scatter [tilespmem:s19], [sflag:$0x5], $0x4000, $0x38;
	[tilespmem:$0x1D000] =	vst v63  }
0x41: {  	_ =	swait.ge [sflag:s20], $0x4000  }
0x42: {  	[sflag:s20] =	ssyncset.done $0x0  }
0x43: {  	s0 =	rddreg [dreg:$0xb];
	[sflag:s20] =	ssyncadd.s32 $0xFFFFC000  }
0x44: {  	[tilespmem:s19], [sflag:$0x5] =	stream.linear.gather [spmem:s0], $0x4000, $0x38;
	[tilespmem:$0x1D000] =	vst v63  }
0x45: {  	_ =	swait.ge [sflag:s20], $0x4000  }
0x46: {  	[sflag:s20] =	ssyncset.done $0x0  }
0x47: {  	s17 =	rddreg [dreg:$0x11];
	[sflag:s20] =	ssyncadd.s32 $0xFFFFC000  }
0x48: {  	[hbm4b:s17+s4] =	stream.linear.scatter [tilespmem:s19], [sflag:$0x5], $0x4000, $0x38;
	[tilespmem:$0x1D000] =	vst v63  }
0x49: {  	_ =	swait.ge [sflag:s20], $0x4000  }
0x4a: {  	s0 =	rddreg [dreg:$0x13]  }
0x4b: {  	s18 =	rddreg [dreg:$0x12];
	s0 =	sadd.s32 $0x1, s0  }
0x4c: {  	p1 =	sne.s32 s0, s18  }
.Ltmp1:
0x4d: {  	_ = 	snop;
	(pc) =	sbr.rel @!p1 .LBB2_9-.Ltmp1, $3  }
0x4e: {  	_ =	sdelay $0x1  }
0x4f: {  	[sflag:s20] =	ssyncset.done $0x0  }
0x50: {  	[sflag:s20] =	ssyncadd.s32 $0xFFFFC000  }
.LBB2_1:
0x51: {  	[dreg:$0x13] =	wrdreg s0;
	s17 =	simm.s32 $0x0;
	s18 =	simm.s32 $0x200  }
.LBB2_2:
0x52: {  	p1 =	sne.s32 s18, $0xFE00;
	[tilespmem:s17+$0x1070] =	vst v0  }
0x53: {  	[tilespmem:s17+$0x1000] =	vst v0  }
0x54: {  	[tilespmem:s17+$0x1010] =	vst v0  }
.Ltmp2:
0x55: {  	[tilespmem:s17+$0x1020] =	vst v0;
	(pc) =	sbr.rel @p1 .LBB2_2-.Ltmp2, $4  }
0x56: {  	[tilespmem:s17+$0x1030] =	vst v0  }
0x57: {  	[tilespmem:s17+$0x1040] =	vst v0  }
0x58: {  	[tilespmem:s17+$0x1050] =	vst v0  }
0x59: {  	[tilespmem:s17+$0x1060] =	vst v0;
	s17 =	sshra.s32 s18, $0x2;
	s18 =	sadd.s32 $0x200, s18  }
0x5a: {  	[tilespmem:s17+$0x1070] =	vst v0  }
0x5b: {  	[tilespmem:s17+$0x1000] =	vst v0  }
0x5c: {  	[tilespmem:s17+$0x1010] =	vst v0  }
0x5d: {  	[tilespmem:s17+$0x1020] =	vst v0  }
0x5e: {  	[tilespmem:s17+$0x1030] =	vst v0  }
0x5f: {  	[tilespmem:s17+$0x1040] =	vst v0  }
0x60: {  	[tilespmem:s17+$0x1050] =	vst v0  }
0x61: {  	[tilespmem:s17+$0x1060] =	vst v0;
	s7 =	rddreg [dreg:$0x7]  }
0x62: {  	[spmem:s7] =	stream.linear.scatter [tilespmem:s19], [sflag:$0x5], $0x4000, $0x38;
	[tilespmem:$0x1D000] =	vst v63  }
0x63: {  	_ =	swait.ge [sflag:s20], $0x4000  }
0x64: {  	[sflag:s20] =	ssyncset.done $0x0  }
0x65: {  	s18 =	rddreg [dreg:$0x8];
	[sflag:s20] =	ssyncadd.s32 $0xFFFFC000  }
0x66: {  	[spmem:s18] =	stream.linear.scatter [tilespmem:s19], [sflag:$0x5], $0x4000, $0x38;
	[tilespmem:$0x1D000] =	vst v63  }
0x67: {  	_ =	swait.ge [sflag:s20], $0x4000  }
0x68: {  	[sflag:s20] =	ssyncset.done $0x0  }
0x69: {  	s0 =	rddreg [dreg:$0x9];
	[sflag:s20] =	ssyncadd.s32 $0xFFFFC000  }
0x6a: {  	[spmem:s0] =	stream.linear.scatter [tilespmem:s19], [sflag:$0x5], $0x4000, $0x38;
	[tilespmem:$0x1D000] =	vst v63  }
0x6b: {  	_ =	swait.ge [sflag:s20], $0x4000  }
0x6c: {  	[sflag:s20] =	ssyncset.done $0x0  }
0x6d: {  	s17 =	rddreg [dreg:$0xa];
	[sflag:s20] =	ssyncadd.s32 $0xFFFFC000  }
0x6e: {  	[spmem:s17] =	stream.linear.scatter [tilespmem:s19], [sflag:$0x5], $0x4000, $0x38;
	[tilespmem:$0x1D000] =	vst v63  }
0x6f: {  	_ =	swait.ge [sflag:s20], $0x4000  }
0x70: {  	[sflag:s20] =	ssyncset.done $0x0  }
0x71: {  	s18 =	rddreg [dreg:$0xb];
	[sflag:s20] =	ssyncadd.s32 $0xFFFFC000  }
0x72: {  	[spmem:s18] =	stream.linear.scatter [tilespmem:s19], [sflag:$0x5], $0x4000, $0x38;
	[tilespmem:$0x1D000] =	vst v63  }
.Ltmp3:
0x73: {  	_ =	swait.ge [sflag:s20], $0x4000;
	(pc) =	sbr.rel @!p0 .LBB2_4-.Ltmp3, $4  }
0x74: {  	[sflag:s20] =	ssyncset.done $0x0  }
0x75: {  	[sflag:s20] =	ssyncadd.s32 $0xFFFFC000  }
0x76: {  	p1 =	por $0x1, $0x1;
	[bflag:$0x0] =	sbarrier.arrive $0xFFFF  }
0x77: {  	s0 =	simm.s32 $0xF00;
	s17 =	simm.s32 $0x0;
	s18 =	rddreg [dreg:$0xc]  }
.LBB2_7:
0x78: {  	s7 =	sor.u32 s17, s18  }
0x79: {  	s17 =	rddreg [dreg:$0x6];
	s7 =	sshrl.u32 s7, $0x3  }
0x7a: {  	s17 =	sadd.s32 s17, s7  }
0x7b: {  	[tilespmem:s4], [sflag:$0x5] =	stream.linear.gather [hbm4b:s17+s4], $0x800, $0x38;
	[tilespmem:$0x1D000] =	vst v63  }
0x7c: {  	_ =	swait.ge [sflag:s20], $0x800  }
0x7d: {  	[sflag:s20] =	ssyncset.done $0x0  }
0x7e: {  	[sflag:s20] =	ssyncadd.s32 $0xFFFFF800  }
0x7f: {  	s17 =	rddreg [dreg:$0x1]  }
0x80: {  	s7 =	sadd.s32 s17, s7;
	s17 =	simm.s32 $0x800  }
0x81: {  	[tilespmem:s17], [sflag:$0x5] =	stream.linear.gather [hbm4b:s7+s4], $0x800, $0x38;
	[tilespmem:$0x1D000] =	vst v63  }
0x82: {  	_ =	swait.ge [sflag:s20], $0x800  }
0x83: {  	[sflag:s20] =	ssyncset.done $0x0  }
0x84: {  	[sflag:s20] =	ssyncadd.s32 $0xFFFFF800  }
0x85: {  	[tilespmem:s19], [sflag:$0x1] =	stream.indirect.gather [hbm4b:s5+s21], $0x80, s4, s21, $0xb8;
	[tilespmem:$0x1D000] =	vst v63  }
0x86: {  	_ = 	snop  }
0x87: {  	[tilespmem:s22], [sflag:$0x2] =	stream.indirect.gather [hbm4b:s5+s21], $0x80, s21, s21, $0xb8;
	[tilespmem:$0x1D000] =	vst v63  }
0x88: {  	_ =	swait.ge [sflag:s23], $0x4000  }
0x89: {  	[sflag:s23] =	ssyncset.done $0x0  }
0x8a: {  	[sflag:s23] =	ssyncadd.s32 $0xFFFFC000  }
0x8b: {  	[spmem:s2] =	stream.indirect.scatter.add.f32 [tilespmem:s19], [sflag:$0x3], $0x80, s17, s21, $0xb8;
	[tilespmem:$0x1D000] =	vst v63  }
0x8c: {  	_ =	swait.ge [sflag:s24], $0x4000  }
0x8d: {  	[sflag:s24] =	ssyncset.done $0x0  }
0x8e: {  	s7 =	simm.s32 $0x100;
	[sflag:s24] =	ssyncadd.s32 $0xFFFFC000  }
0x8f: {  	[tilespmem:s19], [sflag:$0x1] =	stream.indirect.gather [hbm4b:s5+s21], $0x80, s7, s21, $0xb8;
	[tilespmem:$0x1D000] =	vst v63  }
0x90: {  	_ =	swait.ge [sflag:s26], $0x4000  }
0x91: {  	[sflag:s26] =	ssyncset.done $0x0  }
0x92: {  	s7 =	simm.s32 $0x880;
	[sflag:s26] =	ssyncadd.s32 $0xFFFFC000  }
0x93: {  	[spmem:s2] =	stream.indirect.scatter.add.f32 [tilespmem:s22], [sflag:$0x4], $0x80, s7, s21, $0xb8;
	[tilespmem:$0x1D000] =	vst v63  }
0x94: {  	_ =	swait.ge [sflag:s29], $0x4000  }
0x95: {  	[sflag:s29] =	ssyncset.done $0x0  }
0x96: {  	s7 =	simm.s32 $0x180;
	[sflag:s29] =	ssyncadd.s32 $0xFFFFC000  }
0x97: {  	[tilespmem:s22], [sflag:$0x2] =	stream.indirect.gather [hbm4b:s5+s21], $0x80, s7, s21, $0xb8;
	[tilespmem:$0x1D000] =	vst v63  }
0x98: {  	_ =	swait.ge [sflag:s23], $0x4000  }
0x99: {  	[sflag:s23] =	ssyncset.done $0x0  }
0x9a: {  	s7 =	simm.s32 $0x900;
	[sflag:s23] =	ssyncadd.s32 $0xFFFFC000  }
0x9b: {  	[spmem:s2] =	stream.indirect.scatter.add.f32 [tilespmem:s19], [sflag:$0x3], $0x80, s7, s21, $0xb8;
	[tilespmem:$0x1D000] =	vst v63  }
0x9c: {  	_ =	swait.ge [sflag:s24], $0x4000  }
0x9d: {  	[sflag:s24] =	ssyncset.done $0x0  }
0x9e: {  	s7 =	simm.s32 $0x200;
	[sflag:s24] =	ssyncadd.s32 $0xFFFFC000  }
0x9f: {  	[tilespmem:s19], [sflag:$0x1] =	stream.indirect.gather [hbm4b:s5+s21], $0x80, s7, s21, $0xb8;
	[tilespmem:$0x1D000] =	vst v63  }
0xa0: {  	_ =	swait.ge [sflag:s26], $0x4000  }
0xa1: {  	[sflag:s26] =	ssyncset.done $0x0  }
0xa2: {  	s7 =	simm.s32 $0x980;
	[sflag:s26] =	ssyncadd.s32 $0xFFFFC000  }
0xa3: {  	[spmem:s2] =	stream.indirect.scatter.add.f32 [tilespmem:s22], [sflag:$0x4], $0x80, s7, s21, $0xb8;
	[tilespmem:$0x1D000] =	vst v63  }
0xa4: {  	_ =	swait.ge [sflag:s29], $0x4000  }
0xa5: {  	[sflag:s29] =	ssyncset.done $0x0  }
0xa6: {  	s7 =	simm.s32 $0x280;
	[sflag:s29] =	ssyncadd.s32 $0xFFFFC000  }
0xa7: {  	[tilespmem:s22], [sflag:$0x2] =	stream.indirect.gather [hbm4b:s5+s21], $0x80, s7, s21, $0xb8;
	[tilespmem:$0x1D000] =	vst v63  }
0xa8: {  	_ =	swait.ge [sflag:s23], $0x4000  }
0xa9: {  	[sflag:s23] =	ssyncset.done $0x0  }
0xaa: {  	s7 =	simm.s32 $0xA00;
	[sflag:s23] =	ssyncadd.s32 $0xFFFFC000  }
0xab: {  	[spmem:s2] =	stream.indirect.scatter.add.f32 [tilespmem:s19], [sflag:$0x3], $0x80, s7, s21, $0xb8;
	[tilespmem:$0x1D000] =	vst v63  }
0xac: {  	_ =	swait.ge [sflag:s24], $0x4000  }
0xad: {  	[sflag:s24] =	ssyncset.done $0x0  }
0xae: {  	s7 =	simm.s32 $0x300;
	[sflag:s24] =	ssyncadd.s32 $0xFFFFC000  }
0xaf: {  	[tilespmem:s19], [sflag:$0x1] =	stream.indirect.gather [hbm4b:s5+s21], $0x80, s7, s21, $0xb8;
	[tilespmem:$0x1D000] =	vst v63  }
0xb0: {  	_ =	swait.ge [sflag:s26], $0x4000  }
0xb1: {  	[sflag:s26] =	ssyncset.done $0x0  }
0xb2: {  	s7 =	simm.s32 $0xA80;
	[sflag:s26] =	ssyncadd.s32 $0xFFFFC000  }
0xb3: {  	[spmem:s2] =	stream.indirect.scatter.add.f32 [tilespmem:s22], [sflag:$0x4], $0x80, s7, s21, $0xb8;
	[tilespmem:$0x1D000] =	vst v63  }
0xb4: {  	_ =	swait.ge [sflag:s29], $0x4000  }
0xb5: {  	[sflag:s29] =	ssyncset.done $0x0  }
0xb6: {  	s7 =	simm.s32 $0x380;
	[sflag:s29] =	ssyncadd.s32 $0xFFFFC000  }
0xb7: {  	[tilespmem:s22], [sflag:$0x2] =	stream.indirect.gather [hbm4b:s5+s21], $0x80, s7, s21, $0xb8;
	[tilespmem:$0x1D000] =	vst v63  }
0xb8: {  	_ =	swait.ge [sflag:s23], $0x4000  }
0xb9: {  	[sflag:s23] =	ssyncset.done $0x0  }
0xba: {  	s7 =	simm.s32 $0xB00;
	[sflag:s23] =	ssyncadd.s32 $0xFFFFC000  }
0xbb: {  	[spmem:s2] =	stream.indirect.scatter.add.f32 [tilespmem:s19], [sflag:$0x3], $0x80, s7, s21, $0xb8;
	[tilespmem:$0x1D000] =	vst v63  }
0xbc: {  	_ =	swait.ge [sflag:s24], $0x4000  }
0xbd: {  	[sflag:s24] =	ssyncset.done $0x0  }
0xbe: {  	s7 =	simm.s32 $0x400;
	[sflag:s24] =	ssyncadd.s32 $0xFFFFC000  }
0xbf: {  	[tilespmem:s19], [sflag:$0x1] =	stream.indirect.gather [hbm4b:s5+s21], $0x80, s7, s21, $0xb8;
	[tilespmem:$0x1D000] =	vst v63  }
0xc0: {  	_ =	swait.ge [sflag:s26], $0x4000  }
0xc1: {  	[sflag:s26] =	ssyncset.done $0x0  }
0xc2: {  	[sflag:s26] =	ssyncadd.s32 $0xFFFFC000  }
0xc3: {  	[spmem:s2] =	stream.indirect.scatter.add.f32 [tilespmem:s22], [sflag:$0x4], $0x80, s13, s21, $0xb8;
	[tilespmem:$0x1D000] =	vst v63  }
0xc4: {  	_ =	swait.ge [sflag:s29], $0x4000  }
0xc5: {  	[sflag:s29] =	ssyncset.done $0x0  }
0xc6: {  	[sflag:s29] =	ssyncadd.s32 $0xFFFFC000  }
0xc7: {  	[tilespmem:s22], [sflag:$0x2] =	stream.indirect.gather [hbm4b:s5+s21], $0x80, s14, s21, $0xb8;
	[tilespmem:$0x1D000] =	vst v63  }
0xc8: {  	_ =	swait.ge [sflag:s23], $0x4000  }
0xc9: {  	[sflag:s23] =	ssyncset.done $0x0  }
0xca: {  	[sflag:s23] =	ssyncadd.s32 $0xFFFFC000  }
0xcb: {  	[spmem:s2] =	stream.indirect.scatter.add.f32 [tilespmem:s19], [sflag:$0x3], $0x80, s15, s21, $0xb8;
	[tilespmem:$0x1D000] =	vst v63  }
0xcc: {  	_ =	swait.ge [sflag:s24], $0x4000  }
0xcd: {  	[sflag:s24] =	ssyncset.done $0x0  }
0xce: {  	[sflag:s24] =	ssyncadd.s32 $0xFFFFC000  }
0xcf: {  	[tilespmem:s19], [sflag:$0x1] =	stream.indirect.gather [hbm4b:s5+s21], $0x80, s8, s21, $0xb8;
	[tilespmem:$0x1D000] =	vst v63  }
0xd0: {  	_ =	swait.ge [sflag:s26], $0x4000  }
0xd1: {  	[sflag:s26] =	ssyncset.done $0x0  }
0xd2: {  	[sflag:s26] =	ssyncadd.s32 $0xFFFFC000  }
0xd3: {  	[spmem:s2] =	stream.indirect.scatter.add.f32 [tilespmem:s22], [sflag:$0x4], $0x80, s9, s21, $0xb8;
	[tilespmem:$0x1D000] =	vst v63  }
0xd4: {  	_ =	swait.ge [sflag:s29], $0x4000  }
0xd5: {  	[sflag:s29] =	ssyncset.done $0x0  }
0xd6: {  	[sflag:s29] =	ssyncadd.s32 $0xFFFFC000  }
0xd7: {  	[tilespmem:s22], [sflag:$0x2] =	stream.indirect.gather [hbm4b:s5+s21], $0x80, s10, s21, $0xb8;
	[tilespmem:$0x1D000] =	vst v63  }
0xd8: {  	_ =	swait.ge [sflag:s23], $0x4000  }
0xd9: {  	[sflag:s23] =	ssyncset.done $0x0  }
0xda: {  	[sflag:s23] =	ssyncadd.s32 $0xFFFFC000  }
0xdb: {  	[spmem:s2] =	stream.indirect.scatter.add.f32 [tilespmem:s19], [sflag:$0x3], $0x80, s11, s21, $0xb8;
	[tilespmem:$0x1D000] =	vst v63  }
0xdc: {  	_ =	swait.ge [sflag:s24], $0x4000  }
0xdd: {  	[sflag:s24] =	ssyncset.done $0x0  }
0xde: {  	[sflag:s24] =	ssyncadd.s32 $0xFFFFC000  }
0xdf: {  	[tilespmem:s19], [sflag:$0x1] =	stream.indirect.gather [hbm4b:s5+s21], $0x80, s1, s21, $0xb8;
	[tilespmem:$0x1D000] =	vst v63  }
0xe0: {  	_ =	swait.ge [sflag:s26], $0x4000  }
0xe1: {  	[sflag:s26] =	ssyncset.done $0x0  }
0xe2: {  	[sflag:s26] =	ssyncadd.s32 $0xFFFFC000  }
0xe3: {  	[spmem:s2] =	stream.indirect.scatter.add.f32 [tilespmem:s22], [sflag:$0x4], $0x80, s6, s21, $0xb8;
	[tilespmem:$0x1D000] =	vst v63  }
0xe4: {  	_ =	swait.ge [sflag:s29], $0x4000  }
0xe5: {  	[sflag:s29] =	ssyncset.done $0x0  }
0xe6: {  	[sflag:s29] =	ssyncadd.s32 $0xFFFFC000  }
0xe7: {  	[tilespmem:s22], [sflag:$0x2] =	stream.indirect.gather [hbm4b:s5+s21], $0x80, s12, s21, $0xb8;
	[tilespmem:$0x1D000] =	vst v63  }
0xe8: {  	_ =	swait.ge [sflag:s23], $0x4000  }
0xe9: {  	[sflag:s23] =	ssyncset.done $0x0  }
0xea: {  	[sflag:s23] =	ssyncadd.s32 $0xFFFFC000  }
0xeb: {  	[spmem:s2] =	stream.indirect.scatter.add.f32 [tilespmem:s19], [sflag:$0x3], $0x80, s25, s21, $0xb8;
	[tilespmem:$0x1D000] =	vst v63  }
0xec: {  	_ =	swait.ge [sflag:s24], $0x4000  }
0xed: {  	[sflag:s24] =	ssyncset.done $0x0  }
0xee: {  	[sflag:s24] =	ssyncadd.s32 $0xFFFFC000  }
0xef: {  	[tilespmem:s19], [sflag:$0x1] =	stream.indirect.gather [hbm4b:s5+s21], $0x80, s28, s21, $0xb8;
	[tilespmem:$0x1D000] =	vst v63  }
0xf0: {  	_ =	swait.ge [sflag:s26], $0x4000  }
0xf1: {  	[sflag:s26] =	ssyncset.done $0x0  }
0xf2: {  	[sflag:s26] =	ssyncadd.s32 $0xFFFFC000  }
0xf3: {  	[spmem:s2] =	stream.indirect.scatter.add.f32 [tilespmem:s22], [sflag:$0x4], $0x80, s30, s21, $0xb8;
	[tilespmem:$0x1D000] =	vst v63  }
0xf4: {  	_ =	swait.ge [sflag:s29], $0x4000  }
0xf5: {  	[sflag:s29] =	ssyncset.done $0x0  }
0xf6: {  	[sflag:s29] =	ssyncadd.s32 $0xFFFFC000  }
0xf7: {  	[tilespmem:s22], [sflag:$0x2] =	stream.indirect.gather [hbm4b:s5+s21], $0x80, s31, s21, $0xb8;
	[tilespmem:$0x1D000] =	vst v63  }
0xf8: {  	_ =	swait.ge [sflag:s23], $0x4000  }
0xf9: {  	[sflag:s23] =	ssyncset.done $0x0  }
0xfa: {  	[sflag:s23] =	ssyncadd.s32 $0xFFFFC000  }
0xfb: {  	[spmem:s2] =	stream.indirect.scatter.add.f32 [tilespmem:s19], [sflag:$0x3], $0x80, s0, s21, $0xb8;
	[tilespmem:$0x1D000] =	vst v63  }
0xfc: {  	_ =	swait.ge [sflag:s26], $0x4000  }
0xfd: {  	[sflag:s26] =	ssyncset.done $0x0  }
0xfe: {  	[sflag:s26] =	ssyncadd.s32 $0xFFFFC000  }
0xff: {  	[spmem:s2] =	stream.indirect.scatter.add.f32 [tilespmem:s22], [sflag:$0x4], $0x80, s3, s21, $0xb8;
	[tilespmem:$0x1D000] =	vst v63  }
0x100: {  	p2 =	por p1, p1;
	_ =	swait.ge [sflag:s24], $0x4000  }
.Ltmp4:
0x101: {  	[sflag:s24] =	ssyncset.done $0x0;
	(pc) =	sbr.rel @p2 .LBB2_7-.Ltmp4, $4  }
0x102: {  	[sflag:s24] =	ssyncadd.s32 $0xFFFFC000  }
0x103: {  	_ =	swait.ge [sflag:s29], $0x4000  }
0x104: {  	[sflag:s29] =	ssyncset.done $0x0  }
0x105: {  	p1 =	por $0x0, $0x0;
	[sflag:s29] =	ssyncadd.s32 $0xFFFFC000  }
.Ltmp5:
0x106: {  	_ = 	snop;
	(pc) =	sbr.rel .LBB2_8-.Ltmp5, $1  }
0x107: {  	_ =	sdelay $0x3  }
.LBB2_4:
0x108: {  	s17 =	rddreg [dreg:$0x5]  }
0x109: {  	s17 =	sadd.s32 $0x0, s17  }
0x10a: {  	[tilespmem:s4], [sflag:$0x5] =	stream.linear.gather [hbm4b:s17+s4], $0x800, $0x38;
	[tilespmem:$0x1D000] =	vst v63  }
0x10b: {  	_ =	swait.ge [sflag:s20], $0x800  }
0x10c: {  	s7 =	rddreg [dreg:$0x4];
	[sflag:s20] =	ssyncset.done $0x0  }
0x10d: {  	[sflag:s20] =	ssyncadd.s32 $0xFFFFF800;
	s17 =	sadd.s32 $0x0, s7  }
0x10e: {  	[tilespmem:s16], [sflag:$0x5] =	stream.linear.gather [hbm4b:s17+s4], $0x800, $0x38;
	[tilespmem:$0x1D000] =	vst v63  }
0x10f: {  	_ =	swait.ge [sflag:s20], $0x800  }
0x110: {  	[sflag:s20] =	ssyncset.done $0x0  }
0x111: {  	[sflag:s20] =	ssyncadd.s32 $0xFFFFF800  }
0x112: {  	[tilespmem:s19], [sflag:$0x1] =	stream.indirect.gather [hbm4b:s5+s21], $0x80, s4, s21, $0xb8;
	[tilespmem:$0x1D000] =	vst v63  }
0x113: {  	_ = 	snop  }
0x114: {  	[tilespmem:s22], [sflag:$0x2] =	stream.indirect.gather [hbm4b:s5+s21], $0x80, s21, s21, $0xb8;
	[tilespmem:$0x1D000] =	vst v63  }
0x115: {  	_ =	swait.ge [sflag:s23], $0x4000  }
0x116: {  	[sflag:s23] =	ssyncset.done $0x0  }
0x117: {  	[sflag:s23] =	ssyncadd.s32 $0xFFFFC000  }
0x118: {  	[spmem:s2] =	stream.indirect.scatter.add.f32 [tilespmem:s19], [sflag:$0x3], $0x80, s16, s21, $0xb8;
	[tilespmem:$0x1D000] =	vst v63  }
0x119: {  	_ =	swait.ge [sflag:s24], $0x4000  }
0x11a: {  	[sflag:s24] =	ssyncset.done $0x0  }
0x11b: {  	s7 =	simm.s32 $0x100;
	[sflag:s24] =	ssyncadd.s32 $0xFFFFC000  }
0x11c: {  	[tilespmem:s19], [sflag:$0x1] =	stream.indirect.gather [hbm4b:s5+s21], $0x80, s7, s21, $0xb8;
	[tilespmem:$0x1D000] =	vst v63  }
0x11d: {  	_ =	swait.ge [sflag:s26], $0x4000  }
0x11e: {  	[sflag:s26] =	ssyncset.done $0x0  }
0x11f: {  	s17 =	simm.s32 $0x880;
	[sflag:s26] =	ssyncadd.s32 $0xFFFFC000  }
0x120: {  	[spmem:s2] =	stream.indirect.scatter.add.f32 [tilespmem:s22], [sflag:$0x4], $0x80, s17, s21, $0xb8;
	[tilespmem:$0x1D000] =	vst v63  }
0x121: {  	_ =	swait.ge [sflag:s29], $0x4000  }
0x122: {  	[sflag:s29] =	ssyncset.done $0x0  }
0x123: {  	s18 =	simm.s32 $0x180;
	[sflag:s29] =	ssyncadd.s32 $0xFFFFC000  }
0x124: {  	[tilespmem:s22], [sflag:$0x2] =	stream.indirect.gather [hbm4b:s5+s21], $0x80, s18, s21, $0xb8;
	[tilespmem:$0x1D000] =	vst v63  }
0x125: {  	_ =	swait.ge [sflag:s23], $0x4000  }
0x126: {  	[sflag:s23] =	ssyncset.done $0x0  }
0x127: {  	s17 =	simm.s32 $0x900;
	[sflag:s23] =	ssyncadd.s32 $0xFFFFC000  }
0x128: {  	[spmem:s2] =	stream.indirect.scatter.add.f32 [tilespmem:s19], [sflag:$0x3], $0x80, s17, s21, $0xb8;
	[tilespmem:$0x1D000] =	vst v63  }
0x129: {  	_ =	swait.ge [sflag:s24], $0x4000  }
0x12a: {  	[sflag:s24] =	ssyncset.done $0x0  }
0x12b: {  	s18 =	simm.s32 $0x200;
	[sflag:s24] =	ssyncadd.s32 $0xFFFFC000  }
0x12c: {  	[tilespmem:s19], [sflag:$0x1] =	stream.indirect.gather [hbm4b:s5+s21], $0x80, s18, s21, $0xb8;
	[tilespmem:$0x1D000] =	vst v63  }
0x12d: {  	_ =	swait.ge [sflag:s26], $0x4000  }
0x12e: {  	[sflag:s26] =	ssyncset.done $0x0  }
0x12f: {  	s17 =	simm.s32 $0x980;
	[sflag:s26] =	ssyncadd.s32 $0xFFFFC000  }
0x130: {  	[spmem:s2] =	stream.indirect.scatter.add.f32 [tilespmem:s22], [sflag:$0x4], $0x80, s17, s21, $0xb8;
	[tilespmem:$0x1D000] =	vst v63  }
0x131: {  	_ =	swait.ge [sflag:s29], $0x4000  }
0x132: {  	[sflag:s29] =	ssyncset.done $0x0  }
0x133: {  	s18 =	simm.s32 $0x280;
	[sflag:s29] =	ssyncadd.s32 $0xFFFFC000  }
0x134: {  	[tilespmem:s22], [sflag:$0x2] =	stream.indirect.gather [hbm4b:s5+s21], $0x80, s18, s21, $0xb8;
	[tilespmem:$0x1D000] =	vst v63  }
0x135: {  	_ =	swait.ge [sflag:s23], $0x4000  }
0x136: {  	[sflag:s23] =	ssyncset.done $0x0  }
0x137: {  	s17 =	simm.s32 $0xA00;
	[sflag:s23] =	ssyncadd.s32 $0xFFFFC000  }
0x138: {  	[spmem:s2] =	stream.indirect.scatter.add.f32 [tilespmem:s19], [sflag:$0x3], $0x80, s17, s21, $0xb8;
	[tilespmem:$0x1D000] =	vst v63  }
0x139: {  	_ =	swait.ge [sflag:s24], $0x4000  }
0x13a: {  	[sflag:s24] =	ssyncset.done $0x0  }
0x13b: {  	s18 =	simm.s32 $0x300;
	[sflag:s24] =	ssyncadd.s32 $0xFFFFC000  }
0x13c: {  	[tilespmem:s19], [sflag:$0x1] =	stream.indirect.gather [hbm4b:s5+s21], $0x80, s18, s21, $0xb8;
	[tilespmem:$0x1D000] =	vst v63  }
0x13d: {  	_ =	swait.ge [sflag:s26], $0x4000  }
0x13e: {  	[sflag:s26] =	ssyncset.done $0x0  }
0x13f: {  	s17 =	simm.s32 $0xA80;
	[sflag:s26] =	ssyncadd.s32 $0xFFFFC000  }
0x140: {  	[spmem:s2] =	stream.indirect.scatter.add.f32 [tilespmem:s22], [sflag:$0x4], $0x80, s17, s21, $0xb8;
	[tilespmem:$0x1D000] =	vst v63  }
0x141: {  	_ =	swait.ge [sflag:s29], $0x4000  }
0x142: {  	[sflag:s29] =	ssyncset.done $0x0  }
0x143: {  	s18 =	simm.s32 $0x380;
	[sflag:s29] =	ssyncadd.s32 $0xFFFFC000  }
0x144: {  	[tilespmem:s22], [sflag:$0x2] =	stream.indirect.gather [hbm4b:s5+s21], $0x80, s18, s21, $0xb8;
	[tilespmem:$0x1D000] =	vst v63  }
0x145: {  	_ =	swait.ge [sflag:s23], $0x4000  }
0x146: {  	[sflag:s23] =	ssyncset.done $0x0  }
0x147: {  	s17 =	simm.s32 $0xB00;
	[sflag:s23] =	ssyncadd.s32 $0xFFFFC000  }
0x148: {  	[spmem:s2] =	stream.indirect.scatter.add.f32 [tilespmem:s19], [sflag:$0x3], $0x80, s17, s21, $0xb8;
	[tilespmem:$0x1D000] =	vst v63  }
0x149: {  	_ =	swait.ge [sflag:s24], $0x4000  }
0x14a: {  	[sflag:s24] =	ssyncset.done $0x0  }
0x14b: {  	s18 =	simm.s32 $0x400;
	[sflag:s24] =	ssyncadd.s32 $0xFFFFC000  }
0x14c: {  	[tilespmem:s19], [sflag:$0x1] =	stream.indirect.gather [hbm4b:s5+s21], $0x80, s18, s21, $0xb8;
	[tilespmem:$0x1D000] =	vst v63  }
0x14d: {  	_ =	swait.ge [sflag:s26], $0x4000  }
0x14e: {  	[sflag:s26] =	ssyncset.done $0x0  }
0x14f: {  	[sflag:s26] =	ssyncadd.s32 $0xFFFFC000  }
0x150: {  	[spmem:s2] =	stream.indirect.scatter.add.f32 [tilespmem:s22], [sflag:$0x4], $0x80, s13, s21, $0xb8;
	[tilespmem:$0x1D000] =	vst v63  }
0x151: {  	_ =	swait.ge [sflag:s29], $0x4000  }
0x152: {  	[sflag:s29] =	ssyncset.done $0x0  }
0x153: {  	[sflag:s29] =	ssyncadd.s32 $0xFFFFC000  }
0x154: {  	[tilespmem:s22], [sflag:$0x2] =	stream.indirect.gather [hbm4b:s5+s21], $0x80, s14, s21, $0xb8;
	[tilespmem:$0x1D000] =	vst v63  }
0x155: {  	_ =	swait.ge [sflag:s23], $0x4000  }
0x156: {  	[sflag:s23] =	ssyncset.done $0x0  }
0x157: {  	[sflag:s23] =	ssyncadd.s32 $0xFFFFC000  }
0x158: {  	[spmem:s2] =	stream.indirect.scatter.add.f32 [tilespmem:s19], [sflag:$0x3], $0x80, s15, s21, $0xb8;
	[tilespmem:$0x1D000] =	vst v63  }
0x159: {  	_ =	swait.ge [sflag:s24], $0x4000  }
0x15a: {  	[sflag:s24] =	ssyncset.done $0x0  }
0x15b: {  	[sflag:s24] =	ssyncadd.s32 $0xFFFFC000  }
0x15c: {  	[tilespmem:s19], [sflag:$0x1] =	stream.indirect.gather [hbm4b:s5+s21], $0x80, s8, s21, $0xb8;
	[tilespmem:$0x1D000] =	vst v63  }
0x15d: {  	_ =	swait.ge [sflag:s26], $0x4000  }
0x15e: {  	[sflag:s26] =	ssyncset.done $0x0  }
0x15f: {  	[sflag:s26] =	ssyncadd.s32 $0xFFFFC000  }
0x160: {  	[spmem:s2] =	stream.indirect.scatter.add.f32 [tilespmem:s22], [sflag:$0x4], $0x80, s9, s21, $0xb8;
	[tilespmem:$0x1D000] =	vst v63  }
0x161: {  	_ =	swait.ge [sflag:s29], $0x4000  }
0x162: {  	[sflag:s29] =	ssyncset.done $0x0  }
0x163: {  	[sflag:s29] =	ssyncadd.s32 $0xFFFFC000  }
0x164: {  	[tilespmem:s22], [sflag:$0x2] =	stream.indirect.gather [hbm4b:s5+s21], $0x80, s10, s21, $0xb8;
	[tilespmem:$0x1D000] =	vst v63  }
0x165: {  	_ =	swait.ge [sflag:s23], $0x4000  }
0x166: {  	[sflag:s23] =	ssyncset.done $0x0  }
0x167: {  	[sflag:s23] =	ssyncadd.s32 $0xFFFFC000  }
0x168: {  	[spmem:s2] =	stream.indirect.scatter.add.f32 [tilespmem:s19], [sflag:$0x3], $0x80, s11, s21, $0xb8;
	[tilespmem:$0x1D000] =	vst v63  }
0x169: {  	_ =	swait.ge [sflag:s24], $0x4000  }
0x16a: {  	[sflag:s24] =	ssyncset.done $0x0  }
0x16b: {  	[sflag:s24] =	ssyncadd.s32 $0xFFFFC000  }
0x16c: {  	[tilespmem:s19], [sflag:$0x1] =	stream.indirect.gather [hbm4b:s5+s21], $0x80, s1, s21, $0xb8;
	[tilespmem:$0x1D000] =	vst v63  }
0x16d: {  	_ =	swait.ge [sflag:s26], $0x4000  }
0x16e: {  	[sflag:s26] =	ssyncset.done $0x0  }
0x16f: {  	[sflag:s26] =	ssyncadd.s32 $0xFFFFC000  }
0x170: {  	[spmem:s2] =	stream.indirect.scatter.add.f32 [tilespmem:s22], [sflag:$0x4], $0x80, s6, s21, $0xb8;
	[tilespmem:$0x1D000] =	vst v63  }
0x171: {  	_ =	swait.ge [sflag:s29], $0x4000  }
0x172: {  	[sflag:s29] =	ssyncset.done $0x0  }
0x173: {  	[sflag:s29] =	ssyncadd.s32 $0xFFFFC000  }
0x174: {  	[tilespmem:s22], [sflag:$0x2] =	stream.indirect.gather [hbm4b:s5+s21], $0x80, s12, s21, $0xb8;
	[tilespmem:$0x1D000] =	vst v63  }
0x175: {  	_ =	swait.ge [sflag:s23], $0x4000  }
0x176: {  	[sflag:s23] =	ssyncset.done $0x0  }
0x177: {  	[sflag:s23] =	ssyncadd.s32 $0xFFFFC000  }
0x178: {  	[spmem:s2] =	stream.indirect.scatter.add.f32 [tilespmem:s19], [sflag:$0x3], $0x80, s25, s21, $0xb8;
	[tilespmem:$0x1D000] =	vst v63  }
0x179: {  	_ =	swait.ge [sflag:s24], $0x4000  }
0x17a: {  	[sflag:s24] =	ssyncset.done $0x0  }
0x17b: {  	[sflag:s24] =	ssyncadd.s32 $0xFFFFC000  }
0x17c: {  	[tilespmem:s19], [sflag:$0x1] =	stream.indirect.gather [hbm4b:s5+s21], $0x80, s28, s21, $0xb8;
	[tilespmem:$0x1D000] =	vst v63  }
0x17d: {  	_ =	swait.ge [sflag:s26], $0x4000  }
0x17e: {  	[sflag:s26] =	ssyncset.done $0x0  }
0x17f: {  	[sflag:s26] =	ssyncadd.s32 $0xFFFFC000  }
0x180: {  	[spmem:s2] =	stream.indirect.scatter.add.f32 [tilespmem:s22], [sflag:$0x4], $0x80, s30, s21, $0xb8;
	[tilespmem:$0x1D000] =	vst v63  }
0x181: {  	_ =	swait.ge [sflag:s29], $0x4000  }
0x182: {  	[sflag:s29] =	ssyncset.done $0x0  }
0x183: {  	[sflag:s29] =	ssyncadd.s32 $0xFFFFC000  }
0x184: {  	[tilespmem:s22], [sflag:$0x2] =	stream.indirect.gather [hbm4b:s5+s21], $0x80, s31, s21, $0xb8;
	[tilespmem:$0x1D000] =	vst v63  }
0x185: {  	_ =	swait.ge [sflag:s23], $0x4000  }
0x186: {  	[sflag:s23] =	ssyncset.done $0x0  }
0x187: {  	[sflag:s23] =	ssyncadd.s32 $0xFFFFC000  }
0x188: {  	[spmem:s2] =	stream.indirect.scatter.add.f32 [tilespmem:s19], [sflag:$0x3], $0x80, s0, s21, $0xb8;
	[tilespmem:$0x1D000] =	vst v63  }
0x189: {  	_ =	swait.ge [sflag:s26], $0x4000  }
0x18a: {  	[sflag:s26] =	ssyncset.done $0x0  }
0x18b: {  	[sflag:s26] =	ssyncadd.s32 $0xFFFFC000  }
0x18c: {  	[spmem:s2] =	stream.indirect.scatter.add.f32 [tilespmem:s22], [sflag:$0x4], $0x80, s3, s21, $0xb8;
	[tilespmem:$0x1D000] =	vst v63  }
0x18d: {  	_ =	swait.ge [sflag:s24], $0x4000  }
0x18e: {  	[sflag:s24] =	ssyncset.done $0x0  }
0x18f: {  	[sflag:s24] =	ssyncadd.s32 $0xFFFFC000  }
0x190: {  	_ =	swait.ge [sflag:s29], $0x4000  }
0x191: {  	s17 =	simm.s32 $0x100;
	[sflag:s29] =	ssyncset.done $0x0  }
.LBB2_5:
0x192: {  	s18 =	rddreg [dreg:$0x5];
	s7 =	smov.u32 s17  }
0x193: {  	[sflag:s29] =	ssyncadd.s32 $0xFFFFC000;
	s18 =	sadd.s32 s7, s18  }
0x194: {  	[tilespmem:s4], [sflag:$0x5] =	stream.linear.gather [hbm4b:s18+s4], $0x800, $0x38;
	[tilespmem:$0x1D000] =	vst v63  }
0x195: {  	_ =	swait.ge [sflag:s20], $0x800  }
0x196: {  	s18 =	rddreg [dreg:$0x4];
	[sflag:s20] =	ssyncset.done $0x0  }
0x197: {  	[sflag:s20] =	ssyncadd.s32 $0xFFFFF800;
	s7 =	sadd.s32 s7, s18  }
0x198: {  	[tilespmem:s16], [sflag:$0x5] =	stream.linear.gather [hbm4b:s7+s4], $0x800, $0x38;
	[tilespmem:$0x1D000] =	vst v63  }
0x199: {  	_ =	swait.ge [sflag:s20], $0x800  }
0x19a: {  	[sflag:s20] =	ssyncset.done $0x0  }
0x19b: {  	[sflag:s20] =	ssyncadd.s32 $0xFFFFF800  }
0x19c: {  	[tilespmem:s19], [sflag:$0x1] =	stream.indirect.gather [hbm4b:s5+s21], $0x80, s4, s21, $0xb8;
	[tilespmem:$0x1D000] =	vst v63  }
0x19d: {  	_ = 	snop  }
0x19e: {  	[tilespmem:s22], [sflag:$0x2] =	stream.indirect.gather [hbm4b:s5+s21], $0x80, s21, s21, $0xb8;
	[tilespmem:$0x1D000] =	vst v63  }
0x19f: {  	_ =	swait.ge [sflag:s23], $0x4000  }
0x1a0: {  	[sflag:s23] =	ssyncset.done $0x0  }
0x1a1: {  	[sflag:s23] =	ssyncadd.s32 $0xFFFFC000  }
0x1a2: {  	[spmem:s2] =	stream.indirect.scatter.add.f32 [tilespmem:s19], [sflag:$0x3], $0x80, s16, s21, $0xb8;
	[tilespmem:$0x1D000] =	vst v63  }
0x1a3: {  	_ =	swait.ge [sflag:s24], $0x4000  }
0x1a4: {  	[sflag:s24] =	ssyncset.done $0x0  }
0x1a5: {  	s18 =	simm.s32 $0x100;
	[sflag:s24] =	ssyncadd.s32 $0xFFFFC000  }
0x1a6: {  	[tilespmem:s19], [sflag:$0x1] =	stream.indirect.gather [hbm4b:s5+s21], $0x80, s18, s21, $0xb8;
	[tilespmem:$0x1D000] =	vst v63  }
0x1a7: {  	_ =	swait.ge [sflag:s26], $0x4000  }
0x1a8: {  	[sflag:s26] =	ssyncset.done $0x0  }
0x1a9: {  	s18 =	simm.s32 $0x880;
	[sflag:s26] =	ssyncadd.s32 $0xFFFFC000  }
0x1aa: {  	[spmem:s2] =	stream.indirect.scatter.add.f32 [tilespmem:s22], [sflag:$0x4], $0x80, s18, s21, $0xb8;
	[tilespmem:$0x1D000] =	vst v63  }
0x1ab: {  	_ =	swait.ge [sflag:s29], $0x4000  }
0x1ac: {  	[sflag:s29] =	ssyncset.done $0x0  }
0x1ad: {  	s18 =	simm.s32 $0x180;
	[sflag:s29] =	ssyncadd.s32 $0xFFFFC000  }
0x1ae: {  	[tilespmem:s22], [sflag:$0x2] =	stream.indirect.gather [hbm4b:s5+s21], $0x80, s18, s21, $0xb8;
	[tilespmem:$0x1D000] =	vst v63  }
0x1af: {  	_ =	swait.ge [sflag:s23], $0x4000  }
0x1b0: {  	[sflag:s23] =	ssyncset.done $0x0  }
0x1b1: {  	s18 =	simm.s32 $0x900;
	[sflag:s23] =	ssyncadd.s32 $0xFFFFC000  }
0x1b2: {  	[spmem:s2] =	stream.indirect.scatter.add.f32 [tilespmem:s19], [sflag:$0x3], $0x80, s18, s21, $0xb8;
	[tilespmem:$0x1D000] =	vst v63  }
0x1b3: {  	_ =	swait.ge [sflag:s24], $0x4000  }
0x1b4: {  	[sflag:s24] =	ssyncset.done $0x0  }
0x1b5: {  	s18 =	simm.s32 $0x200;
	[sflag:s24] =	ssyncadd.s32 $0xFFFFC000  }
0x1b6: {  	[tilespmem:s19], [sflag:$0x1] =	stream.indirect.gather [hbm4b:s5+s21], $0x80, s18, s21, $0xb8;
	[tilespmem:$0x1D000] =	vst v63  }
0x1b7: {  	_ =	swait.ge [sflag:s26], $0x4000  }
0x1b8: {  	[sflag:s26] =	ssyncset.done $0x0  }
0x1b9: {  	s18 =	simm.s32 $0x980;
	[sflag:s26] =	ssyncadd.s32 $0xFFFFC000  }
0x1ba: {  	[spmem:s2] =	stream.indirect.scatter.add.f32 [tilespmem:s22], [sflag:$0x4], $0x80, s18, s21, $0xb8;
	[tilespmem:$0x1D000] =	vst v63  }
0x1bb: {  	_ =	swait.ge [sflag:s29], $0x4000  }
0x1bc: {  	[sflag:s29] =	ssyncset.done $0x0  }
0x1bd: {  	s18 =	simm.s32 $0x280;
	[sflag:s29] =	ssyncadd.s32 $0xFFFFC000  }
0x1be: {  	[tilespmem:s22], [sflag:$0x2] =	stream.indirect.gather [hbm4b:s5+s21], $0x80, s18, s21, $0xb8;
	[tilespmem:$0x1D000] =	vst v63  }
0x1bf: {  	_ =	swait.ge [sflag:s23], $0x4000  }
0x1c0: {  	[sflag:s23] =	ssyncset.done $0x0  }
0x1c1: {  	s18 =	simm.s32 $0xA00;
	[sflag:s23] =	ssyncadd.s32 $0xFFFFC000  }
0x1c2: {  	[spmem:s2] =	stream.indirect.scatter.add.f32 [tilespmem:s19], [sflag:$0x3], $0x80, s18, s21, $0xb8;
	[tilespmem:$0x1D000] =	vst v63  }
0x1c3: {  	_ =	swait.ge [sflag:s24], $0x4000  }
0x1c4: {  	[sflag:s24] =	ssyncset.done $0x0  }
0x1c5: {  	s18 =	simm.s32 $0x300;
	[sflag:s24] =	ssyncadd.s32 $0xFFFFC000  }
0x1c6: {  	[tilespmem:s19], [sflag:$0x1] =	stream.indirect.gather [hbm4b:s5+s21], $0x80, s18, s21, $0xb8;
	[tilespmem:$0x1D000] =	vst v63  }
0x1c7: {  	_ =	swait.ge [sflag:s26], $0x4000  }
0x1c8: {  	[sflag:s26] =	ssyncset.done $0x0  }
0x1c9: {  	s18 =	simm.s32 $0xA80;
	[sflag:s26] =	ssyncadd.s32 $0xFFFFC000  }
0x1ca: {  	[spmem:s2] =	stream.indirect.scatter.add.f32 [tilespmem:s22], [sflag:$0x4], $0x80, s18, s21, $0xb8;
	[tilespmem:$0x1D000] =	vst v63  }
0x1cb: {  	_ =	swait.ge [sflag:s29], $0x4000  }
0x1cc: {  	[sflag:s29] =	ssyncset.done $0x0  }
0x1cd: {  	s18 =	simm.s32 $0x380;
	[sflag:s29] =	ssyncadd.s32 $0xFFFFC000  }
0x1ce: {  	[tilespmem:s22], [sflag:$0x2] =	stream.indirect.gather [hbm4b:s5+s21], $0x80, s18, s21, $0xb8;
	[tilespmem:$0x1D000] =	vst v63  }
0x1cf: {  	_ =	swait.ge [sflag:s23], $0x4000  }
0x1d0: {  	[sflag:s23] =	ssyncset.done $0x0  }
0x1d1: {  	s18 =	simm.s32 $0xB00;
	[sflag:s23] =	ssyncadd.s32 $0xFFFFC000  }
0x1d2: {  	[spmem:s2] =	stream.indirect.scatter.add.f32 [tilespmem:s19], [sflag:$0x3], $0x80, s18, s21, $0xb8;
	[tilespmem:$0x1D000] =	vst v63  }
0x1d3: {  	_ =	swait.ge [sflag:s24], $0x4000  }
0x1d4: {  	[sflag:s24] =	ssyncset.done $0x0  }
0x1d5: {  	s18 =	simm.s32 $0x400;
	[sflag:s24] =	ssyncadd.s32 $0xFFFFC000  }
0x1d6: {  	[tilespmem:s19], [sflag:$0x1] =	stream.indirect.gather [hbm4b:s5+s21], $0x80, s18, s21, $0xb8;
	[tilespmem:$0x1D000] =	vst v63  }
0x1d7: {  	_ =	swait.ge [sflag:s26], $0x4000  }
0x1d8: {  	[sflag:s26] =	ssyncset.done $0x0  }
0x1d9: {  	[sflag:s26] =	ssyncadd.s32 $0xFFFFC000  }
0x1da: {  	[spmem:s2] =	stream.indirect.scatter.add.f32 [tilespmem:s22], [sflag:$0x4], $0x80, s13, s21, $0xb8;
	[tilespmem:$0x1D000] =	vst v63  }
0x1db: {  	_ =	swait.ge [sflag:s29], $0x4000  }
0x1dc: {  	[sflag:s29] =	ssyncset.done $0x0  }
0x1dd: {  	[sflag:s29] =	ssyncadd.s32 $0xFFFFC000  }
0x1de: {  	[tilespmem:s22], [sflag:$0x2] =	stream.indirect.gather [hbm4b:s5+s21], $0x80, s14, s21, $0xb8;
	[tilespmem:$0x1D000] =	vst v63  }
0x1df: {  	_ =	swait.ge [sflag:s23], $0x4000  }
0x1e0: {  	[sflag:s23] =	ssyncset.done $0x0  }
0x1e1: {  	[sflag:s23] =	ssyncadd.s32 $0xFFFFC000  }
0x1e2: {  	[spmem:s2] =	stream.indirect.scatter.add.f32 [tilespmem:s19], [sflag:$0x3], $0x80, s15, s21, $0xb8;
	[tilespmem:$0x1D000] =	vst v63  }
0x1e3: {  	_ =	swait.ge [sflag:s24], $0x4000  }
0x1e4: {  	[sflag:s24] =	ssyncset.done $0x0  }
0x1e5: {  	[sflag:s24] =	ssyncadd.s32 $0xFFFFC000  }
0x1e6: {  	[tilespmem:s19], [sflag:$0x1] =	stream.indirect.gather [hbm4b:s5+s21], $0x80, s8, s21, $0xb8;
	[tilespmem:$0x1D000] =	vst v63  }
0x1e7: {  	_ =	swait.ge [sflag:s26], $0x4000  }
0x1e8: {  	[sflag:s26] =	ssyncset.done $0x0  }
0x1e9: {  	[sflag:s26] =	ssyncadd.s32 $0xFFFFC000  }
0x1ea: {  	[spmem:s2] =	stream.indirect.scatter.add.f32 [tilespmem:s22], [sflag:$0x4], $0x80, s9, s21, $0xb8;
	[tilespmem:$0x1D000] =	vst v63  }
0x1eb: {  	_ =	swait.ge [sflag:s29], $0x4000  }
0x1ec: {  	[sflag:s29] =	ssyncset.done $0x0  }
0x1ed: {  	[sflag:s29] =	ssyncadd.s32 $0xFFFFC000  }
0x1ee: {  	[tilespmem:s22], [sflag:$0x2] =	stream.indirect.gather [hbm4b:s5+s21], $0x80, s10, s21, $0xb8;
	[tilespmem:$0x1D000] =	vst v63  }
0x1ef: {  	_ =	swait.ge [sflag:s23], $0x4000  }
0x1f0: {  	[sflag:s23] =	ssyncset.done $0x0  }
0x1f1: {  	[sflag:s23] =	ssyncadd.s32 $0xFFFFC000  }
0x1f2: {  	[spmem:s2] =	stream.indirect.scatter.add.f32 [tilespmem:s19], [sflag:$0x3], $0x80, s11, s21, $0xb8;
	[tilespmem:$0x1D000] =	vst v63  }
0x1f3: {  	_ =	swait.ge [sflag:s24], $0x4000  }
0x1f4: {  	[sflag:s24] =	ssyncset.done $0x0  }
0x1f5: {  	[sflag:s24] =	ssyncadd.s32 $0xFFFFC000  }
0x1f6: {  	[tilespmem:s19], [sflag:$0x1] =	stream.indirect.gather [hbm4b:s5+s21], $0x80, s1, s21, $0xb8;
	[tilespmem:$0x1D000] =	vst v63  }
0x1f7: {  	_ =	swait.ge [sflag:s26], $0x4000  }
0x1f8: {  	[sflag:s26] =	ssyncset.done $0x0  }
0x1f9: {  	[sflag:s26] =	ssyncadd.s32 $0xFFFFC000  }
0x1fa: {  	[spmem:s2] =	stream.indirect.scatter.add.f32 [tilespmem:s22], [sflag:$0x4], $0x80, s6, s21, $0xb8;
	[tilespmem:$0x1D000] =	vst v63  }
0x1fb: {  	_ =	swait.ge [sflag:s29], $0x4000  }
0x1fc: {  	[sflag:s29] =	ssyncset.done $0x0  }
0x1fd: {  	[sflag:s29] =	ssyncadd.s32 $0xFFFFC000  }
0x1fe: {  	[tilespmem:s22], [sflag:$0x2] =	stream.indirect.gather [hbm4b:s5+s21], $0x80, s12, s21, $0xb8;
	[tilespmem:$0x1D000] =	vst v63  }
0x1ff: {  	_ =	swait.ge [sflag:s23], $0x4000  }
0x200: {  	[sflag:s23] =	ssyncset.done $0x0  }
0x201: {  	[sflag:s23] =	ssyncadd.s32 $0xFFFFC000  }
0x202: {  	[spmem:s2] =	stream.indirect.scatter.add.f32 [tilespmem:s19], [sflag:$0x3], $0x80, s25, s21, $0xb8;
	[tilespmem:$0x1D000] =	vst v63  }
0x203: {  	_ =	swait.ge [sflag:s24], $0x4000  }
0x204: {  	[sflag:s24] =	ssyncset.done $0x0  }
0x205: {  	[sflag:s24] =	ssyncadd.s32 $0xFFFFC000  }
0x206: {  	[tilespmem:s19], [sflag:$0x1] =	stream.indirect.gather [hbm4b:s5+s21], $0x80, s28, s21, $0xb8;
	[tilespmem:$0x1D000] =	vst v63  }
0x207: {  	_ =	swait.ge [sflag:s26], $0x4000  }
0x208: {  	[sflag:s26] =	ssyncset.done $0x0  }
0x209: {  	[sflag:s26] =	ssyncadd.s32 $0xFFFFC000  }
0x20a: {  	[spmem:s2] =	stream.indirect.scatter.add.f32 [tilespmem:s22], [sflag:$0x4], $0x80, s30, s21, $0xb8;
	[tilespmem:$0x1D000] =	vst v63  }
0x20b: {  	_ =	swait.ge [sflag:s29], $0x4000  }
0x20c: {  	[sflag:s29] =	ssyncset.done $0x0  }
0x20d: {  	[sflag:s29] =	ssyncadd.s32 $0xFFFFC000  }
0x20e: {  	[tilespmem:s22], [sflag:$0x2] =	stream.indirect.gather [hbm4b:s5+s21], $0x80, s31, s21, $0xb8;
	[tilespmem:$0x1D000] =	vst v63  }
0x20f: {  	_ =	swait.ge [sflag:s23], $0x4000  }
0x210: {  	[sflag:s23] =	ssyncset.done $0x0  }
0x211: {  	[sflag:s23] =	ssyncadd.s32 $0xFFFFC000  }
0x212: {  	[spmem:s2] =	stream.indirect.scatter.add.f32 [tilespmem:s19], [sflag:$0x3], $0x80, s0, s21, $0xb8;
	[tilespmem:$0x1D000] =	vst v63  }
0x213: {  	_ =	swait.ge [sflag:s26], $0x4000  }
0x214: {  	[sflag:s26] =	ssyncset.done $0x0  }
0x215: {  	p1 =	seq.s32 s17, $0x700;
	[sflag:s26] =	ssyncadd.s32 $0xFFFFC000  }
0x216: {  	[spmem:s2] =	stream.indirect.scatter.add.f32 [tilespmem:s22], [sflag:$0x4], $0x80, s3, s21, $0xb8;
	[tilespmem:$0x1D000] =	vst v63  }
.Ltmp6:
0x217: {  	_ =	swait.ge [sflag:s24], $0x4000;
	(pc) =	sbr.rel @!p1 .LBB2_5-.Ltmp6, $4  }
0x218: {  	[sflag:s24] =	ssyncset.done $0x0  }
0x219: {  	[sflag:s24] =	ssyncadd.s32 $0xFFFFC000  }
0x21a: {  	_ =	swait.ge [sflag:s29], $0x4000  }
0x21b: {  	s17 =	sadd.s32 $0x100, s17;
	[sflag:s29] =	ssyncset.done $0x0  }
.Ltmp7:
0x21c: {  	_ = 	snop;
	(pc) =	sbr.rel .LBB2_6-.Ltmp7, $1  }
0x21d: {  	_ =	sdelay $0x3  }
.LBB2_9:
0x21e: {  	_ =	sfence.sel $0x180000  }
0x21f: {  	[bflag:$0x0] =	sbarrier.arrive $0xFFFF  }
0x220: {  	_ =	strace $0x9000004D  }
0x221: {  	s0 =	stileid.u32;
	[bflag:$0x2] =	sbarrier.arrive $0xFFFF  }
0x222: {  	p0 =	sne.s32 s0, $0x0;
	s0 =	rddreg [dreg:$0x3]  }
0x223: {  	s0 =	sadd.s32 @!p0 $0x100000, s0  }
0x224: {  	[sflag:s0] =	ssyncadd.tile.s32 @!p0 $0x1;
	_ =	shalt  }
.Lfunc_end2:
_tile_overlayer_lowered:
.L_overlay_start_2:
0x225: {  	(tag) =	ssettag $0x2  }
0x226: {  	s0 =	rddreg [dreg:$0x0];
	s2 =	stileid.u32  }
0x227: {  	s1 =	rddreg [dreg:$0x1];
	p0 =	sne.s32 s2, $0x0  }
0x228: {  	s3 =	rddreg [dreg:$0x2];
	[bflag:$0x3] =	sbarrier.arrive $0xFFFF;
	s2 =	simm.s32 @!p0 $0x1C05  }
0x229: {  	[timem:s3], [sflag:s2] =	dma.local @!p0 [hbm:s0], s1  }
0x22a: {  	s0 =	simm.s32 @!p0 $0x5  }
0x22b: {  	_ =	swait.ge @!p0 [sflag:s0], s1  }
0x22c: {  	s1 =	ssub.s32 @!p0 $0x0, s1;
	[sflag:s0] =	ssyncset.done @!p0 $0x0  }
0x22d: {  	[sflag:s0] =	ssyncadd.s32 @!p0 s1  }
0x22e: {  	[bflag:$0x3] =	sbarrier.arrive $0xFFFF  }
0x22f: {  	_ =	shalt  }

// kernel: kernel.8.cloned.1.call-start
scs
__scs_entry_jumppad:
0x0: {  	(pc) =	sbr.rel $0x88, $3  }
0x1: {  	(tag) =	ssettag $0x0;
	lr =	simm.s32 $0x1  }
0x2: {  	[smem:$0x3F9D] =	sst lr;
	_ =	strace $0xD0000000  }
0x3: {  	_ = 	snop  }
0x4: {  	_ = 	snop  }
0x5: {  	_ = 	snop  }
0x6: {  	_ = 	snop  }
0x7: {  	_ = 	snop  }
__scs_overlays_trampoline_lowered:
0x8: {  	[smem:$0x3FAC] =	sst s0  }
0x9: {  	[smem:$0x3FAD] =	sst s1  }
0xa: {  	[smem:$0x3FAE] =	sst s2  }
0xb: {  	[smem:$0x3FAF] =	sst s3  }
0xc: {  	[smem:$0x3FB0] =	sst s4  }
0xd: {  	[smem:$0x3FB1] =	sst s5  }
0xe: {  	[smem:$0x3FB2] =	sst s6  }
0xf: {  	[smem:$0x3FB3] =	sst s7  }
0x10: {  	[smem:$0x3FB4] =	sst s8  }
0x11: {  	[smem:$0x3FB5] =	sst s9;
	s0 =	simm.s32 @!p0 $0x0  }
0x12: {  	s1 =	sld [smem:$0x3F9B];
	s0 =	simm.s32 @p0 $0x1  }
0x13: {  	[smem:$0x3FB6] =	sst s0;
	s0 =	simm.s32 @!p1 $0x0  }
0x14: {  	s2 =	sld [smem:$0x3F9A];
	s0 =	simm.s32 @p1 $0x1  }
0x15: {  	[smem:$0x3FB7] =	sst s0;
	s0 =	simm.s32 @!p2 $0x0  }
0x16: {  	s3 =	sld [smem:$0x3FDB];
	s0 =	simm.s32 @p2 $0x1  }
0x17: {  	s4 =	simm.s32 $0x1BF5;
	[smem:$0x3FB9] =	sst s0  }
0x18: {  	s0 =	sld [smem:$0x3F9C];
	_ =	swait.ge [sflag:s4], $0x0  }
0x19: {  	s7 =	sld [smem:$0x3F9D]  }
0x1a: {  	s8 =	sadd.s32 $0xFFFFE003, lr  }
0x1b: {  	s9 =	sadd.s32 $0xFFFFFEF7, lr;
	s5 =	simm.s32 $0xFFFFFFFF;
	p2 =	slt.u32 s8, $0xFFFFF086  }
0x1c: {  	p1 =	slt.u32 s9, $0xF7A;
	s5 =	simm.s32 @!p2 $0x0  }
0x1d: {  	s5 =	simm.s32 @p1 $0x1;
	p0 =	seq.s32 s7, s2  }
0x1e: {  	s7 =	smul.u32 @!p0 $0xF7A, s2;
	p2 =	seq.s32 @!p0 s5, $0x0  }
0x1f: {  	s9 =	smul.u32 $0xF7A, s1;
	s8 =	simm.s32 @!p0 $0x1BF5;
	p2 =	por !p2, p0  }
0x20: {  	[sflag:s8] =	ssyncset.s32 @!p0 $0xFFFFF086;
	s6 =	sadd.s32 @!p0 s3, s7;
	s7 =	simm.s32 @!p0 $0x108  }
0x21: {  	s3 =	sadd.s32 s3, s9;
	s6 =	sadd.s32 @!p0 $0x88, s6;
	s7 =	simm.s32 @p2 $0x1082  }
0x22: {  	[simem:s7], [sflag:s8] =	dma.local @!p0 [hbm:s6], $0xF7A  }
0x23: {  	s9 =	sor.u32 $0xD0000000, s2;
	s6 =	simm.s32 $0x108;
	_ =	swait.ge @!p0 [sflag:s8], $0x0  }
0x24: {  	s3 =	sadd.s32 $0x88, s3;
	s6 =	simm.s32 @!p1 $0x1082;
	[sflag:s4] =	ssyncset.s32 $0xFFFFF086  }
0x25: {  	[simem:s6], [sflag:s4] =	dma.local [hbm:s3], $0xF7A  }
0x26: {  	[smem:$0x3F9D] =	sst s1;
	(tag) =	ssettag s2;
	_ =	strace s9  }
0x27: {  	s1 =	sld [smem:$0x3FAD]  }
0x28: {  	s2 =	sld [smem:$0x3FAE]  }
0x29: {  	s4 =	sld [smem:$0x3FB0]  }
0x2a: {  	p0 =	seq.s32 s5, $0x0;
	s5 =	sld [smem:$0x3FB1]  }
0x2b: {  	s6 =	sld [smem:$0x3FB2]  }
0x2c: {  	s7 =	sld [smem:$0x3FB3]  }
0x2d: {  	s3 =	simm.s32 $0x108;
	s8 =	sld [smem:$0x3FB4]  }
0x2e: {  	s3 =	simm.s32 @!p0 $0x1082;
	s9 =	sld [smem:$0x3FB5]  }
0x2f: {  	lr =	sadd.s32 s0, s3;
	s0 =	sld [smem:$0x3FAC]  }
0x30: {  	s3 =	sld [smem:$0x3FAF]  }
0x31: {  	[smem:$0x3FB8] =	sst s10  }
0x32: {  	s10 =	sld [smem:$0x3FB6];
	_ =	sdelay $0x3  }
0x33: {  	p0 =	seq.s32 s10, $0x1;
	s10 =	sld [smem:$0x3FB8];
	_ =	sdelay $0x3  }
0x34: {  	[smem:$0x3FB8] =	sst s10  }
0x35: {  	s10 =	sld [smem:$0x3FB7];
	_ =	sdelay $0x3  }
0x36: {  	p1 =	seq.s32 s10, $0x1;
	s10 =	sld [smem:$0x3FB8];
	_ =	sdelay $0x3  }
0x37: {  	[smem:$0x3FB8] =	sst s10  }
0x38: {  	s10 =	sld [smem:$0x3FB9]  }
0x39: {  	_ = 	snop;
	(pc) =	sbr.ind lr, $3  }
0x3a: {  	_ = 	snop  }
0x3b: {  	_ = 	snop  }
0x3c: {  	p2 =	seq.s32 s10, $0x1;
	s10 =	sld [smem:$0x3FB8]  }
0x3d: {  	_ =	shalt  }
0x3e: {  	_ =	shalt  }
0x3f: {  	_ =	shalt  }
0x40: {  	_ =	shalt  }
0x41: {  	_ =	shalt  }
0x42: {  	_ =	shalt  }
0x43: {  	_ =	shalt  }
0x44: {  	_ =	shalt  }
0x45: {  	_ =	shalt  }
0x46: {  	_ =	shalt  }
0x47: {  	_ =	shalt  }
0x48: {  	_ =	shalt  }
0x49: {  	_ =	shalt  }
0x4a: {  	_ =	shalt  }
0x4b: {  	_ =	shalt  }
0x4c: {  	_ =	shalt  }
0x4d: {  	_ =	shalt  }
0x4e: {  	_ =	shalt  }
0x4f: {  	_ =	shalt  }
0x50: {  	_ =	shalt  }
0x51: {  	_ =	shalt  }
0x52: {  	_ =	shalt  }
0x53: {  	_ =	shalt  }
0x54: {  	_ =	shalt  }
0x55: {  	_ =	shalt  }
0x56: {  	_ =	shalt  }
0x57: {  	_ =	shalt  }
0x58: {  	_ =	shalt  }
0x59: {  	_ =	shalt  }
0x5a: {  	_ =	shalt  }
0x5b: {  	_ =	shalt  }
0x5c: {  	_ =	shalt  }
0x5d: {  	_ =	shalt  }
0x5e: {  	_ =	shalt  }
0x5f: {  	_ =	shalt  }
0x60: {  	_ =	shalt  }
0x61: {  	_ =	shalt  }
0x62: {  	_ =	shalt  }
0x63: {  	_ =	shalt  }
0x64: {  	_ =	shalt  }
0x65: {  	_ =	shalt  }
0x66: {  	_ =	shalt  }
0x67: {  	_ =	shalt  }
0x68: {  	_ =	shalt  }
0x69: {  	_ =	shalt  }
0x6a: {  	_ =	shalt  }
0x6b: {  	_ =	shalt  }
0x6c: {  	_ =	shalt  }
0x6d: {  	_ =	shalt  }
0x6e: {  	_ =	shalt  }
0x6f: {  	_ =	shalt  }
0x70: {  	_ =	shalt  }
0x71: {  	_ =	shalt  }
0x72: {  	_ =	shalt  }
0x73: {  	_ =	shalt  }
0x74: {  	_ =	shalt  }
0x75: {  	_ =	shalt  }
0x76: {  	_ =	shalt  }
0x77: {  	_ =	shalt  }
0x78: {  	_ =	shalt  }
0x79: {  	_ =	shalt  }
0x7a: {  	_ =	shalt  }
0x7b: {  	_ =	shalt  }
0x7c: {  	_ =	shalt  }
0x7d: {  	_ =	shalt  }
0x7e: {  	_ =	shalt  }
0x7f: {  	_ =	shalt  }
0x80: {  	_ =	shalt  }
0x81: {  	_ =	shalt  }
0x82: {  	_ =	shalt  }
0x83: {  	_ =	shalt  }
0x84: {  	_ =	shalt  }
0x85: {  	_ =	shalt  }
0x86: {  	_ =	shalt  }
0x87: {  	_ =	shalt  }
.Lfunc_end0:
.L_simem_size_0:
called_computation_lowered:
.L_overlay_start_0:
0x88: {  	s2 =	sld [smem:$0x3FD9]  }
0x89: {  	s3 =	sld [smem:$0x3FFE];
	_ =	sdelay $0x1  }
0x8a: {  	s1 =	srdreg.scid  }
0x8b: {  	s0 =	sand.u32 $0x1, s1  }
0x8c: {  	s17 =	sshll.u32 s0, $0xA;
	s2 =	sadd.s32 s3, s2  }
0x8d: {  	s2 =	sadd.s32 s2, s17  }
0x8e: {  	[smem:$0x3FC4] =	sst s2  }
0x8f: {  	_ = 	snop  }
0x90: {  	s18 =	sld [smem:$0x3FD0];
	(tm) =	ssettm $0x1  }
0x91: {  	s19 =	sld [smem:$0x3FFB];
	_ =	sdelay $0x3  }
0x92: {  	_ =	strace s19  }
0x93: {  	s2 =	sld [smem:$0x3FFC];
	_ =	sdelay $0x3  }
0x94: {  	_ =	strace s2  }
0x95: {  	s2 =	sld [smem:$0x3FFD];
	_ =	sdelay $0x3  }
0x96: {  	_ =	strace s2  }
0x97: {  	_ =	strace $0x8FFFFFFF  }
0x98: {  	s20 =	sld [smem:$0x3FDB];
	_ =	sdelay $0x1  }
0x99: {  	s4 =	simm.s32 $_scs_section_size  }
0x9a: {  	s5 =	simm.s32 $_size__tile_overlayer_lowered;
	s6 =	simm.s32 $_tile_overlayer_lowered  }
0x9b: {  	s7 =	simm.s32 $0x1BFF;
	s21 =	sshll.u32 s6, $0x1;
	s4 =	sadd.s32 s4, s20  }
0x9c: {  	s22 =	simm.s32 $0x0;
	s5 =	sshll.u32 s5, $0x1;
	s6 =	sadd.s32 s21, s4  }
0x9d: {  	[timem:s22], [sflag:s7] =	dma.local [hbm:s6], s5  }
0x9e: {  	_ =	swait.ge [sflag:s7], s5  }
0x9f: {  	s5 =	ssub.s32 $0x0, s5;
	[sflag:s7] =	ssyncset.done $0x0  }
0xa0: {  	[sflag:s7] =	ssyncadd.s32 s5;
	_ =	sdelay $0x1  }
0xa1: {  	s23 =	simm.s32 $0x1B8B  }
0xa2: {  	_ =	swait.ge [sflag:s23], $0x1  }
0xa3: {  	[sflag:s23] =	ssyncset.done $0x0  }
0xa4: {  	[sflag:s23] =	ssyncadd.s32 $0xFFFFFFFF  }
0xa5: {  	s5 =	sld [smem:$0x0]  }
0xa6: {  	s6 =	sand.u32 $0xFFFFFFFE, s1  }
0xa7: {  	p0 =	sne.s32 s1, s6  }
0xa8: {  	s6 =	sshll.u32 @p0 s6, $0xE  }
0xa9: {  	s6 =	sadd.s32 @p0 $0x11B8D, s6;
	s7 =	sshll.u32 @p0 s5, $0x11  }
0xaa: {  	s6 =	sor.u32 @p0 s7, s6  }
0xab: {  	[sflag:s6] =	ssyncadd.remote.s32 @p0 $0x1;
	_ =	sdelay $0x1  }
0xac: {  	s6 =	simm.s32 @p0 $0x1B8D  }
0xad: {  	_ =	swait.eq @p0 [sflag:s6], $0x1  }
0xae: {  	[sflag:s6] =	ssyncadd.s32 @p0 $0xFFFFFFFF  }
0xaf: {  	s7 =	sshll.u32 @!p0 s1, $0xE  }
0xb0: {  	s7 =	sor.u32 @!p0 $0x4000, s7;
	s6 =	simm.s32 @!p0 $0x1B8D  }
0xb1: {  	s5 =	sshll.u32 @!p0 s5, $0x11;
	s7 =	sadd.s32 @!p0 $0x11B8D, s7;
	_ =	swait.eq @!p0 [sflag:s6], $0x1  }
0xb2: {  	s5 =	sor.u32 @!p0 s5, s7;
	[sflag:s6] =	ssyncadd.s32 @!p0 $0xFFFFFFFF  }
0xb3: {  	s25 =	simm.s32 $0x1B8E;
	s24 =	sld [smem:$0x3FFE];
	[sflag:s5] =	ssyncadd.remote.s32 @!p0 $0x1  }
0xb4: {  	s26 =	simm.s32 $execute0_lowered;
	[smem:$0x3FD2] =	sst s25  }
0xb5: {  	s6 =	sshll.u32 s26, $0x1;
	_ =	strace $0x80000049;
	[dreg:$0x1] =	wrdreg $0xFFFFFFFF  }
0xb6: {  	s28 =	simm.s32 $_size_execute0_lowered;
	s4 =	sadd.s32 s4, s6;
	[dreg:$0x0] =	wrdreg $0x0  }
0xb7: {  	s6 =	sshll.u32 s28, $0x1;
	[dreg:$0x2] =	wrdreg s4  }
0xb8: {  	[dreg:$0x3] =	wrdreg s6  }
0xb9: {  	[dreg:$0x4] =	wrdreg $0xC0  }
0xba: {  	_ =	task [dreg:s22], $0x5FFFF  }
0xbb: {  	[dreg:$0x1] =	wrdreg $0xFFFFFFFF  }
0xbc: {  	[dreg:$0x0] =	wrdreg $0x60  }
0xbd: {  	[dreg:$0x2] =	wrdreg s24  }
0xbe: {  	[dreg:$0x3] =	wrdreg s18  }
0xbf: {  	[dreg:$0x4] =	wrdreg $0x90000  }
0xc0: {  	[dreg:$0x5] =	wrdreg $0x9  }
0xc1: {  	_ =	task.clear_ibuf [dreg:s22], $0x6FFFF;
	_ =	strace $0x90000049  }
0xc2: {  	s29 =	simm.s32 $0x9;
	_ =	strace $0x8000004B  }
0xc3: {  	_ =	swait.ge [sflag:s29], $0x1  }
0xc4: {  	[sflag:s29] =	ssyncadd.s32 $0xFFFFFFFF  }
0xc5: {  	_ =	strace $0x9000004B  }
0xc6: {  	_ =	sfence  }
0xc7: {  	s30 =	sld [smem:$0x0];
	_ =	sdelay $0x2  }
0xc8: {  	s31 =	sshll.u32 s1, $0xD;
	s1 =	sshrl.u32 s1, $0x2  }
0xc9: {  	s4 =	sand.u32 $0x4000, s31;
	s1 =	sadd.s32 s1, s30  }
0xca: {  	s0 =	sor.u32 s4, s0;
	s1 =	sshll.u32 s1, $0x11  }
0xcb: {  	s0 =	sor.u32 s1, s0  }
0xcc: {  	s0 =	sadd.s32 $0x8F2B, s0  }
0xcd: {  	[sflag:s0] =	ssyncadd.remote.s32 $0x1  }
0xce: {  	_ =	sfence.sel $0xFFFF  }
0xcf: {  	[dreg:$0x0] =	wrdreg $0xFFFFFFFF;
	(pc) =	sbr.abs _section_cstart, $3  }
0xd0: {  	[dreg:$0x1] =	wrdreg $0xFFFFFFFF  }
0xd1: {  	_ =	task.clear_ibuf [dreg:s22], $0x2FFFF;
	_ =	strace $0x9FFFFFFF  }
0xd2: {  	(tm) =	ssettm $0x7FFFFFFF  }
0xd3: {  	_ =	shalt  }
tec
execute0_lowered:
.L_overlay_start_1:
0x0: {  	(tag) =	ssettag $0x1  }
0x1: {  	s0 =	rddreg [dreg:$0x0]  }
0x2: {  	s13 =	rddreg [dreg:$0x1]  }
0x3: {  	s2 =	rddreg [dreg:$0x2];
	s4 =	simm.s32 $0x0  }
0x4: {  	s1 =	srdreg.scid;
	s14 =	stileid.u32;
	s29 =	simm.s32 $0x4  }
0x5: {  	s28 =	simm.s32 $0x700;
	s30 =	simm.s32 $0xE80;
	s3 =	smul.u32 $0x50000, s14  }
0x6: {  	s31 =	simm.s32 $0x780;
	[smem:$0x7FF] =	sst s4;
	s7 =	smul.u32 $0x14000, s14  }
0x7: {  	s1 =	sand.u32 $0x1, s1;
	s5 =	sadd.s32 $0x20600, s0;
	s12 =	smul.u32 $0x5000, s14  }
0x8: {  	s15 =	sadd.s32 $0x2600, s0;
	s0 =	sadd.s32 $0x48600, s0;
	s20 =	smul.u32 $0xA00, s14  }
0x9: {  	s14 =	simm.s32 $0x480;
	_ =	strace $0x8000004A;
	s6 =	ssub.s32 $0x2, s1  }
0xa: {  	s10 =	smul.u32 $0x140000, s1;
	p0 =	seq.s32 s1, $0x1;
	[dreg:$0x6] =	wrdreg s15  }
0xb: {  	s8 =	sshrl.u32 s6, $0x1;
	s3 =	sshrl.u32 s3, $0x2;
	s21 =	sadd.s32 $0x4000, s7  }
0xc: {  	s23 =	sadd.s32 $0x8000, s7;
	s24 =	sadd.s32 $0xC000, s7;
	s25 =	sadd.s32 $0x10000, s7  }
0xd: {  	s6 =	ssub.s32 s6, s8;
	s3 =	sadd.s32 s3, s2;
	s22 =	sadd.s32 s21, s2  }
0xe: {  	s9 =	sadd.s32 s23, s2;
	s11 =	sadd.s32 s24, s2;
	[dreg:$0x7] =	wrdreg s3  }
0xf: {  	s16 =	sadd.s32 s25, s2;
	s26 =	sadd.s32 s7, s10;
	[dreg:$0x8] =	wrdreg s22  }
0x10: {  	s17 =	sadd.s32 s10, s21;
	s19 =	sadd.s32 s10, s24;
	[dreg:$0x9] =	wrdreg s9  }
0x11: {  	s24 =	sadd.s32 s20, s15;
	s15 =	simm.s32 $0xC00;
	[dreg:$0xa] =	wrdreg s11  }
0x12: {  	s8 =	simm.s32 $0x500;
	[dreg:$0xb] =	wrdreg s16;
	s16 =	sadd.s32 $0x4000, s12  }
0x13: {  	s1 =	sshrl.u32 s26, $0x3;
	s18 =	sshrl.u32 s17, $0x3;
	s3 =	sadd.s32 s10, s23  }
0x14: {  	s22 =	sshrl.u32 s19, $0x3;
	s23 =	sadd.s32 s10, s25;
	[dreg:$0x4] =	wrdreg s24  }
0x15: {  	s25 =	sadd.s32 s20, s13;
	s26 =	smax.u32 s6, $0x1;
	s19 =	simm.s32 $0x1000  }
0x16: {  	s20 =	simm.s32 $0x5;
	s24 =	simm.s32 $0x3;
	s13 =	simm.s32 $0xB80  }
0x17: {  	s9 =	simm.s32 $0xC80;
	s10 =	simm.s32 $0x580;
	s11 =	simm.s32 $0xD00  }
0x18: {  	s6 =	simm.s32 $0xD80;
	s12 =	simm.s32 $0x680;
	[dreg:$0xc] =	wrdreg s16  }
0x19: {  	s1 =	sadd.s32 s0, s1;
	s3 =	sshrl.u32 s3, $0x3;
	[dreg:$0x12] =	wrdreg s26  }
0x1a: {  	[dreg:$0x5] =	wrdreg s25;
	s26 =	simm.s32 $0x2;
	s16 =	simm.s32 $0x800  }
0x1b: {  	s25 =	simm.s32 $0xE00;
	[dreg:$0xd] =	wrdreg s1;
	s1 =	sadd.s32 s0, s18  }
.Ltmp0:
0x1c: {  	s21 =	sadd.s32 s0, s3;
	[dreg:$0xe] =	wrdreg s1;
	(pc) =	sbr.rel .LBB2_1-.Ltmp0, $4  }
0x1d: {  	s3 =	simm.s32 $0xF80;
	[dreg:$0xf] =	wrdreg s21;
	s1 =	sadd.s32 s0, s22  }
0x1e: {  	s21 =	simm.s32 $0x80;
	[dreg:$0x10] =	wrdreg s1;
	s1 =	sshrl.u32 s23, $0x3  }
0x1f: {  	s22 =	simm.s32 $0x5000;
	s23 =	simm.s32 $0x1;
	s0 =	sadd.s32 s0, s1  }
0x20: {  	v0 =	vimm.f32 $0.0e+00;
	s1 =	simm.s32 $0x600;
	[dreg:$0x11] =	wrdreg s0;
	s0 =	simm.s32 $0x0  }
.LBB2_6:
0x21: {  	[sflag:s29] =	ssyncadd.s32 $0xFFFFC000  }
.LBB2_8:
0x22: {  	[bflag:$0x0] =	sbarrier.arrive $0xFFFF  }
0x23: {  	s7 =	rddreg [dreg:$0x7]  }
0x24: {  	[tilespmem:s19], [sflag:$0x5] =	stream.linear.gather [spmem:s7], $0x4000, $0x38;
	[tilespmem:$0x1D000] =	vst v63  }
0x25: {  	_ =	swait.ge [sflag:s20], $0x4000  }
0x26: {  	[sflag:s20] =	ssyncset.done $0x0  }
0x27: {  	s18 =	rddreg [dreg:$0xd];
	[sflag:s20] =	ssyncadd.s32 $0xFFFFC000  }
0x28: {  	[hbm4b:s18+s4] =	stream.linear.scatter [tilespmem:s19], [sflag:$0x5], $0x4000, $0x38;
	[tilespmem:$0x1D000] =	vst v63  }
0x29: {  	_ =	swait.ge [sflag:s20], $0x4000  }
0x2a: {  	[sflag:s20] =	ssyncset.done $0x0  }
0x2b: {  	s0 =	rddreg [dreg:$0x8];
	[sflag:s20] =	ssyncadd.s32 $0xFFFFC000  }
0x2c: {  	[tilespmem:s19], [sflag:$0x5] =	stream.linear.gather [spmem:s0], $0x4000, $0x38;
	[tilespmem:$0x1D000] =	vst v63  }
0x2d: {  	_ =	swait.ge [sflag:s20], $0x4000  }
0x2e: {  	[sflag:s20] =	ssyncset.done $0x0  }
0x2f: {  	s17 =	rddreg [dreg:$0xe];
	[sflag:s20] =	ssyncadd.s32 $0xFFFFC000  }
0x30: {  	[hbm4b:s17+s4] =	stream.linear.scatter [tilespmem:s19], [sflag:$0x5], $0x4000, $0x38;
	[tilespmem:$0x1D000] =	vst v63  }
0x31: {  	_ =	swait.ge [sflag:s20], $0x4000  }
0x32: {  	[sflag:s20] =	ssyncset.done $0x0  }
0x33: {  	s18 =	rddreg [dreg:$0x9];
	[sflag:s20] =	ssyncadd.s32 $0xFFFFC000  }
0x34: {  	[tilespmem:s19], [sflag:$0x5] =	stream.linear.gather [spmem:s18], $0x4000, $0x38;
	[tilespmem:$0x1D000] =	vst v63  }
0x35: {  	_ =	swait.ge [sflag:s20], $0x4000  }
0x36: {  	[sflag:s20] =	ssyncset.done $0x0  }
0x37: {  	s0 =	rddreg [dreg:$0xf];
	[sflag:s20] =	ssyncadd.s32 $0xFFFFC000  }
0x38: {  	[hbm4b:s0+s4] =	stream.linear.scatter [tilespmem:s19], [sflag:$0x5], $0x4000, $0x38;
	[tilespmem:$0x1D000] =	vst v63  }
0x39: {  	_ =	swait.ge [sflag:s20], $0x4000  }
0x3a: {  	[sflag:s20] =	ssyncset.done $0x0  }
0x3b: {  	s17 =	rddreg [dreg:$0xa];
	[sflag:s20] =	ssyncadd.s32 $0xFFFFC000  }
0x3c: {  	[tilespmem:s19], [sflag:$0x5] =	stream.linear.gather [spmem:s17], $0x4000, $0x38;
	[tilespmem:$0x1D000] =	vst v63  }
0x3d: {  	_ =	swait.ge [sflag:s20], $0x4000  }
0x3e: {  	[sflag:s20] =	ssyncset.done $0x0  }
0x3f: {  	s18 =	rddreg [dreg:$0x10];
	[sflag:s20] =	ssyncadd.s32 $0xFFFFC000  }
0x40: {  	[hbm4b:s18+s4] =	stream.linear.scatter [tilespmem:s19], [sflag:$0x5], $0x4000, $0x38;
	[tilespmem:$0x1D000] =	vst v63  }
0x41: {  	_ =	swait.ge [sflag:s20], $0x4000  }
0x42: {  	[sflag:s20] =	ssyncset.done $0x0  }
0x43: {  	s0 =	rddreg [dreg:$0xb];
	[sflag:s20] =	ssyncadd.s32 $0xFFFFC000  }
0x44: {  	[tilespmem:s19], [sflag:$0x5] =	stream.linear.gather [spmem:s0], $0x4000, $0x38;
	[tilespmem:$0x1D000] =	vst v63  }
0x45: {  	_ =	swait.ge [sflag:s20], $0x4000  }
0x46: {  	[sflag:s20] =	ssyncset.done $0x0  }
0x47: {  	s17 =	rddreg [dreg:$0x11];
	[sflag:s20] =	ssyncadd.s32 $0xFFFFC000  }
0x48: {  	[hbm4b:s17+s4] =	stream.linear.scatter [tilespmem:s19], [sflag:$0x5], $0x4000, $0x38;
	[tilespmem:$0x1D000] =	vst v63  }
0x49: {  	_ =	swait.ge [sflag:s20], $0x4000  }
0x4a: {  	s0 =	rddreg [dreg:$0x13]  }
0x4b: {  	s18 =	rddreg [dreg:$0x12];
	s0 =	sadd.s32 $0x1, s0  }
0x4c: {  	p1 =	sne.s32 s0, s18  }
.Ltmp1:
0x4d: {  	_ = 	snop;
	(pc) =	sbr.rel @!p1 .LBB2_9-.Ltmp1, $3  }
0x4e: {  	_ =	sdelay $0x1  }
0x4f: {  	[sflag:s20] =	ssyncset.done $0x0  }
0x50: {  	[sflag:s20] =	ssyncadd.s32 $0xFFFFC000  }
.LBB2_1:
0x51: {  	[dreg:$0x13] =	wrdreg s0;
	s17 =	simm.s32 $0x0;
	s18 =	simm.s32 $0x200  }
.LBB2_2:
0x52: {  	p1 =	sne.s32 s18, $0xFE00;
	[tilespmem:s17+$0x1070] =	vst v0  }
0x53: {  	[tilespmem:s17+$0x1000] =	vst v0  }
0x54: {  	[tilespmem:s17+$0x1010] =	vst v0  }
.Ltmp2:
0x55: {  	[tilespmem:s17+$0x1020] =	vst v0;
	(pc) =	sbr.rel @p1 .LBB2_2-.Ltmp2, $4  }
0x56: {  	[tilespmem:s17+$0x1030] =	vst v0  }
0x57: {  	[tilespmem:s17+$0x1040] =	vst v0  }
0x58: {  	[tilespmem:s17+$0x1050] =	vst v0  }
0x59: {  	[tilespmem:s17+$0x1060] =	vst v0;
	s17 =	sshra.s32 s18, $0x2;
	s18 =	sadd.s32 $0x200, s18  }
0x5a: {  	[tilespmem:s17+$0x1070] =	vst v0  }
0x5b: {  	[tilespmem:s17+$0x1000] =	vst v0  }
0x5c: {  	[tilespmem:s17+$0x1010] =	vst v0  }
0x5d: {  	[tilespmem:s17+$0x1020] =	vst v0  }
0x5e: {  	[tilespmem:s17+$0x1030] =	vst v0  }
0x5f: {  	[tilespmem:s17+$0x1040] =	vst v0  }
0x60: {  	[tilespmem:s17+$0x1050] =	vst v0  }
0x61: {  	[tilespmem:s17+$0x1060] =	vst v0;
	s7 =	rddreg [dreg:$0x7]  }
0x62: {  	[spmem:s7] =	stream.linear.scatter [tilespmem:s19], [sflag:$0x5], $0x4000, $0x38;
	[tilespmem:$0x1D000] =	vst v63  }
0x63: {  	_ =	swait.ge [sflag:s20], $0x4000  }
0x64: {  	[sflag:s20] =	ssyncset.done $0x0  }
0x65: {  	s18 =	rddreg [dreg:$0x8];
	[sflag:s20] =	ssyncadd.s32 $0xFFFFC000  }
0x66: {  	[spmem:s18] =	stream.linear.scatter [tilespmem:s19], [sflag:$0x5], $0x4000, $0x38;
	[tilespmem:$0x1D000] =	vst v63  }
0x67: {  	_ =	swait.ge [sflag:s20], $0x4000  }
0x68: {  	[sflag:s20] =	ssyncset.done $0x0  }
0x69: {  	s0 =	rddreg [dreg:$0x9];
	[sflag:s20] =	ssyncadd.s32 $0xFFFFC000  }
0x6a: {  	[spmem:s0] =	stream.linear.scatter [tilespmem:s19], [sflag:$0x5], $0x4000, $0x38;
	[tilespmem:$0x1D000] =	vst v63  }
0x6b: {  	_ =	swait.ge [sflag:s20], $0x4000  }
0x6c: {  	[sflag:s20] =	ssyncset.done $0x0  }
0x6d: {  	s17 =	rddreg [dreg:$0xa];
	[sflag:s20] =	ssyncadd.s32 $0xFFFFC000  }
0x6e: {  	[spmem:s17] =	stream.linear.scatter [tilespmem:s19], [sflag:$0x5], $0x4000, $0x38;
	[tilespmem:$0x1D000] =	vst v63  }
0x6f: {  	_ =	swait.ge [sflag:s20], $0x4000  }
0x70: {  	[sflag:s20] =	ssyncset.done $0x0  }
0x71: {  	s18 =	rddreg [dreg:$0xb];
	[sflag:s20] =	ssyncadd.s32 $0xFFFFC000  }
0x72: {  	[spmem:s18] =	stream.linear.scatter [tilespmem:s19], [sflag:$0x5], $0x4000, $0x38;
	[tilespmem:$0x1D000] =	vst v63  }
.Ltmp3:
0x73: {  	_ =	swait.ge [sflag:s20], $0x4000;
	(pc) =	sbr.rel @!p0 .LBB2_4-.Ltmp3, $4  }
0x74: {  	[sflag:s20] =	ssyncset.done $0x0  }
0x75: {  	[sflag:s20] =	ssyncadd.s32 $0xFFFFC000  }
0x76: {  	p1 =	por $0x1, $0x1;
	[bflag:$0x0] =	sbarrier.arrive $0xFFFF  }
0x77: {  	s0 =	simm.s32 $0xF00;
	s17 =	simm.s32 $0x0;
	s18 =	rddreg [dreg:$0xc]  }
.LBB2_7:
0x78: {  	s7 =	sor.u32 s17, s18  }
0x79: {  	s17 =	rddreg [dreg:$0x1];
	s7 =	sshrl.u32 s7, $0x3  }
0x7a: {  	s17 =	sadd.s32 s17, s7  }
0x7b: {  	[tilespmem:s4], [sflag:$0x5] =	stream.linear.gather [hbm4b:s17+s4], $0x800, $0x38;
	[tilespmem:$0x1D000] =	vst v63  }
0x7c: {  	_ =	swait.ge [sflag:s20], $0x800  }
0x7d: {  	[sflag:s20] =	ssyncset.done $0x0;
	s17 =	rddreg [dreg:$0x6]  }
0x7e: {  	[sflag:s20] =	ssyncadd.s32 $0xFFFFF800;
	s7 =	sadd.s32 s17, s7;
	s17 =	simm.s32 $0x800  }
0x7f: {  	[tilespmem:s17], [sflag:$0x5] =	stream.linear.gather [hbm4b:s7+s4], $0x800, $0x38;
	[tilespmem:$0x1D000] =	vst v63  }
0x80: {  	_ =	swait.ge [sflag:s20], $0x800  }
0x81: {  	[sflag:s20] =	ssyncset.done $0x0  }
0x82: {  	[sflag:s20] =	ssyncadd.s32 $0xFFFFF800  }
0x83: {  	[tilespmem:s19], [sflag:$0x1] =	stream.indirect.gather [hbm4b:s5+s21], $0x80, s4, s21, $0xb8;
	[tilespmem:$0x1D000] =	vst v63  }
0x84: {  	_ = 	snop  }
0x85: {  	[tilespmem:s22], [sflag:$0x2] =	stream.indirect.gather [hbm4b:s5+s21], $0x80, s21, s21, $0xb8;
	[tilespmem:$0x1D000] =	vst v63  }
0x86: {  	_ =	swait.ge [sflag:s23], $0x4000  }
0x87: {  	[sflag:s23] =	ssyncset.done $0x0  }
0x88: {  	[sflag:s23] =	ssyncadd.s32 $0xFFFFC000  }
0x89: {  	[spmem:s2] =	stream.indirect.scatter.add.f32 [tilespmem:s19], [sflag:$0x3], $0x80, s17, s21, $0xb8;
	[tilespmem:$0x1D000] =	vst v63  }
0x8a: {  	_ =	swait.ge [sflag:s24], $0x4000  }
0x8b: {  	[sflag:s24] =	ssyncset.done $0x0  }
0x8c: {  	s7 =	simm.s32 $0x100;
	[sflag:s24] =	ssyncadd.s32 $0xFFFFC000  }
0x8d: {  	[tilespmem:s19], [sflag:$0x1] =	stream.indirect.gather [hbm4b:s5+s21], $0x80, s7, s21, $0xb8;
	[tilespmem:$0x1D000] =	vst v63  }
0x8e: {  	_ =	swait.ge [sflag:s26], $0x4000  }
0x8f: {  	[sflag:s26] =	ssyncset.done $0x0  }
0x90: {  	s7 =	simm.s32 $0x880;
	[sflag:s26] =	ssyncadd.s32 $0xFFFFC000  }
0x91: {  	[spmem:s2] =	stream.indirect.scatter.add.f32 [tilespmem:s22], [sflag:$0x4], $0x80, s7, s21, $0xb8;
	[tilespmem:$0x1D000] =	vst v63  }
0x92: {  	_ =	swait.ge [sflag:s29], $0x4000  }
0x93: {  	[sflag:s29] =	ssyncset.done $0x0  }
0x94: {  	s7 =	simm.s32 $0x180;
	[sflag:s29] =	ssyncadd.s32 $0xFFFFC000  }
0x95: {  	[tilespmem:s22], [sflag:$0x2] =	stream.indirect.gather [hbm4b:s5+s21], $0x80, s7, s21, $0xb8;
	[tilespmem:$0x1D000] =	vst v63  }
0x96: {  	_ =	swait.ge [sflag:s23], $0x4000  }
0x97: {  	[sflag:s23] =	ssyncset.done $0x0  }
0x98: {  	s7 =	simm.s32 $0x900;
	[sflag:s23] =	ssyncadd.s32 $0xFFFFC000  }
0x99: {  	[spmem:s2] =	stream.indirect.scatter.add.f32 [tilespmem:s19], [sflag:$0x3], $0x80, s7, s21, $0xb8;
	[tilespmem:$0x1D000] =	vst v63  }
0x9a: {  	_ =	swait.ge [sflag:s24], $0x4000  }
0x9b: {  	[sflag:s24] =	ssyncset.done $0x0  }
0x9c: {  	s7 =	simm.s32 $0x200;
	[sflag:s24] =	ssyncadd.s32 $0xFFFFC000  }
0x9d: {  	[tilespmem:s19], [sflag:$0x1] =	stream.indirect.gather [hbm4b:s5+s21], $0x80, s7, s21, $0xb8;
	[tilespmem:$0x1D000] =	vst v63  }
0x9e: {  	_ =	swait.ge [sflag:s26], $0x4000  }
0x9f: {  	[sflag:s26] =	ssyncset.done $0x0  }
0xa0: {  	s7 =	simm.s32 $0x980;
	[sflag:s26] =	ssyncadd.s32 $0xFFFFC000  }
0xa1: {  	[spmem:s2] =	stream.indirect.scatter.add.f32 [tilespmem:s22], [sflag:$0x4], $0x80, s7, s21, $0xb8;
	[tilespmem:$0x1D000] =	vst v63  }
0xa2: {  	_ =	swait.ge [sflag:s29], $0x4000  }
0xa3: {  	[sflag:s29] =	ssyncset.done $0x0  }
0xa4: {  	s7 =	simm.s32 $0x280;
	[sflag:s29] =	ssyncadd.s32 $0xFFFFC000  }
0xa5: {  	[tilespmem:s22], [sflag:$0x2] =	stream.indirect.gather [hbm4b:s5+s21], $0x80, s7, s21, $0xb8;
	[tilespmem:$0x1D000] =	vst v63  }
0xa6: {  	_ =	swait.ge [sflag:s23], $0x4000  }
0xa7: {  	[sflag:s23] =	ssyncset.done $0x0  }
0xa8: {  	s7 =	simm.s32 $0xA00;
	[sflag:s23] =	ssyncadd.s32 $0xFFFFC000  }
0xa9: {  	[spmem:s2] =	stream.indirect.scatter.add.f32 [tilespmem:s19], [sflag:$0x3], $0x80, s7, s21, $0xb8;
	[tilespmem:$0x1D000] =	vst v63  }
0xaa: {  	_ =	swait.ge [sflag:s24], $0x4000  }
0xab: {  	[sflag:s24] =	ssyncset.done $0x0  }
0xac: {  	s7 =	simm.s32 $0x300;
	[sflag:s24] =	ssyncadd.s32 $0xFFFFC000  }
0xad: {  	[tilespmem:s19], [sflag:$0x1] =	stream.indirect.gather [hbm4b:s5+s21], $0x80, s7, s21, $0xb8;
	[tilespmem:$0x1D000] =	vst v63  }
0xae: {  	_ =	swait.ge [sflag:s26], $0x4000  }
0xaf: {  	[sflag:s26] =	ssyncset.done $0x0  }
0xb0: {  	s7 =	simm.s32 $0xA80;
	[sflag:s26] =	ssyncadd.s32 $0xFFFFC000  }
0xb1: {  	[spmem:s2] =	stream.indirect.scatter.add.f32 [tilespmem:s22], [sflag:$0x4], $0x80, s7, s21, $0xb8;
	[tilespmem:$0x1D000] =	vst v63  }
0xb2: {  	_ =	swait.ge [sflag:s29], $0x4000  }
0xb3: {  	[sflag:s29] =	ssyncset.done $0x0  }
0xb4: {  	s7 =	simm.s32 $0x380;
	[sflag:s29] =	ssyncadd.s32 $0xFFFFC000  }
0xb5: {  	[tilespmem:s22], [sflag:$0x2] =	stream.indirect.gather [hbm4b:s5+s21], $0x80, s7, s21, $0xb8;
	[tilespmem:$0x1D000] =	vst v63  }
0xb6: {  	_ =	swait.ge [sflag:s23], $0x4000  }
0xb7: {  	[sflag:s23] =	ssyncset.done $0x0  }
0xb8: {  	s7 =	simm.s32 $0xB00;
	[sflag:s23] =	ssyncadd.s32 $0xFFFFC000  }
0xb9: {  	[spmem:s2] =	stream.indirect.scatter.add.f32 [tilespmem:s19], [sflag:$0x3], $0x80, s7, s21, $0xb8;
	[tilespmem:$0x1D000] =	vst v63  }
0xba: {  	_ =	swait.ge [sflag:s24], $0x4000  }
0xbb: {  	[sflag:s24] =	ssyncset.done $0x0  }
0xbc: {  	s7 =	simm.s32 $0x400;
	[sflag:s24] =	ssyncadd.s32 $0xFFFFC000  }
0xbd: {  	[tilespmem:s19], [sflag:$0x1] =	stream.indirect.gather [hbm4b:s5+s21], $0x80, s7, s21, $0xb8;
	[tilespmem:$0x1D000] =	vst v63  }
0xbe: {  	_ =	swait.ge [sflag:s26], $0x4000  }
0xbf: {  	[sflag:s26] =	ssyncset.done $0x0  }
0xc0: {  	[sflag:s26] =	ssyncadd.s32 $0xFFFFC000  }
0xc1: {  	[spmem:s2] =	stream.indirect.scatter.add.f32 [tilespmem:s22], [sflag:$0x4], $0x80, s13, s21, $0xb8;
	[tilespmem:$0x1D000] =	vst v63  }
0xc2: {  	_ =	swait.ge [sflag:s29], $0x4000  }
0xc3: {  	[sflag:s29] =	ssyncset.done $0x0  }
0xc4: {  	[sflag:s29] =	ssyncadd.s32 $0xFFFFC000  }
0xc5: {  	[tilespmem:s22], [sflag:$0x2] =	stream.indirect.gather [hbm4b:s5+s21], $0x80, s14, s21, $0xb8;
	[tilespmem:$0x1D000] =	vst v63  }
0xc6: {  	_ =	swait.ge [sflag:s23], $0x4000  }
0xc7: {  	[sflag:s23] =	ssyncset.done $0x0  }
0xc8: {  	[sflag:s23] =	ssyncadd.s32 $0xFFFFC000  }
0xc9: {  	[spmem:s2] =	stream.indirect.scatter.add.f32 [tilespmem:s19], [sflag:$0x3], $0x80, s15, s21, $0xb8;
	[tilespmem:$0x1D000] =	vst v63  }
0xca: {  	_ =	swait.ge [sflag:s24], $0x4000  }
0xcb: {  	[sflag:s24] =	ssyncset.done $0x0  }
0xcc: {  	[sflag:s24] =	ssyncadd.s32 $0xFFFFC000  }
0xcd: {  	[tilespmem:s19], [sflag:$0x1] =	stream.indirect.gather [hbm4b:s5+s21], $0x80, s8, s21, $0xb8;
	[tilespmem:$0x1D000] =	vst v63  }
0xce: {  	_ =	swait.ge [sflag:s26], $0x4000  }
0xcf: {  	[sflag:s26] =	ssyncset.done $0x0  }
0xd0: {  	[sflag:s26] =	ssyncadd.s32 $0xFFFFC000  }
0xd1: {  	[spmem:s2] =	stream.indirect.scatter.add.f32 [tilespmem:s22], [sflag:$0x4], $0x80, s9, s21, $0xb8;
	[tilespmem:$0x1D000] =	vst v63  }
0xd2: {  	_ =	swait.ge [sflag:s29], $0x4000  }
0xd3: {  	[sflag:s29] =	ssyncset.done $0x0  }
0xd4: {  	[sflag:s29] =	ssyncadd.s32 $0xFFFFC000  }
0xd5: {  	[tilespmem:s22], [sflag:$0x2] =	stream.indirect.gather [hbm4b:s5+s21], $0x80, s10, s21, $0xb8;
	[tilespmem:$0x1D000] =	vst v63  }
0xd6: {  	_ =	swait.ge [sflag:s23], $0x4000  }
0xd7: {  	[sflag:s23] =	ssyncset.done $0x0  }
0xd8: {  	[sflag:s23] =	ssyncadd.s32 $0xFFFFC000  }
0xd9: {  	[spmem:s2] =	stream.indirect.scatter.add.f32 [tilespmem:s19], [sflag:$0x3], $0x80, s11, s21, $0xb8;
	[tilespmem:$0x1D000] =	vst v63  }
0xda: {  	_ =	swait.ge [sflag:s24], $0x4000  }
0xdb: {  	[sflag:s24] =	ssyncset.done $0x0  }
0xdc: {  	[sflag:s24] =	ssyncadd.s32 $0xFFFFC000  }
0xdd: {  	[tilespmem:s19], [sflag:$0x1] =	stream.indirect.gather [hbm4b:s5+s21], $0x80, s1, s21, $0xb8;
	[tilespmem:$0x1D000] =	vst v63  }
0xde: {  	_ =	swait.ge [sflag:s26], $0x4000  }
0xdf: {  	[sflag:s26] =	ssyncset.done $0x0  }
0xe0: {  	[sflag:s26] =	ssyncadd.s32 $0xFFFFC000  }
0xe1: {  	[spmem:s2] =	stream.indirect.scatter.add.f32 [tilespmem:s22], [sflag:$0x4], $0x80, s6, s21, $0xb8;
	[tilespmem:$0x1D000] =	vst v63  }
0xe2: {  	_ =	swait.ge [sflag:s29], $0x4000  }
0xe3: {  	[sflag:s29] =	ssyncset.done $0x0  }
0xe4: {  	[sflag:s29] =	ssyncadd.s32 $0xFFFFC000  }
0xe5: {  	[tilespmem:s22], [sflag:$0x2] =	stream.indirect.gather [hbm4b:s5+s21], $0x80, s12, s21, $0xb8;
	[tilespmem:$0x1D000] =	vst v63  }
0xe6: {  	_ =	swait.ge [sflag:s23], $0x4000  }
0xe7: {  	[sflag:s23] =	ssyncset.done $0x0  }
0xe8: {  	[sflag:s23] =	ssyncadd.s32 $0xFFFFC000  }
0xe9: {  	[spmem:s2] =	stream.indirect.scatter.add.f32 [tilespmem:s19], [sflag:$0x3], $0x80, s25, s21, $0xb8;
	[tilespmem:$0x1D000] =	vst v63  }
0xea: {  	_ =	swait.ge [sflag:s24], $0x4000  }
0xeb: {  	[sflag:s24] =	ssyncset.done $0x0  }
0xec: {  	[sflag:s24] =	ssyncadd.s32 $0xFFFFC000  }
0xed: {  	[tilespmem:s19], [sflag:$0x1] =	stream.indirect.gather [hbm4b:s5+s21], $0x80, s28, s21, $0xb8;
	[tilespmem:$0x1D000] =	vst v63  }
0xee: {  	_ =	swait.ge [sflag:s26], $0x4000  }
0xef: {  	[sflag:s26] =	ssyncset.done $0x0  }
0xf0: {  	[sflag:s26] =	ssyncadd.s32 $0xFFFFC000  }
0xf1: {  	[spmem:s2] =	stream.indirect.scatter.add.f32 [tilespmem:s22], [sflag:$0x4], $0x80, s30, s21, $0xb8;
	[tilespmem:$0x1D000] =	vst v63  }
0xf2: {  	_ =	swait.ge [sflag:s29], $0x4000  }
0xf3: {  	[sflag:s29] =	ssyncset.done $0x0  }
0xf4: {  	[sflag:s29] =	ssyncadd.s32 $0xFFFFC000  }
0xf5: {  	[tilespmem:s22], [sflag:$0x2] =	stream.indirect.gather [hbm4b:s5+s21], $0x80, s31, s21, $0xb8;
	[tilespmem:$0x1D000] =	vst v63  }
0xf6: {  	_ =	swait.ge [sflag:s23], $0x4000  }
0xf7: {  	[sflag:s23] =	ssyncset.done $0x0  }
0xf8: {  	[sflag:s23] =	ssyncadd.s32 $0xFFFFC000  }
0xf9: {  	[spmem:s2] =	stream.indirect.scatter.add.f32 [tilespmem:s19], [sflag:$0x3], $0x80, s0, s21, $0xb8;
	[tilespmem:$0x1D000] =	vst v63  }
0xfa: {  	_ =	swait.ge [sflag:s26], $0x4000  }
0xfb: {  	[sflag:s26] =	ssyncset.done $0x0  }
0xfc: {  	[sflag:s26] =	ssyncadd.s32 $0xFFFFC000  }
0xfd: {  	[spmem:s2] =	stream.indirect.scatter.add.f32 [tilespmem:s22], [sflag:$0x4], $0x80, s3, s21, $0xb8;
	[tilespmem:$0x1D000] =	vst v63  }
0xfe: {  	p2 =	por p1, p1;
	_ =	swait.ge [sflag:s24], $0x4000  }
.Ltmp4:
0xff: {  	[sflag:s24] =	ssyncset.done $0x0;
	(pc) =	sbr.rel @p2 .LBB2_7-.Ltmp4, $4  }
0x100: {  	[sflag:s24] =	ssyncadd.s32 $0xFFFFC000  }
0x101: {  	_ =	swait.ge [sflag:s29], $0x4000  }
0x102: {  	[sflag:s29] =	ssyncset.done $0x0  }
0x103: {  	p1 =	por $0x0, $0x0;
	[sflag:s29] =	ssyncadd.s32 $0xFFFFC000  }
.Ltmp5:
0x104: {  	_ = 	snop;
	(pc) =	sbr.rel .LBB2_8-.Ltmp5, $1  }
0x105: {  	_ =	sdelay $0x3  }
.LBB2_4:
0x106: {  	s17 =	rddreg [dreg:$0x5]  }
0x107: {  	s17 =	sadd.s32 $0x0, s17  }
0x108: {  	[tilespmem:s4], [sflag:$0x5] =	stream.linear.gather [hbm4b:s17+s4], $0x800, $0x38;
	[tilespmem:$0x1D000] =	vst v63  }
0x109: {  	_ =	swait.ge [sflag:s20], $0x800  }
0x10a: {  	s7 =	rddreg [dreg:$0x4];
	[sflag:s20] =	ssyncset.done $0x0  }
0x10b: {  	[sflag:s20] =	ssyncadd.s32 $0xFFFFF800;
	s17 =	sadd.s32 $0x0, s7  }
0x10c: {  	[tilespmem:s16], [sflag:$0x5] =	stream.linear.gather [hbm4b:s17+s4], $0x800, $0x38;
	[tilespmem:$0x1D000] =	vst v63  }
0x10d: {  	_ =	swait.ge [sflag:s20], $0x800  }
0x10e: {  	[sflag:s20] =	ssyncset.done $0x0  }
0x10f: {  	[sflag:s20] =	ssyncadd.s32 $0xFFFFF800  }
0x110: {  	[tilespmem:s19], [sflag:$0x1] =	stream.indirect.gather [hbm4b:s5+s21], $0x80, s4, s21, $0xb8;
	[tilespmem:$0x1D000] =	vst v63  }
0x111: {  	_ = 	snop  }
0x112: {  	[tilespmem:s22], [sflag:$0x2] =	stream.indirect.gather [hbm4b:s5+s21], $0x80, s21, s21, $0xb8;
	[tilespmem:$0x1D000] =	vst v63  }
0x113: {  	_ =	swait.ge [sflag:s23], $0x4000  }
0x114: {  	[sflag:s23] =	ssyncset.done $0x0  }
0x115: {  	[sflag:s23] =	ssyncadd.s32 $0xFFFFC000  }
0x116: {  	[spmem:s2] =	stream.indirect.scatter.add.f32 [tilespmem:s19], [sflag:$0x3], $0x80, s16, s21, $0xb8;
	[tilespmem:$0x1D000] =	vst v63  }
0x117: {  	_ =	swait.ge [sflag:s24], $0x4000  }
0x118: {  	[sflag:s24] =	ssyncset.done $0x0  }
0x119: {  	s7 =	simm.s32 $0x100;
	[sflag:s24] =	ssyncadd.s32 $0xFFFFC000  }
0x11a: {  	[tilespmem:s19], [sflag:$0x1] =	stream.indirect.gather [hbm4b:s5+s21], $0x80, s7, s21, $0xb8;
	[tilespmem:$0x1D000] =	vst v63  }
0x11b: {  	_ =	swait.ge [sflag:s26], $0x4000  }
0x11c: {  	[sflag:s26] =	ssyncset.done $0x0  }
0x11d: {  	s17 =	simm.s32 $0x880;
	[sflag:s26] =	ssyncadd.s32 $0xFFFFC000  }
0x11e: {  	[spmem:s2] =	stream.indirect.scatter.add.f32 [tilespmem:s22], [sflag:$0x4], $0x80, s17, s21, $0xb8;
	[tilespmem:$0x1D000] =	vst v63  }
0x11f: {  	_ =	swait.ge [sflag:s29], $0x4000  }
0x120: {  	[sflag:s29] =	ssyncset.done $0x0  }
0x121: {  	s18 =	simm.s32 $0x180;
	[sflag:s29] =	ssyncadd.s32 $0xFFFFC000  }
0x122: {  	[tilespmem:s22], [sflag:$0x2] =	stream.indirect.gather [hbm4b:s5+s21], $0x80, s18, s21, $0xb8;
	[tilespmem:$0x1D000] =	vst v63  }
0x123: {  	_ =	swait.ge [sflag:s23], $0x4000  }
0x124: {  	[sflag:s23] =	ssyncset.done $0x0  }
0x125: {  	s17 =	simm.s32 $0x900;
	[sflag:s23] =	ssyncadd.s32 $0xFFFFC000  }
0x126: {  	[spmem:s2] =	stream.indirect.scatter.add.f32 [tilespmem:s19], [sflag:$0x3], $0x80, s17, s21, $0xb8;
	[tilespmem:$0x1D000] =	vst v63  }
0x127: {  	_ =	swait.ge [sflag:s24], $0x4000  }
0x128: {  	[sflag:s24] =	ssyncset.done $0x0  }
0x129: {  	s18 =	simm.s32 $0x200;
	[sflag:s24] =	ssyncadd.s32 $0xFFFFC000  }
0x12a: {  	[tilespmem:s19], [sflag:$0x1] =	stream.indirect.gather [hbm4b:s5+s21], $0x80, s18, s21, $0xb8;
	[tilespmem:$0x1D000] =	vst v63  }
0x12b: {  	_ =	swait.ge [sflag:s26], $0x4000  }
0x12c: {  	[sflag:s26] =	ssyncset.done $0x0  }
0x12d: {  	s17 =	simm.s32 $0x980;
	[sflag:s26] =	ssyncadd.s32 $0xFFFFC000  }
0x12e: {  	[spmem:s2] =	stream.indirect.scatter.add.f32 [tilespmem:s22], [sflag:$0x4], $0x80, s17, s21, $0xb8;
	[tilespmem:$0x1D000] =	vst v63  }
0x12f: {  	_ =	swait.ge [sflag:s29], $0x4000  }
0x130: {  	[sflag:s29] =	ssyncset.done $0x0  }
0x131: {  	s18 =	simm.s32 $0x280;
	[sflag:s29] =	ssyncadd.s32 $0xFFFFC000  }
0x132: {  	[tilespmem:s22], [sflag:$0x2] =	stream.indirect.gather [hbm4b:s5+s21], $0x80, s18, s21, $0xb8;
	[tilespmem:$0x1D000] =	vst v63  }
0x133: {  	_ =	swait.ge [sflag:s23], $0x4000  }
0x134: {  	[sflag:s23] =	ssyncset.done $0x0  }
0x135: {  	s17 =	simm.s32 $0xA00;
	[sflag:s23] =	ssyncadd.s32 $0xFFFFC000  }
0x136: {  	[spmem:s2] =	stream.indirect.scatter.add.f32 [tilespmem:s19], [sflag:$0x3], $0x80, s17, s21, $0xb8;
	[tilespmem:$0x1D000] =	vst v63  }
0x137: {  	_ =	swait.ge [sflag:s24], $0x4000  }
0x138: {  	[sflag:s24] =	ssyncset.done $0x0  }
0x139: {  	s18 =	simm.s32 $0x300;
	[sflag:s24] =	ssyncadd.s32 $0xFFFFC000  }
0x13a: {  	[tilespmem:s19], [sflag:$0x1] =	stream.indirect.gather [hbm4b:s5+s21], $0x80, s18, s21, $0xb8;
	[tilespmem:$0x1D000] =	vst v63  }
0x13b: {  	_ =	swait.ge [sflag:s26], $0x4000  }
0x13c: {  	[sflag:s26] =	ssyncset.done $0x0  }
0x13d: {  	s17 =	simm.s32 $0xA80;
	[sflag:s26] =	ssyncadd.s32 $0xFFFFC000  }
0x13e: {  	[spmem:s2] =	stream.indirect.scatter.add.f32 [tilespmem:s22], [sflag:$0x4], $0x80, s17, s21, $0xb8;
	[tilespmem:$0x1D000] =	vst v63  }
0x13f: {  	_ =	swait.ge [sflag:s29], $0x4000  }
0x140: {  	[sflag:s29] =	ssyncset.done $0x0  }
0x141: {  	s18 =	simm.s32 $0x380;
	[sflag:s29] =	ssyncadd.s32 $0xFFFFC000  }
0x142: {  	[tilespmem:s22], [sflag:$0x2] =	stream.indirect.gather [hbm4b:s5+s21], $0x80, s18, s21, $0xb8;
	[tilespmem:$0x1D000] =	vst v63  }
0x143: {  	_ =	swait.ge [sflag:s23], $0x4000  }
0x144: {  	[sflag:s23] =	ssyncset.done $0x0  }
0x145: {  	s17 =	simm.s32 $0xB00;
	[sflag:s23] =	ssyncadd.s32 $0xFFFFC000  }
0x146: {  	[spmem:s2] =	stream.indirect.scatter.add.f32 [tilespmem:s19], [sflag:$0x3], $0x80, s17, s21, $0xb8;
	[tilespmem:$0x1D000] =	vst v63  }
0x147: {  	_ =	swait.ge [sflag:s24], $0x4000  }
0x148: {  	[sflag:s24] =	ssyncset.done $0x0  }
0x149: {  	s18 =	simm.s32 $0x400;
	[sflag:s24] =	ssyncadd.s32 $0xFFFFC000  }
0x14a: {  	[tilespmem:s19], [sflag:$0x1] =	stream.indirect.gather [hbm4b:s5+s21], $0x80, s18, s21, $0xb8;
	[tilespmem:$0x1D000] =	vst v63  }
0x14b: {  	_ =	swait.ge [sflag:s26], $0x4000  }
0x14c: {  	[sflag:s26] =	ssyncset.done $0x0  }
0x14d: {  	[sflag:s26] =	ssyncadd.s32 $0xFFFFC000  }
0x14e: {  	[spmem:s2] =	stream.indirect.scatter.add.f32 [tilespmem:s22], [sflag:$0x4], $0x80, s13, s21, $0xb8;
	[tilespmem:$0x1D000] =	vst v63  }
0x14f: {  	_ =	swait.ge [sflag:s29], $0x4000  }
0x150: {  	[sflag:s29] =	ssyncset.done $0x0  }
0x151: {  	[sflag:s29] =	ssyncadd.s32 $0xFFFFC000  }
0x152: {  	[tilespmem:s22], [sflag:$0x2] =	stream.indirect.gather [hbm4b:s5+s21], $0x80, s14, s21, $0xb8;
	[tilespmem:$0x1D000] =	vst v63  }
0x153: {  	_ =	swait.ge [sflag:s23], $0x4000  }
0x154: {  	[sflag:s23] =	ssyncset.done $0x0  }
0x155: {  	[sflag:s23] =	ssyncadd.s32 $0xFFFFC000  }
0x156: {  	[spmem:s2] =	stream.indirect.scatter.add.f32 [tilespmem:s19], [sflag:$0x3], $0x80, s15, s21, $0xb8;
	[tilespmem:$0x1D000] =	vst v63  }
0x157: {  	_ =	swait.ge [sflag:s24], $0x4000  }
0x158: {  	[sflag:s24] =	ssyncset.done $0x0  }
0x159: {  	[sflag:s24] =	ssyncadd.s32 $0xFFFFC000  }
0x15a: {  	[tilespmem:s19], [sflag:$0x1] =	stream.indirect.gather [hbm4b:s5+s21], $0x80, s8, s21, $0xb8;
	[tilespmem:$0x1D000] =	vst v63  }
0x15b: {  	_ =	swait.ge [sflag:s26], $0x4000  }
0x15c: {  	[sflag:s26] =	ssyncset.done $0x0  }
0x15d: {  	[sflag:s26] =	ssyncadd.s32 $0xFFFFC000  }
0x15e: {  	[spmem:s2] =	stream.indirect.scatter.add.f32 [tilespmem:s22], [sflag:$0x4], $0x80, s9, s21, $0xb8;
	[tilespmem:$0x1D000] =	vst v63  }
0x15f: {  	_ =	swait.ge [sflag:s29], $0x4000  }
0x160: {  	[sflag:s29] =	ssyncset.done $0x0  }
0x161: {  	[sflag:s29] =	ssyncadd.s32 $0xFFFFC000  }
0x162: {  	[tilespmem:s22], [sflag:$0x2] =	stream.indirect.gather [hbm4b:s5+s21], $0x80, s10, s21, $0xb8;
	[tilespmem:$0x1D000] =	vst v63  }
0x163: {  	_ =	swait.ge [sflag:s23], $0x4000  }
0x164: {  	[sflag:s23] =	ssyncset.done $0x0  }
0x165: {  	[sflag:s23] =	ssyncadd.s32 $0xFFFFC000  }
0x166: {  	[spmem:s2] =	stream.indirect.scatter.add.f32 [tilespmem:s19], [sflag:$0x3], $0x80, s11, s21, $0xb8;
	[tilespmem:$0x1D000] =	vst v63  }
0x167: {  	_ =	swait.ge [sflag:s24], $0x4000  }
0x168: {  	[sflag:s24] =	ssyncset.done $0x0  }
0x169: {  	[sflag:s24] =	ssyncadd.s32 $0xFFFFC000  }
0x16a: {  	[tilespmem:s19], [sflag:$0x1] =	stream.indirect.gather [hbm4b:s5+s21], $0x80, s1, s21, $0xb8;
	[tilespmem:$0x1D000] =	vst v63  }
0x16b: {  	_ =	swait.ge [sflag:s26], $0x4000  }
0x16c: {  	[sflag:s26] =	ssyncset.done $0x0  }
0x16d: {  	[sflag:s26] =	ssyncadd.s32 $0xFFFFC000  }
0x16e: {  	[spmem:s2] =	stream.indirect.scatter.add.f32 [tilespmem:s22], [sflag:$0x4], $0x80, s6, s21, $0xb8;
	[tilespmem:$0x1D000] =	vst v63  }
0x16f: {  	_ =	swait.ge [sflag:s29], $0x4000  }
0x170: {  	[sflag:s29] =	ssyncset.done $0x0  }
0x171: {  	[sflag:s29] =	ssyncadd.s32 $0xFFFFC000  }
0x172: {  	[tilespmem:s22], [sflag:$0x2] =	stream.indirect.gather [hbm4b:s5+s21], $0x80, s12, s21, $0xb8;
	[tilespmem:$0x1D000] =	vst v63  }
0x173: {  	_ =	swait.ge [sflag:s23], $0x4000  }
0x174: {  	[sflag:s23] =	ssyncset.done $0x0  }
0x175: {  	[sflag:s23] =	ssyncadd.s32 $0xFFFFC000  }
0x176: {  	[spmem:s2] =	stream.indirect.scatter.add.f32 [tilespmem:s19], [sflag:$0x3], $0x80, s25, s21, $0xb8;
	[tilespmem:$0x1D000] =	vst v63  }
0x177: {  	_ =	swait.ge [sflag:s24], $0x4000  }
0x178: {  	[sflag:s24] =	ssyncset.done $0x0  }
0x179: {  	[sflag:s24] =	ssyncadd.s32 $0xFFFFC000  }
0x17a: {  	[tilespmem:s19], [sflag:$0x1] =	stream.indirect.gather [hbm4b:s5+s21], $0x80, s28, s21, $0xb8;
	[tilespmem:$0x1D000] =	vst v63  }
0x17b: {  	_ =	swait.ge [sflag:s26], $0x4000  }
0x17c: {  	[sflag:s26] =	ssyncset.done $0x0  }
0x17d: {  	[sflag:s26] =	ssyncadd.s32 $0xFFFFC000  }
0x17e: {  	[spmem:s2] =	stream.indirect.scatter.add.f32 [tilespmem:s22], [sflag:$0x4], $0x80, s30, s21, $0xb8;
	[tilespmem:$0x1D000] =	vst v63  }
0x17f: {  	_ =	swait.ge [sflag:s29], $0x4000  }
0x180: {  	[sflag:s29] =	ssyncset.done $0x0  }
0x181: {  	[sflag:s29] =	ssyncadd.s32 $0xFFFFC000  }
0x182: {  	[tilespmem:s22], [sflag:$0x2] =	stream.indirect.gather [hbm4b:s5+s21], $0x80, s31, s21, $0xb8;
	[tilespmem:$0x1D000] =	vst v63  }
0x183: {  	_ =	swait.ge [sflag:s23], $0x4000  }
0x184: {  	[sflag:s23] =	ssyncset.done $0x0  }
0x185: {  	[sflag:s23] =	ssyncadd.s32 $0xFFFFC000  }
0x186: {  	[spmem:s2] =	stream.indirect.scatter.add.f32 [tilespmem:s19], [sflag:$0x3], $0x80, s0, s21, $0xb8;
	[tilespmem:$0x1D000] =	vst v63  }
0x187: {  	_ =	swait.ge [sflag:s26], $0x4000  }
0x188: {  	[sflag:s26] =	ssyncset.done $0x0  }
0x189: {  	[sflag:s26] =	ssyncadd.s32 $0xFFFFC000  }
0x18a: {  	[spmem:s2] =	stream.indirect.scatter.add.f32 [tilespmem:s22], [sflag:$0x4], $0x80, s3, s21, $0xb8;
	[tilespmem:$0x1D000] =	vst v63  }
0x18b: {  	_ =	swait.ge [sflag:s24], $0x4000  }
0x18c: {  	[sflag:s24] =	ssyncset.done $0x0  }
0x18d: {  	[sflag:s24] =	ssyncadd.s32 $0xFFFFC000  }
0x18e: {  	_ =	swait.ge [sflag:s29], $0x4000  }
0x18f: {  	s17 =	simm.s32 $0x100;
	[sflag:s29] =	ssyncset.done $0x0  }
.LBB2_5:
0x190: {  	s18 =	rddreg [dreg:$0x5];
	s7 =	smov.u32 s17  }
0x191: {  	[sflag:s29] =	ssyncadd.s32 $0xFFFFC000;
	s18 =	sadd.s32 s7, s18  }
0x192: {  	[tilespmem:s4], [sflag:$0x5] =	stream.linear.gather [hbm4b:s18+s4], $0x800, $0x38;
	[tilespmem:$0x1D000] =	vst v63  }
0x193: {  	_ =	swait.ge [sflag:s20], $0x800  }
0x194: {  	s18 =	rddreg [dreg:$0x4];
	[sflag:s20] =	ssyncset.done $0x0  }
0x195: {  	[sflag:s20] =	ssyncadd.s32 $0xFFFFF800;
	s7 =	sadd.s32 s7, s18  }
0x196: {  	[tilespmem:s16], [sflag:$0x5] =	stream.linear.gather [hbm4b:s7+s4], $0x800, $0x38;
	[tilespmem:$0x1D000] =	vst v63  }
0x197: {  	_ =	swait.ge [sflag:s20], $0x800  }
0x198: {  	[sflag:s20] =	ssyncset.done $0x0  }
0x199: {  	[sflag:s20] =	ssyncadd.s32 $0xFFFFF800  }
0x19a: {  	[tilespmem:s19], [sflag:$0x1] =	stream.indirect.gather [hbm4b:s5+s21], $0x80, s4, s21, $0xb8;
	[tilespmem:$0x1D000] =	vst v63  }
0x19b: {  	_ = 	snop  }
0x19c: {  	[tilespmem:s22], [sflag:$0x2] =	stream.indirect.gather [hbm4b:s5+s21], $0x80, s21, s21, $0xb8;
	[tilespmem:$0x1D000] =	vst v63  }
0x19d: {  	_ =	swait.ge [sflag:s23], $0x4000  }
0x19e: {  	[sflag:s23] =	ssyncset.done $0x0  }
0x19f: {  	[sflag:s23] =	ssyncadd.s32 $0xFFFFC000  }
0x1a0: {  	[spmem:s2] =	stream.indirect.scatter.add.f32 [tilespmem:s19], [sflag:$0x3], $0x80, s16, s21, $0xb8;
	[tilespmem:$0x1D000] =	vst v63  }
0x1a1: {  	_ =	swait.ge [sflag:s24], $0x4000  }
0x1a2: {  	[sflag:s24] =	ssyncset.done $0x0  }
0x1a3: {  	s18 =	simm.s32 $0x100;
	[sflag:s24] =	ssyncadd.s32 $0xFFFFC000  }
0x1a4: {  	[tilespmem:s19], [sflag:$0x1] =	stream.indirect.gather [hbm4b:s5+s21], $0x80, s18, s21, $0xb8;
	[tilespmem:$0x1D000] =	vst v63  }
0x1a5: {  	_ =	swait.ge [sflag:s26], $0x4000  }
0x1a6: {  	[sflag:s26] =	ssyncset.done $0x0  }
0x1a7: {  	s18 =	simm.s32 $0x880;
	[sflag:s26] =	ssyncadd.s32 $0xFFFFC000  }
0x1a8: {  	[spmem:s2] =	stream.indirect.scatter.add.f32 [tilespmem:s22], [sflag:$0x4], $0x80, s18, s21, $0xb8;
	[tilespmem:$0x1D000] =	vst v63  }
0x1a9: {  	_ =	swait.ge [sflag:s29], $0x4000  }
0x1aa: {  	[sflag:s29] =	ssyncset.done $0x0  }
0x1ab: {  	s18 =	simm.s32 $0x180;
	[sflag:s29] =	ssyncadd.s32 $0xFFFFC000  }
0x1ac: {  	[tilespmem:s22], [sflag:$0x2] =	stream.indirect.gather [hbm4b:s5+s21], $0x80, s18, s21, $0xb8;
	[tilespmem:$0x1D000] =	vst v63  }
0x1ad: {  	_ =	swait.ge [sflag:s23], $0x4000  }
0x1ae: {  	[sflag:s23] =	ssyncset.done $0x0  }
0x1af: {  	s18 =	simm.s32 $0x900;
	[sflag:s23] =	ssyncadd.s32 $0xFFFFC000  }
0x1b0: {  	[spmem:s2] =	stream.indirect.scatter.add.f32 [tilespmem:s19], [sflag:$0x3], $0x80, s18, s21, $0xb8;
	[tilespmem:$0x1D000] =	vst v63  }
0x1b1: {  	_ =	swait.ge [sflag:s24], $0x4000  }
0x1b2: {  	[sflag:s24] =	ssyncset.done $0x0  }
0x1b3: {  	s18 =	simm.s32 $0x200;
	[sflag:s24] =	ssyncadd.s32 $0xFFFFC000  }
0x1b4: {  	[tilespmem:s19], [sflag:$0x1] =	stream.indirect.gather [hbm4b:s5+s21], $0x80, s18, s21, $0xb8;
	[tilespmem:$0x1D000] =	vst v63  }
0x1b5: {  	_ =	swait.ge [sflag:s26], $0x4000  }
0x1b6: {  	[sflag:s26] =	ssyncset.done $0x0  }
0x1b7: {  	s18 =	simm.s32 $0x980;
	[sflag:s26] =	ssyncadd.s32 $0xFFFFC000  }
0x1b8: {  	[spmem:s2] =	stream.indirect.scatter.add.f32 [tilespmem:s22], [sflag:$0x4], $0x80, s18, s21, $0xb8;
	[tilespmem:$0x1D000] =	vst v63  }
0x1b9: {  	_ =	swait.ge [sflag:s29], $0x4000  }
0x1ba: {  	[sflag:s29] =	ssyncset.done $0x0  }
0x1bb: {  	s18 =	simm.s32 $0x280;
	[sflag:s29] =	ssyncadd.s32 $0xFFFFC000  }
0x1bc: {  	[tilespmem:s22], [sflag:$0x2] =	stream.indirect.gather [hbm4b:s5+s21], $0x80, s18, s21, $0xb8;
	[tilespmem:$0x1D000] =	vst v63  }
0x1bd: {  	_ =	swait.ge [sflag:s23], $0x4000  }
0x1be: {  	[sflag:s23] =	ssyncset.done $0x0  }
0x1bf: {  	s18 =	simm.s32 $0xA00;
	[sflag:s23] =	ssyncadd.s32 $0xFFFFC000  }
0x1c0: {  	[spmem:s2] =	stream.indirect.scatter.add.f32 [tilespmem:s19], [sflag:$0x3], $0x80, s18, s21, $0xb8;
	[tilespmem:$0x1D000] =	vst v63  }
0x1c1: {  	_ =	swait.ge [sflag:s24], $0x4000  }
0x1c2: {  	[sflag:s24] =	ssyncset.done $0x0  }
0x1c3: {  	s18 =	simm.s32 $0x300;
	[sflag:s24] =	ssyncadd.s32 $0xFFFFC000  }
0x1c4: {  	[tilespmem:s19], [sflag:$0x1] =	stream.indirect.gather [hbm4b:s5+s21], $0x80, s18, s21, $0xb8;
	[tilespmem:$0x1D000] =	vst v63  }
0x1c5: {  	_ =	swait.ge [sflag:s26], $0x4000  }
0x1c6: {  	[sflag:s26] =	ssyncset.done $0x0  }
0x1c7: {  	s18 =	simm.s32 $0xA80;
	[sflag:s26] =	ssyncadd.s32 $0xFFFFC000  }
0x1c8: {  	[spmem:s2] =	stream.indirect.scatter.add.f32 [tilespmem:s22], [sflag:$0x4], $0x80, s18, s21, $0xb8;
	[tilespmem:$0x1D000] =	vst v63  }
0x1c9: {  	_ =	swait.ge [sflag:s29], $0x4000  }
0x1ca: {  	[sflag:s29] =	ssyncset.done $0x0  }
0x1cb: {  	s18 =	simm.s32 $0x380;
	[sflag:s29] =	ssyncadd.s32 $0xFFFFC000  }
0x1cc: {  	[tilespmem:s22], [sflag:$0x2] =	stream.indirect.gather [hbm4b:s5+s21], $0x80, s18, s21, $0xb8;
	[tilespmem:$0x1D000] =	vst v63  }
0x1cd: {  	_ =	swait.ge [sflag:s23], $0x4000  }
0x1ce: {  	[sflag:s23] =	ssyncset.done $0x0  }
0x1cf: {  	s18 =	simm.s32 $0xB00;
	[sflag:s23] =	ssyncadd.s32 $0xFFFFC000  }
0x1d0: {  	[spmem:s2] =	stream.indirect.scatter.add.f32 [tilespmem:s19], [sflag:$0x3], $0x80, s18, s21, $0xb8;
	[tilespmem:$0x1D000] =	vst v63  }
0x1d1: {  	_ =	swait.ge [sflag:s24], $0x4000  }
0x1d2: {  	[sflag:s24] =	ssyncset.done $0x0  }
0x1d3: {  	s18 =	simm.s32 $0x400;
	[sflag:s24] =	ssyncadd.s32 $0xFFFFC000  }
0x1d4: {  	[tilespmem:s19], [sflag:$0x1] =	stream.indirect.gather [hbm4b:s5+s21], $0x80, s18, s21, $0xb8;
	[tilespmem:$0x1D000] =	vst v63  }
0x1d5: {  	_ =	swait.ge [sflag:s26], $0x4000  }
0x1d6: {  	[sflag:s26] =	ssyncset.done $0x0  }
0x1d7: {  	[sflag:s26] =	ssyncadd.s32 $0xFFFFC000  }
0x1d8: {  	[spmem:s2] =	stream.indirect.scatter.add.f32 [tilespmem:s22], [sflag:$0x4], $0x80, s13, s21, $0xb8;
	[tilespmem:$0x1D000] =	vst v63  }
0x1d9: {  	_ =	swait.ge [sflag:s29], $0x4000  }
0x1da: {  	[sflag:s29] =	ssyncset.done $0x0  }
0x1db: {  	[sflag:s29] =	ssyncadd.s32 $0xFFFFC000  }
0x1dc: {  	[tilespmem:s22], [sflag:$0x2] =	stream.indirect.gather [hbm4b:s5+s21], $0x80, s14, s21, $0xb8;
	[tilespmem:$0x1D000] =	vst v63  }
0x1dd: {  	_ =	swait.ge [sflag:s23], $0x4000  }
0x1de: {  	[sflag:s23] =	ssyncset.done $0x0  }
0x1df: {  	[sflag:s23] =	ssyncadd.s32 $0xFFFFC000  }
0x1e0: {  	[spmem:s2] =	stream.indirect.scatter.add.f32 [tilespmem:s19], [sflag:$0x3], $0x80, s15, s21, $0xb8;
	[tilespmem:$0x1D000] =	vst v63  }
0x1e1: {  	_ =	swait.ge [sflag:s24], $0x4000  }
0x1e2: {  	[sflag:s24] =	ssyncset.done $0x0  }
0x1e3: {  	[sflag:s24] =	ssyncadd.s32 $0xFFFFC000  }
0x1e4: {  	[tilespmem:s19], [sflag:$0x1] =	stream.indirect.gather [hbm4b:s5+s21], $0x80, s8, s21, $0xb8;
	[tilespmem:$0x1D000] =	vst v63  }
0x1e5: {  	_ =	swait.ge [sflag:s26], $0x4000  }
0x1e6: {  	[sflag:s26] =	ssyncset.done $0x0  }
0x1e7: {  	[sflag:s26] =	ssyncadd.s32 $0xFFFFC000  }
0x1e8: {  	[spmem:s2] =	stream.indirect.scatter.add.f32 [tilespmem:s22], [sflag:$0x4], $0x80, s9, s21, $0xb8;
	[tilespmem:$0x1D000] =	vst v63  }
0x1e9: {  	_ =	swait.ge [sflag:s29], $0x4000  }
0x1ea: {  	[sflag:s29] =	ssyncset.done $0x0  }
0x1eb: {  	[sflag:s29] =	ssyncadd.s32 $0xFFFFC000  }
0x1ec: {  	[tilespmem:s22], [sflag:$0x2] =	stream.indirect.gather [hbm4b:s5+s21], $0x80, s10, s21, $0xb8;
	[tilespmem:$0x1D000] =	vst v63  }
0x1ed: {  	_ =	swait.ge [sflag:s23], $0x4000  }
0x1ee: {  	[sflag:s23] =	ssyncset.done $0x0  }
0x1ef: {  	[sflag:s23] =	ssyncadd.s32 $0xFFFFC000  }
0x1f0: {  	[spmem:s2] =	stream.indirect.scatter.add.f32 [tilespmem:s19], [sflag:$0x3], $0x80, s11, s21, $0xb8;
	[tilespmem:$0x1D000] =	vst v63  }
0x1f1: {  	_ =	swait.ge [sflag:s24], $0x4000  }
0x1f2: {  	[sflag:s24] =	ssyncset.done $0x0  }
0x1f3: {  	[sflag:s24] =	ssyncadd.s32 $0xFFFFC000  }
0x1f4: {  	[tilespmem:s19], [sflag:$0x1] =	stream.indirect.gather [hbm4b:s5+s21], $0x80, s1, s21, $0xb8;
	[tilespmem:$0x1D000] =	vst v63  }
0x1f5: {  	_ =	swait.ge [sflag:s26], $0x4000  }
0x1f6: {  	[sflag:s26] =	ssyncset.done $0x0  }
0x1f7: {  	[sflag:s26] =	ssyncadd.s32 $0xFFFFC000  }
0x1f8: {  	[spmem:s2] =	stream.indirect.scatter.add.f32 [tilespmem:s22], [sflag:$0x4], $0x80, s6, s21, $0xb8;
	[tilespmem:$0x1D000] =	vst v63  }
0x1f9: {  	_ =	swait.ge [sflag:s29], $0x4000  }
0x1fa: {  	[sflag:s29] =	ssyncset.done $0x0  }
0x1fb: {  	[sflag:s29] =	ssyncadd.s32 $0xFFFFC000  }
0x1fc: {  	[tilespmem:s22], [sflag:$0x2] =	stream.indirect.gather [hbm4b:s5+s21], $0x80, s12, s21, $0xb8;
	[tilespmem:$0x1D000] =	vst v63  }
0x1fd: {  	_ =	swait.ge [sflag:s23], $0x4000  }
0x1fe: {  	[sflag:s23] =	ssyncset.done $0x0  }
0x1ff: {  	[sflag:s23] =	ssyncadd.s32 $0xFFFFC000  }
0x200: {  	[spmem:s2] =	stream.indirect.scatter.add.f32 [tilespmem:s19], [sflag:$0x3], $0x80, s25, s21, $0xb8;
	[tilespmem:$0x1D000] =	vst v63  }
0x201: {  	_ =	swait.ge [sflag:s24], $0x4000  }
0x202: {  	[sflag:s24] =	ssyncset.done $0x0  }
0x203: {  	[sflag:s24] =	ssyncadd.s32 $0xFFFFC000  }
0x204: {  	[tilespmem:s19], [sflag:$0x1] =	stream.indirect.gather [hbm4b:s5+s21], $0x80, s28, s21, $0xb8;
	[tilespmem:$0x1D000] =	vst v63  }
0x205: {  	_ =	swait.ge [sflag:s26], $0x4000  }
0x206: {  	[sflag:s26] =	ssyncset.done $0x0  }
0x207: {  	[sflag:s26] =	ssyncadd.s32 $0xFFFFC000  }
0x208: {  	[spmem:s2] =	stream.indirect.scatter.add.f32 [tilespmem:s22], [sflag:$0x4], $0x80, s30, s21, $0xb8;
	[tilespmem:$0x1D000] =	vst v63  }
0x209: {  	_ =	swait.ge [sflag:s29], $0x4000  }
0x20a: {  	[sflag:s29] =	ssyncset.done $0x0  }
0x20b: {  	[sflag:s29] =	ssyncadd.s32 $0xFFFFC000  }
0x20c: {  	[tilespmem:s22], [sflag:$0x2] =	stream.indirect.gather [hbm4b:s5+s21], $0x80, s31, s21, $0xb8;
	[tilespmem:$0x1D000] =	vst v63  }
0x20d: {  	_ =	swait.ge [sflag:s23], $0x4000  }
0x20e: {  	[sflag:s23] =	ssyncset.done $0x0  }
0x20f: {  	[sflag:s23] =	ssyncadd.s32 $0xFFFFC000  }
0x210: {  	[spmem:s2] =	stream.indirect.scatter.add.f32 [tilespmem:s19], [sflag:$0x3], $0x80, s0, s21, $0xb8;
	[tilespmem:$0x1D000] =	vst v63  }
0x211: {  	_ =	swait.ge [sflag:s26], $0x4000  }
0x212: {  	[sflag:s26] =	ssyncset.done $0x0  }
0x213: {  	p1 =	seq.s32 s17, $0x700;
	[sflag:s26] =	ssyncadd.s32 $0xFFFFC000  }
0x214: {  	[spmem:s2] =	stream.indirect.scatter.add.f32 [tilespmem:s22], [sflag:$0x4], $0x80, s3, s21, $0xb8;
	[tilespmem:$0x1D000] =	vst v63  }
.Ltmp6:
0x215: {  	_ =	swait.ge [sflag:s24], $0x4000;
	(pc) =	sbr.rel @!p1 .LBB2_5-.Ltmp6, $4  }
0x216: {  	[sflag:s24] =	ssyncset.done $0x0  }
0x217: {  	[sflag:s24] =	ssyncadd.s32 $0xFFFFC000  }
0x218: {  	_ =	swait.ge [sflag:s29], $0x4000  }
0x219: {  	s17 =	sadd.s32 $0x100, s17;
	[sflag:s29] =	ssyncset.done $0x0  }
.Ltmp7:
0x21a: {  	_ = 	snop;
	(pc) =	sbr.rel .LBB2_6-.Ltmp7, $1  }
0x21b: {  	_ =	sdelay $0x3  }
.LBB2_9:
0x21c: {  	_ =	sfence.sel $0x180000  }
0x21d: {  	[bflag:$0x0] =	sbarrier.arrive $0xFFFF  }
0x21e: {  	_ =	strace $0x9000004A  }
0x21f: {  	s0 =	stileid.u32;
	[bflag:$0x2] =	sbarrier.arrive $0xFFFF  }
0x220: {  	p0 =	sne.s32 s0, $0x0;
	s0 =	rddreg [dreg:$0x3]  }
0x221: {  	s0 =	sadd.s32 @!p0 $0x100000, s0  }
0x222: {  	[sflag:s0] =	ssyncadd.tile.s32 @!p0 $0x1;
	_ =	shalt  }
.Lfunc_end2:
_tile_overlayer_lowered:
.L_overlay_start_2:
0x223: {  	(tag) =	ssettag $0x2  }
0x224: {  	s0 =	rddreg [dreg:$0x0];
	s2 =	stileid.u32  }
0x225: {  	s1 =	rddreg [dreg:$0x1];
	p0 =	sne.s32 s2, $0x0  }
0x226: {  	s3 =	rddreg [dreg:$0x2];
	[bflag:$0x3] =	sbarrier.arrive $0xFFFF;
	s2 =	simm.s32 @!p0 $0x1C05  }
0x227: {  	[timem:s3], [sflag:s2] =	dma.local @!p0 [hbm:s0], s1  }
0x228: {  	s0 =	simm.s32 @!p0 $0x5  }
0x229: {  	_ =	swait.ge @!p0 [sflag:s0], s1  }
0x22a: {  	s1 =	ssub.s32 @!p0 $0x0, s1;
	[sflag:s0] =	ssyncset.done @!p0 $0x0  }
0x22b: {  	[sflag:s0] =	ssyncadd.s32 @!p0 s1  }
0x22c: {  	[bflag:$0x3] =	sbarrier.arrive $0xFFFF  }
0x22d: {  	_ =	shalt  }

</sc_bundles>
